<compile_context>
chip_gen: v7x
topology: tpu7x:2x2x1
jax: 0.10.2.dev20260603
libtpu: 0.0.44.dev20260713+nightly
codegen_flags: <defaults>
</compile_context>

<pallas_src>
import functools
import math

import jax
import jax.numpy as jnp
from jax import lax
from jax.experimental import pallas as pl
from jax.experimental.pallas import tpu as pltpu
from jax.experimental.pallas import tpu_sc as plsc

_PAD = 1

_NC = 2
_NS = 16
_L = 16
_NW = _NC * _NS


def _positions_body(chunk, inp_ref, pos_ref, maskf_ref, npad_ref, fast_ref):
    x = inp_ref[...]
    bsz, seq = x.shape
    span = seq // _NW
    m = jnp.where(x != _PAD, 1, 0).astype(jnp.int32)
    c = m
    k = 1
    while k < seq:
        z = jnp.zeros((bsz, k), jnp.int32)
        c = c + jnp.concatenate([z, c[:, : seq - k]], axis=1)
        k *= 2
    pos_ref[...] = (c - 1) * m
    maskf_ref[...] = m.astype(jnp.float32)
    npad_ref[...] = chunk - jnp.sum(
        m.reshape(bsz, seq // chunk, chunk), axis=2, dtype=jnp.int32
    )

    segsum = jnp.sum(m.reshape(bsz, _NW, span), axis=2, dtype=jnp.int32)
    cum = segsum
    k = 1
    while k < _NW:
        z = jnp.zeros((bsz, k), jnp.int32)
        cum = cum + jnp.concatenate([z, cum[:, : _NW - k]], axis=1)
        k *= 2
    before = cum - segsum
    eq = jnp.ones((_NW,), jnp.bool_)
    for r in range(1, bsz):
        eq = jnp.logical_and(eq, before[0] == before[r])
    nopad = jnp.sum(segsum, axis=0) == bsz * span
    fast = jnp.where(jnp.logical_and(eq, nopad), 1, 0).astype(jnp.int32)
    fast_ref[...] = jnp.broadcast_to(fast[:, None], (_NW, _L))


def _compute_positions(inp, chunk):
    bsz, seq = inp.shape
    return pl.pallas_call(
        functools.partial(_positions_body, chunk),
        out_shape=(
            jax.ShapeDtypeStruct((bsz, seq), jnp.int32),
            jax.ShapeDtypeStruct((bsz, seq), jnp.float32),
            jax.ShapeDtypeStruct((bsz, seq // chunk), jnp.int32),
            jax.ShapeDtypeStruct((_NW, _L), jnp.int32),
        ),
    )(inp)


def _make_sc_gather(bsz, seq, d_model, chunk, nbuf):
    num_tokens = bsz * seq
    span = seq // _NW
    kchunks = span // chunk
    chunks_per_w = bsz * kchunks
    lookahead = nbuf - 1
    mesh = plsc.VectorSubcoreMesh(
        core_axis_name="c", subcore_axis_name="s", num_cores=_NC, num_subcores=_NS
    )

    @functools.partial(
        pl.kernel,
        mesh=mesh,
        compiler_params=pltpu.CompilerParams(needs_layout_passes=False),
        out_type=jax.ShapeDtypeStruct((num_tokens, d_model), jnp.float32),
        scratch_types=[
            pltpu.VMEM((chunks_per_w, chunk), jnp.int32),
            pltpu.VMEM((chunks_per_w, chunk), jnp.float32),
            pltpu.VMEM((chunks_per_w,), jnp.int32),
            pltpu.VMEM((1, _L), jnp.int32),
            [pltpu.VMEM((chunk, d_model), jnp.float32) for _ in range(nbuf)],
            [pltpu.SemaphoreType.DMA for _ in range(nbuf)],
            [pltpu.SemaphoreType.DMA for _ in range(nbuf)],
        ],
    )
    def sc_gather(
        table_hbm, pos_hbm, maskf_hbm, npad_hbm, fast_hbm, out_hbm,
        idx_v, mf_v, np_v, fl_v, rows, gsem, ssem,
    ):
        wid = lax.axis_index("s") * _NC + lax.axis_index("c")
        rbase = wid * chunks_per_w
        pltpu.sync_copy(pos_hbm.at[pl.ds(rbase, chunks_per_w)], idx_v)
        pltpu.sync_copy(maskf_hbm.at[pl.ds(rbase, chunks_per_w)], mf_v)
        pltpu.sync_copy(npad_hbm.at[pl.ds(rbase, chunks_per_w)], np_v)
        pltpu.sync_copy(fast_hbm.at[pl.ds(wid, 1)], fl_v)

        zrow = jnp.zeros((_L,), jnp.float32)
        assert chunks_per_w % _L == 0
        npvecs = [np_v[pl.ds(g * _L, _L)] for g in range(chunks_per_w // _L)]
        fast_w = fl_v[0, pl.ds(0, _L)][0]

        def start_gather(c):
            b = c % nbuf
            return pltpu.async_copy(table_hbm.at[idx_v.at[c]], rows[b], gsem[b])

        def out_off(c):
            r, k = c // kchunks, c % kchunks
            return r * seq + wid * span + k * chunk

        def slow_body(_, carry):
            gathers = {}
            scatters = {}
            for c in range(min(lookahead, chunks_per_w)):
                gathers[c] = start_gather(c)

            for c in range(chunks_per_w):
                b = c % nbuf
                cn = c + lookahead
                if cn < chunks_per_w:
                    bn = cn % nbuf
                    if cn >= nbuf:
                        scatters[cn - nbuf].wait()
                    gathers[cn] = start_gather(cn)
                gathers[c].wait()

                npad_c = npvecs[c // _L][c % _L]
                scan_n = jnp.where(npad_c > 0, chunk, 0)

                def tok_body(t, cy, b=b, c=c):
                    mvec = plsc.load_gather(
                        mf_v,
                        [jnp.full((_L,), c, jnp.int32),
                         jnp.full((_L,), t, jnp.int32)],
                    )

                    def mul_d(d, cy2, b=b, t=t, mvec=mvec):
                        sl = (t, pl.ds(d * _L, _L))
                        rows[b][sl] = rows[b][sl] * mvec
                        return cy2

                    lax.fori_loop(0, d_model // _L, mul_d, 0)
                    return cy

                lax.fori_loop(0, scan_n, tok_body, 0)

                scatters[c] = pltpu.async_copy(
                    rows[b], out_hbm.at[pl.ds(out_off(c), chunk)], ssem[b]
                )

            for c in range(max(0, chunks_per_w - nbuf), chunks_per_w):
                scatters[c].wait()
            return carry

        def fast_body(_, carry):
            gathers = {}
            scatters = {}
            for c in range(min(lookahead, kchunks)):
                gathers[c] = start_gather(c)

            for c in range(kchunks):
                b = c % nbuf
                cn = c + lookahead
                if cn < kchunks:
                    bn = cn % nbuf
                    if cn >= nbuf:
                        for r in range(bsz):
                            scatters[(cn - nbuf, r)].wait()
                    gathers[cn] = start_gather(cn)
                gathers[c].wait()
                for r in range(bsz):
                    scatters[(c, r)] = pltpu.async_copy(
                        rows[b],
                        out_hbm.at[pl.ds(r * seq + wid * span + c * chunk, chunk)],
                        ssem[b],
                    )

            for c in range(max(0, kchunks - nbuf), kchunks):
                for r in range(bsz):
                    scatters[(c, r)].wait()
            return carry

        n_fast = jnp.where(fast_w > 0, 1, 0)
        lax.fori_loop(0, n_fast, fast_body, 0)
        lax.fori_loop(0, 1 - n_fast, slow_body, 0)

    return sc_gather


def kernel(weights, input):
    bsz, seq = input.shape
    num_tokens = bsz * seq
    d_model = weights.shape[1]
    chunk = 32
    span = seq // _NW
    kchunks = span // chunk

    pos, maskf, npad, fast = _compute_positions(input, chunk)

    def perm_tok(a, dt):
        return (
            a.reshape(bsz, _NW, kchunks, chunk)
            .transpose(1, 0, 2, 3)
            .reshape(_NW * bsz * kchunks, chunk)
            .astype(dt)
        )

    pos_p = perm_tok(pos, jnp.int32)
    maskf_p = perm_tok(maskf, jnp.float32)
    npad_p = (
        npad.reshape(bsz, _NW, kchunks).transpose(1, 0, 2).reshape(-1)
    )

    gather = _make_sc_gather(bsz, seq, d_model, chunk, nbuf=3)
    out = gather(weights, pos_p, maskf_p, npad_p, fast)
    return out.reshape(bsz, seq, d_model)

# --- scband reference (transcript-rebuilt; emitter-appended) ---
"""Pipeline reference for scband-sinusoidal-positional-embedding-59957743452611 (READ-ONLY COPY).

The authoritative reference and input builder live on the scoring server;
editing this copy changes nothing except your own understanding.
"""

import math
import jax, jax.numpy as jnp
import numpy as np


def get_embedding(num_embeddings, embedding_dim, padding_idx=None):
    half_dim = embedding_dim // 2
    emb_scale = math.log(10000) / (half_dim - 1)
    emb = jnp.exp(jnp.arange(half_dim, dtype=jnp.float32) * -emb_scale)
    emb = jnp.arange(num_embeddings, dtype=jnp.float32)[:, None] * emb[None, :]
    emb = jnp.concatenate([jnp.sin(emb), jnp.cos(emb)], axis=1).reshape(num_embeddings, -1)
    if embedding_dim % 2 == 1:
        emb = jnp.concatenate([emb, jnp.zeros((num_embeddings, 1), dtype=jnp.float32)], axis=1)
    return emb


def setup_inputs(seed: int = 0):
    key = jax.random.key(seed)
    inp = jax.random.randint(key, (4, 4096), 0, 32000)
    weights = get_embedding(8192, 1024, 1)
    return {"weights": weights, "input": inp}


def reference(weights, input):
    padding_idx = 1
    step = 0
    mask = (input != padding_idx).astype(jnp.int32)
    positions = ((jnp.cumsum(mask, axis=1) - 1 + step) * mask)
    bsz, seq_len = input.shape
    out = jnp.take(weights, positions.reshape(-1), axis=0).reshape(bsz, seq_len, -1)
    out = out * mask[:, :, None].astype(out.dtype)
    return out

if __name__ == "__main__":
    import jax
    _d = setup_inputs()
    print(jax.jit(kernel)(*tuple(_d.values())))

</pallas_src>

<mosaic_0001>
#map = affine_map<(d0, d1) -> (0, 0)>
#map1 = affine_map<(d0, d1) -> (0)>
module attributes {stable_mosaic.version = 14 : i64} {
  func.func @sc_gather(%arg0: i32, %arg1: i32, %arg2: memref<8192x1024xf32, #tpu.memory_space<hbm>>, %arg3: memref<512x32xi32, #tpu.memory_space<hbm>>, %arg4: memref<512x32xf32, #tpu.memory_space<hbm>>, %arg5: memref<512xi32, #tpu.memory_space<hbm>>, %arg6: memref<32x16xi32, #tpu.memory_space<hbm>>, %arg7: memref<16384x1024xf32, #tpu.memory_space<hbm>>, %arg8: memref<16x32xi32, #tpu.memory_space<vmem>>, %arg9: memref<16x32xf32, #tpu.memory_space<vmem>>, %arg10: memref<16xi32, #tpu.memory_space<vmem>>, %arg11: memref<1x16xi32, #tpu.memory_space<vmem>>, %arg12: memref<32x1024xf32, #tpu.memory_space<vmem>>, %arg13: memref<32x1024xf32, #tpu.memory_space<vmem>>, %arg14: memref<32x1024xf32, #tpu.memory_space<vmem>>, %arg15: memref<!tpu.dma_semaphore, #tpu.memory_space<semaphore_mem>>, %arg16: memref<!tpu.dma_semaphore, #tpu.memory_space<semaphore_mem>>, %arg17: memref<!tpu.dma_semaphore, #tpu.memory_space<semaphore_mem>>, %arg18: memref<!tpu.dma_semaphore, #tpu.memory_space<semaphore_mem>>, %arg19: memref<!tpu.dma_semaphore, #tpu.memory_space<semaphore_mem>>, %arg20: memref<!tpu.dma_semaphore, #tpu.memory_space<semaphore_mem>>) attributes {dimension_semantics = [#tpu.dimension_semantics<core_parallel>, #tpu.dimension_semantics<subcore_parallel>], iteration_bounds = array<i64: 2, 16>, scalar_prefetch = 0 : i64, scratch_operands = 13 : i64, tpu.core_type = #tpu.core_type<sc_vector_subcore>, window_params = [{transform_indices = #map}, {transform_indices = #map}, {transform_indices = #map}, {transform_indices = #map1}, {transform_indices = #map}, {transform_indices = #map}]} {
    %mul3A = arith.constant 2 : i32
    %mul3A_0 = arith.muli %arg1, %mul3A : i32
    %add3A = arith.addi %mul3A_0, %arg0 : i32
    %mul3A_1 = arith.constant 16 : i32
    %mul3A_2 = arith.muli %add3A, %mul3A_1 : i32
    "tpu.region"() ({
      %run_scoped3A = tpu.sem_alloc : memref<!tpu.dma_semaphore, #tpu.memory_space<semaphore_mem>>
      %dma_start3A = arith.constant 0 : i32
      %dma_start3A_31 = tpu.memref_slice %arg3[%mul3A_2, %dma_start3A] : memref<512x32xi32, #tpu.memory_space<hbm>> -> memref<16x32xi32, #tpu.memory_space<hbm>>
      %dma_start3A_32 = arith.constant 0 : i32
      %dma_start3A_33 = tpu.memref_slice %arg3[%mul3A_2, %dma_start3A_32] : memref<512x32xi32, #tpu.memory_space<hbm>> -> memref<16x32xi32, #tpu.memory_space<hbm>>
      tpu.enqueue_dma source(%dma_start3A_33 : memref<16x32xi32, #tpu.memory_space<hbm>>) target(%arg8 : memref<16x32xi32, #tpu.memory_space<vmem>>) target_semaphore(%run_scoped3A : memref<!tpu.dma_semaphore, #tpu.memory_space<semaphore_mem>>)
      %dma_wait3A = arith.constant 0 : i32
      %dma_wait3A_34 = tpu.memref_slice %arg3[%mul3A_2, %dma_wait3A] : memref<512x32xi32, #tpu.memory_space<hbm>> -> memref<16x32xi32, #tpu.memory_space<hbm>>
      %dma_wait3A_35 = arith.constant 0 : i32
      %dma_wait3A_36 = tpu.memref_slice %arg3[%mul3A_2, %dma_wait3A_35] : memref<512x32xi32, #tpu.memory_space<hbm>> -> memref<16x32xi32, #tpu.memory_space<hbm>>
      tpu.wait_dma2 semaphore(%run_scoped3A : memref<!tpu.dma_semaphore, #tpu.memory_space<semaphore_mem>>) src(%dma_wait3A_36 : memref<16x32xi32, #tpu.memory_space<hbm>>) dst(%arg8 : memref<16x32xi32, #tpu.memory_space<vmem>>)
      tpu.yield
    }) : () -> ()
    "tpu.region"() ({
      %run_scoped3A = tpu.sem_alloc : memref<!tpu.dma_semaphore, #tpu.memory_space<semaphore_mem>>
      %dma_start3A = arith.constant 0 : i32
      %dma_start3A_31 = tpu.memref_slice %arg4[%mul3A_2, %dma_start3A] : memref<512x32xf32, #tpu.memory_space<hbm>> -> memref<16x32xf32, #tpu.memory_space<hbm>>
      %dma_start3A_32 = arith.constant 0 : i32
      %dma_start3A_33 = tpu.memref_slice %arg4[%mul3A_2, %dma_start3A_32] : memref<512x32xf32, #tpu.memory_space<hbm>> -> memref<16x32xf32, #tpu.memory_space<hbm>>
      tpu.enqueue_dma source(%dma_start3A_33 : memref<16x32xf32, #tpu.memory_space<hbm>>) target(%arg9 : memref<16x32xf32, #tpu.memory_space<vmem>>) target_semaphore(%run_scoped3A : memref<!tpu.dma_semaphore, #tpu.memory_space<semaphore_mem>>)
      %dma_wait3A = arith.constant 0 : i32
      %dma_wait3A_34 = tpu.memref_slice %arg4[%mul3A_2, %dma_wait3A] : memref<512x32xf32, #tpu.memory_space<hbm>> -> memref<16x32xf32, #tpu.memory_space<hbm>>
      %dma_wait3A_35 = arith.constant 0 : i32
      %dma_wait3A_36 = tpu.memref_slice %arg4[%mul3A_2, %dma_wait3A_35] : memref<512x32xf32, #tpu.memory_space<hbm>> -> memref<16x32xf32, #tpu.memory_space<hbm>>
      tpu.wait_dma2 semaphore(%run_scoped3A : memref<!tpu.dma_semaphore, #tpu.memory_space<semaphore_mem>>) src(%dma_wait3A_36 : memref<16x32xf32, #tpu.memory_space<hbm>>) dst(%arg9 : memref<16x32xf32, #tpu.memory_space<vmem>>)
      tpu.yield
    }) : () -> ()
    "tpu.region"() ({
      %run_scoped3A = tpu.sem_alloc : memref<!tpu.dma_semaphore, #tpu.memory_space<semaphore_mem>>
      %dma_start3A = tpu.memref_slice %arg5[%mul3A_2] : memref<512xi32, #tpu.memory_space<hbm>> -> memref<16xi32, #tpu.memory_space<hbm>>
      %dma_start3A_31 = tpu.memref_slice %arg5[%mul3A_2] : memref<512xi32, #tpu.memory_space<hbm>> -> memref<16xi32, #tpu.memory_space<hbm>>
      tpu.enqueue_dma source(%dma_start3A_31 : memref<16xi32, #tpu.memory_space<hbm>>) target(%arg10 : memref<16xi32, #tpu.memory_space<vmem>>) target_semaphore(%run_scoped3A : memref<!tpu.dma_semaphore, #tpu.memory_space<semaphore_mem>>)
      %dma_wait3A = tpu.memref_slice %arg5[%mul3A_2] : memref<512xi32, #tpu.memory_space<hbm>> -> memref<16xi32, #tpu.memory_space<hbm>>
      %dma_wait3A_32 = tpu.memref_slice %arg5[%mul3A_2] : memref<512xi32, #tpu.memory_space<hbm>> -> memref<16xi32, #tpu.memory_space<hbm>>
      tpu.wait_dma2 semaphore(%run_scoped3A : memref<!tpu.dma_semaphore, #tpu.memory_space<semaphore_mem>>) src(%dma_wait3A_32 : memref<16xi32, #tpu.memory_space<hbm>>) dst(%arg10 : memref<16xi32, #tpu.memory_space<vmem>>)
      tpu.yield
    }) : () -> ()
    "tpu.region"() ({
      %run_scoped3A = tpu.sem_alloc : memref<!tpu.dma_semaphore, #tpu.memory_space<semaphore_mem>>
      %dma_start3A = arith.constant 0 : i32
      %dma_start3A_31 = tpu.memref_slice %arg6[%add3A, %dma_start3A] : memref<32x16xi32, #tpu.memory_space<hbm>> -> memref<1x16xi32, #tpu.memory_space<hbm>>
      %dma_start3A_32 = arith.constant 0 : i32
      %dma_start3A_33 = tpu.memref_slice %arg6[%add3A, %dma_start3A_32] : memref<32x16xi32, #tpu.memory_space<hbm>> -> memref<1x16xi32, #tpu.memory_space<hbm>>
      tpu.enqueue_dma source(%dma_start3A_33 : memref<1x16xi32, #tpu.memory_space<hbm>>) target(%arg11 : memref<1x16xi32, #tpu.memory_space<vmem>>) target_semaphore(%run_scoped3A : memref<!tpu.dma_semaphore, #tpu.memory_space<semaphore_mem>>)
      %dma_wait3A = arith.constant 0 : i32
      %dma_wait3A_34 = tpu.memref_slice %arg6[%add3A, %dma_wait3A] : memref<32x16xi32, #tpu.memory_space<hbm>> -> memref<1x16xi32, #tpu.memory_space<hbm>>
      %dma_wait3A_35 = arith.constant 0 : i32
      %dma_wait3A_36 = tpu.memref_slice %arg6[%add3A, %dma_wait3A_35] : memref<32x16xi32, #tpu.memory_space<hbm>> -> memref<1x16xi32, #tpu.memory_space<hbm>>
      tpu.wait_dma2 semaphore(%run_scoped3A : memref<!tpu.dma_semaphore, #tpu.memory_space<semaphore_mem>>) src(%dma_wait3A_36 : memref<1x16xi32, #tpu.memory_space<hbm>>) dst(%arg11 : memref<1x16xi32, #tpu.memory_space<vmem>>)
      tpu.yield
    }) : () -> ()
    %broadcast_in_dim3A = arith.constant 0.000000e+00 : f32
    %broadcast_in_dim3A_3 = vector.broadcast %broadcast_in_dim3A : f32 to vector<16xf32>
    %get3A = arith.constant 0 : index
    %get3A_4 = tpu.vector_load %arg10[%get3A] {strides = array<i32>} : memref<16xi32, #tpu.memory_space<vmem>>, vector<16xi32>,
    %get3A_5 = arith.constant 0 : i32
    %get3A_6 = arith.index_cast %get3A_5 : i32 to index
    %get3A_7 = arith.constant 0 : index
    %get3A_8 = tpu.vector_load %arg11[%get3A_6, %get3A_7] {strides = array<i32>} : memref<1x16xi32, #tpu.memory_space<vmem>>, vector<16xi32>,
    %slice3A = vector.extract_strided_slice %get3A_8 {offsets = [0], sizes = [1], strides = [1]} : vector<16xi32> to vector<1xi32>
    %squeeze3A = vector.extract %slice3A[0] : i32 from vector<1xi32>
    %gt3A = arith.constant 0 : i32
    %gt3A_9 = arith.cmpi sgt, %squeeze3A, %gt3A : i32
    %jit3A = arith.constant 1 : i32
    %jit3A_10 = arith.constant 0 : i32
    %select_n3A = arith.select %gt3A_9, %jit3A, %jit3A_10 : i32
    %while3A = arith.constant 0 : i32
    %while3A_11 = arith.constant 0 : i32
    %while3A_12 = arith.subi %select_n3A, %while3A_11 : i32
    %while3A_13 = arith.addi %while3A_11, %while3A_12 : i32
    %while3A_14 = arith.constant 1 : i32
    %while3A_15 = arith.divsi %while3A_12, %while3A_14 : i32
    %while3A_16 = arith.muli %while3A_15, %while3A_14 : i32
    %while3A_17 = arith.addi %while3A_11, %while3A_16 : i32
    %while3A_18 = arith.constant 1 : i32
    scf.for %while3A_31 = %while3A_11 to %while3A_17 step %while3A_18  : i32 {
      %dma_start3A = arith.constant 0 : i32
      %dma_start3A_32 = arith.constant 0 : i32
      %dma_start3A_33 = tpu.memref_slice %arg8[%dma_start3A, %dma_start3A_32] : memref<16x32xi32, #tpu.memory_space<vmem>> -> memref<1x32xi32, #tpu.memory_space<vmem>>
      %dma_start3A_34 = tpu.memref_squeeze %dma_start3A_33 : memref<1x32xi32, #tpu.memory_space<vmem>> -> memref<32xi32, #tpu.memory_space<vmem>>
      %dma_start3A_35 = arith.constant 0 : i32
      %dma_start3A_36 = arith.constant 0 : i32
      %dma_start3A_37 = tpu.memref_slice %arg2[%dma_start3A_35, %dma_start3A_36] : memref<8192x1024xf32, #tpu.memory_space<hbm>> -> memref<8192x1024xf32, #tpu.memory_space<hbm>>
      tpu.enqueue_indirect_dma source(%dma_start3A_37 : memref<8192x1024xf32, #tpu.memory_space<hbm>>) target(%arg12 : memref<32x1024xf32, #tpu.memory_space<vmem>>) offsets(%dma_start3A_34 : memref<32xi32, #tpu.memory_space<vmem>>) semaphore(%arg15 : memref<!tpu.dma_semaphore, #tpu.memory_space<semaphore_mem>>)
      %dma_start3A_38 = arith.constant 1 : i32
      %dma_start3A_39 = arith.constant 0 : i32
      %dma_start3A_40 = tpu.memref_slice %arg8[%dma_start3A_38, %dma_start3A_39] : memref<16x32xi32, #tpu.memory_space<vmem>> -> memref<1x32xi32, #tpu.memory_space<vmem>>
      %dma_start3A_41 = tpu.memref_squeeze %dma_start3A_40 : memref<1x32xi32, #tpu.memory_space<vmem>> -> memref<32xi32, #tpu.memory_space<vmem>>
      %dma_start3A_42 = arith.constant 0 : i32
      %dma_start3A_43 = arith.constant 0 : i32
      %dma_start3A_44 = tpu.memref_slice %arg2[%dma_start3A_42, %dma_start3A_43] : memref<8192x1024xf32, #tpu.memory_space<hbm>> -> memref<8192x1024xf32, #tpu.memory_space<hbm>>
      tpu.enqueue_indirect_dma source(%dma_start3A_44 : memref<8192x1024xf32, #tpu.memory_space<hbm>>) target(%arg13 : memref<32x1024xf32, #tpu.memory_space<vmem>>) offsets(%dma_start3A_41 : memref<32xi32, #tpu.memory_space<vmem>>) semaphore(%arg16 : memref<!tpu.dma_semaphore, #tpu.memory_space<semaphore_mem>>)
      %dma_start3A_45 = arith.constant 2 : i32
      %dma_start3A_46 = arith.constant 0 : i32
      %dma_start3A_47 = tpu.memref_slice %arg8[%dma_start3A_45, %dma_start3A_46] : memref<16x32xi32, #tpu.memory_space<vmem>> -> memref<1x32xi32, #tpu.memory_space<vmem>>
      %dma_start3A_48 = tpu.memref_squeeze %dma_start3A_47 : memref<1x32xi32, #tpu.memory_space<vmem>> -> memref<32xi32, #tpu.memory_space<vmem>>
      %dma_start3A_49 = arith.constant 0 : i32
      %dma_start3A_50 = arith.constant 0 : i32
      %dma_start3A_51 = tpu.memref_slice %arg2[%dma_start3A_49, %dma_start3A_50] : memref<8192x1024xf32, #tpu.memory_space<hbm>> -> memref<8192x1024xf32, #tpu.memory_space<hbm>>
      tpu.enqueue_indirect_dma source(%dma_start3A_51 : memref<8192x1024xf32, #tpu.memory_space<hbm>>) target(%arg14 : memref<32x1024xf32, #tpu.memory_space<vmem>>) offsets(%dma_start3A_48 : memref<32xi32, #tpu.memory_space<vmem>>) semaphore(%arg17 : memref<!tpu.dma_semaphore, #tpu.memory_space<semaphore_mem>>)
      %dma_wait3A = arith.constant 0 : i32
      %dma_wait3A_52 = arith.constant 0 : i32
      %dma_wait3A_53 = tpu.memref_slice %arg8[%dma_wait3A, %dma_wait3A_52] : memref<16x32xi32, #tpu.memory_space<vmem>> -> memref<1x32xi32, #tpu.memory_space<vmem>>
      %dma_wait3A_54 = tpu.memref_squeeze %dma_wait3A_53 : memref<1x32xi32, #tpu.memory_space<vmem>> -> memref<32xi32, #tpu.memory_space<vmem>>
      %dma_wait3A_55 = arith.constant 0 : i32
      %dma_wait3A_56 = arith.constant 0 : i32
      %dma_wait3A_57 = tpu.memref_slice %arg2[%dma_wait3A_55, %dma_wait3A_56] : memref<8192x1024xf32, #tpu.memory_space<hbm>> -> memref<8192x1024xf32, #tpu.memory_space<hbm>>
      tpu.wait_indirect_dma semaphore(%arg15 : memref<!tpu.dma_semaphore, #tpu.memory_space<semaphore_mem>>) src(%dma_wait3A_57 : memref<8192x1024xf32, #tpu.memory_space<hbm>>) dst(%arg12 : memref<32x1024xf32, #tpu.memory_space<vmem>>)
      %mul3A_58 = arith.constant 128 : i32
      %mul3A_59 = arith.muli %add3A, %mul3A_58 : i32
      %add3A_60 = arith.constant 0 : i32
      %add3A_61 = arith.addi %add3A_60, %mul3A_59 : i32
      %add3A_62 = arith.constant 0 : i32
      %add3A_63 = arith.addi %add3A_61, %add3A_62 : i32
      %dma_start3A_64 = arith.constant 0 : i32
      %dma_start3A_65 = tpu.memref_slice %arg7[%add3A_63, %dma_start3A_64] : memref<16384x1024xf32, #tpu.memory_space<hbm>> -> memref<32x1024xf32, #tpu.memory_space<hbm>>
      %dma_start3A_66 = arith.constant 0 : i32
      %dma_start3A_67 = tpu.memref_slice %arg7[%add3A_63, %dma_start3A_66] : memref<16384x1024xf32, #tpu.memory_space<hbm>> -> memref<32x1024xf32, #tpu.memory_space<hbm>>
      tpu.enqueue_dma source(%arg12 : memref<32x1024xf32, #tpu.memory_space<vmem>>) target(%dma_start3A_67 : memref<32x1024xf32, #tpu.memory_space<hbm>>) target_semaphore(%arg18 : memref<!tpu.dma_semaphore, #tpu.memory_space<semaphore_mem>>)
      %mul3A_68 = arith.constant 128 : i32
      %mul3A_69 = arith.muli %add3A, %mul3A_68 : i32
      %add3A_70 = arith.constant 4096 : i32
      %add3A_71 = arith.addi %add3A_70, %mul3A_69 : i32
      %add3A_72 = arith.constant 0 : i32
      %add3A_73 = arith.addi %add3A_71, %add3A_72 : i32
      %dma_start3A_74 = arith.constant 0 : i32
      %dma_start3A_75 = tpu.memref_slice %arg7[%add3A_73, %dma_start3A_74] : memref<16384x1024xf32, #tpu.memory_space<hbm>> -> memref<32x1024xf32, #tpu.memory_space<hbm>>
      %dma_start3A_76 = arith.constant 0 : i32
      %dma_start3A_77 = tpu.memref_slice %arg7[%add3A_73, %dma_start3A_76] : memref<16384x1024xf32, #tpu.memory_space<hbm>> -> memref<32x1024xf32, #tpu.memory_space<hbm>>
      tpu.enqueue_dma source(%arg12 : memref<32x1024xf32, #tpu.memory_space<vmem>>) target(%dma_start3A_77 : memref<32x1024xf32, #tpu.memory_space<hbm>>) target_semaphore(%arg18 : memref<!tpu.dma_semaphore, #tpu.memory_space<semaphore_mem>>)
      %mul3A_78 = arith.constant 128 : i32
      %mul3A_79 = arith.muli %add3A, %mul3A_78 : i32
      %add3A_80 = arith.constant 8192 : i32
      %add3A_81 = arith.addi %add3A_80, %mul3A_79 : i32
      %add3A_82 = arith.constant 0 : i32
      %add3A_83 = arith.addi %add3A_81, %add3A_82 : i32
      %dma_start3A_84 = arith.constant 0 : i32
      %dma_start3A_85 = tpu.memref_slice %arg7[%add3A_83, %dma_start3A_84] : memref<16384x1024xf32, #tpu.memory_space<hbm>> -> memref<32x1024xf32, #tpu.memory_space<hbm>>
      %dma_start3A_86 = arith.constant 0 : i32
      %dma_start3A_87 = tpu.memref_slice %arg7[%add3A_83, %dma_start3A_86] : memref<16384x1024xf32, #tpu.memory_space<hbm>> -> memref<32x1024xf32, #tpu.memory_space<hbm>>
      tpu.enqueue_dma source(%arg12 : memref<32x1024xf32, #tpu.memory_space<vmem>>) target(%dma_start3A_87 : memref<32x1024xf32, #tpu.memory_space<hbm>>) target_semaphore(%arg18 : memref<!tpu.dma_semaphore, #tpu.memory_space<semaphore_mem>>)
      %mul3A_88 = arith.constant 128 : i32
      %mul3A_89 = arith.muli %add3A, %mul3A_88 : i32
      %add3A_90 = arith.constant 12288 : i32
      %add3A_91 = arith.addi %add3A_90, %mul3A_89 : i32
      %add3A_92 = arith.constant 0 : i32
      %add3A_93 = arith.addi %add3A_91, %add3A_92 : i32
      %dma_start3A_94 = arith.constant 0 : i32
      %dma_start3A_95 = tpu.memref_slice %arg7[%add3A_93, %dma_start3A_94] : memref<16384x1024xf32, #tpu.memory_space<hbm>> -> memref<32x1024xf32, #tpu.memory_space<hbm>>
      %dma_start3A_96 = arith.constant 0 : i32
      %dma_start3A_97 = tpu.memref_slice %arg7[%add3A_93, %dma_start3A_96] : memref<16384x1024xf32, #tpu.memory_space<hbm>> -> memref<32x1024xf32, #tpu.memory_space<hbm>>
      tpu.enqueue_dma source(%arg12 : memref<32x1024xf32, #tpu.memory_space<vmem>>) target(%dma_start3A_97 : memref<32x1024xf32, #tpu.memory_space<hbm>>) target_semaphore(%arg18 : memref<!tpu.dma_semaphore, #tpu.memory_space<semaphore_mem>>)
      %dma_wait3A_98 = arith.constant 0 : i32
      %dma_wait3A_99 = tpu.memref_slice %arg7[%add3A_63, %dma_wait3A_98] : memref<16384x1024xf32, #tpu.memory_space<hbm>> -> memref<32x1024xf32, #tpu.memory_space<hbm>>
      %dma_wait3A_100 = arith.constant 0 : i32
      %dma_wait3A_101 = tpu.memref_slice %arg7[%add3A_63, %dma_wait3A_100] : memref<16384x1024xf32, #tpu.memory_space<hbm>> -> memref<32x1024xf32, #tpu.memory_space<hbm>>
      tpu.wait_dma2 semaphore(%arg18 : memref<!tpu.dma_semaphore, #tpu.memory_space<semaphore_mem>>) src(%arg12 : memref<32x1024xf32, #tpu.memory_space<vmem>>) dst(%dma_wait3A_101 : memref<32x1024xf32, #tpu.memory_space<hbm>>)
      %dma_wait3A_102 = arith.constant 0 : i32
      %dma_wait3A_103 = tpu.memref_slice %arg7[%add3A_73, %dma_wait3A_102] : memref<16384x1024xf32, #tpu.memory_space<hbm>> -> memref<32x1024xf32, #tpu.memory_space<hbm>>
      %dma_wait3A_104 = arith.constant 0 : i32
      %dma_wait3A_105 = tpu.memref_slice %arg7[%add3A_73, %dma_wait3A_104] : memref<16384x1024xf32, #tpu.memory_space<hbm>> -> memref<32x1024xf32, #tpu.memory_space<hbm>>
      tpu.wait_dma2 semaphore(%arg18 : memref<!tpu.dma_semaphore, #tpu.memory_space<semaphore_mem>>) src(%arg12 : memref<32x1024xf32, #tpu.memory_space<vmem>>) dst(%dma_wait3A_105 : memref<32x1024xf32, #tpu.memory_space<hbm>>)
      %dma_wait3A_106 = arith.constant 0 : i32
      %dma_wait3A_107 = tpu.memref_slice %arg7[%add3A_83, %dma_wait3A_106] : memref<16384x1024xf32, #tpu.memory_space<hbm>> -> memref<32x1024xf32, #tpu.memory_space<hbm>>
      %dma_wait3A_108 = arith.constant 0 : i32
      %dma_wait3A_109 = tpu.memref_slice %arg7[%add3A_83, %dma_wait3A_108] : memref<16384x1024xf32, #tpu.memory_space<hbm>> -> memref<32x1024xf32, #tpu.memory_space<hbm>>
      tpu.wait_dma2 semaphore(%arg18 : memref<!tpu.dma_semaphore, #tpu.memory_space<semaphore_mem>>) src(%arg12 : memref<32x1024xf32, #tpu.memory_space<vmem>>) dst(%dma_wait3A_109 : memref<32x1024xf32, #tpu.memory_space<hbm>>)
      %dma_wait3A_110 = arith.constant 0 : i32
      %dma_wait3A_111 = tpu.memref_slice %arg7[%add3A_93, %dma_wait3A_110] : memref<16384x1024xf32, #tpu.memory_space<hbm>> -> memref<32x1024xf32, #tpu.memory_space<hbm>>
      %dma_wait3A_112 = arith.constant 0 : i32
      %dma_wait3A_113 = tpu.memref_slice %arg7[%add3A_93, %dma_wait3A_112] : memref<16384x1024xf32, #tpu.memory_space<hbm>> -> memref<32x1024xf32, #tpu.memory_space<hbm>>
      tpu.wait_dma2 semaphore(%arg18 : memref<!tpu.dma_semaphore, #tpu.memory_space<semaphore_mem>>) src(%arg12 : memref<32x1024xf32, #tpu.memory_space<vmem>>) dst(%dma_wait3A_113 : memref<32x1024xf32, #tpu.memory_space<hbm>>)
      %dma_start3A_114 = arith.constant 3 : i32
      %dma_start3A_115 = arith.constant 0 : i32
      %dma_start3A_116 = tpu.memref_slice %arg8[%dma_start3A_114, %dma_start3A_115] : memref<16x32xi32, #tpu.memory_space<vmem>> -> memref<1x32xi32, #tpu.memory_space<vmem>>
      %dma_start3A_117 = tpu.memref_squeeze %dma_start3A_116 : memref<1x32xi32, #tpu.memory_space<vmem>> -> memref<32xi32, #tpu.memory_space<vmem>>
      %dma_start3A_118 = arith.constant 0 : i32
      %dma_start3A_119 = arith.constant 0 : i32
      %dma_start3A_120 = tpu.memref_slice %arg2[%dma_start3A_118, %dma_start3A_119] : memref<8192x1024xf32, #tpu.memory_space<hbm>> -> memref<8192x1024xf32, #tpu.memory_space<hbm>>
      tpu.enqueue_indirect_dma source(%dma_start3A_120 : memref<8192x1024xf32, #tpu.memory_space<hbm>>) target(%arg12 : memref<32x1024xf32, #tpu.memory_space<vmem>>) offsets(%dma_start3A_117 : memref<32xi32, #tpu.memory_space<vmem>>) semaphore(%arg15 : memref<!tpu.dma_semaphore, #tpu.memory_space<semaphore_mem>>)
      %dma_wait3A_121 = arith.constant 1 : i32
      %dma_wait3A_122 = arith.constant 0 : i32
      %dma_wait3A_123 = tpu.memref_slice %arg8[%dma_wait3A_121, %dma_wait3A_122] : memref<16x32xi32, #tpu.memory_space<vmem>> -> memref<1x32xi32, #tpu.memory_space<vmem>>
      %dma_wait3A_124 = tpu.memref_squeeze %dma_wait3A_123 : memref<1x32xi32, #tpu.memory_space<vmem>> -> memref<32xi32, #tpu.memory_space<vmem>>
      %dma_wait3A_125 = arith.constant 0 : i32
      %dma_wait3A_126 = arith.constant 0 : i32
      %dma_wait3A_127 = tpu.memref_slice %arg2[%dma_wait3A_125, %dma_wait3A_126] : memref<8192x1024xf32, #tpu.memory_space<hbm>> -> memref<8192x1024xf32, #tpu.memory_space<hbm>>
      tpu.wait_indirect_dma semaphore(%arg16 : memref<!tpu.dma_semaphore, #tpu.memory_space<semaphore_mem>>) src(%dma_wait3A_127 : memref<8192x1024xf32, #tpu.memory_space<hbm>>) dst(%arg13 : memref<32x1024xf32, #tpu.memory_space<vmem>>)
      %mul3A_128 = arith.constant 128 : i32
      %mul3A_129 = arith.muli %add3A, %mul3A_128 : i32
      %add3A_130 = arith.constant 0 : i32
      %add3A_131 = arith.addi %add3A_130, %mul3A_129 : i32
      %add3A_132 = arith.constant 32 : i32
      %add3A_133 = arith.addi %add3A_131, %add3A_132 : i32
      %dma_start3A_134 = arith.constant 0 : i32
      %dma_start3A_135 = tpu.memref_slice %arg7[%add3A_133, %dma_start3A_134] : memref<16384x1024xf32, #tpu.memory_space<hbm>> -> memref<32x1024xf32, #tpu.memory_space<hbm>>
      %dma_start3A_136 = arith.constant 0 : i32
      %dma_start3A_137 = tpu.memref_slice %arg7[%add3A_133, %dma_start3A_136] : memref<16384x1024xf32, #tpu.memory_space<hbm>> -> memref<32x1024xf32, #tpu.memory_space<hbm>>
      tpu.enqueue_dma source(%arg13 : memref<32x1024xf32, #tpu.memory_space<vmem>>) target(%dma_start3A_137 : memref<32x1024xf32, #tpu.memory_space<hbm>>) target_semaphore(%arg19 : memref<!tpu.dma_semaphore, #tpu.memory_space<semaphore_mem>>)
      %mul3A_138 = arith.constant 128 : i32
      %mul3A_139 = arith.muli %add3A, %mul3A_138 : i32
      %add3A_140 = arith.constant 4096 : i32
      %add3A_141 = arith.addi %add3A_140, %mul3A_139 : i32
      %add3A_142 = arith.constant 32 : i32
      %add3A_143 = arith.addi %add3A_141, %add3A_142 : i32
      %dma_start3A_144 = arith.constant 0 : i32
      %dma_start3A_145 = tpu.memref_slice %arg7[%add3A_143, %dma_start3A_144] : memref<16384x1024xf32, #tpu.memory_space<hbm>> -> memref<32x1024xf32, #tpu.memory_space<hbm>>
      %dma_start3A_146 = arith.constant 0 : i32
      %dma_start3A_147 = tpu.memref_slice %arg7[%add3A_143, %dma_start3A_146] : memref<16384x1024xf32, #tpu.memory_space<hbm>> -> memref<32x1024xf32, #tpu.memory_space<hbm>>
      tpu.enqueue_dma source(%arg13 : memref<32x1024xf32, #tpu.memory_space<vmem>>) target(%dma_start3A_147 : memref<32x1024xf32, #tpu.memory_space<hbm>>) target_semaphore(%arg19 : memref<!tpu.dma_semaphore, #tpu.memory_space<semaphore_mem>>)
      %mul3A_148 = arith.constant 128 : i32
      %mul3A_149 = arith.muli %add3A, %mul3A_148 : i32
      %add3A_150 = arith.constant 8192 : i32
      %add3A_151 = arith.addi %add3A_150, %mul3A_149 : i32
      %add3A_152 = arith.constant 32 : i32
      %add3A_153 = arith.addi %add3A_151, %add3A_152 : i32
      %dma_start3A_154 = arith.constant 0 : i32
      %dma_start3A_155 = tpu.memref_slice %arg7[%add3A_153, %dma_start3A_154] : memref<16384x1024xf32, #tpu.memory_space<hbm>> -> memref<32x1024xf32, #tpu.memory_space<hbm>>
      %dma_start3A_156 = arith.constant 0 : i32
      %dma_start3A_157 = tpu.memref_slice %arg7[%add3A_153, %dma_start3A_156] : memref<16384x1024xf32, #tpu.memory_space<hbm>> -> memref<32x1024xf32, #tpu.memory_space<hbm>>
      tpu.enqueue_dma source(%arg13 : memref<32x1024xf32, #tpu.memory_space<vmem>>) target(%dma_start3A_157 : memref<32x1024xf32, #tpu.memory_space<hbm>>) target_semaphore(%arg19 : memref<!tpu.dma_semaphore, #tpu.memory_space<semaphore_mem>>)
      %mul3A_158 = arith.constant 128 : i32
      %mul3A_159 = arith.muli %add3A, %mul3A_158 : i32
      %add3A_160 = arith.constant 12288 : i32
      %add3A_161 = arith.addi %add3A_160, %mul3A_159 : i32
      %add3A_162 = arith.constant 32 : i32
      %add3A_163 = arith.addi %add3A_161, %add3A_162 : i32
      %dma_start3A_164 = arith.constant 0 : i32
      %dma_start3A_165 = tpu.memref_slice %arg7[%add3A_163, %dma_start3A_164] : memref<16384x1024xf32, #tpu.memory_space<hbm>> -> memref<32x1024xf32, #tpu.memory_space<hbm>>
      %dma_start3A_166 = arith.constant 0 : i32
      %dma_start3A_167 = tpu.memref_slice %arg7[%add3A_163, %dma_start3A_166] : memref<16384x1024xf32, #tpu.memory_space<hbm>> -> memref<32x1024xf32, #tpu.memory_space<hbm>>
      tpu.enqueue_dma source(%arg13 : memref<32x1024xf32, #tpu.memory_space<vmem>>) target(%dma_start3A_167 : memref<32x1024xf32, #tpu.memory_space<hbm>>) target_semaphore(%arg19 : memref<!tpu.dma_semaphore, #tpu.memory_space<semaphore_mem>>)
      %dma_wait3A_168 = arith.constant 2 : i32
      %dma_wait3A_169 = arith.constant 0 : i32
      %dma_wait3A_170 = tpu.memref_slice %arg8[%dma_wait3A_168, %dma_wait3A_169] : memref<16x32xi32, #tpu.memory_space<vmem>> -> memref<1x32xi32, #tpu.memory_space<vmem>>
      %dma_wait3A_171 = tpu.memref_squeeze %dma_wait3A_170 : memref<1x32xi32, #tpu.memory_space<vmem>> -> memref<32xi32, #tpu.memory_space<vmem>>
      %dma_wait3A_172 = arith.constant 0 : i32
      %dma_wait3A_173 = arith.constant 0 : i32
      %dma_wait3A_174 = tpu.memref_slice %arg2[%dma_wait3A_172, %dma_wait3A_173] : memref<8192x1024xf32, #tpu.memory_space<hbm>> -> memref<8192x1024xf32, #tpu.memory_space<hbm>>
      tpu.wait_indirect_dma semaphore(%arg17 : memref<!tpu.dma_semaphore, #tpu.memory_space<semaphore_mem>>) src(%dma_wait3A_174 : memref<8192x1024xf32, #tpu.memory_space<hbm>>) dst(%arg14 : memref<32x1024xf32, #tpu.memory_space<vmem>>)
      %mul3A_175 = arith.constant 128 : i32
      %mul3A_176 = arith.muli %add3A, %mul3A_175 : i32
      %add3A_177 = arith.constant 0 : i32
      %add3A_178 = arith.addi %add3A_177, %mul3A_176 : i32
      %add3A_179 = arith.constant 64 : i32
      %add3A_180 = arith.addi %add3A_178, %add3A_179 : i32
      %dma_start3A_181 = arith.constant 0 : i32
      %dma_start3A_182 = tpu.memref_slice %arg7[%add3A_180, %dma_start3A_181] : memref<16384x1024xf32, #tpu.memory_space<hbm>> -> memref<32x1024xf32, #tpu.memory_space<hbm>>
      %dma_start3A_183 = arith.constant 0 : i32
      %dma_start3A_184 = tpu.memref_slice %arg7[%add3A_180, %dma_start3A_183] : memref<16384x1024xf32, #tpu.memory_space<hbm>> -> memref<32x1024xf32, #tpu.memory_space<hbm>>
      tpu.enqueue_dma source(%arg14 : memref<32x1024xf32, #tpu.memory_space<vmem>>) target(%dma_start3A_184 : memref<32x1024xf32, #tpu.memory_space<hbm>>) target_semaphore(%arg20 : memref<!tpu.dma_semaphore, #tpu.memory_space<semaphore_mem>>)
      %mul3A_185 = arith.constant 128 : i32
      %mul3A_186 = arith.muli %add3A, %mul3A_185 : i32
      %add3A_187 = arith.constant 4096 : i32
      %add3A_188 = arith.addi %add3A_187, %mul3A_186 : i32
      %add3A_189 = arith.constant 64 : i32
      %add3A_190 = arith.addi %add3A_188, %add3A_189 : i32
      %dma_start3A_191 = arith.constant 0 : i32
      %dma_start3A_192 = tpu.memref_slice %arg7[%add3A_190, %dma_start3A_191] : memref<16384x1024xf32, #tpu.memory_space<hbm>> -> memref<32x1024xf32, #tpu.memory_space<hbm>>
      %dma_start3A_193 = arith.constant 0 : i32
      %dma_start3A_194 = tpu.memref_slice %arg7[%add3A_190, %dma_start3A_193] : memref<16384x1024xf32, #tpu.memory_space<hbm>> -> memref<32x1024xf32, #tpu.memory_space<hbm>>
      tpu.enqueue_dma source(%arg14 : memref<32x1024xf32, #tpu.memory_space<vmem>>) target(%dma_start3A_194 : memref<32x1024xf32, #tpu.memory_space<hbm>>) target_semaphore(%arg20 : memref<!tpu.dma_semaphore, #tpu.memory_space<semaphore_mem>>)
      %mul3A_195 = arith.constant 128 : i32
      %mul3A_196 = arith.muli %add3A, %mul3A_195 : i32
      %add3A_197 = arith.constant 8192 : i32
      %add3A_198 = arith.addi %add3A_197, %mul3A_196 : i32
      %add3A_199 = arith.constant 64 : i32
      %add3A_200 = arith.addi %add3A_198, %add3A_199 : i32
      %dma_start3A_201 = arith.constant 0 : i32
      %dma_start3A_202 = tpu.memref_slice %arg7[%add3A_200, %dma_start3A_201] : memref<16384x1024xf32, #tpu.memory_space<hbm>> -> memref<32x1024xf32, #tpu.memory_space<hbm>>
      %dma_start3A_203 = arith.constant 0 : i32
      %dma_start3A_204 = tpu.memref_slice %arg7[%add3A_200, %dma_start3A_203] : memref<16384x1024xf32, #tpu.memory_space<hbm>> -> memref<32x1024xf32, #tpu.memory_space<hbm>>
      tpu.enqueue_dma source(%arg14 : memref<32x1024xf32, #tpu.memory_space<vmem>>) target(%dma_start3A_204 : memref<32x1024xf32, #tpu.memory_space<hbm>>) target_semaphore(%arg20 : memref<!tpu.dma_semaphore, #tpu.memory_space<semaphore_mem>>)
      %mul3A_205 = arith.constant 128 : i32
      %mul3A_206 = arith.muli %add3A, %mul3A_205 : i32
      %add3A_207 = arith.constant 12288 : i32
      %add3A_208 = arith.addi %add3A_207, %mul3A_206 : i32
      %add3A_209 = arith.constant 64 : i32
      %add3A_210 = arith.addi %add3A_208, %add3A_209 : i32
      %dma_start3A_211 = arith.constant 0 : i32
      %dma_start3A_212 = tpu.memref_slice %arg7[%add3A_210, %dma_start3A_211] : memref<16384x1024xf32, #tpu.memory_space<hbm>> -> memref<32x1024xf32, #tpu.memory_space<hbm>>
      %dma_start3A_213 = arith.constant 0 : i32
      %dma_start3A_214 = tpu.memref_slice %arg7[%add3A_210, %dma_start3A_213] : memref<16384x1024xf32, #tpu.memory_space<hbm>> -> memref<32x1024xf32, #tpu.memory_space<hbm>>
      tpu.enqueue_dma source(%arg14 : memref<32x1024xf32, #tpu.memory_space<vmem>>) target(%dma_start3A_214 : memref<32x1024xf32, #tpu.memory_space<hbm>>) target_semaphore(%arg20 : memref<!tpu.dma_semaphore, #tpu.memory_space<semaphore_mem>>)
      %dma_wait3A_215 = arith.constant 3 : i32
      %dma_wait3A_216 = arith.constant 0 : i32
      %dma_wait3A_217 = tpu.memref_slice %arg8[%dma_wait3A_215, %dma_wait3A_216] : memref<16x32xi32, #tpu.memory_space<vmem>> -> memref<1x32xi32, #tpu.memory_space<vmem>>
      %dma_wait3A_218 = tpu.memref_squeeze %dma_wait3A_217 : memref<1x32xi32, #tpu.memory_space<vmem>> -> memref<32xi32, #tpu.memory_space<vmem>>
      %dma_wait3A_219 = arith.constant 0 : i32
      %dma_wait3A_220 = arith.constant 0 : i32
      %dma_wait3A_221 = tpu.memref_slice %arg2[%dma_wait3A_219, %dma_wait3A_220] : memref<8192x1024xf32, #tpu.memory_space<hbm>> -> memref<8192x1024xf32, #tpu.memory_space<hbm>>
      tpu.wait_indirect_dma semaphore(%arg15 : memref<!tpu.dma_semaphore, #tpu.memory_space<semaphore_mem>>) src(%dma_wait3A_221 : memref<8192x1024xf32, #tpu.memory_space<hbm>>) dst(%arg12 : memref<32x1024xf32, #tpu.memory_space<vmem>>)
      %mul3A_222 = arith.constant 128 : i32
      %mul3A_223 = arith.muli %add3A, %mul3A_222 : i32
      %add3A_224 = arith.constant 0 : i32
      %add3A_225 = arith.addi %add3A_224, %mul3A_223 : i32
      %add3A_226 = arith.constant 96 : i32
      %add3A_227 = arith.addi %add3A_225, %add3A_226 : i32
      %dma_start3A_228 = arith.constant 0 : i32
      %dma_start3A_229 = tpu.memref_slice %arg7[%add3A_227, %dma_start3A_228] : memref<16384x1024xf32, #tpu.memory_space<hbm>> -> memref<32x1024xf32, #tpu.memory_space<hbm>>
      %dma_start3A_230 = arith.constant 0 : i32
      %dma_start3A_231 = tpu.memref_slice %arg7[%add3A_227, %dma_start3A_230] : memref<16384x1024xf32, #tpu.memory_space<hbm>> -> memref<32x1024xf32, #tpu.memory_space<hbm>>
      tpu.enqueue_dma source(%arg12 : memref<32x1024xf32, #tpu.memory_space<vmem>>) target(%dma_start3A_231 : memref<32x1024xf32, #tpu.memory_space<hbm>>) target_semaphore(%arg18 : memref<!tpu.dma_semaphore, #tpu.memory_space<semaphore_mem>>)
      %mul3A_232 = arith.constant 128 : i32
      %mul3A_233 = arith.muli %add3A, %mul3A_232 : i32
      %add3A_234 = arith.constant 4096 : i32
      %add3A_235 = arith.addi %add3A_234, %mul3A_233 : i32
      %add3A_236 = arith.constant 96 : i32
      %add3A_237 = arith.addi %add3A_235, %add3A_236 : i32
      %dma_start3A_238 = arith.constant 0 : i32
      %dma_start3A_239 = tpu.memref_slice %arg7[%add3A_237, %dma_start3A_238] : memref<16384x1024xf32, #tpu.memory_space<hbm>> -> memref<32x1024xf32, #tpu.memory_space<hbm>>
      %dma_start3A_240 = arith.constant 0 : i32
      %dma_start3A_241 = tpu.memref_slice %arg7[%add3A_237, %dma_start3A_240] : memref<16384x1024xf32, #tpu.memory_space<hbm>> -> memref<32x1024xf32, #tpu.memory_space<hbm>>
      tpu.enqueue_dma source(%arg12 : memref<32x1024xf32, #tpu.memory_space<vmem>>) target(%dma_start3A_241 : memref<32x1024xf32, #tpu.memory_space<hbm>>) target_semaphore(%arg18 : memref<!tpu.dma_semaphore, #tpu.memory_space<semaphore_mem>>)
      %mul3A_242 = arith.constant 128 : i32
      %mul3A_243 = arith.muli %add3A, %mul3A_242 : i32
      %add3A_244 = arith.constant 8192 : i32
      %add3A_245 = arith.addi %add3A_244, %mul3A_243 : i32
      %add3A_246 = arith.constant 96 : i32
      %add3A_247 = arith.addi %add3A_245, %add3A_246 : i32
      %dma_start3A_248 = arith.constant 0 : i32
      %dma_start3A_249 = tpu.memref_slice %arg7[%add3A_247, %dma_start3A_248] : memref<16384x1024xf32, #tpu.memory_space<hbm>> -> memref<32x1024xf32, #tpu.memory_space<hbm>>
      %dma_start3A_250 = arith.constant 0 : i32
      %dma_start3A_251 = tpu.memref_slice %arg7[%add3A_247, %dma_start3A_250] : memref<16384x1024xf32, #tpu.memory_space<hbm>> -> memref<32x1024xf32, #tpu.memory_space<hbm>>
      tpu.enqueue_dma source(%arg12 : memref<32x1024xf32, #tpu.memory_space<vmem>>) target(%dma_start3A_251 : memref<32x1024xf32, #tpu.memory_space<hbm>>) target_semaphore(%arg18 : memref<!tpu.dma_semaphore, #tpu.memory_space<semaphore_mem>>)
      %mul3A_252 = arith.constant 128 : i32
      %mul3A_253 = arith.muli %add3A, %mul3A_252 : i32
      %add3A_254 = arith.constant 12288 : i32
      %add3A_255 = arith.addi %add3A_254, %mul3A_253 : i32
      %add3A_256 = arith.constant 96 : i32
      %add3A_257 = arith.addi %add3A_255, %add3A_256 : i32
      %dma_start3A_258 = arith.constant 0 : i32
      %dma_start3A_259 = tpu.memref_slice %arg7[%add3A_257, %dma_start3A_258] : memref<16384x1024xf32, #tpu.memory_space<hbm>> -> memref<32x1024xf32, #tpu.memory_space<hbm>>
      %dma_start3A_260 = arith.constant 0 : i32
      %dma_start3A_261 = tpu.memref_slice %arg7[%add3A_257, %dma_start3A_260] : memref<16384x1024xf32, #tpu.memory_space<hbm>> -> memref<32x1024xf32, #tpu.memory_space<hbm>>
      tpu.enqueue_dma source(%arg12 : memref<32x1024xf32, #tpu.memory_space<vmem>>) target(%dma_start3A_261 : memref<32x1024xf32, #tpu.memory_space<hbm>>) target_semaphore(%arg18 : memref<!tpu.dma_semaphore, #tpu.memory_space<semaphore_mem>>)
      %dma_wait3A_262 = arith.constant 0 : i32
      %dma_wait3A_263 = tpu.memref_slice %arg7[%add3A_133, %dma_wait3A_262] : memref<16384x1024xf32, #tpu.memory_space<hbm>> -> memref<32x1024xf32, #tpu.memory_space<hbm>>
      %dma_wait3A_264 = arith.constant 0 : i32
      %dma_wait3A_265 = tpu.memref_slice %arg7[%add3A_133, %dma_wait3A_264] : memref<16384x1024xf32, #tpu.memory_space<hbm>> -> memref<32x1024xf32, #tpu.memory_space<hbm>>
      tpu.wait_dma2 semaphore(%arg19 : memref<!tpu.dma_semaphore, #tpu.memory_space<semaphore_mem>>) src(%arg13 : memref<32x1024xf32, #tpu.memory_space<vmem>>) dst(%dma_wait3A_265 : memref<32x1024xf32, #tpu.memory_space<hbm>>)
      %dma_wait3A_266 = arith.constant 0 : i32
      %dma_wait3A_267 = tpu.memref_slice %arg7[%add3A_143, %dma_wait3A_266] : memref<16384x1024xf32, #tpu.memory_space<hbm>> -> memref<32x1024xf32, #tpu.memory_space<hbm>>
      %dma_wait3A_268 = arith.constant 0 : i32
      %dma_wait3A_269 = tpu.memref_slice %arg7[%add3A_143, %dma_wait3A_268] : memref<16384x1024xf32, #tpu.memory_space<hbm>> -> memref<32x1024xf32, #tpu.memory_space<hbm>>
      tpu.wait_dma2 semaphore(%arg19 : memref<!tpu.dma_semaphore, #tpu.memory_space<semaphore_mem>>) src(%arg13 : memref<32x1024xf32, #tpu.memory_space<vmem>>) dst(%dma_wait3A_269 : memref<32x1024xf32, #tpu.memory_space<hbm>>)
      %dma_wait3A_270 = arith.constant 0 : i32
      %dma_wait3A_271 = tpu.memref_slice %arg7[%add3A_153, %dma_wait3A_270] : memref<16384x1024xf32, #tpu.memory_space<hbm>> -> memref<32x1024xf32, #tpu.memory_space<hbm>>
      %dma_wait3A_272 = arith.constant 0 : i32
      %dma_wait3A_273 = tpu.memref_slice %arg7[%add3A_153, %dma_wait3A_272] : memref<16384x1024xf32, #tpu.memory_space<hbm>> -> memref<32x1024xf32, #tpu.memory_space<hbm>>
      tpu.wait_dma2 semaphore(%arg19 : memref<!tpu.dma_semaphore, #tpu.memory_space<semaphore_mem>>) src(%arg13 : memref<32x1024xf32, #tpu.memory_space<vmem>>) dst(%dma_wait3A_273 : memref<32x1024xf32, #tpu.memory_space<hbm>>)
      %dma_wait3A_274 = arith.constant 0 : i32
      %dma_wait3A_275 = tpu.memref_slice %arg7[%add3A_163, %dma_wait3A_274] : memref<16384x1024xf32, #tpu.memory_space<hbm>> -> memref<32x1024xf32, #tpu.memory_space<hbm>>
      %dma_wait3A_276 = arith.constant 0 : i32
      %dma_wait3A_277 = tpu.memref_slice %arg7[%add3A_163, %dma_wait3A_276] : memref<16384x1024xf32, #tpu.memory_space<hbm>> -> memref<32x1024xf32, #tpu.memory_space<hbm>>
      tpu.wait_dma2 semaphore(%arg19 : memref<!tpu.dma_semaphore, #tpu.memory_space<semaphore_mem>>) src(%arg13 : memref<32x1024xf32, #tpu.memory_space<vmem>>) dst(%dma_wait3A_277 : memref<32x1024xf32, #tpu.memory_space<hbm>>)
      %dma_wait3A_278 = arith.constant 0 : i32
      %dma_wait3A_279 = tpu.memref_slice %arg7[%add3A_180, %dma_wait3A_278] : memref<16384x1024xf32, #tpu.memory_space<hbm>> -> memref<32x1024xf32, #tpu.memory_space<hbm>>
      %dma_wait3A_280 = arith.constant 0 : i32
      %dma_wait3A_281 = tpu.memref_slice %arg7[%add3A_180, %dma_wait3A_280] : memref<16384x1024xf32, #tpu.memory_space<hbm>> -> memref<32x1024xf32, #tpu.memory_space<hbm>>
      tpu.wait_dma2 semaphore(%arg20 : memref<!tpu.dma_semaphore, #tpu.memory_space<semaphore_mem>>) src(%arg14 : memref<32x1024xf32, #tpu.memory_space<vmem>>) dst(%dma_wait3A_281 : memref<32x1024xf32, #tpu.memory_space<hbm>>)
      %dma_wait3A_282 = arith.constant 0 : i32
      %dma_wait3A_283 = tpu.memref_slice %arg7[%add3A_190, %dma_wait3A_282] : memref<16384x1024xf32, #tpu.memory_space<hbm>> -> memref<32x1024xf32, #tpu.memory_space<hbm>>
      %dma_wait3A_284 = arith.constant 0 : i32
      %dma_wait3A_285 = tpu.memref_slice %arg7[%add3A_190, %dma_wait3A_284] : memref<16384x1024xf32, #tpu.memory_space<hbm>> -> memref<32x1024xf32, #tpu.memory_space<hbm>>
      tpu.wait_dma2 semaphore(%arg20 : memref<!tpu.dma_semaphore, #tpu.memory_space<semaphore_mem>>) src(%arg14 : memref<32x1024xf32, #tpu.memory_space<vmem>>) dst(%dma_wait3A_285 : memref<32x1024xf32, #tpu.memory_space<hbm>>)
      %dma_wait3A_286 = arith.constant 0 : i32
      %dma_wait3A_287 = tpu.memref_slice %arg7[%add3A_200, %dma_wait3A_286] : memref<16384x1024xf32, #tpu.memory_space<hbm>> -> memref<32x1024xf32, #tpu.memory_space<hbm>>
      %dma_wait3A_288 = arith.constant 0 : i32
      %dma_wait3A_289 = tpu.memref_slice %arg7[%add3A_200, %dma_wait3A_288] : memref<16384x1024xf32, #tpu.memory_space<hbm>> -> memref<32x1024xf32, #tpu.memory_space<hbm>>
      tpu.wait_dma2 semaphore(%arg20 : memref<!tpu.dma_semaphore, #tpu.memory_space<semaphore_mem>>) src(%arg14 : memref<32x1024xf32, #tpu.memory_space<vmem>>) dst(%dma_wait3A_289 : memref<32x1024xf32, #tpu.memory_space<hbm>>)
      %dma_wait3A_290 = arith.constant 0 : i32
      %dma_wait3A_291 = tpu.memref_slice %arg7[%add3A_210, %dma_wait3A_290] : memref<16384x1024xf32, #tpu.memory_space<hbm>> -> memref<32x1024xf32, #tpu.memory_space<hbm>>
      %dma_wait3A_292 = arith.constant 0 : i32
      %dma_wait3A_293 = tpu.memref_slice %arg7[%add3A_210, %dma_wait3A_292] : memref<16384x1024xf32, #tpu.memory_space<hbm>> -> memref<32x1024xf32, #tpu.memory_space<hbm>>
      tpu.wait_dma2 semaphore(%arg20 : memref<!tpu.dma_semaphore, #tpu.memory_space<semaphore_mem>>) src(%arg14 : memref<32x1024xf32, #tpu.memory_space<vmem>>) dst(%dma_wait3A_293 : memref<32x1024xf32, #tpu.memory_space<hbm>>)
      %dma_wait3A_294 = arith.constant 0 : i32
      %dma_wait3A_295 = tpu.memref_slice %arg7[%add3A_227, %dma_wait3A_294] : memref<16384x1024xf32, #tpu.memory_space<hbm>> -> memref<32x1024xf32, #tpu.memory_space<hbm>>
      %dma_wait3A_296 = arith.constant 0 : i32
      %dma_wait3A_297 = tpu.memref_slice %arg7[%add3A_227, %dma_wait3A_296] : memref<16384x1024xf32, #tpu.memory_space<hbm>> -> memref<32x1024xf32, #tpu.memory_space<hbm>>
      tpu.wait_dma2 semaphore(%arg18 : memref<!tpu.dma_semaphore, #tpu.memory_space<semaphore_mem>>) src(%arg12 : memref<32x1024xf32, #tpu.memory_space<vmem>>) dst(%dma_wait3A_297 : memref<32x1024xf32, #tpu.memory_space<hbm>>)
      %dma_wait3A_298 = arith.constant 0 : i32
      %dma_wait3A_299 = tpu.memref_slice %arg7[%add3A_237, %dma_wait3A_298] : memref<16384x1024xf32, #tpu.memory_space<hbm>> -> memref<32x1024xf32, #tpu.memory_space<hbm>>
      %dma_wait3A_300 = arith.constant 0 : i32
      %dma_wait3A_301 = tpu.memref_slice %arg7[%add3A_237, %dma_wait3A_300] : memref<16384x1024xf32, #tpu.memory_space<hbm>> -> memref<32x1024xf32, #tpu.memory_space<hbm>>
      tpu.wait_dma2 semaphore(%arg18 : memref<!tpu.dma_semaphore, #tpu.memory_space<semaphore_mem>>) src(%arg12 : memref<32x1024xf32, #tpu.memory_space<vmem>>) dst(%dma_wait3A_301 : memref<32x1024xf32, #tpu.memory_space<hbm>>)
      %dma_wait3A_302 = arith.constant 0 : i32
      %dma_wait3A_303 = tpu.memref_slice %arg7[%add3A_247, %dma_wait3A_302] : memref<16384x1024xf32, #tpu.memory_space<hbm>> -> memref<32x1024xf32, #tpu.memory_space<hbm>>
      %dma_wait3A_304 = arith.constant 0 : i32
      %dma_wait3A_305 = tpu.memref_slice %arg7[%add3A_247, %dma_wait3A_304] : memref<16384x1024xf32, #tpu.memory_space<hbm>> -> memref<32x1024xf32, #tpu.memory_space<hbm>>
      tpu.wait_dma2 semaphore(%arg18 : memref<!tpu.dma_semaphore, #tpu.memory_space<semaphore_mem>>) src(%arg12 : memref<32x1024xf32, #tpu.memory_space<vmem>>) dst(%dma_wait3A_305 : memref<32x1024xf32, #tpu.memory_space<hbm>>)
      %dma_wait3A_306 = arith.constant 0 : i32
      %dma_wait3A_307 = tpu.memref_slice %arg7[%add3A_257, %dma_wait3A_306] : memref<16384x1024xf32, #tpu.memory_space<hbm>> -> memref<32x1024xf32, #tpu.memory_space<hbm>>
      %dma_wait3A_308 = arith.constant 0 : i32
      %dma_wait3A_309 = tpu.memref_slice %arg7[%add3A_257, %dma_wait3A_308] : memref<16384x1024xf32, #tpu.memory_space<hbm>> -> memref<32x1024xf32, #tpu.memory_space<hbm>>
      tpu.wait_dma2 semaphore(%arg18 : memref<!tpu.dma_semaphore, #tpu.memory_space<semaphore_mem>>) src(%arg12 : memref<32x1024xf32, #tpu.memory_space<vmem>>) dst(%dma_wait3A_309 : memref<32x1024xf32, #tpu.memory_space<hbm>>)
    }
    %while3A_19 = arith.constant 1 : i32
    scf.for %while3A_31 = %while3A_17 to %while3A_13 step %while3A_19  : i32 {
      %dma_start3A = arith.constant 0 : i32
      %dma_start3A_32 = arith.constant 0 : i32
      %dma_start3A_33 = tpu.memref_slice %arg8[%dma_start3A, %dma_start3A_32] : memref<16x32xi32, #tpu.memory_space<vmem>> -> memref<1x32xi32, #tpu.memory_space<vmem>>
      %dma_start3A_34 = tpu.memref_squeeze %dma_start3A_33 : memref<1x32xi32, #tpu.memory_space<vmem>> -> memref<32xi32, #tpu.memory_space<vmem>>
      %dma_start3A_35 = arith.constant 0 : i32
      %dma_start3A_36 = arith.constant 0 : i32
      %dma_start3A_37 = tpu.memref_slice %arg2[%dma_start3A_35, %dma_start3A_36] : memref<8192x1024xf32, #tpu.memory_space<hbm>> -> memref<8192x1024xf32, #tpu.memory_space<hbm>>
      tpu.enqueue_indirect_dma source(%dma_start3A_37 : memref<8192x1024xf32, #tpu.memory_space<hbm>>) target(%arg12 : memref<32x1024xf32, #tpu.memory_space<vmem>>) offsets(%dma_start3A_34 : memref<32xi32, #tpu.memory_space<vmem>>) semaphore(%arg15 : memref<!tpu.dma_semaphore, #tpu.memory_space<semaphore_mem>>)
      %dma_start3A_38 = arith.constant 1 : i32
      %dma_start3A_39 = arith.constant 0 : i32
      %dma_start3A_40 = tpu.memref_slice %arg8[%dma_start3A_38, %dma_start3A_39] : memref<16x32xi32, #tpu.memory_space<vmem>> -> memref<1x32xi32, #tpu.memory_space<vmem>>
      %dma_start3A_41 = tpu.memref_squeeze %dma_start3A_40 : memref<1x32xi32, #tpu.memory_space<vmem>> -> memref<32xi32, #tpu.memory_space<vmem>>
      %dma_start3A_42 = arith.constant 0 : i32
      %dma_start3A_43 = arith.constant 0 : i32
      %dma_start3A_44 = tpu.memref_slice %arg2[%dma_start3A_42, %dma_start3A_43] : memref<8192x1024xf32, #tpu.memory_space<hbm>> -> memref<8192x1024xf32, #tpu.memory_space<hbm>>
      tpu.enqueue_indirect_dma source(%dma_start3A_44 : memref<8192x1024xf32, #tpu.memory_space<hbm>>) target(%arg13 : memref<32x1024xf32, #tpu.memory_space<vmem>>) offsets(%dma_start3A_41 : memref<32xi32, #tpu.memory_space<vmem>>) semaphore(%arg16 : memref<!tpu.dma_semaphore, #tpu.memory_space<semaphore_mem>>)
      %dma_start3A_45 = arith.constant 2 : i32
      %dma_start3A_46 = arith.constant 0 : i32
      %dma_start3A_47 = tpu.memref_slice %arg8[%dma_start3A_45, %dma_start3A_46] : memref<16x32xi32, #tpu.memory_space<vmem>> -> memref<1x32xi32, #tpu.memory_space<vmem>>
      %dma_start3A_48 = tpu.memref_squeeze %dma_start3A_47 : memref<1x32xi32, #tpu.memory_space<vmem>> -> memref<32xi32, #tpu.memory_space<vmem>>
      %dma_start3A_49 = arith.constant 0 : i32
      %dma_start3A_50 = arith.constant 0 : i32
      %dma_start3A_51 = tpu.memref_slice %arg2[%dma_start3A_49, %dma_start3A_50] : memref<8192x1024xf32, #tpu.memory_space<hbm>> -> memref<8192x1024xf32, #tpu.memory_space<hbm>>
      tpu.enqueue_indirect_dma source(%dma_start3A_51 : memref<8192x1024xf32, #tpu.memory_space<hbm>>) target(%arg14 : memref<32x1024xf32, #tpu.memory_space<vmem>>) offsets(%dma_start3A_48 : memref<32xi32, #tpu.memory_space<vmem>>) semaphore(%arg17 : memref<!tpu.dma_semaphore, #tpu.memory_space<semaphore_mem>>)
      %dma_wait3A = arith.constant 0 : i32
      %dma_wait3A_52 = arith.constant 0 : i32
      %dma_wait3A_53 = tpu.memref_slice %arg8[%dma_wait3A, %dma_wait3A_52] : memref<16x32xi32, #tpu.memory_space<vmem>> -> memref<1x32xi32, #tpu.memory_space<vmem>>
      %dma_wait3A_54 = tpu.memref_squeeze %dma_wait3A_53 : memref<1x32xi32, #tpu.memory_space<vmem>> -> memref<32xi32, #tpu.memory_space<vmem>>
      %dma_wait3A_55 = arith.constant 0 : i32
      %dma_wait3A_56 = arith.constant 0 : i32
      %dma_wait3A_57 = tpu.memref_slice %arg2[%dma_wait3A_55, %dma_wait3A_56] : memref<8192x1024xf32, #tpu.memory_space<hbm>> -> memref<8192x1024xf32, #tpu.memory_space<hbm>>
      tpu.wait_indirect_dma semaphore(%arg15 : memref<!tpu.dma_semaphore, #tpu.memory_space<semaphore_mem>>) src(%dma_wait3A_57 : memref<8192x1024xf32, #tpu.memory_space<hbm>>) dst(%arg12 : memref<32x1024xf32, #tpu.memory_space<vmem>>)
      %mul3A_58 = arith.constant 128 : i32
      %mul3A_59 = arith.muli %add3A, %mul3A_58 : i32
      %add3A_60 = arith.constant 0 : i32
      %add3A_61 = arith.addi %add3A_60, %mul3A_59 : i32
      %add3A_62 = arith.constant 0 : i32
      %add3A_63 = arith.addi %add3A_61, %add3A_62 : i32
      %dma_start3A_64 = arith.constant 0 : i32
      %dma_start3A_65 = tpu.memref_slice %arg7[%add3A_63, %dma_start3A_64] : memref<16384x1024xf32, #tpu.memory_space<hbm>> -> memref<32x1024xf32, #tpu.memory_space<hbm>>
      %dma_start3A_66 = arith.constant 0 : i32
      %dma_start3A_67 = tpu.memref_slice %arg7[%add3A_63, %dma_start3A_66] : memref<16384x1024xf32, #tpu.memory_space<hbm>> -> memref<32x1024xf32, #tpu.memory_space<hbm>>
      tpu.enqueue_dma source(%arg12 : memref<32x1024xf32, #tpu.memory_space<vmem>>) target(%dma_start3A_67 : memref<32x1024xf32, #tpu.memory_space<hbm>>) target_semaphore(%arg18 : memref<!tpu.dma_semaphore, #tpu.memory_space<semaphore_mem>>)
      %mul3A_68 = arith.constant 128 : i32
      %mul3A_69 = arith.muli %add3A, %mul3A_68 : i32
      %add3A_70 = arith.constant 4096 : i32
      %add3A_71 = arith.addi %add3A_70, %mul3A_69 : i32
      %add3A_72 = arith.constant 0 : i32
      %add3A_73 = arith.addi %add3A_71, %add3A_72 : i32
      %dma_start3A_74 = arith.constant 0 : i32
      %dma_start3A_75 = tpu.memref_slice %arg7[%add3A_73, %dma_start3A_74] : memref<16384x1024xf32, #tpu.memory_space<hbm>> -> memref<32x1024xf32, #tpu.memory_space<hbm>>
      %dma_start3A_76 = arith.constant 0 : i32
      %dma_start3A_77 = tpu.memref_slice %arg7[%add3A_73, %dma_start3A_76] : memref<16384x1024xf32, #tpu.memory_space<hbm>> -> memref<32x1024xf32, #tpu.memory_space<hbm>>
      tpu.enqueue_dma source(%arg12 : memref<32x1024xf32, #tpu.memory_space<vmem>>) target(%dma_start3A_77 : memref<32x1024xf32, #tpu.memory_space<hbm>>) target_semaphore(%arg18 : memref<!tpu.dma_semaphore, #tpu.memory_space<semaphore_mem>>)
      %mul3A_78 = arith.constant 128 : i32
      %mul3A_79 = arith.muli %add3A, %mul3A_78 : i32
      %add3A_80 = arith.constant 8192 : i32
      %add3A_81 = arith.addi %add3A_80, %mul3A_79 : i32
      %add3A_82 = arith.constant 0 : i32
      %add3A_83 = arith.addi %add3A_81, %add3A_82 : i32
      %dma_start3A_84 = arith.constant 0 : i32
      %dma_start3A_85 = tpu.memref_slice %arg7[%add3A_83, %dma_start3A_84] : memref<16384x1024xf32, #tpu.memory_space<hbm>> -> memref<32x1024xf32, #tpu.memory_space<hbm>>
      %dma_start3A_86 = arith.constant 0 : i32
      %dma_start3A_87 = tpu.memref_slice %arg7[%add3A_83, %dma_start3A_86] : memref<16384x1024xf32, #tpu.memory_space<hbm>> -> memref<32x1024xf32, #tpu.memory_space<hbm>>
      tpu.enqueue_dma source(%arg12 : memref<32x1024xf32, #tpu.memory_space<vmem>>) target(%dma_start3A_87 : memref<32x1024xf32, #tpu.memory_space<hbm>>) target_semaphore(%arg18 : memref<!tpu.dma_semaphore, #tpu.memory_space<semaphore_mem>>)
      %mul3A_88 = arith.constant 128 : i32
      %mul3A_89 = arith.muli %add3A, %mul3A_88 : i32
      %add3A_90 = arith.constant 12288 : i32
      %add3A_91 = arith.addi %add3A_90, %mul3A_89 : i32
      %add3A_92 = arith.constant 0 : i32
      %add3A_93 = arith.addi %add3A_91, %add3A_92 : i32
      %dma_start3A_94 = arith.constant 0 : i32
      %dma_start3A_95 = tpu.memref_slice %arg7[%add3A_93, %dma_start3A_94] : memref<16384x1024xf32, #tpu.memory_space<hbm>> -> memref<32x1024xf32, #tpu.memory_space<hbm>>
      %dma_start3A_96 = arith.constant 0 : i32
      %dma_start3A_97 = tpu.memref_slice %arg7[%add3A_93, %dma_start3A_96] : memref<16384x1024xf32, #tpu.memory_space<hbm>> -> memref<32x1024xf32, #tpu.memory_space<hbm>>
      tpu.enqueue_dma source(%arg12 : memref<32x1024xf32, #tpu.memory_space<vmem>>) target(%dma_start3A_97 : memref<32x1024xf32, #tpu.memory_space<hbm>>) target_semaphore(%arg18 : memref<!tpu.dma_semaphore, #tpu.memory_space<semaphore_mem>>)
      %dma_wait3A_98 = arith.constant 0 : i32
      %dma_wait3A_99 = tpu.memref_slice %arg7[%add3A_63, %dma_wait3A_98] : memref<16384x1024xf32, #tpu.memory_space<hbm>> -> memref<32x1024xf32, #tpu.memory_space<hbm>>
      %dma_wait3A_100 = arith.constant 0 : i32
      %dma_wait3A_101 = tpu.memref_slice %arg7[%add3A_63, %dma_wait3A_100] : memref<16384x1024xf32, #tpu.memory_space<hbm>> -> memref<32x1024xf32, #tpu.memory_space<hbm>>
      tpu.wait_dma2 semaphore(%arg18 : memref<!tpu.dma_semaphore, #tpu.memory_space<semaphore_mem>>) src(%arg12 : memref<32x1024xf32, #tpu.memory_space<vmem>>) dst(%dma_wait3A_101 : memref<32x1024xf32, #tpu.memory_space<hbm>>)
      %dma_wait3A_102 = arith.constant 0 : i32
      %dma_wait3A_103 = tpu.memref_slice %arg7[%add3A_73, %dma_wait3A_102] : memref<16384x1024xf32, #tpu.memory_space<hbm>> -> memref<32x1024xf32, #tpu.memory_space<hbm>>
      %dma_wait3A_104 = arith.constant 0 : i32
      %dma_wait3A_105 = tpu.memref_slice %arg7[%add3A_73, %dma_wait3A_104] : memref<16384x1024xf32, #tpu.memory_space<hbm>> -> memref<32x1024xf32, #tpu.memory_space<hbm>>
      tpu.wait_dma2 semaphore(%arg18 : memref<!tpu.dma_semaphore, #tpu.memory_space<semaphore_mem>>) src(%arg12 : memref<32x1024xf32, #tpu.memory_space<vmem>>) dst(%dma_wait3A_105 : memref<32x1024xf32, #tpu.memory_space<hbm>>)
      %dma_wait3A_106 = arith.constant 0 : i32
      %dma_wait3A_107 = tpu.memref_slice %arg7[%add3A_83, %dma_wait3A_106] : memref<16384x1024xf32, #tpu.memory_space<hbm>> -> memref<32x1024xf32, #tpu.memory_space<hbm>>
      %dma_wait3A_108 = arith.constant 0 : i32
      %dma_wait3A_109 = tpu.memref_slice %arg7[%add3A_83, %dma_wait3A_108] : memref<16384x1024xf32, #tpu.memory_space<hbm>> -> memref<32x1024xf32, #tpu.memory_space<hbm>>
      tpu.wait_dma2 semaphore(%arg18 : memref<!tpu.dma_semaphore, #tpu.memory_space<semaphore_mem>>) src(%arg12 : memref<32x1024xf32, #tpu.memory_space<vmem>>) dst(%dma_wait3A_109 : memref<32x1024xf32, #tpu.memory_space<hbm>>)
      %dma_wait3A_110 = arith.constant 0 : i32
      %dma_wait3A_111 = tpu.memref_slice %arg7[%add3A_93, %dma_wait3A_110] : memref<16384x1024xf32, #tpu.memory_space<hbm>> -> memref<32x1024xf32, #tpu.memory_space<hbm>>
      %dma_wait3A_112 = arith.constant 0 : i32
      %dma_wait3A_113 = tpu.memref_slice %arg7[%add3A_93, %dma_wait3A_112] : memref<16384x1024xf32, #tpu.memory_space<hbm>> -> memref<32x1024xf32, #tpu.memory_space<hbm>>
      tpu.wait_dma2 semaphore(%arg18 : memref<!tpu.dma_semaphore, #tpu.memory_space<semaphore_mem>>) src(%arg12 : memref<32x1024xf32, #tpu.memory_space<vmem>>) dst(%dma_wait3A_113 : memref<32x1024xf32, #tpu.memory_space<hbm>>)
      %dma_start3A_114 = arith.constant 3 : i32
      %dma_start3A_115 = arith.constant 0 : i32
      %dma_start3A_116 = tpu.memref_slice %arg8[%dma_start3A_114, %dma_start3A_115] : memref<16x32xi32, #tpu.memory_space<vmem>> -> memref<1x32xi32, #tpu.memory_space<vmem>>
      %dma_start3A_117 = tpu.memref_squeeze %dma_start3A_116 : memref<1x32xi32, #tpu.memory_space<vmem>> -> memref<32xi32, #tpu.memory_space<vmem>>
      %dma_start3A_118 = arith.constant 0 : i32
      %dma_start3A_119 = arith.constant 0 : i32
      %dma_start3A_120 = tpu.memref_slice %arg2[%dma_start3A_118, %dma_start3A_119] : memref<8192x1024xf32, #tpu.memory_space<hbm>> -> memref<8192x1024xf32, #tpu.memory_space<hbm>>
      tpu.enqueue_indirect_dma source(%dma_start3A_120 : memref<8192x1024xf32, #tpu.memory_space<hbm>>) target(%arg12 : memref<32x1024xf32, #tpu.memory_space<vmem>>) offsets(%dma_start3A_117 : memref<32xi32, #tpu.memory_space<vmem>>) semaphore(%arg15 : memref<!tpu.dma_semaphore, #tpu.memory_space<semaphore_mem>>)
      %dma_wait3A_121 = arith.constant 1 : i32
      %dma_wait3A_122 = arith.constant 0 : i32
      %dma_wait3A_123 = tpu.memref_slice %arg8[%dma_wait3A_121, %dma_wait3A_122] : memref<16x32xi32, #tpu.memory_space<vmem>> -> memref<1x32xi32, #tpu.memory_space<vmem>>
      %dma_wait3A_124 = tpu.memref_squeeze %dma_wait3A_123 : memref<1x32xi32, #tpu.memory_space<vmem>> -> memref<32xi32, #tpu.memory_space<vmem>>
      %dma_wait3A_125 = arith.constant 0 : i32
      %dma_wait3A_126 = arith.constant 0 : i32
      %dma_wait3A_127 = tpu.memref_slice %arg2[%dma_wait3A_125, %dma_wait3A_126] : memref<8192x1024xf32, #tpu.memory_space<hbm>> -> memref<8192x1024xf32, #tpu.memory_space<hbm>>
      tpu.wait_indirect_dma semaphore(%arg16 : memref<!tpu.dma_semaphore, #tpu.memory_space<semaphore_mem>>) src(%dma_wait3A_127 : memref<8192x1024xf32, #tpu.memory_space<hbm>>) dst(%arg13 : memref<32x1024xf32, #tpu.memory_space<vmem>>)
      %mul3A_128 = arith.constant 128 : i32
      %mul3A_129 = arith.muli %add3A, %mul3A_128 : i32
      %add3A_130 = arith.constant 0 : i32
      %add3A_131 = arith.addi %add3A_130, %mul3A_129 : i32
      %add3A_132 = arith.constant 32 : i32
      %add3A_133 = arith.addi %add3A_131, %add3A_132 : i32
      %dma_start3A_134 = arith.constant 0 : i32
      %dma_start3A_135 = tpu.memref_slice %arg7[%add3A_133, %dma_start3A_134] : memref<16384x1024xf32, #tpu.memory_space<hbm>> -> memref<32x1024xf32, #tpu.memory_space<hbm>>
      %dma_start3A_136 = arith.constant 0 : i32
      %dma_start3A_137 = tpu.memref_slice %arg7[%add3A_133, %dma_start3A_136] : memref<16384x1024xf32, #tpu.memory_space<hbm>> -> memref<32x1024xf32, #tpu.memory_space<hbm>>
      tpu.enqueue_dma source(%arg13 : memref<32x1024xf32, #tpu.memory_space<vmem>>) target(%dma_start3A_137 : memref<32x1024xf32, #tpu.memory_space<hbm>>) target_semaphore(%arg19 : memref<!tpu.dma_semaphore, #tpu.memory_space<semaphore_mem>>)
      %mul3A_138 = arith.constant 128 : i32
      %mul3A_139 = arith.muli %add3A, %mul3A_138 : i32
      %add3A_140 = arith.constant 4096 : i32
      %add3A_141 = arith.addi %add3A_140, %mul3A_139 : i32
      %add3A_142 = arith.constant 32 : i32
      %add3A_143 = arith.addi %add3A_141, %add3A_142 : i32
      %dma_start3A_144 = arith.constant 0 : i32
      %dma_start3A_145 = tpu.memref_slice %arg7[%add3A_143, %dma_start3A_144] : memref<16384x1024xf32, #tpu.memory_space<hbm>> -> memref<32x1024xf32, #tpu.memory_space<hbm>>
      %dma_start3A_146 = arith.constant 0 : i32
      %dma_start3A_147 = tpu.memref_slice %arg7[%add3A_143, %dma_start3A_146] : memref<16384x1024xf32, #tpu.memory_space<hbm>> -> memref<32x1024xf32, #tpu.memory_space<hbm>>
      tpu.enqueue_dma source(%arg13 : memref<32x1024xf32, #tpu.memory_space<vmem>>) target(%dma_start3A_147 : memref<32x1024xf32, #tpu.memory_space<hbm>>) target_semaphore(%arg19 : memref<!tpu.dma_semaphore, #tpu.memory_space<semaphore_mem>>)
      %mul3A_148 = arith.constant 128 : i32
      %mul3A_149 = arith.muli %add3A, %mul3A_148 : i32
      %add3A_150 = arith.constant 8192 : i32
      %add3A_151 = arith.addi %add3A_150, %mul3A_149 : i32
      %add3A_152 = arith.constant 32 : i32
      %add3A_153 = arith.addi %add3A_151, %add3A_152 : i32
      %dma_start3A_154 = arith.constant 0 : i32
      %dma_start3A_155 = tpu.memref_slice %arg7[%add3A_153, %dma_start3A_154] : memref<16384x1024xf32, #tpu.memory_space<hbm>> -> memref<32x1024xf32, #tpu.memory_space<hbm>>
      %dma_start3A_156 = arith.constant 0 : i32
      %dma_start3A_157 = tpu.memref_slice %arg7[%add3A_153, %dma_start3A_156] : memref<16384x1024xf32, #tpu.memory_space<hbm>> -> memref<32x1024xf32, #tpu.memory_space<hbm>>
      tpu.enqueue_dma source(%arg13 : memref<32x1024xf32, #tpu.memory_space<vmem>>) target(%dma_start3A_157 : memref<32x1024xf32, #tpu.memory_space<hbm>>) target_semaphore(%arg19 : memref<!tpu.dma_semaphore, #tpu.memory_space<semaphore_mem>>)
      %mul3A_158 = arith.constant 128 : i32
      %mul3A_159 = arith.muli %add3A, %mul3A_158 : i32
      %add3A_160 = arith.constant 12288 : i32
      %add3A_161 = arith.addi %add3A_160, %mul3A_159 : i32
      %add3A_162 = arith.constant 32 : i32
      %add3A_163 = arith.addi %add3A_161, %add3A_162 : i32
      %dma_start3A_164 = arith.constant 0 : i32
      %dma_start3A_165 = tpu.memref_slice %arg7[%add3A_163, %dma_start3A_164] : memref<16384x1024xf32, #tpu.memory_space<hbm>> -> memref<32x1024xf32, #tpu.memory_space<hbm>>
      %dma_start3A_166 = arith.constant 0 : i32
      %dma_start3A_167 = tpu.memref_slice %arg7[%add3A_163, %dma_start3A_166] : memref<16384x1024xf32, #tpu.memory_space<hbm>> -> memref<32x1024xf32, #tpu.memory_space<hbm>>
      tpu.enqueue_dma source(%arg13 : memref<32x1024xf32, #tpu.memory_space<vmem>>) target(%dma_start3A_167 : memref<32x1024xf32, #tpu.memory_space<hbm>>) target_semaphore(%arg19 : memref<!tpu.dma_semaphore, #tpu.memory_space<semaphore_mem>>)
      %dma_wait3A_168 = arith.constant 2 : i32
      %dma_wait3A_169 = arith.constant 0 : i32
      %dma_wait3A_170 = tpu.memref_slice %arg8[%dma_wait3A_168, %dma_wait3A_169] : memref<16x32xi32, #tpu.memory_space<vmem>> -> memref<1x32xi32, #tpu.memory_space<vmem>>
      %dma_wait3A_171 = tpu.memref_squeeze %dma_wait3A_170 : memref<1x32xi32, #tpu.memory_space<vmem>> -> memref<32xi32, #tpu.memory_space<vmem>>
      %dma_wait3A_172 = arith.constant 0 : i32
      %dma_wait3A_173 = arith.constant 0 : i32
      %dma_wait3A_174 = tpu.memref_slice %arg2[%dma_wait3A_172, %dma_wait3A_173] : memref<8192x1024xf32, #tpu.memory_space<hbm>> -> memref<8192x1024xf32, #tpu.memory_space<hbm>>
      tpu.wait_indirect_dma semaphore(%arg17 : memref<!tpu.dma_semaphore, #tpu.memory_space<semaphore_mem>>) src(%dma_wait3A_174 : memref<8192x1024xf32, #tpu.memory_space<hbm>>) dst(%arg14 : memref<32x1024xf32, #tpu.memory_space<vmem>>)
      %mul3A_175 = arith.constant 128 : i32
      %mul3A_176 = arith.muli %add3A, %mul3A_175 : i32
      %add3A_177 = arith.constant 0 : i32
      %add3A_178 = arith.addi %add3A_177, %mul3A_176 : i32
      %add3A_179 = arith.constant 64 : i32
      %add3A_180 = arith.addi %add3A_178, %add3A_179 : i32
      %dma_start3A_181 = arith.constant 0 : i32
      %dma_start3A_182 = tpu.memref_slice %arg7[%add3A_180, %dma_start3A_181] : memref<16384x1024xf32, #tpu.memory_space<hbm>> -> memref<32x1024xf32, #tpu.memory_space<hbm>>
      %dma_start3A_183 = arith.constant 0 : i32
      %dma_start3A_184 = tpu.memref_slice %arg7[%add3A_180, %dma_start3A_183] : memref<16384x1024xf32, #tpu.memory_space<hbm>> -> memref<32x1024xf32, #tpu.memory_space<hbm>>
      tpu.enqueue_dma source(%arg14 : memref<32x1024xf32, #tpu.memory_space<vmem>>) target(%dma_start3A_184 : memref<32x1024xf32, #tpu.memory_space<hbm>>) target_semaphore(%arg20 : memref<!tpu.dma_semaphore, #tpu.memory_space<semaphore_mem>>)
      %mul3A_185 = arith.constant 128 : i32
      %mul3A_186 = arith.muli %add3A, %mul3A_185 : i32
      %add3A_187 = arith.constant 4096 : i32
      %add3A_188 = arith.addi %add3A_187, %mul3A_186 : i32
      %add3A_189 = arith.constant 64 : i32
      %add3A_190 = arith.addi %add3A_188, %add3A_189 : i32
      %dma_start3A_191 = arith.constant 0 : i32
      %dma_start3A_192 = tpu.memref_slice %arg7[%add3A_190, %dma_start3A_191] : memref<16384x1024xf32, #tpu.memory_space<hbm>> -> memref<32x1024xf32, #tpu.memory_space<hbm>>
      %dma_start3A_193 = arith.constant 0 : i32
      %dma_start3A_194 = tpu.memref_slice %arg7[%add3A_190, %dma_start3A_193] : memref<16384x1024xf32, #tpu.memory_space<hbm>> -> memref<32x1024xf32, #tpu.memory_space<hbm>>
      tpu.enqueue_dma source(%arg14 : memref<32x1024xf32, #tpu.memory_space<vmem>>) target(%dma_start3A_194 : memref<32x1024xf32, #tpu.memory_space<hbm>>) target_semaphore(%arg20 : memref<!tpu.dma_semaphore, #tpu.memory_space<semaphore_mem>>)
      %mul3A_195 = arith.constant 128 : i32
      %mul3A_196 = arith.muli %add3A, %mul3A_195 : i32
      %add3A_197 = arith.constant 8192 : i32
      %add3A_198 = arith.addi %add3A_197, %mul3A_196 : i32
      %add3A_199 = arith.constant 64 : i32
      %add3A_200 = arith.addi %add3A_198, %add3A_199 : i32
      %dma_start3A_201 = arith.constant 0 : i32
      %dma_start3A_202 = tpu.memref_slice %arg7[%add3A_200, %dma_start3A_201] : memref<16384x1024xf32, #tpu.memory_space<hbm>> -> memref<32x1024xf32, #tpu.memory_space<hbm>>
      %dma_start3A_203 = arith.constant 0 : i32
      %dma_start3A_204 = tpu.memref_slice %arg7[%add3A_200, %dma_start3A_203] : memref<16384x1024xf32, #tpu.memory_space<hbm>> -> memref<32x1024xf32, #tpu.memory_space<hbm>>
      tpu.enqueue_dma source(%arg14 : memref<32x1024xf32, #tpu.memory_space<vmem>>) target(%dma_start3A_204 : memref<32x1024xf32, #tpu.memory_space<hbm>>) target_semaphore(%arg20 : memref<!tpu.dma_semaphore, #tpu.memory_space<semaphore_mem>>)
      %mul3A_205 = arith.constant 128 : i32
      %mul3A_206 = arith.muli %add3A, %mul3A_205 : i32
      %add3A_207 = arith.constant 12288 : i32
      %add3A_208 = arith.addi %add3A_207, %mul3A_206 : i32
      %add3A_209 = arith.constant 64 : i32
      %add3A_210 = arith.addi %add3A_208, %add3A_209 : i32
      %dma_start3A_211 = arith.constant 0 : i32
      %dma_start3A_212 = tpu.memref_slice %arg7[%add3A_210, %dma_start3A_211] : memref<16384x1024xf32, #tpu.memory_space<hbm>> -> memref<32x1024xf32, #tpu.memory_space<hbm>>
      %dma_start3A_213 = arith.constant 0 : i32
      %dma_start3A_214 = tpu.memref_slice %arg7[%add3A_210, %dma_start3A_213] : memref<16384x1024xf32, #tpu.memory_space<hbm>> -> memref<32x1024xf32, #tpu.memory_space<hbm>>
      tpu.enqueue_dma source(%arg14 : memref<32x1024xf32, #tpu.memory_space<vmem>>) target(%dma_start3A_214 : memref<32x1024xf32, #tpu.memory_space<hbm>>) target_semaphore(%arg20 : memref<!tpu.dma_semaphore, #tpu.memory_space<semaphore_mem>>)
      %dma_wait3A_215 = arith.constant 3 : i32
      %dma_wait3A_216 = arith.constant 0 : i32
      %dma_wait3A_217 = tpu.memref_slice %arg8[%dma_wait3A_215, %dma_wait3A_216] : memref<16x32xi32, #tpu.memory_space<vmem>> -> memref<1x32xi32, #tpu.memory_space<vmem>>
      %dma_wait3A_218 = tpu.memref_squeeze %dma_wait3A_217 : memref<1x32xi32, #tpu.memory_space<vmem>> -> memref<32xi32, #tpu.memory_space<vmem>>
      %dma_wait3A_219 = arith.constant 0 : i32
      %dma_wait3A_220 = arith.constant 0 : i32
      %dma_wait3A_221 = tpu.memref_slice %arg2[%dma_wait3A_219, %dma_wait3A_220] : memref<8192x1024xf32, #tpu.memory_space<hbm>> -> memref<8192x1024xf32, #tpu.memory_space<hbm>>
      tpu.wait_indirect_dma semaphore(%arg15 : memref<!tpu.dma_semaphore, #tpu.memory_space<semaphore_mem>>) src(%dma_wait3A_221 : memref<8192x1024xf32, #tpu.memory_space<hbm>>) dst(%arg12 : memref<32x1024xf32, #tpu.memory_space<vmem>>)
      %mul3A_222 = arith.constant 128 : i32
      %mul3A_223 = arith.muli %add3A, %mul3A_222 : i32
      %add3A_224 = arith.constant 0 : i32
      %add3A_225 = arith.addi %add3A_224, %mul3A_223 : i32
      %add3A_226 = arith.constant 96 : i32
      %add3A_227 = arith.addi %add3A_225, %add3A_226 : i32
      %dma_start3A_228 = arith.constant 0 : i32
      %dma_start3A_229 = tpu.memref_slice %arg7[%add3A_227, %dma_start3A_228] : memref<16384x1024xf32, #tpu.memory_space<hbm>> -> memref<32x1024xf32, #tpu.memory_space<hbm>>
      %dma_start3A_230 = arith.constant 0 : i32
      %dma_start3A_231 = tpu.memref_slice %arg7[%add3A_227, %dma_start3A_230] : memref<16384x1024xf32, #tpu.memory_space<hbm>> -> memref<32x1024xf32, #tpu.memory_space<hbm>>
      tpu.enqueue_dma source(%arg12 : memref<32x1024xf32, #tpu.memory_space<vmem>>) target(%dma_start3A_231 : memref<32x1024xf32, #tpu.memory_space<hbm>>) target_semaphore(%arg18 : memref<!tpu.dma_semaphore, #tpu.memory_space<semaphore_mem>>)
      %mul3A_232 = arith.constant 128 : i32
      %mul3A_233 = arith.muli %add3A, %mul3A_232 : i32
      %add3A_234 = arith.constant 4096 : i32
      %add3A_235 = arith.addi %add3A_234, %mul3A_233 : i32
      %add3A_236 = arith.constant 96 : i32
      %add3A_237 = arith.addi %add3A_235, %add3A_236 : i32
      %dma_start3A_238 = arith.constant 0 : i32
      %dma_start3A_239 = tpu.memref_slice %arg7[%add3A_237, %dma_start3A_238] : memref<16384x1024xf32, #tpu.memory_space<hbm>> -> memref<32x1024xf32, #tpu.memory_space<hbm>>
      %dma_start3A_240 = arith.constant 0 : i32
      %dma_start3A_241 = tpu.memref_slice %arg7[%add3A_237, %dma_start3A_240] : memref<16384x1024xf32, #tpu.memory_space<hbm>> -> memref<32x1024xf32, #tpu.memory_space<hbm>>
      tpu.enqueue_dma source(%arg12 : memref<32x1024xf32, #tpu.memory_space<vmem>>) target(%dma_start3A_241 : memref<32x1024xf32, #tpu.memory_space<hbm>>) target_semaphore(%arg18 : memref<!tpu.dma_semaphore, #tpu.memory_space<semaphore_mem>>)
      %mul3A_242 = arith.constant 128 : i32
      %mul3A_243 = arith.muli %add3A, %mul3A_242 : i32
      %add3A_244 = arith.constant 8192 : i32
      %add3A_245 = arith.addi %add3A_244, %mul3A_243 : i32
      %add3A_246 = arith.constant 96 : i32
      %add3A_247 = arith.addi %add3A_245, %add3A_246 : i32
      %dma_start3A_248 = arith.constant 0 : i32
      %dma_start3A_249 = tpu.memref_slice %arg7[%add3A_247, %dma_start3A_248] : memref<16384x1024xf32, #tpu.memory_space<hbm>> -> memref<32x1024xf32, #tpu.memory_space<hbm>>
      %dma_start3A_250 = arith.constant 0 : i32
      %dma_start3A_251 = tpu.memref_slice %arg7[%add3A_247, %dma_start3A_250] : memref<16384x1024xf32, #tpu.memory_space<hbm>> -> memref<32x1024xf32, #tpu.memory_space<hbm>>
      tpu.enqueue_dma source(%arg12 : memref<32x1024xf32, #tpu.memory_space<vmem>>) target(%dma_start3A_251 : memref<32x1024xf32, #tpu.memory_space<hbm>>) target_semaphore(%arg18 : memref<!tpu.dma_semaphore, #tpu.memory_space<semaphore_mem>>)
      %mul3A_252 = arith.constant 128 : i32
      %mul3A_253 = arith.muli %add3A, %mul3A_252 : i32
      %add3A_254 = arith.constant 12288 : i32
      %add3A_255 = arith.addi %add3A_254, %mul3A_253 : i32
      %add3A_256 = arith.constant 96 : i32
      %add3A_257 = arith.addi %add3A_255, %add3A_256 : i32
      %dma_start3A_258 = arith.constant 0 : i32
      %dma_start3A_259 = tpu.memref_slice %arg7[%add3A_257, %dma_start3A_258] : memref<16384x1024xf32, #tpu.memory_space<hbm>> -> memref<32x1024xf32, #tpu.memory_space<hbm>>
      %dma_start3A_260 = arith.constant 0 : i32
      %dma_start3A_261 = tpu.memref_slice %arg7[%add3A_257, %dma_start3A_260] : memref<16384x1024xf32, #tpu.memory_space<hbm>> -> memref<32x1024xf32, #tpu.memory_space<hbm>>
      tpu.enqueue_dma source(%arg12 : memref<32x1024xf32, #tpu.memory_space<vmem>>) target(%dma_start3A_261 : memref<32x1024xf32, #tpu.memory_space<hbm>>) target_semaphore(%arg18 : memref<!tpu.dma_semaphore, #tpu.memory_space<semaphore_mem>>)
      %dma_wait3A_262 = arith.constant 0 : i32
      %dma_wait3A_263 = tpu.memref_slice %arg7[%add3A_133, %dma_wait3A_262] : memref<16384x1024xf32, #tpu.memory_space<hbm>> -> memref<32x1024xf32, #tpu.memory_space<hbm>>
      %dma_wait3A_264 = arith.constant 0 : i32
      %dma_wait3A_265 = tpu.memref_slice %arg7[%add3A_133, %dma_wait3A_264] : memref<16384x1024xf32, #tpu.memory_space<hbm>> -> memref<32x1024xf32, #tpu.memory_space<hbm>>
      tpu.wait_dma2 semaphore(%arg19 : memref<!tpu.dma_semaphore, #tpu.memory_space<semaphore_mem>>) src(%arg13 : memref<32x1024xf32, #tpu.memory_space<vmem>>) dst(%dma_wait3A_265 : memref<32x1024xf32, #tpu.memory_space<hbm>>)
      %dma_wait3A_266 = arith.constant 0 : i32
      %dma_wait3A_267 = tpu.memref_slice %arg7[%add3A_143, %dma_wait3A_266] : memref<16384x1024xf32, #tpu.memory_space<hbm>> -> memref<32x1024xf32, #tpu.memory_space<hbm>>
      %dma_wait3A_268 = arith.constant 0 : i32
      %dma_wait3A_269 = tpu.memref_slice %arg7[%add3A_143, %dma_wait3A_268] : memref<16384x1024xf32, #tpu.memory_space<hbm>> -> memref<32x1024xf32, #tpu.memory_space<hbm>>
      tpu.wait_dma2 semaphore(%arg19 : memref<!tpu.dma_semaphore, #tpu.memory_space<semaphore_mem>>) src(%arg13 : memref<32x1024xf32, #tpu.memory_space<vmem>>) dst(%dma_wait3A_269 : memref<32x1024xf32, #tpu.memory_space<hbm>>)
      %dma_wait3A_270 = arith.constant 0 : i32
      %dma_wait3A_271 = tpu.memref_slice %arg7[%add3A_153, %dma_wait3A_270] : memref<16384x1024xf32, #tpu.memory_space<hbm>> -> memref<32x1024xf32, #tpu.memory_space<hbm>>
      %dma_wait3A_272 = arith.constant 0 : i32
      %dma_wait3A_273 = tpu.memref_slice %arg7[%add3A_153, %dma_wait3A_272] : memref<16384x1024xf32, #tpu.memory_space<hbm>> -> memref<32x1024xf32, #tpu.memory_space<hbm>>
      tpu.wait_dma2 semaphore(%arg19 : memref<!tpu.dma_semaphore, #tpu.memory_space<semaphore_mem>>) src(%arg13 : memref<32x1024xf32, #tpu.memory_space<vmem>>) dst(%dma_wait3A_273 : memref<32x1024xf32, #tpu.memory_space<hbm>>)
      %dma_wait3A_274 = arith.constant 0 : i32
      %dma_wait3A_275 = tpu.memref_slice %arg7[%add3A_163, %dma_wait3A_274] : memref<16384x1024xf32, #tpu.memory_space<hbm>> -> memref<32x1024xf32, #tpu.memory_space<hbm>>
      %dma_wait3A_276 = arith.constant 0 : i32
      %dma_wait3A_277 = tpu.memref_slice %arg7[%add3A_163, %dma_wait3A_276] : memref<16384x1024xf32, #tpu.memory_space<hbm>> -> memref<32x1024xf32, #tpu.memory_space<hbm>>
      tpu.wait_dma2 semaphore(%arg19 : memref<!tpu.dma_semaphore, #tpu.memory_space<semaphore_mem>>) src(%arg13 : memref<32x1024xf32, #tpu.memory_space<vmem>>) dst(%dma_wait3A_277 : memref<32x1024xf32, #tpu.memory_space<hbm>>)
      %dma_wait3A_278 = arith.constant 0 : i32
      %dma_wait3A_279 = tpu.memref_slice %arg7[%add3A_180, %dma_wait3A_278] : memref<16384x1024xf32, #tpu.memory_space<hbm>> -> memref<32x1024xf32, #tpu.memory_space<hbm>>
      %dma_wait3A_280 = arith.constant 0 : i32
      %dma_wait3A_281 = tpu.memref_slice %arg7[%add3A_180, %dma_wait3A_280] : memref<16384x1024xf32, #tpu.memory_space<hbm>> -> memref<32x1024xf32, #tpu.memory_space<hbm>>
      tpu.wait_dma2 semaphore(%arg20 : memref<!tpu.dma_semaphore, #tpu.memory_space<semaphore_mem>>) src(%arg14 : memref<32x1024xf32, #tpu.memory_space<vmem>>) dst(%dma_wait3A_281 : memref<32x1024xf32, #tpu.memory_space<hbm>>)
      %dma_wait3A_282 = arith.constant 0 : i32
      %dma_wait3A_283 = tpu.memref_slice %arg7[%add3A_190, %dma_wait3A_282] : memref<16384x1024xf32, #tpu.memory_space<hbm>> -> memref<32x1024xf32, #tpu.memory_space<hbm>>
      %dma_wait3A_284 = arith.constant 0 : i32
      %dma_wait3A_285 = tpu.memref_slice %arg7[%add3A_190, %dma_wait3A_284] : memref<16384x1024xf32, #tpu.memory_space<hbm>> -> memref<32x1024xf32, #tpu.memory_space<hbm>>
      tpu.wait_dma2 semaphore(%arg20 : memref<!tpu.dma_semaphore, #tpu.memory_space<semaphore_mem>>) src(%arg14 : memref<32x1024xf32, #tpu.memory_space<vmem>>) dst(%dma_wait3A_285 : memref<32x1024xf32, #tpu.memory_space<hbm>>)
      %dma_wait3A_286 = arith.constant 0 : i32
      %dma_wait3A_287 = tpu.memref_slice %arg7[%add3A_200, %dma_wait3A_286] : memref<16384x1024xf32, #tpu.memory_space<hbm>> -> memref<32x1024xf32, #tpu.memory_space<hbm>>
      %dma_wait3A_288 = arith.constant 0 : i32
      %dma_wait3A_289 = tpu.memref_slice %arg7[%add3A_200, %dma_wait3A_288] : memref<16384x1024xf32, #tpu.memory_space<hbm>> -> memref<32x1024xf32, #tpu.memory_space<hbm>>
      tpu.wait_dma2 semaphore(%arg20 : memref<!tpu.dma_semaphore, #tpu.memory_space<semaphore_mem>>) src(%arg14 : memref<32x1024xf32, #tpu.memory_space<vmem>>) dst(%dma_wait3A_289 : memref<32x1024xf32, #tpu.memory_space<hbm>>)
      %dma_wait3A_290 = arith.constant 0 : i32
      %dma_wait3A_291 = tpu.memref_slice %arg7[%add3A_210, %dma_wait3A_290] : memref<16384x1024xf32, #tpu.memory_space<hbm>> -> memref<32x1024xf32, #tpu.memory_space<hbm>>
      %dma_wait3A_292 = arith.constant 0 : i32
      %dma_wait3A_293 = tpu.memref_slice %arg7[%add3A_210, %dma_wait3A_292] : memref<16384x1024xf32, #tpu.memory_space<hbm>> -> memref<32x1024xf32, #tpu.memory_space<hbm>>
      tpu.wait_dma2 semaphore(%arg20 : memref<!tpu.dma_semaphore, #tpu.memory_space<semaphore_mem>>) src(%arg14 : memref<32x1024xf32, #tpu.memory_space<vmem>>) dst(%dma_wait3A_293 : memref<32x1024xf32, #tpu.memory_space<hbm>>)
      %dma_wait3A_294 = arith.constant 0 : i32
      %dma_wait3A_295 = tpu.memref_slice %arg7[%add3A_227, %dma_wait3A_294] : memref<16384x1024xf32, #tpu.memory_space<hbm>> -> memref<32x1024xf32, #tpu.memory_space<hbm>>
      %dma_wait3A_296 = arith.constant 0 : i32
      %dma_wait3A_297 = tpu.memref_slice %arg7[%add3A_227, %dma_wait3A_296] : memref<16384x1024xf32, #tpu.memory_space<hbm>> -> memref<32x1024xf32, #tpu.memory_space<hbm>>
      tpu.wait_dma2 semaphore(%arg18 : memref<!tpu.dma_semaphore, #tpu.memory_space<semaphore_mem>>) src(%arg12 : memref<32x1024xf32, #tpu.memory_space<vmem>>) dst(%dma_wait3A_297 : memref<32x1024xf32, #tpu.memory_space<hbm>>)
      %dma_wait3A_298 = arith.constant 0 : i32
      %dma_wait3A_299 = tpu.memref_slice %arg7[%add3A_237, %dma_wait3A_298] : memref<16384x1024xf32, #tpu.memory_space<hbm>> -> memref<32x1024xf32, #tpu.memory_space<hbm>>
      %dma_wait3A_300 = arith.constant 0 : i32
      %dma_wait3A_301 = tpu.memref_slice %arg7[%add3A_237, %dma_wait3A_300] : memref<16384x1024xf32, #tpu.memory_space<hbm>> -> memref<32x1024xf32, #tpu.memory_space<hbm>>
      tpu.wait_dma2 semaphore(%arg18 : memref<!tpu.dma_semaphore, #tpu.memory_space<semaphore_mem>>) src(%arg12 : memref<32x1024xf32, #tpu.memory_space<vmem>>) dst(%dma_wait3A_301 : memref<32x1024xf32, #tpu.memory_space<hbm>>)
      %dma_wait3A_302 = arith.constant 0 : i32
      %dma_wait3A_303 = tpu.memref_slice %arg7[%add3A_247, %dma_wait3A_302] : memref<16384x1024xf32, #tpu.memory_space<hbm>> -> memref<32x1024xf32, #tpu.memory_space<hbm>>
      %dma_wait3A_304 = arith.constant 0 : i32
      %dma_wait3A_305 = tpu.memref_slice %arg7[%add3A_247, %dma_wait3A_304] : memref<16384x1024xf32, #tpu.memory_space<hbm>> -> memref<32x1024xf32, #tpu.memory_space<hbm>>
      tpu.wait_dma2 semaphore(%arg18 : memref<!tpu.dma_semaphore, #tpu.memory_space<semaphore_mem>>) src(%arg12 : memref<32x1024xf32, #tpu.memory_space<vmem>>) dst(%dma_wait3A_305 : memref<32x1024xf32, #tpu.memory_space<hbm>>)
      %dma_wait3A_306 = arith.constant 0 : i32
      %dma_wait3A_307 = tpu.memref_slice %arg7[%add3A_257, %dma_wait3A_306] : memref<16384x1024xf32, #tpu.memory_space<hbm>> -> memref<32x1024xf32, #tpu.memory_space<hbm>>
      %dma_wait3A_308 = arith.constant 0 : i32
      %dma_wait3A_309 = tpu.memref_slice %arg7[%add3A_257, %dma_wait3A_308] : memref<16384x1024xf32, #tpu.memory_space<hbm>> -> memref<32x1024xf32, #tpu.memory_space<hbm>>
      tpu.wait_dma2 semaphore(%arg18 : memref<!tpu.dma_semaphore, #tpu.memory_space<semaphore_mem>>) src(%arg12 : memref<32x1024xf32, #tpu.memory_space<vmem>>) dst(%dma_wait3A_309 : memref<32x1024xf32, #tpu.memory_space<hbm>>)
    }
    %sub3A = arith.constant 1 : i32
    %sub3A_20 = arith.subi %sub3A, %select_n3A : i32
    %while3A_21 = arith.constant 0 : i32
    %while3A_22 = arith.constant 0 : i32
    %while3A_23 = arith.subi %sub3A_20, %while3A_22 : i32
    %while3A_24 = arith.addi %while3A_22, %while3A_23 : i32
    %while3A_25 = arith.constant 1 : i32
    %while3A_26 = arith.divsi %while3A_23, %while3A_25 : i32
    %while3A_27 = arith.muli %while3A_26, %while3A_25 : i32
    %while3A_28 = arith.addi %while3A_22, %while3A_27 : i32
    %while3A_29 = arith.constant 1 : i32
    scf.for %while3A_31 = %while3A_22 to %while3A_28 step %while3A_29  : i32 {
      %dma_start3A = arith.constant 0 : i32
      %dma_start3A_32 = arith.constant 0 : i32
      %dma_start3A_33 = tpu.memref_slice %arg8[%dma_start3A, %dma_start3A_32] : memref<16x32xi32, #tpu.memory_space<vmem>> -> memref<1x32xi32, #tpu.memory_space<vmem>>
      %dma_start3A_34 = tpu.memref_squeeze %dma_start3A_33 : memref<1x32xi32, #tpu.memory_space<vmem>> -> memref<32xi32, #tpu.memory_space<vmem>>
      %dma_start3A_35 = arith.constant 0 : i32
      %dma_start3A_36 = arith.constant 0 : i32
      %dma_start3A_37 = tpu.memref_slice %arg2[%dma_start3A_35, %dma_start3A_36] : memref<8192x1024xf32, #tpu.memory_space<hbm>> -> memref<8192x1024xf32, #tpu.memory_space<hbm>>
      tpu.enqueue_indirect_dma source(%dma_start3A_37 : memref<8192x1024xf32, #tpu.memory_space<hbm>>) target(%arg12 : memref<32x1024xf32, #tpu.memory_space<vmem>>) offsets(%dma_start3A_34 : memref<32xi32, #tpu.memory_space<vmem>>) semaphore(%arg15 : memref<!tpu.dma_semaphore, #tpu.memory_space<semaphore_mem>>)
      %dma_start3A_38 = arith.constant 1 : i32
      %dma_start3A_39 = arith.constant 0 : i32
      %dma_start3A_40 = tpu.memref_slice %arg8[%dma_start3A_38, %dma_start3A_39] : memref<16x32xi32, #tpu.memory_space<vmem>> -> memref<1x32xi32, #tpu.memory_space<vmem>>
      %dma_start3A_41 = tpu.memref_squeeze %dma_start3A_40 : memref<1x32xi32, #tpu.memory_space<vmem>> -> memref<32xi32, #tpu.memory_space<vmem>>
      %dma_start3A_42 = arith.constant 0 : i32
      %dma_start3A_43 = arith.constant 0 : i32
      %dma_start3A_44 = tpu.memref_slice %arg2[%dma_start3A_42, %dma_start3A_43] : memref<8192x1024xf32, #tpu.memory_space<hbm>> -> memref<8192x1024xf32, #tpu.memory_space<hbm>>
      tpu.enqueue_indirect_dma source(%dma_start3A_44 : memref<8192x1024xf32, #tpu.memory_space<hbm>>) target(%arg13 : memref<32x1024xf32, #tpu.memory_space<vmem>>) offsets(%dma_start3A_41 : memref<32xi32, #tpu.memory_space<vmem>>) semaphore(%arg16 : memref<!tpu.dma_semaphore, #tpu.memory_space<semaphore_mem>>)
      %dma_start3A_45 = arith.constant 2 : i32
      %dma_start3A_46 = arith.constant 0 : i32
      %dma_start3A_47 = tpu.memref_slice %arg8[%dma_start3A_45, %dma_start3A_46] : memref<16x32xi32, #tpu.memory_space<vmem>> -> memref<1x32xi32, #tpu.memory_space<vmem>>
      %dma_start3A_48 = tpu.memref_squeeze %dma_start3A_47 : memref<1x32xi32, #tpu.memory_space<vmem>> -> memref<32xi32, #tpu.memory_space<vmem>>
      %dma_start3A_49 = arith.constant 0 : i32
      %dma_start3A_50 = arith.constant 0 : i32
      %dma_start3A_51 = tpu.memref_slice %arg2[%dma_start3A_49, %dma_start3A_50] : memref<8192x1024xf32, #tpu.memory_space<hbm>> -> memref<8192x1024xf32, #tpu.memory_space<hbm>>
      tpu.enqueue_indirect_dma source(%dma_start3A_51 : memref<8192x1024xf32, #tpu.memory_space<hbm>>) target(%arg14 : memref<32x1024xf32, #tpu.memory_space<vmem>>) offsets(%dma_start3A_48 : memref<32xi32, #tpu.memory_space<vmem>>) semaphore(%arg17 : memref<!tpu.dma_semaphore, #tpu.memory_space<semaphore_mem>>)
      %dma_wait3A = arith.constant 0 : i32
      %dma_wait3A_52 = arith.constant 0 : i32
      %dma_wait3A_53 = tpu.memref_slice %arg8[%dma_wait3A, %dma_wait3A_52] : memref<16x32xi32, #tpu.memory_space<vmem>> -> memref<1x32xi32, #tpu.memory_space<vmem>>
      %dma_wait3A_54 = tpu.memref_squeeze %dma_wait3A_53 : memref<1x32xi32, #tpu.memory_space<vmem>> -> memref<32xi32, #tpu.memory_space<vmem>>
      %dma_wait3A_55 = arith.constant 0 : i32
      %dma_wait3A_56 = arith.constant 0 : i32
      %dma_wait3A_57 = tpu.memref_slice %arg2[%dma_wait3A_55, %dma_wait3A_56] : memref<8192x1024xf32, #tpu.memory_space<hbm>> -> memref<8192x1024xf32, #tpu.memory_space<hbm>>
      tpu.wait_indirect_dma semaphore(%arg15 : memref<!tpu.dma_semaphore, #tpu.memory_space<semaphore_mem>>) src(%dma_wait3A_57 : memref<8192x1024xf32, #tpu.memory_space<hbm>>) dst(%arg12 : memref<32x1024xf32, #tpu.memory_space<vmem>>)
      %slice3A_58 = vector.extract_strided_slice %get3A_4 {offsets = [0], sizes = [1], strides = [1]} : vector<16xi32> to vector<1xi32>
      %squeeze3A_59 = vector.extract %slice3A_58[0] : i32 from vector<1xi32>
      %gt3A_60 = arith.constant 0 : i32
      %gt3A_61 = arith.cmpi sgt, %squeeze3A_59, %gt3A_60 : i32
      %jit3A_62 = arith.constant 32 : i32
      %jit3A_63 = arith.constant 0 : i32
      %select_n3A_64 = arith.select %gt3A_61, %jit3A_62, %jit3A_63 : i32
      %while3A_65 = arith.constant 0 : i32
      %while3A_66 = arith.constant 0 : i32
      %while3A_67 = arith.subi %select_n3A_64, %while3A_66 : i32
      %while3A_68 = arith.addi %while3A_66, %while3A_67 : i32
      %while3A_69 = arith.constant 1 : i32
      %while3A_70 = arith.divsi %while3A_67, %while3A_69 : i32
      %while3A_71 = arith.muli %while3A_70, %while3A_69 : i32
      %while3A_72 = arith.addi %while3A_66, %while3A_71 : i32
      %while3A_73 = arith.constant 1 : i32
      scf.for %while3A_750 = %while3A_66 to %while3A_72 step %while3A_73  : i32 {
        %broadcast_in_dim3A_751 = arith.constant 0 : i32
        %broadcast_in_dim3A_752 = vector.broadcast %broadcast_in_dim3A_751 : i32 to vector<16xi32>
        %broadcast_in_dim3A_753 = vector.broadcast %while3A_750 : i32 to vector<16xi32>
        %gather3A = tpu.vector_load_idx %arg9[%broadcast_in_dim3A_752, %broadcast_in_dim3A_753] : memref<16x32xf32, #tpu.memory_space<vmem>>[vector<16xi32>, vector<16xi32>], vector<16xf32>,
        %scan3A = arith.constant 0 : i32
        %scan3A_754 = arith.constant 0 : i32
        %scan3A_755 = arith.constant 64 : i32
        %scan3A_756 = arith.addi %scan3A_754, %scan3A_755 : i32
        %scan3A_757 = arith.constant 1 : i32
        scf.for %scan3A_759 = %scan3A_754 to %scan3A_756 step %scan3A_757  : i32 {
          %mul3A_760 = arith.constant 16 : i32
          %mul3A_761 = arith.muli %scan3A_759, %mul3A_760 : i32
          %get3A_762 = arith.index_cast %while3A_750 : i32 to index
          %get3A_763 = arith.index_cast %mul3A_761 : i32 to index
          %get3A_764 = tpu.vector_load %arg12[%get3A_762, %get3A_763] {strides = array<i32>} : memref<32x1024xf32, #tpu.memory_space<vmem>>, vector<16xf32>,
          %mul3A_765 = arith.mulf %get3A_764, %gather3A : vector<16xf32>
          %swap3A = arith.index_cast %while3A_750 : i32 to index
          %swap3A_766 = arith.index_cast %mul3A_761 : i32 to index
          %swap3A_767 = tpu.vector_load %arg12[%swap3A, %swap3A_766] {strides = array<i32>} : memref<32x1024xf32, #tpu.memory_space<vmem>>, vector<16xf32>,
          tpu.vector_store %arg12[%swap3A, %swap3A_766], %mul3A_765 {strides = array<i32>} : memref<32x1024xf32, #tpu.memory_space<vmem>>, vector<16xf32>,
        }
        %scan3A_758 = arith.constant 64 : i32
      }
      %while3A_74 = arith.constant 1 : i32
      scf.for %while3A_750 = %while3A_72 to %while3A_68 step %while3A_74  : i32 {
        %broadcast_in_dim3A_751 = arith.constant 0 : i32
        %broadcast_in_dim3A_752 = vector.broadcast %broadcast_in_dim3A_751 : i32 to vector<16xi32>
        %broadcast_in_dim3A_753 = vector.broadcast %while3A_750 : i32 to vector<16xi32>
        %gather3A = tpu.vector_load_idx %arg9[%broadcast_in_dim3A_752, %broadcast_in_dim3A_753] : memref<16x32xf32, #tpu.memory_space<vmem>>[vector<16xi32>, vector<16xi32>], vector<16xf32>,
        %scan3A = arith.constant 0 : i32
        %scan3A_754 = arith.constant 0 : i32
        %scan3A_755 = arith.constant 64 : i32
        %scan3A_756 = arith.addi %scan3A_754, %scan3A_755 : i32
        %scan3A_757 = arith.constant 1 : i32
        scf.for %scan3A_759 = %scan3A_754 to %scan3A_756 step %scan3A_757  : i32 {
          %mul3A_760 = arith.constant 16 : i32
          %mul3A_761 = arith.muli %scan3A_759, %mul3A_760 : i32
          %get3A_762 = arith.index_cast %while3A_750 : i32 to index
          %get3A_763 = arith.index_cast %mul3A_761 : i32 to index
          %get3A_764 = tpu.vector_load %arg12[%get3A_762, %get3A_763] {strides = array<i32>} : memref<32x1024xf32, #tpu.memory_space<vmem>>, vector<16xf32>,
          %mul3A_765 = arith.mulf %get3A_764, %gather3A : vector<16xf32>
          %swap3A = arith.index_cast %while3A_750 : i32 to index
          %swap3A_766 = arith.index_cast %mul3A_761 : i32 to index
          %swap3A_767 = tpu.vector_load %arg12[%swap3A, %swap3A_766] {strides = array<i32>} : memref<32x1024xf32, #tpu.memory_space<vmem>>, vector<16xf32>,
          tpu.vector_store %arg12[%swap3A, %swap3A_766], %mul3A_765 {strides = array<i32>} : memref<32x1024xf32, #tpu.memory_space<vmem>>, vector<16xf32>,
        }
        %scan3A_758 = arith.constant 64 : i32
      }
      %mul3A_75 = arith.constant 128 : i32
      %mul3A_76 = arith.muli %add3A, %mul3A_75 : i32
      %add3A_77 = arith.constant 0 : i32
      %add3A_78 = arith.addi %add3A_77, %mul3A_76 : i32
      %add3A_79 = arith.constant 0 : i32
      %add3A_80 = arith.addi %add3A_78, %add3A_79 : i32
      %dma_start3A_81 = arith.constant 0 : i32
      %dma_start3A_82 = tpu.memref_slice %arg7[%add3A_80, %dma_start3A_81] : memref<16384x1024xf32, #tpu.memory_space<hbm>> -> memref<32x1024xf32, #tpu.memory_space<hbm>>
      %dma_start3A_83 = arith.constant 0 : i32
      %dma_start3A_84 = tpu.memref_slice %arg7[%add3A_80, %dma_start3A_83] : memref<16384x1024xf32, #tpu.memory_space<hbm>> -> memref<32x1024xf32, #tpu.memory_space<hbm>>
      tpu.enqueue_dma source(%arg12 : memref<32x1024xf32, #tpu.memory_space<vmem>>) target(%dma_start3A_84 : memref<32x1024xf32, #tpu.memory_space<hbm>>) target_semaphore(%arg18 : memref<!tpu.dma_semaphore, #tpu.memory_space<semaphore_mem>>)
      %dma_wait3A_85 = arith.constant 0 : i32
      %dma_wait3A_86 = tpu.memref_slice %arg7[%add3A_80, %dma_wait3A_85] : memref<16384x1024xf32, #tpu.memory_space<hbm>> -> memref<32x1024xf32, #tpu.memory_space<hbm>>
      %dma_wait3A_87 = arith.constant 0 : i32
      %dma_wait3A_88 = tpu.memref_slice %arg7[%add3A_80, %dma_wait3A_87] : memref<16384x1024xf32, #tpu.memory_space<hbm>> -> memref<32x1024xf32, #tpu.memory_space<hbm>>
      tpu.wait_dma2 semaphore(%arg18 : memref<!tpu.dma_semaphore, #tpu.memory_space<semaphore_mem>>) src(%arg12 : memref<32x1024xf32, #tpu.memory_space<vmem>>) dst(%dma_wait3A_88 : memref<32x1024xf32, #tpu.memory_space<hbm>>)
      %dma_start3A_89 = arith.constant 3 : i32
      %dma_start3A_90 = arith.constant 0 : i32
      %dma_start3A_91 = tpu.memref_slice %arg8[%dma_start3A_89, %dma_start3A_90] : memref<16x32xi32, #tpu.memory_space<vmem>> -> memref<1x32xi32, #tpu.memory_space<vmem>>
      %dma_start3A_92 = tpu.memref_squeeze %dma_start3A_91 : memref<1x32xi32, #tpu.memory_space<vmem>> -> memref<32xi32, #tpu.memory_space<vmem>>
      %dma_start3A_93 = arith.constant 0 : i32
      %dma_start3A_94 = arith.constant 0 : i32
      %dma_start3A_95 = tpu.memref_slice %arg2[%dma_start3A_93, %dma_start3A_94] : memref<8192x1024xf32, #tpu.memory_space<hbm>> -> memref<8192x1024xf32, #tpu.memory_space<hbm>>
      tpu.enqueue_indirect_dma source(%dma_start3A_95 : memref<8192x1024xf32, #tpu.memory_space<hbm>>) target(%arg12 : memref<32x1024xf32, #tpu.memory_space<vmem>>) offsets(%dma_start3A_92 : memref<32xi32, #tpu.memory_space<vmem>>) semaphore(%arg15 : memref<!tpu.dma_semaphore, #tpu.memory_space<semaphore_mem>>)
      %dma_wait3A_96 = arith.constant 1 : i32
      %dma_wait3A_97 = arith.constant 0 : i32
      %dma_wait3A_98 = tpu.memref_slice %arg8[%dma_wait3A_96, %dma_wait3A_97] : memref<16x32xi32, #tpu.memory_space<vmem>> -> memref<1x32xi32, #tpu.memory_space<vmem>>
      %dma_wait3A_99 = tpu.memref_squeeze %dma_wait3A_98 : memref<1x32xi32, #tpu.memory_space<vmem>> -> memref<32xi32, #tpu.memory_space<vmem>>
      %dma_wait3A_100 = arith.constant 0 : i32
      %dma_wait3A_101 = arith.constant 0 : i32
      %dma_wait3A_102 = tpu.memref_slice %arg2[%dma_wait3A_100, %dma_wait3A_101] : memref<8192x1024xf32, #tpu.memory_space<hbm>> -> memref<8192x1024xf32, #tpu.memory_space<hbm>>
      tpu.wait_indirect_dma semaphore(%arg16 : memref<!tpu.dma_semaphore, #tpu.memory_space<semaphore_mem>>) src(%dma_wait3A_102 : memref<8192x1024xf32, #tpu.memory_space<hbm>>) dst(%arg13 : memref<32x1024xf32, #tpu.memory_space<vmem>>)
      %slice3A_103 = vector.extract_strided_slice %get3A_4 {offsets = [1], sizes = [1], strides = [1]} : vector<16xi32> to vector<1xi32>
      %squeeze3A_104 = vector.extract %slice3A_103[0] : i32 from vector<1xi32>
      %gt3A_105 = arith.constant 0 : i32
      %gt3A_106 = arith.cmpi sgt, %squeeze3A_104, %gt3A_105 : i32
      %jit3A_107 = arith.constant 32 : i32
      %jit3A_108 = arith.constant 0 : i32
      %select_n3A_109 = arith.select %gt3A_106, %jit3A_107, %jit3A_108 : i32
      %while3A_110 = arith.constant 0 : i32
      %while3A_111 = arith.constant 0 : i32
      %while3A_112 = arith.subi %select_n3A_109, %while3A_111 : i32
      %while3A_113 = arith.addi %while3A_111, %while3A_112 : i32
      %while3A_114 = arith.constant 1 : i32
      %while3A_115 = arith.divsi %while3A_112, %while3A_114 : i32
      %while3A_116 = arith.muli %while3A_115, %while3A_114 : i32
      %while3A_117 = arith.addi %while3A_111, %while3A_116 : i32
      %while3A_118 = arith.constant 1 : i32
      scf.for %while3A_750 = %while3A_111 to %while3A_117 step %while3A_118  : i32 {
        %broadcast_in_dim3A_751 = arith.constant 1 : i32
        %broadcast_in_dim3A_752 = vector.broadcast %broadcast_in_dim3A_751 : i32 to vector<16xi32>
        %broadcast_in_dim3A_753 = vector.broadcast %while3A_750 : i32 to vector<16xi32>
        %gather3A = tpu.vector_load_idx %arg9[%broadcast_in_dim3A_752, %broadcast_in_dim3A_753] : memref<16x32xf32, #tpu.memory_space<vmem>>[vector<16xi32>, vector<16xi32>], vector<16xf32>,
        %scan3A = arith.constant 0 : i32
        %scan3A_754 = arith.constant 0 : i32
        %scan3A_755 = arith.constant 64 : i32
        %scan3A_756 = arith.addi %scan3A_754, %scan3A_755 : i32
        %scan3A_757 = arith.constant 1 : i32
        scf.for %scan3A_759 = %scan3A_754 to %scan3A_756 step %scan3A_757  : i32 {
          %mul3A_760 = arith.constant 16 : i32
          %mul3A_761 = arith.muli %scan3A_759, %mul3A_760 : i32
          %get3A_762 = arith.index_cast %while3A_750 : i32 to index
          %get3A_763 = arith.index_cast %mul3A_761 : i32 to index
          %get3A_764 = tpu.vector_load %arg13[%get3A_762, %get3A_763] {strides = array<i32>} : memref<32x1024xf32, #tpu.memory_space<vmem>>, vector<16xf32>,
          %mul3A_765 = arith.mulf %get3A_764, %gather3A : vector<16xf32>
          %swap3A = arith.index_cast %while3A_750 : i32 to index
          %swap3A_766 = arith.index_cast %mul3A_761 : i32 to index
          %swap3A_767 = tpu.vector_load %arg13[%swap3A, %swap3A_766] {strides = array<i32>} : memref<32x1024xf32, #tpu.memory_space<vmem>>, vector<16xf32>,
          tpu.vector_store %arg13[%swap3A, %swap3A_766], %mul3A_765 {strides = array<i32>} : memref<32x1024xf32, #tpu.memory_space<vmem>>, vector<16xf32>,
        }
        %scan3A_758 = arith.constant 64 : i32
      }
      %while3A_119 = arith.constant 1 : i32
      scf.for %while3A_750 = %while3A_117 to %while3A_113 step %while3A_119  : i32 {
        %broadcast_in_dim3A_751 = arith.constant 1 : i32
        %broadcast_in_dim3A_752 = vector.broadcast %broadcast_in_dim3A_751 : i32 to vector<16xi32>
        %broadcast_in_dim3A_753 = vector.broadcast %while3A_750 : i32 to vector<16xi32>
        %gather3A = tpu.vector_load_idx %arg9[%broadcast_in_dim3A_752, %broadcast_in_dim3A_753] : memref<16x32xf32, #tpu.memory_space<vmem>>[vector<16xi32>, vector<16xi32>], vector<16xf32>,
        %scan3A = arith.constant 0 : i32
        %scan3A_754 = arith.constant 0 : i32
        %scan3A_755 = arith.constant 64 : i32
        %scan3A_756 = arith.addi %scan3A_754, %scan3A_755 : i32
        %scan3A_757 = arith.constant 1 : i32
        scf.for %scan3A_759 = %scan3A_754 to %scan3A_756 step %scan3A_757  : i32 {
          %mul3A_760 = arith.constant 16 : i32
          %mul3A_761 = arith.muli %scan3A_759, %mul3A_760 : i32
          %get3A_762 = arith.index_cast %while3A_750 : i32 to index
          %get3A_763 = arith.index_cast %mul3A_761 : i32 to index
          %get3A_764 = tpu.vector_load %arg13[%get3A_762, %get3A_763] {strides = array<i32>} : memref<32x1024xf32, #tpu.memory_space<vmem>>, vector<16xf32>,
          %mul3A_765 = arith.mulf %get3A_764, %gather3A : vector<16xf32>
          %swap3A = arith.index_cast %while3A_750 : i32 to index
          %swap3A_766 = arith.index_cast %mul3A_761 : i32 to index
          %swap3A_767 = tpu.vector_load %arg13[%swap3A, %swap3A_766] {strides = array<i32>} : memref<32x1024xf32, #tpu.memory_space<vmem>>, vector<16xf32>,
          tpu.vector_store %arg13[%swap3A, %swap3A_766], %mul3A_765 {strides = array<i32>} : memref<32x1024xf32, #tpu.memory_space<vmem>>, vector<16xf32>,
        }
        %scan3A_758 = arith.constant 64 : i32
      }
      %mul3A_120 = arith.constant 128 : i32
      %mul3A_121 = arith.muli %add3A, %mul3A_120 : i32
      %add3A_122 = arith.constant 0 : i32
      %add3A_123 = arith.addi %add3A_122, %mul3A_121 : i32
      %add3A_124 = arith.constant 32 : i32
      %add3A_125 = arith.addi %add3A_123, %add3A_124 : i32
      %dma_start3A_126 = arith.constant 0 : i32
      %dma_start3A_127 = tpu.memref_slice %arg7[%add3A_125, %dma_start3A_126] : memref<16384x1024xf32, #tpu.memory_space<hbm>> -> memref<32x1024xf32, #tpu.memory_space<hbm>>
      %dma_start3A_128 = arith.constant 0 : i32
      %dma_start3A_129 = tpu.memref_slice %arg7[%add3A_125, %dma_start3A_128] : memref<16384x1024xf32, #tpu.memory_space<hbm>> -> memref<32x1024xf32, #tpu.memory_space<hbm>>
      tpu.enqueue_dma source(%arg13 : memref<32x1024xf32, #tpu.memory_space<vmem>>) target(%dma_start3A_129 : memref<32x1024xf32, #tpu.memory_space<hbm>>) target_semaphore(%arg19 : memref<!tpu.dma_semaphore, #tpu.memory_space<semaphore_mem>>)
      %dma_wait3A_130 = arith.constant 0 : i32
      %dma_wait3A_131 = tpu.memref_slice %arg7[%add3A_125, %dma_wait3A_130] : memref<16384x1024xf32, #tpu.memory_space<hbm>> -> memref<32x1024xf32, #tpu.memory_space<hbm>>
      %dma_wait3A_132 = arith.constant 0 : i32
      %dma_wait3A_133 = tpu.memref_slice %arg7[%add3A_125, %dma_wait3A_132] : memref<16384x1024xf32, #tpu.memory_space<hbm>> -> memref<32x1024xf32, #tpu.memory_space<hbm>>
      tpu.wait_dma2 semaphore(%arg19 : memref<!tpu.dma_semaphore, #tpu.memory_space<semaphore_mem>>) src(%arg13 : memref<32x1024xf32, #tpu.memory_space<vmem>>) dst(%dma_wait3A_133 : memref<32x1024xf32, #tpu.memory_space<hbm>>)
      %dma_start3A_134 = arith.constant 4 : i32
      %dma_start3A_135 = arith.constant 0 : i32
      %dma_start3A_136 = tpu.memref_slice %arg8[%dma_start3A_134, %dma_start3A_135] : memref<16x32xi32, #tpu.memory_space<vmem>> -> memref<1x32xi32, #tpu.memory_space<vmem>>
      %dma_start3A_137 = tpu.memref_squeeze %dma_start3A_136 : memref<1x32xi32, #tpu.memory_space<vmem>> -> memref<32xi32, #tpu.memory_space<vmem>>
      %dma_start3A_138 = arith.constant 0 : i32
      %dma_start3A_139 = arith.constant 0 : i32
      %dma_start3A_140 = tpu.memref_slice %arg2[%dma_start3A_138, %dma_start3A_139] : memref<8192x1024xf32, #tpu.memory_space<hbm>> -> memref<8192x1024xf32, #tpu.memory_space<hbm>>
      tpu.enqueue_indirect_dma source(%dma_start3A_140 : memref<8192x1024xf32, #tpu.memory_space<hbm>>) target(%arg13 : memref<32x1024xf32, #tpu.memory_space<vmem>>) offsets(%dma_start3A_137 : memref<32xi32, #tpu.memory_space<vmem>>) semaphore(%arg16 : memref<!tpu.dma_semaphore, #tpu.memory_space<semaphore_mem>>)
      %dma_wait3A_141 = arith.constant 2 : i32
      %dma_wait3A_142 = arith.constant 0 : i32
      %dma_wait3A_143 = tpu.memref_slice %arg8[%dma_wait3A_141, %dma_wait3A_142] : memref<16x32xi32, #tpu.memory_space<vmem>> -> memref<1x32xi32, #tpu.memory_space<vmem>>
      %dma_wait3A_144 = tpu.memref_squeeze %dma_wait3A_143 : memref<1x32xi32, #tpu.memory_space<vmem>> -> memref<32xi32, #tpu.memory_space<vmem>>
      %dma_wait3A_145 = arith.constant 0 : i32
      %dma_wait3A_146 = arith.constant 0 : i32
      %dma_wait3A_147 = tpu.memref_slice %arg2[%dma_wait3A_145, %dma_wait3A_146] : memref<8192x1024xf32, #tpu.memory_space<hbm>> -> memref<8192x1024xf32, #tpu.memory_space<hbm>>
      tpu.wait_indirect_dma semaphore(%arg17 : memref<!tpu.dma_semaphore, #tpu.memory_space<semaphore_mem>>) src(%dma_wait3A_147 : memref<8192x1024xf32, #tpu.memory_space<hbm>>) dst(%arg14 : memref<32x1024xf32, #tpu.memory_space<vmem>>)
      %slice3A_148 = vector.extract_strided_slice %get3A_4 {offsets = [2], sizes = [1], strides = [1]} : vector<16xi32> to vector<1xi32>
      %squeeze3A_149 = vector.extract %slice3A_148[0] : i32 from vector<1xi32>
      %gt3A_150 = arith.constant 0 : i32
      %gt3A_151 = arith.cmpi sgt, %squeeze3A_149, %gt3A_150 : i32
      %jit3A_152 = arith.constant 32 : i32
      %jit3A_153 = arith.constant 0 : i32
      %select_n3A_154 = arith.select %gt3A_151, %jit3A_152, %jit3A_153 : i32
      %while3A_155 = arith.constant 0 : i32
      %while3A_156 = arith.constant 0 : i32
      %while3A_157 = arith.subi %select_n3A_154, %while3A_156 : i32
      %while3A_158 = arith.addi %while3A_156, %while3A_157 : i32
      %while3A_159 = arith.constant 1 : i32
      %while3A_160 = arith.divsi %while3A_157, %while3A_159 : i32
      %while3A_161 = arith.muli %while3A_160, %while3A_159 : i32
      %while3A_162 = arith.addi %while3A_156, %while3A_161 : i32
      %while3A_163 = arith.constant 1 : i32
      scf.for %while3A_750 = %while3A_156 to %while3A_162 step %while3A_163  : i32 {
        %broadcast_in_dim3A_751 = arith.constant 2 : i32
        %broadcast_in_dim3A_752 = vector.broadcast %broadcast_in_dim3A_751 : i32 to vector<16xi32>
        %broadcast_in_dim3A_753 = vector.broadcast %while3A_750 : i32 to vector<16xi32>
        %gather3A = tpu.vector_load_idx %arg9[%broadcast_in_dim3A_752, %broadcast_in_dim3A_753] : memref<16x32xf32, #tpu.memory_space<vmem>>[vector<16xi32>, vector<16xi32>], vector<16xf32>,
        %scan3A = arith.constant 0 : i32
        %scan3A_754 = arith.constant 0 : i32
        %scan3A_755 = arith.constant 64 : i32
        %scan3A_756 = arith.addi %scan3A_754, %scan3A_755 : i32
        %scan3A_757 = arith.constant 1 : i32
        scf.for %scan3A_759 = %scan3A_754 to %scan3A_756 step %scan3A_757  : i32 {
          %mul3A_760 = arith.constant 16 : i32
          %mul3A_761 = arith.muli %scan3A_759, %mul3A_760 : i32
          %get3A_762 = arith.index_cast %while3A_750 : i32 to index
          %get3A_763 = arith.index_cast %mul3A_761 : i32 to index
          %get3A_764 = tpu.vector_load %arg14[%get3A_762, %get3A_763] {strides = array<i32>} : memref<32x1024xf32, #tpu.memory_space<vmem>>, vector<16xf32>,
          %mul3A_765 = arith.mulf %get3A_764, %gather3A : vector<16xf32>
          %swap3A = arith.index_cast %while3A_750 : i32 to index
          %swap3A_766 = arith.index_cast %mul3A_761 : i32 to index
          %swap3A_767 = tpu.vector_load %arg14[%swap3A, %swap3A_766] {strides = array<i32>} : memref<32x1024xf32, #tpu.memory_space<vmem>>, vector<16xf32>,
          tpu.vector_store %arg14[%swap3A, %swap3A_766], %mul3A_765 {strides = array<i32>} : memref<32x1024xf32, #tpu.memory_space<vmem>>, vector<16xf32>,
        }
        %scan3A_758 = arith.constant 64 : i32
      }
      %while3A_164 = arith.constant 1 : i32
      scf.for %while3A_750 = %while3A_162 to %while3A_158 step %while3A_164  : i32 {
        %broadcast_in_dim3A_751 = arith.constant 2 : i32
        %broadcast_in_dim3A_752 = vector.broadcast %broadcast_in_dim3A_751 : i32 to vector<16xi32>
        %broadcast_in_dim3A_753 = vector.broadcast %while3A_750 : i32 to vector<16xi32>
        %gather3A = tpu.vector_load_idx %arg9[%broadcast_in_dim3A_752, %broadcast_in_dim3A_753] : memref<16x32xf32, #tpu.memory_space<vmem>>[vector<16xi32>, vector<16xi32>], vector<16xf32>,
        %scan3A = arith.constant 0 : i32
        %scan3A_754 = arith.constant 0 : i32
        %scan3A_755 = arith.constant 64 : i32
        %scan3A_756 = arith.addi %scan3A_754, %scan3A_755 : i32
        %scan3A_757 = arith.constant 1 : i32
        scf.for %scan3A_759 = %scan3A_754 to %scan3A_756 step %scan3A_757  : i32 {
          %mul3A_760 = arith.constant 16 : i32
          %mul3A_761 = arith.muli %scan3A_759, %mul3A_760 : i32
          %get3A_762 = arith.index_cast %while3A_750 : i32 to index
          %get3A_763 = arith.index_cast %mul3A_761 : i32 to index
          %get3A_764 = tpu.vector_load %arg14[%get3A_762, %get3A_763] {strides = array<i32>} : memref<32x1024xf32, #tpu.memory_space<vmem>>, vector<16xf32>,
          %mul3A_765 = arith.mulf %get3A_764, %gather3A : vector<16xf32>
          %swap3A = arith.index_cast %while3A_750 : i32 to index
          %swap3A_766 = arith.index_cast %mul3A_761 : i32 to index
          %swap3A_767 = tpu.vector_load %arg14[%swap3A, %swap3A_766] {strides = array<i32>} : memref<32x1024xf32, #tpu.memory_space<vmem>>, vector<16xf32>,
          tpu.vector_store %arg14[%swap3A, %swap3A_766], %mul3A_765 {strides = array<i32>} : memref<32x1024xf32, #tpu.memory_space<vmem>>, vector<16xf32>,
        }
        %scan3A_758 = arith.constant 64 : i32
      }
      %mul3A_165 = arith.constant 128 : i32
      %mul3A_166 = arith.muli %add3A, %mul3A_165 : i32
      %add3A_167 = arith.constant 0 : i32
      %add3A_168 = arith.addi %add3A_167, %mul3A_166 : i32
      %add3A_169 = arith.constant 64 : i32
      %add3A_170 = arith.addi %add3A_168, %add3A_169 : i32
      %dma_start3A_171 = arith.constant 0 : i32
      %dma_start3A_172 = tpu.memref_slice %arg7[%add3A_170, %dma_start3A_171] : memref<16384x1024xf32, #tpu.memory_space<hbm>> -> memref<32x1024xf32, #tpu.memory_space<hbm>>
      %dma_start3A_173 = arith.constant 0 : i32
      %dma_start3A_174 = tpu.memref_slice %arg7[%add3A_170, %dma_start3A_173] : memref<16384x1024xf32, #tpu.memory_space<hbm>> -> memref<32x1024xf32, #tpu.memory_space<hbm>>
      tpu.enqueue_dma source(%arg14 : memref<32x1024xf32, #tpu.memory_space<vmem>>) target(%dma_start3A_174 : memref<32x1024xf32, #tpu.memory_space<hbm>>) target_semaphore(%arg20 : memref<!tpu.dma_semaphore, #tpu.memory_space<semaphore_mem>>)
      %dma_wait3A_175 = arith.constant 0 : i32
      %dma_wait3A_176 = tpu.memref_slice %arg7[%add3A_170, %dma_wait3A_175] : memref<16384x1024xf32, #tpu.memory_space<hbm>> -> memref<32x1024xf32, #tpu.memory_space<hbm>>
      %dma_wait3A_177 = arith.constant 0 : i32
      %dma_wait3A_178 = tpu.memref_slice %arg7[%add3A_170, %dma_wait3A_177] : memref<16384x1024xf32, #tpu.memory_space<hbm>> -> memref<32x1024xf32, #tpu.memory_space<hbm>>
      tpu.wait_dma2 semaphore(%arg20 : memref<!tpu.dma_semaphore, #tpu.memory_space<semaphore_mem>>) src(%arg14 : memref<32x1024xf32, #tpu.memory_space<vmem>>) dst(%dma_wait3A_178 : memref<32x1024xf32, #tpu.memory_space<hbm>>)
      %dma_start3A_179 = arith.constant 5 : i32
      %dma_start3A_180 = arith.constant 0 : i32
      %dma_start3A_181 = tpu.memref_slice %arg8[%dma_start3A_179, %dma_start3A_180] : memref<16x32xi32, #tpu.memory_space<vmem>> -> memref<1x32xi32, #tpu.memory_space<vmem>>
      %dma_start3A_182 = tpu.memref_squeeze %dma_start3A_181 : memref<1x32xi32, #tpu.memory_space<vmem>> -> memref<32xi32, #tpu.memory_space<vmem>>
      %dma_start3A_183 = arith.constant 0 : i32
      %dma_start3A_184 = arith.constant 0 : i32
      %dma_start3A_185 = tpu.memref_slice %arg2[%dma_start3A_183, %dma_start3A_184] : memref<8192x1024xf32, #tpu.memory_space<hbm>> -> memref<8192x1024xf32, #tpu.memory_space<hbm>>
      tpu.enqueue_indirect_dma source(%dma_start3A_185 : memref<8192x1024xf32, #tpu.memory_space<hbm>>) target(%arg14 : memref<32x1024xf32, #tpu.memory_space<vmem>>) offsets(%dma_start3A_182 : memref<32xi32, #tpu.memory_space<vmem>>) semaphore(%arg17 : memref<!tpu.dma_semaphore, #tpu.memory_space<semaphore_mem>>)
      %dma_wait3A_186 = arith.constant 3 : i32
      %dma_wait3A_187 = arith.constant 0 : i32
      %dma_wait3A_188 = tpu.memref_slice %arg8[%dma_wait3A_186, %dma_wait3A_187] : memref<16x32xi32, #tpu.memory_space<vmem>> -> memref<1x32xi32, #tpu.memory_space<vmem>>
      %dma_wait3A_189 = tpu.memref_squeeze %dma_wait3A_188 : memref<1x32xi32, #tpu.memory_space<vmem>> -> memref<32xi32, #tpu.memory_space<vmem>>
      %dma_wait3A_190 = arith.constant 0 : i32
      %dma_wait3A_191 = arith.constant 0 : i32
      %dma_wait3A_192 = tpu.memref_slice %arg2[%dma_wait3A_190, %dma_wait3A_191] : memref<8192x1024xf32, #tpu.memory_space<hbm>> -> memref<8192x1024xf32, #tpu.memory_space<hbm>>
      tpu.wait_indirect_dma semaphore(%arg15 : memref<!tpu.dma_semaphore, #tpu.memory_space<semaphore_mem>>) src(%dma_wait3A_192 : memref<8192x1024xf32, #tpu.memory_space<hbm>>) dst(%arg12 : memref<32x1024xf32, #tpu.memory_space<vmem>>)
      %slice3A_193 = vector.extract_strided_slice %get3A_4 {offsets = [3], sizes = [1], strides = [1]} : vector<16xi32> to vector<1xi32>
      %squeeze3A_194 = vector.extract %slice3A_193[0] : i32 from vector<1xi32>
      %gt3A_195 = arith.constant 0 : i32
      %gt3A_196 = arith.cmpi sgt, %squeeze3A_194, %gt3A_195 : i32
      %jit3A_197 = arith.constant 32 : i32
      %jit3A_198 = arith.constant 0 : i32
      %select_n3A_199 = arith.select %gt3A_196, %jit3A_197, %jit3A_198 : i32
      %while3A_200 = arith.constant 0 : i32
      %while3A_201 = arith.constant 0 : i32
      %while3A_202 = arith.subi %select_n3A_199, %while3A_201 : i32
      %while3A_203 = arith.addi %while3A_201, %while3A_202 : i32
      %while3A_204 = arith.constant 1 : i32
      %while3A_205 = arith.divsi %while3A_202, %while3A_204 : i32
      %while3A_206 = arith.muli %while3A_205, %while3A_204 : i32
      %while3A_207 = arith.addi %while3A_201, %while3A_206 : i32
      %while3A_208 = arith.constant 1 : i32
      scf.for %while3A_750 = %while3A_201 to %while3A_207 step %while3A_208  : i32 {
        %broadcast_in_dim3A_751 = arith.constant 3 : i32
        %broadcast_in_dim3A_752 = vector.broadcast %broadcast_in_dim3A_751 : i32 to vector<16xi32>
        %broadcast_in_dim3A_753 = vector.broadcast %while3A_750 : i32 to vector<16xi32>
        %gather3A = tpu.vector_load_idx %arg9[%broadcast_in_dim3A_752, %broadcast_in_dim3A_753] : memref<16x32xf32, #tpu.memory_space<vmem>>[vector<16xi32>, vector<16xi32>], vector<16xf32>,
        %scan3A = arith.constant 0 : i32
        %scan3A_754 = arith.constant 0 : i32
        %scan3A_755 = arith.constant 64 : i32
        %scan3A_756 = arith.addi %scan3A_754, %scan3A_755 : i32
        %scan3A_757 = arith.constant 1 : i32
        scf.for %scan3A_759 = %scan3A_754 to %scan3A_756 step %scan3A_757  : i32 {
          %mul3A_760 = arith.constant 16 : i32
          %mul3A_761 = arith.muli %scan3A_759, %mul3A_760 : i32
          %get3A_762 = arith.index_cast %while3A_750 : i32 to index
          %get3A_763 = arith.index_cast %mul3A_761 : i32 to index
          %get3A_764 = tpu.vector_load %arg12[%get3A_762, %get3A_763] {strides = array<i32>} : memref<32x1024xf32, #tpu.memory_space<vmem>>, vector<16xf32>,
          %mul3A_765 = arith.mulf %get3A_764, %gather3A : vector<16xf32>
          %swap3A = arith.index_cast %while3A_750 : i32 to index
          %swap3A_766 = arith.index_cast %mul3A_761 : i32 to index
          %swap3A_767 = tpu.vector_load %arg12[%swap3A, %swap3A_766] {strides = array<i32>} : memref<32x1024xf32, #tpu.memory_space<vmem>>, vector<16xf32>,
          tpu.vector_store %arg12[%swap3A, %swap3A_766], %mul3A_765 {strides = array<i32>} : memref<32x1024xf32, #tpu.memory_space<vmem>>, vector<16xf32>,
        }
        %scan3A_758 = arith.constant 64 : i32
      }
      %while3A_209 = arith.constant 1 : i32
      scf.for %while3A_750 = %while3A_207 to %while3A_203 step %while3A_209  : i32 {
        %broadcast_in_dim3A_751 = arith.constant 3 : i32
        %broadcast_in_dim3A_752 = vector.broadcast %broadcast_in_dim3A_751 : i32 to vector<16xi32>
        %broadcast_in_dim3A_753 = vector.broadcast %while3A_750 : i32 to vector<16xi32>
        %gather3A = tpu.vector_load_idx %arg9[%broadcast_in_dim3A_752, %broadcast_in_dim3A_753] : memref<16x32xf32, #tpu.memory_space<vmem>>[vector<16xi32>, vector<16xi32>], vector<16xf32>,
        %scan3A = arith.constant 0 : i32
        %scan3A_754 = arith.constant 0 : i32
        %scan3A_755 = arith.constant 64 : i32
        %scan3A_756 = arith.addi %scan3A_754, %scan3A_755 : i32
        %scan3A_757 = arith.constant 1 : i32
        scf.for %scan3A_759 = %scan3A_754 to %scan3A_756 step %scan3A_757  : i32 {
          %mul3A_760 = arith.constant 16 : i32
          %mul3A_761 = arith.muli %scan3A_759, %mul3A_760 : i32
          %get3A_762 = arith.index_cast %while3A_750 : i32 to index
          %get3A_763 = arith.index_cast %mul3A_761 : i32 to index
          %get3A_764 = tpu.vector_load %arg12[%get3A_762, %get3A_763] {strides = array<i32>} : memref<32x1024xf32, #tpu.memory_space<vmem>>, vector<16xf32>,
          %mul3A_765 = arith.mulf %get3A_764, %gather3A : vector<16xf32>
          %swap3A = arith.index_cast %while3A_750 : i32 to index
          %swap3A_766 = arith.index_cast %mul3A_761 : i32 to index
          %swap3A_767 = tpu.vector_load %arg12[%swap3A, %swap3A_766] {strides = array<i32>} : memref<32x1024xf32, #tpu.memory_space<vmem>>, vector<16xf32>,
          tpu.vector_store %arg12[%swap3A, %swap3A_766], %mul3A_765 {strides = array<i32>} : memref<32x1024xf32, #tpu.memory_space<vmem>>, vector<16xf32>,
        }
        %scan3A_758 = arith.constant 64 : i32
      }
      %mul3A_210 = arith.constant 128 : i32
      %mul3A_211 = arith.muli %add3A, %mul3A_210 : i32
      %add3A_212 = arith.constant 0 : i32
      %add3A_213 = arith.addi %add3A_212, %mul3A_211 : i32
      %add3A_214 = arith.constant 96 : i32
      %add3A_215 = arith.addi %add3A_213, %add3A_214 : i32
      %dma_start3A_216 = arith.constant 0 : i32
      %dma_start3A_217 = tpu.memref_slice %arg7[%add3A_215, %dma_start3A_216] : memref<16384x1024xf32, #tpu.memory_space<hbm>> -> memref<32x1024xf32, #tpu.memory_space<hbm>>
      %dma_start3A_218 = arith.constant 0 : i32
      %dma_start3A_219 = tpu.memref_slice %arg7[%add3A_215, %dma_start3A_218] : memref<16384x1024xf32, #tpu.memory_space<hbm>> -> memref<32x1024xf32, #tpu.memory_space<hbm>>
      tpu.enqueue_dma source(%arg12 : memref<32x1024xf32, #tpu.memory_space<vmem>>) target(%dma_start3A_219 : memref<32x1024xf32, #tpu.memory_space<hbm>>) target_semaphore(%arg18 : memref<!tpu.dma_semaphore, #tpu.memory_space<semaphore_mem>>)
      %dma_wait3A_220 = arith.constant 0 : i32
      %dma_wait3A_221 = tpu.memref_slice %arg7[%add3A_215, %dma_wait3A_220] : memref<16384x1024xf32, #tpu.memory_space<hbm>> -> memref<32x1024xf32, #tpu.memory_space<hbm>>
      %dma_wait3A_222 = arith.constant 0 : i32
      %dma_wait3A_223 = tpu.memref_slice %arg7[%add3A_215, %dma_wait3A_222] : memref<16384x1024xf32, #tpu.memory_space<hbm>> -> memref<32x1024xf32, #tpu.memory_space<hbm>>
      tpu.wait_dma2 semaphore(%arg18 : memref<!tpu.dma_semaphore, #tpu.memory_space<semaphore_mem>>) src(%arg12 : memref<32x1024xf32, #tpu.memory_space<vmem>>) dst(%dma_wait3A_223 : memref<32x1024xf32, #tpu.memory_space<hbm>>)
      %dma_start3A_224 = arith.constant 6 : i32
      %dma_start3A_225 = arith.constant 0 : i32
      %dma_start3A_226 = tpu.memref_slice %arg8[%dma_start3A_224, %dma_start3A_225] : memref<16x32xi32, #tpu.memory_space<vmem>> -> memref<1x32xi32, #tpu.memory_space<vmem>>
      %dma_start3A_227 = tpu.memref_squeeze %dma_start3A_226 : memref<1x32xi32, #tpu.memory_space<vmem>> -> memref<32xi32, #tpu.memory_space<vmem>>
      %dma_start3A_228 = arith.constant 0 : i32
      %dma_start3A_229 = arith.constant 0 : i32
      %dma_start3A_230 = tpu.memref_slice %arg2[%dma_start3A_228, %dma_start3A_229] : memref<8192x1024xf32, #tpu.memory_space<hbm>> -> memref<8192x1024xf32, #tpu.memory_space<hbm>>
      tpu.enqueue_indirect_dma source(%dma_start3A_230 : memref<8192x1024xf32, #tpu.memory_space<hbm>>) target(%arg12 : memref<32x1024xf32, #tpu.memory_space<vmem>>) offsets(%dma_start3A_227 : memref<32xi32, #tpu.memory_space<vmem>>) semaphore(%arg15 : memref<!tpu.dma_semaphore, #tpu.memory_space<semaphore_mem>>)
      %dma_wait3A_231 = arith.constant 4 : i32
      %dma_wait3A_232 = arith.constant 0 : i32
      %dma_wait3A_233 = tpu.memref_slice %arg8[%dma_wait3A_231, %dma_wait3A_232] : memref<16x32xi32, #tpu.memory_space<vmem>> -> memref<1x32xi32, #tpu.memory_space<vmem>>
      %dma_wait3A_234 = tpu.memref_squeeze %dma_wait3A_233 : memref<1x32xi32, #tpu.memory_space<vmem>> -> memref<32xi32, #tpu.memory_space<vmem>>
      %dma_wait3A_235 = arith.constant 0 : i32
      %dma_wait3A_236 = arith.constant 0 : i32
      %dma_wait3A_237 = tpu.memref_slice %arg2[%dma_wait3A_235, %dma_wait3A_236] : memref<8192x1024xf32, #tpu.memory_space<hbm>> -> memref<8192x1024xf32, #tpu.memory_space<hbm>>
      tpu.wait_indirect_dma semaphore(%arg16 : memref<!tpu.dma_semaphore, #tpu.memory_space<semaphore_mem>>) src(%dma_wait3A_237 : memref<8192x1024xf32, #tpu.memory_space<hbm>>) dst(%arg13 : memref<32x1024xf32, #tpu.memory_space<vmem>>)
      %slice3A_238 = vector.extract_strided_slice %get3A_4 {offsets = [4], sizes = [1], strides = [1]} : vector<16xi32> to vector<1xi32>
      %squeeze3A_239 = vector.extract %slice3A_238[0] : i32 from vector<1xi32>
      %gt3A_240 = arith.constant 0 : i32
      %gt3A_241 = arith.cmpi sgt, %squeeze3A_239, %gt3A_240 : i32
      %jit3A_242 = arith.constant 32 : i32
      %jit3A_243 = arith.constant 0 : i32
      %select_n3A_244 = arith.select %gt3A_241, %jit3A_242, %jit3A_243 : i32
      %while3A_245 = arith.constant 0 : i32
      %while3A_246 = arith.constant 0 : i32
      %while3A_247 = arith.subi %select_n3A_244, %while3A_246 : i32
      %while3A_248 = arith.addi %while3A_246, %while3A_247 : i32
      %while3A_249 = arith.constant 1 : i32
      %while3A_250 = arith.divsi %while3A_247, %while3A_249 : i32
      %while3A_251 = arith.muli %while3A_250, %while3A_249 : i32
      %while3A_252 = arith.addi %while3A_246, %while3A_251 : i32
      %while3A_253 = arith.constant 1 : i32
      scf.for %while3A_750 = %while3A_246 to %while3A_252 step %while3A_253  : i32 {
        %broadcast_in_dim3A_751 = arith.constant 4 : i32
        %broadcast_in_dim3A_752 = vector.broadcast %broadcast_in_dim3A_751 : i32 to vector<16xi32>
        %broadcast_in_dim3A_753 = vector.broadcast %while3A_750 : i32 to vector<16xi32>
        %gather3A = tpu.vector_load_idx %arg9[%broadcast_in_dim3A_752, %broadcast_in_dim3A_753] : memref<16x32xf32, #tpu.memory_space<vmem>>[vector<16xi32>, vector<16xi32>], vector<16xf32>,
        %scan3A = arith.constant 0 : i32
        %scan3A_754 = arith.constant 0 : i32
        %scan3A_755 = arith.constant 64 : i32
        %scan3A_756 = arith.addi %scan3A_754, %scan3A_755 : i32
        %scan3A_757 = arith.constant 1 : i32
        scf.for %scan3A_759 = %scan3A_754 to %scan3A_756 step %scan3A_757  : i32 {
          %mul3A_760 = arith.constant 16 : i32
          %mul3A_761 = arith.muli %scan3A_759, %mul3A_760 : i32
          %get3A_762 = arith.index_cast %while3A_750 : i32 to index
          %get3A_763 = arith.index_cast %mul3A_761 : i32 to index
          %get3A_764 = tpu.vector_load %arg13[%get3A_762, %get3A_763] {strides = array<i32>} : memref<32x1024xf32, #tpu.memory_space<vmem>>, vector<16xf32>,
          %mul3A_765 = arith.mulf %get3A_764, %gather3A : vector<16xf32>
          %swap3A = arith.index_cast %while3A_750 : i32 to index
          %swap3A_766 = arith.index_cast %mul3A_761 : i32 to index
          %swap3A_767 = tpu.vector_load %arg13[%swap3A, %swap3A_766] {strides = array<i32>} : memref<32x1024xf32, #tpu.memory_space<vmem>>, vector<16xf32>,
          tpu.vector_store %arg13[%swap3A, %swap3A_766], %mul3A_765 {strides = array<i32>} : memref<32x1024xf32, #tpu.memory_space<vmem>>, vector<16xf32>,
        }
        %scan3A_758 = arith.constant 64 : i32
      }
      %while3A_254 = arith.constant 1 : i32
      scf.for %while3A_750 = %while3A_252 to %while3A_248 step %while3A_254  : i32 {
        %broadcast_in_dim3A_751 = arith.constant 4 : i32
        %broadcast_in_dim3A_752 = vector.broadcast %broadcast_in_dim3A_751 : i32 to vector<16xi32>
        %broadcast_in_dim3A_753 = vector.broadcast %while3A_750 : i32 to vector<16xi32>
        %gather3A = tpu.vector_load_idx %arg9[%broadcast_in_dim3A_752, %broadcast_in_dim3A_753] : memref<16x32xf32, #tpu.memory_space<vmem>>[vector<16xi32>, vector<16xi32>], vector<16xf32>,
        %scan3A = arith.constant 0 : i32
        %scan3A_754 = arith.constant 0 : i32
        %scan3A_755 = arith.constant 64 : i32
        %scan3A_756 = arith.addi %scan3A_754, %scan3A_755 : i32
        %scan3A_757 = arith.constant 1 : i32
        scf.for %scan3A_759 = %scan3A_754 to %scan3A_756 step %scan3A_757  : i32 {
          %mul3A_760 = arith.constant 16 : i32
          %mul3A_761 = arith.muli %scan3A_759, %mul3A_760 : i32
          %get3A_762 = arith.index_cast %while3A_750 : i32 to index
          %get3A_763 = arith.index_cast %mul3A_761 : i32 to index
          %get3A_764 = tpu.vector_load %arg13[%get3A_762, %get3A_763] {strides = array<i32>} : memref<32x1024xf32, #tpu.memory_space<vmem>>, vector<16xf32>,
          %mul3A_765 = arith.mulf %get3A_764, %gather3A : vector<16xf32>
          %swap3A = arith.index_cast %while3A_750 : i32 to index
          %swap3A_766 = arith.index_cast %mul3A_761 : i32 to index
          %swap3A_767 = tpu.vector_load %arg13[%swap3A, %swap3A_766] {strides = array<i32>} : memref<32x1024xf32, #tpu.memory_space<vmem>>, vector<16xf32>,
          tpu.vector_store %arg13[%swap3A, %swap3A_766], %mul3A_765 {strides = array<i32>} : memref<32x1024xf32, #tpu.memory_space<vmem>>, vector<16xf32>,
        }
        %scan3A_758 = arith.constant 64 : i32
      }
      %mul3A_255 = arith.constant 128 : i32
      %mul3A_256 = arith.muli %add3A, %mul3A_255 : i32
      %add3A_257 = arith.constant 4096 : i32
      %add3A_258 = arith.addi %add3A_257, %mul3A_256 : i32
      %add3A_259 = arith.constant 0 : i32
      %add3A_260 = arith.addi %add3A_258, %add3A_259 : i32
      %dma_start3A_261 = arith.constant 0 : i32
      %dma_start3A_262 = tpu.memref_slice %arg7[%add3A_260, %dma_start3A_261] : memref<16384x1024xf32, #tpu.memory_space<hbm>> -> memref<32x1024xf32, #tpu.memory_space<hbm>>
      %dma_start3A_263 = arith.constant 0 : i32
      %dma_start3A_264 = tpu.memref_slice %arg7[%add3A_260, %dma_start3A_263] : memref<16384x1024xf32, #tpu.memory_space<hbm>> -> memref<32x1024xf32, #tpu.memory_space<hbm>>
      tpu.enqueue_dma source(%arg13 : memref<32x1024xf32, #tpu.memory_space<vmem>>) target(%dma_start3A_264 : memref<32x1024xf32, #tpu.memory_space<hbm>>) target_semaphore(%arg19 : memref<!tpu.dma_semaphore, #tpu.memory_space<semaphore_mem>>)
      %dma_wait3A_265 = arith.constant 0 : i32
      %dma_wait3A_266 = tpu.memref_slice %arg7[%add3A_260, %dma_wait3A_265] : memref<16384x1024xf32, #tpu.memory_space<hbm>> -> memref<32x1024xf32, #tpu.memory_space<hbm>>
      %dma_wait3A_267 = arith.constant 0 : i32
      %dma_wait3A_268 = tpu.memref_slice %arg7[%add3A_260, %dma_wait3A_267] : memref<16384x1024xf32, #tpu.memory_space<hbm>> -> memref<32x1024xf32, #tpu.memory_space<hbm>>
      tpu.wait_dma2 semaphore(%arg19 : memref<!tpu.dma_semaphore, #tpu.memory_space<semaphore_mem>>) src(%arg13 : memref<32x1024xf32, #tpu.memory_space<vmem>>) dst(%dma_wait3A_268 : memref<32x1024xf32, #tpu.memory_space<hbm>>)
      %dma_start3A_269 = arith.constant 7 : i32
      %dma_start3A_270 = arith.constant 0 : i32
      %dma_start3A_271 = tpu.memref_slice %arg8[%dma_start3A_269, %dma_start3A_270] : memref<16x32xi32, #tpu.memory_space<vmem>> -> memref<1x32xi32, #tpu.memory_space<vmem>>
      %dma_start3A_272 = tpu.memref_squeeze %dma_start3A_271 : memref<1x32xi32, #tpu.memory_space<vmem>> -> memref<32xi32, #tpu.memory_space<vmem>>
      %dma_start3A_273 = arith.constant 0 : i32
      %dma_start3A_274 = arith.constant 0 : i32
      %dma_start3A_275 = tpu.memref_slice %arg2[%dma_start3A_273, %dma_start3A_274] : memref<8192x1024xf32, #tpu.memory_space<hbm>> -> memref<8192x1024xf32, #tpu.memory_space<hbm>>
      tpu.enqueue_indirect_dma source(%dma_start3A_275 : memref<8192x1024xf32, #tpu.memory_space<hbm>>) target(%arg13 : memref<32x1024xf32, #tpu.memory_space<vmem>>) offsets(%dma_start3A_272 : memref<32xi32, #tpu.memory_space<vmem>>) semaphore(%arg16 : memref<!tpu.dma_semaphore, #tpu.memory_space<semaphore_mem>>)
      %dma_wait3A_276 = arith.constant 5 : i32
      %dma_wait3A_277 = arith.constant 0 : i32
      %dma_wait3A_278 = tpu.memref_slice %arg8[%dma_wait3A_276, %dma_wait3A_277] : memref<16x32xi32, #tpu.memory_space<vmem>> -> memref<1x32xi32, #tpu.memory_space<vmem>>
      %dma_wait3A_279 = tpu.memref_squeeze %dma_wait3A_278 : memref<1x32xi32, #tpu.memory_space<vmem>> -> memref<32xi32, #tpu.memory_space<vmem>>
      %dma_wait3A_280 = arith.constant 0 : i32
      %dma_wait3A_281 = arith.constant 0 : i32
      %dma_wait3A_282 = tpu.memref_slice %arg2[%dma_wait3A_280, %dma_wait3A_281] : memref<8192x1024xf32, #tpu.memory_space<hbm>> -> memref<8192x1024xf32, #tpu.memory_space<hbm>>
      tpu.wait_indirect_dma semaphore(%arg17 : memref<!tpu.dma_semaphore, #tpu.memory_space<semaphore_mem>>) src(%dma_wait3A_282 : memref<8192x1024xf32, #tpu.memory_space<hbm>>) dst(%arg14 : memref<32x1024xf32, #tpu.memory_space<vmem>>)
      %slice3A_283 = vector.extract_strided_slice %get3A_4 {offsets = [5], sizes = [1], strides = [1]} : vector<16xi32> to vector<1xi32>
      %squeeze3A_284 = vector.extract %slice3A_283[0] : i32 from vector<1xi32>
      %gt3A_285 = arith.constant 0 : i32
      %gt3A_286 = arith.cmpi sgt, %squeeze3A_284, %gt3A_285 : i32
      %jit3A_287 = arith.constant 32 : i32
      %jit3A_288 = arith.constant 0 : i32
      %select_n3A_289 = arith.select %gt3A_286, %jit3A_287, %jit3A_288 : i32
      %while3A_290 = arith.constant 0 : i32
      %while3A_291 = arith.constant 0 : i32
      %while3A_292 = arith.subi %select_n3A_289, %while3A_291 : i32
      %while3A_293 = arith.addi %while3A_291, %while3A_292 : i32
      %while3A_294 = arith.constant 1 : i32
      %while3A_295 = arith.divsi %while3A_292, %while3A_294 : i32
      %while3A_296 = arith.muli %while3A_295, %while3A_294 : i32
      %while3A_297 = arith.addi %while3A_291, %while3A_296 : i32
      %while3A_298 = arith.constant 1 : i32
      scf.for %while3A_750 = %while3A_291 to %while3A_297 step %while3A_298  : i32 {
        %broadcast_in_dim3A_751 = arith.constant 5 : i32
        %broadcast_in_dim3A_752 = vector.broadcast %broadcast_in_dim3A_751 : i32 to vector<16xi32>
        %broadcast_in_dim3A_753 = vector.broadcast %while3A_750 : i32 to vector<16xi32>
        %gather3A = tpu.vector_load_idx %arg9[%broadcast_in_dim3A_752, %broadcast_in_dim3A_753] : memref<16x32xf32, #tpu.memory_space<vmem>>[vector<16xi32>, vector<16xi32>], vector<16xf32>,
        %scan3A = arith.constant 0 : i32
        %scan3A_754 = arith.constant 0 : i32
        %scan3A_755 = arith.constant 64 : i32
        %scan3A_756 = arith.addi %scan3A_754, %scan3A_755 : i32
        %scan3A_757 = arith.constant 1 : i32
        scf.for %scan3A_759 = %scan3A_754 to %scan3A_756 step %scan3A_757  : i32 {
          %mul3A_760 = arith.constant 16 : i32
          %mul3A_761 = arith.muli %scan3A_759, %mul3A_760 : i32
          %get3A_762 = arith.index_cast %while3A_750 : i32 to index
          %get3A_763 = arith.index_cast %mul3A_761 : i32 to index
          %get3A_764 = tpu.vector_load %arg14[%get3A_762, %get3A_763] {strides = array<i32>} : memref<32x1024xf32, #tpu.memory_space<vmem>>, vector<16xf32>,
          %mul3A_765 = arith.mulf %get3A_764, %gather3A : vector<16xf32>
          %swap3A = arith.index_cast %while3A_750 : i32 to index
          %swap3A_766 = arith.index_cast %mul3A_761 : i32 to index
          %swap3A_767 = tpu.vector_load %arg14[%swap3A, %swap3A_766] {strides = array<i32>} : memref<32x1024xf32, #tpu.memory_space<vmem>>, vector<16xf32>,
          tpu.vector_store %arg14[%swap3A, %swap3A_766], %mul3A_765 {strides = array<i32>} : memref<32x1024xf32, #tpu.memory_space<vmem>>, vector<16xf32>,
        }
        %scan3A_758 = arith.constant 64 : i32
      }
      %while3A_299 = arith.constant 1 : i32
      scf.for %while3A_750 = %while3A_297 to %while3A_293 step %while3A_299  : i32 {
        %broadcast_in_dim3A_751 = arith.constant 5 : i32
        %broadcast_in_dim3A_752 = vector.broadcast %broadcast_in_dim3A_751 : i32 to vector<16xi32>
        %broadcast_in_dim3A_753 = vector.broadcast %while3A_750 : i32 to vector<16xi32>
        %gather3A = tpu.vector_load_idx %arg9[%broadcast_in_dim3A_752, %broadcast_in_dim3A_753] : memref<16x32xf32, #tpu.memory_space<vmem>>[vector<16xi32>, vector<16xi32>], vector<16xf32>,
        %scan3A = arith.constant 0 : i32
        %scan3A_754 = arith.constant 0 : i32
        %scan3A_755 = arith.constant 64 : i32
        %scan3A_756 = arith.addi %scan3A_754, %scan3A_755 : i32
        %scan3A_757 = arith.constant 1 : i32
        scf.for %scan3A_759 = %scan3A_754 to %scan3A_756 step %scan3A_757  : i32 {
          %mul3A_760 = arith.constant 16 : i32
          %mul3A_761 = arith.muli %scan3A_759, %mul3A_760 : i32
          %get3A_762 = arith.index_cast %while3A_750 : i32 to index
          %get3A_763 = arith.index_cast %mul3A_761 : i32 to index
          %get3A_764 = tpu.vector_load %arg14[%get3A_762, %get3A_763] {strides = array<i32>} : memref<32x1024xf32, #tpu.memory_space<vmem>>, vector<16xf32>,
          %mul3A_765 = arith.mulf %get3A_764, %gather3A : vector<16xf32>
          %swap3A = arith.index_cast %while3A_750 : i32 to index
          %swap3A_766 = arith.index_cast %mul3A_761 : i32 to index
          %swap3A_767 = tpu.vector_load %arg14[%swap3A, %swap3A_766] {strides = array<i32>} : memref<32x1024xf32, #tpu.memory_space<vmem>>, vector<16xf32>,
          tpu.vector_store %arg14[%swap3A, %swap3A_766], %mul3A_765 {strides = array<i32>} : memref<32x1024xf32, #tpu.memory_space<vmem>>, vector<16xf32>,
        }
        %scan3A_758 = arith.constant 64 : i32
      }
      %mul3A_300 = arith.constant 128 : i32
      %mul3A_301 = arith.muli %add3A, %mul3A_300 : i32
      %add3A_302 = arith.constant 4096 : i32
      %add3A_303 = arith.addi %add3A_302, %mul3A_301 : i32
      %add3A_304 = arith.constant 32 : i32
      %add3A_305 = arith.addi %add3A_303, %add3A_304 : i32
      %dma_start3A_306 = arith.constant 0 : i32
      %dma_start3A_307 = tpu.memref_slice %arg7[%add3A_305, %dma_start3A_306] : memref<16384x1024xf32, #tpu.memory_space<hbm>> -> memref<32x1024xf32, #tpu.memory_space<hbm>>
      %dma_start3A_308 = arith.constant 0 : i32
      %dma_start3A_309 = tpu.memref_slice %arg7[%add3A_305, %dma_start3A_308] : memref<16384x1024xf32, #tpu.memory_space<hbm>> -> memref<32x1024xf32, #tpu.memory_space<hbm>>
      tpu.enqueue_dma source(%arg14 : memref<32x1024xf32, #tpu.memory_space<vmem>>) target(%dma_start3A_309 : memref<32x1024xf32, #tpu.memory_space<hbm>>) target_semaphore(%arg20 : memref<!tpu.dma_semaphore, #tpu.memory_space<semaphore_mem>>)
      %dma_wait3A_310 = arith.constant 0 : i32
      %dma_wait3A_311 = tpu.memref_slice %arg7[%add3A_305, %dma_wait3A_310] : memref<16384x1024xf32, #tpu.memory_space<hbm>> -> memref<32x1024xf32, #tpu.memory_space<hbm>>
      %dma_wait3A_312 = arith.constant 0 : i32
      %dma_wait3A_313 = tpu.memref_slice %arg7[%add3A_305, %dma_wait3A_312] : memref<16384x1024xf32, #tpu.memory_space<hbm>> -> memref<32x1024xf32, #tpu.memory_space<hbm>>
      tpu.wait_dma2 semaphore(%arg20 : memref<!tpu.dma_semaphore, #tpu.memory_space<semaphore_mem>>) src(%arg14 : memref<32x1024xf32, #tpu.memory_space<vmem>>) dst(%dma_wait3A_313 : memref<32x1024xf32, #tpu.memory_space<hbm>>)
      %dma_start3A_314 = arith.constant 8 : i32
      %dma_start3A_315 = arith.constant 0 : i32
      %dma_start3A_316 = tpu.memref_slice %arg8[%dma_start3A_314, %dma_start3A_315] : memref<16x32xi32, #tpu.memory_space<vmem>> -> memref<1x32xi32, #tpu.memory_space<vmem>>
      %dma_start3A_317 = tpu.memref_squeeze %dma_start3A_316 : memref<1x32xi32, #tpu.memory_space<vmem>> -> memref<32xi32, #tpu.memory_space<vmem>>
      %dma_start3A_318 = arith.constant 0 : i32
      %dma_start3A_319 = arith.constant 0 : i32
      %dma_start3A_320 = tpu.memref_slice %arg2[%dma_start3A_318, %dma_start3A_319] : memref<8192x1024xf32, #tpu.memory_space<hbm>> -> memref<8192x1024xf32, #tpu.memory_space<hbm>>
      tpu.enqueue_indirect_dma source(%dma_start3A_320 : memref<8192x1024xf32, #tpu.memory_space<hbm>>) target(%arg14 : memref<32x1024xf32, #tpu.memory_space<vmem>>) offsets(%dma_start3A_317 : memref<32xi32, #tpu.memory_space<vmem>>) semaphore(%arg17 : memref<!tpu.dma_semaphore, #tpu.memory_space<semaphore_mem>>)
      %dma_wait3A_321 = arith.constant 6 : i32
      %dma_wait3A_322 = arith.constant 0 : i32
      %dma_wait3A_323 = tpu.memref_slice %arg8[%dma_wait3A_321, %dma_wait3A_322] : memref<16x32xi32, #tpu.memory_space<vmem>> -> memref<1x32xi32, #tpu.memory_space<vmem>>
      %dma_wait3A_324 = tpu.memref_squeeze %dma_wait3A_323 : memref<1x32xi32, #tpu.memory_space<vmem>> -> memref<32xi32, #tpu.memory_space<vmem>>
      %dma_wait3A_325 = arith.constant 0 : i32
      %dma_wait3A_326 = arith.constant 0 : i32
      %dma_wait3A_327 = tpu.memref_slice %arg2[%dma_wait3A_325, %dma_wait3A_326] : memref<8192x1024xf32, #tpu.memory_space<hbm>> -> memref<8192x1024xf32, #tpu.memory_space<hbm>>
      tpu.wait_indirect_dma semaphore(%arg15 : memref<!tpu.dma_semaphore, #tpu.memory_space<semaphore_mem>>) src(%dma_wait3A_327 : memref<8192x1024xf32, #tpu.memory_space<hbm>>) dst(%arg12 : memref<32x1024xf32, #tpu.memory_space<vmem>>)
      %slice3A_328 = vector.extract_strided_slice %get3A_4 {offsets = [6], sizes = [1], strides = [1]} : vector<16xi32> to vector<1xi32>
      %squeeze3A_329 = vector.extract %slice3A_328[0] : i32 from vector<1xi32>
      %gt3A_330 = arith.constant 0 : i32
      %gt3A_331 = arith.cmpi sgt, %squeeze3A_329, %gt3A_330 : i32
      %jit3A_332 = arith.constant 32 : i32
      %jit3A_333 = arith.constant 0 : i32
      %select_n3A_334 = arith.select %gt3A_331, %jit3A_332, %jit3A_333 : i32
      %while3A_335 = arith.constant 0 : i32
      %while3A_336 = arith.constant 0 : i32
      %while3A_337 = arith.subi %select_n3A_334, %while3A_336 : i32
      %while3A_338 = arith.addi %while3A_336, %while3A_337 : i32
      %while3A_339 = arith.constant 1 : i32
      %while3A_340 = arith.divsi %while3A_337, %while3A_339 : i32
      %while3A_341 = arith.muli %while3A_340, %while3A_339 : i32
      %while3A_342 = arith.addi %while3A_336, %while3A_341 : i32
      %while3A_343 = arith.constant 1 : i32
      scf.for %while3A_750 = %while3A_336 to %while3A_342 step %while3A_343  : i32 {
        %broadcast_in_dim3A_751 = arith.constant 6 : i32
        %broadcast_in_dim3A_752 = vector.broadcast %broadcast_in_dim3A_751 : i32 to vector<16xi32>
        %broadcast_in_dim3A_753 = vector.broadcast %while3A_750 : i32 to vector<16xi32>
        %gather3A = tpu.vector_load_idx %arg9[%broadcast_in_dim3A_752, %broadcast_in_dim3A_753] : memref<16x32xf32, #tpu.memory_space<vmem>>[vector<16xi32>, vector<16xi32>], vector<16xf32>,
        %scan3A = arith.constant 0 : i32
        %scan3A_754 = arith.constant 0 : i32
        %scan3A_755 = arith.constant 64 : i32
        %scan3A_756 = arith.addi %scan3A_754, %scan3A_755 : i32
        %scan3A_757 = arith.constant 1 : i32
        scf.for %scan3A_759 = %scan3A_754 to %scan3A_756 step %scan3A_757  : i32 {
          %mul3A_760 = arith.constant 16 : i32
          %mul3A_761 = arith.muli %scan3A_759, %mul3A_760 : i32
          %get3A_762 = arith.index_cast %while3A_750 : i32 to index
          %get3A_763 = arith.index_cast %mul3A_761 : i32 to index
          %get3A_764 = tpu.vector_load %arg12[%get3A_762, %get3A_763] {strides = array<i32>} : memref<32x1024xf32, #tpu.memory_space<vmem>>, vector<16xf32>,
          %mul3A_765 = arith.mulf %get3A_764, %gather3A : vector<16xf32>
          %swap3A = arith.index_cast %while3A_750 : i32 to index
          %swap3A_766 = arith.index_cast %mul3A_761 : i32 to index
          %swap3A_767 = tpu.vector_load %arg12[%swap3A, %swap3A_766] {strides = array<i32>} : memref<32x1024xf32, #tpu.memory_space<vmem>>, vector<16xf32>,
          tpu.vector_store %arg12[%swap3A, %swap3A_766], %mul3A_765 {strides = array<i32>} : memref<32x1024xf32, #tpu.memory_space<vmem>>, vector<16xf32>,
        }
        %scan3A_758 = arith.constant 64 : i32
      }
      %while3A_344 = arith.constant 1 : i32
      scf.for %while3A_750 = %while3A_342 to %while3A_338 step %while3A_344  : i32 {
        %broadcast_in_dim3A_751 = arith.constant 6 : i32
        %broadcast_in_dim3A_752 = vector.broadcast %broadcast_in_dim3A_751 : i32 to vector<16xi32>
        %broadcast_in_dim3A_753 = vector.broadcast %while3A_750 : i32 to vector<16xi32>
        %gather3A = tpu.vector_load_idx %arg9[%broadcast_in_dim3A_752, %broadcast_in_dim3A_753] : memref<16x32xf32, #tpu.memory_space<vmem>>[vector<16xi32>, vector<16xi32>], vector<16xf32>,
        %scan3A = arith.constant 0 : i32
        %scan3A_754 = arith.constant 0 : i32
        %scan3A_755 = arith.constant 64 : i32
        %scan3A_756 = arith.addi %scan3A_754, %scan3A_755 : i32
        %scan3A_757 = arith.constant 1 : i32
        scf.for %scan3A_759 = %scan3A_754 to %scan3A_756 step %scan3A_757  : i32 {
          %mul3A_760 = arith.constant 16 : i32
          %mul3A_761 = arith.muli %scan3A_759, %mul3A_760 : i32
          %get3A_762 = arith.index_cast %while3A_750 : i32 to index
          %get3A_763 = arith.index_cast %mul3A_761 : i32 to index
          %get3A_764 = tpu.vector_load %arg12[%get3A_762, %get3A_763] {strides = array<i32>} : memref<32x1024xf32, #tpu.memory_space<vmem>>, vector<16xf32>,
          %mul3A_765 = arith.mulf %get3A_764, %gather3A : vector<16xf32>
          %swap3A = arith.index_cast %while3A_750 : i32 to index
          %swap3A_766 = arith.index_cast %mul3A_761 : i32 to index
          %swap3A_767 = tpu.vector_load %arg12[%swap3A, %swap3A_766] {strides = array<i32>} : memref<32x1024xf32, #tpu.memory_space<vmem>>, vector<16xf32>,
          tpu.vector_store %arg12[%swap3A, %swap3A_766], %mul3A_765 {strides = array<i32>} : memref<32x1024xf32, #tpu.memory_space<vmem>>, vector<16xf32>,
        }
        %scan3A_758 = arith.constant 64 : i32
      }
      %mul3A_345 = arith.constant 128 : i32
      %mul3A_346 = arith.muli %add3A, %mul3A_345 : i32
      %add3A_347 = arith.constant 4096 : i32
      %add3A_348 = arith.addi %add3A_347, %mul3A_346 : i32
      %add3A_349 = arith.constant 64 : i32
      %add3A_350 = arith.addi %add3A_348, %add3A_349 : i32
      %dma_start3A_351 = arith.constant 0 : i32
      %dma_start3A_352 = tpu.memref_slice %arg7[%add3A_350, %dma_start3A_351] : memref<16384x1024xf32, #tpu.memory_space<hbm>> -> memref<32x1024xf32, #tpu.memory_space<hbm>>
      %dma_start3A_353 = arith.constant 0 : i32
      %dma_start3A_354 = tpu.memref_slice %arg7[%add3A_350, %dma_start3A_353] : memref<16384x1024xf32, #tpu.memory_space<hbm>> -> memref<32x1024xf32, #tpu.memory_space<hbm>>
      tpu.enqueue_dma source(%arg12 : memref<32x1024xf32, #tpu.memory_space<vmem>>) target(%dma_start3A_354 : memref<32x1024xf32, #tpu.memory_space<hbm>>) target_semaphore(%arg18 : memref<!tpu.dma_semaphore, #tpu.memory_space<semaphore_mem>>)
      %dma_wait3A_355 = arith.constant 0 : i32
      %dma_wait3A_356 = tpu.memref_slice %arg7[%add3A_350, %dma_wait3A_355] : memref<16384x1024xf32, #tpu.memory_space<hbm>> -> memref<32x1024xf32, #tpu.memory_space<hbm>>
      %dma_wait3A_357 = arith.constant 0 : i32
      %dma_wait3A_358 = tpu.memref_slice %arg7[%add3A_350, %dma_wait3A_357] : memref<16384x1024xf32, #tpu.memory_space<hbm>> -> memref<32x1024xf32, #tpu.memory_space<hbm>>
      tpu.wait_dma2 semaphore(%arg18 : memref<!tpu.dma_semaphore, #tpu.memory_space<semaphore_mem>>) src(%arg12 : memref<32x1024xf32, #tpu.memory_space<vmem>>) dst(%dma_wait3A_358 : memref<32x1024xf32, #tpu.memory_space<hbm>>)
      %dma_start3A_359 = arith.constant 9 : i32
      %dma_start3A_360 = arith.constant 0 : i32
      %dma_start3A_361 = tpu.memref_slice %arg8[%dma_start3A_359, %dma_start3A_360] : memref<16x32xi32, #tpu.memory_space<vmem>> -> memref<1x32xi32, #tpu.memory_space<vmem>>
      %dma_start3A_362 = tpu.memref_squeeze %dma_start3A_361 : memref<1x32xi32, #tpu.memory_space<vmem>> -> memref<32xi32, #tpu.memory_space<vmem>>
      %dma_start3A_363 = arith.constant 0 : i32
      %dma_start3A_364 = arith.constant 0 : i32
      %dma_start3A_365 = tpu.memref_slice %arg2[%dma_start3A_363, %dma_start3A_364] : memref<8192x1024xf32, #tpu.memory_space<hbm>> -> memref<8192x1024xf32, #tpu.memory_space<hbm>>
      tpu.enqueue_indirect_dma source(%dma_start3A_365 : memref<8192x1024xf32, #tpu.memory_space<hbm>>) target(%arg12 : memref<32x1024xf32, #tpu.memory_space<vmem>>) offsets(%dma_start3A_362 : memref<32xi32, #tpu.memory_space<vmem>>) semaphore(%arg15 : memref<!tpu.dma_semaphore, #tpu.memory_space<semaphore_mem>>)
      %dma_wait3A_366 = arith.constant 7 : i32
      %dma_wait3A_367 = arith.constant 0 : i32
      %dma_wait3A_368 = tpu.memref_slice %arg8[%dma_wait3A_366, %dma_wait3A_367] : memref<16x32xi32, #tpu.memory_space<vmem>> -> memref<1x32xi32, #tpu.memory_space<vmem>>
      %dma_wait3A_369 = tpu.memref_squeeze %dma_wait3A_368 : memref<1x32xi32, #tpu.memory_space<vmem>> -> memref<32xi32, #tpu.memory_space<vmem>>
      %dma_wait3A_370 = arith.constant 0 : i32
      %dma_wait3A_371 = arith.constant 0 : i32
      %dma_wait3A_372 = tpu.memref_slice %arg2[%dma_wait3A_370, %dma_wait3A_371] : memref<8192x1024xf32, #tpu.memory_space<hbm>> -> memref<8192x1024xf32, #tpu.memory_space<hbm>>
      tpu.wait_indirect_dma semaphore(%arg16 : memref<!tpu.dma_semaphore, #tpu.memory_space<semaphore_mem>>) src(%dma_wait3A_372 : memref<8192x1024xf32, #tpu.memory_space<hbm>>) dst(%arg13 : memref<32x1024xf32, #tpu.memory_space<vmem>>)
      %slice3A_373 = vector.extract_strided_slice %get3A_4 {offsets = [7], sizes = [1], strides = [1]} : vector<16xi32> to vector<1xi32>
      %squeeze3A_374 = vector.extract %slice3A_373[0] : i32 from vector<1xi32>
      %gt3A_375 = arith.constant 0 : i32
      %gt3A_376 = arith.cmpi sgt, %squeeze3A_374, %gt3A_375 : i32
      %jit3A_377 = arith.constant 32 : i32
      %jit3A_378 = arith.constant 0 : i32
      %select_n3A_379 = arith.select %gt3A_376, %jit3A_377, %jit3A_378 : i32
      %while3A_380 = arith.constant 0 : i32
      %while3A_381 = arith.constant 0 : i32
      %while3A_382 = arith.subi %select_n3A_379, %while3A_381 : i32
      %while3A_383 = arith.addi %while3A_381, %while3A_382 : i32
      %while3A_384 = arith.constant 1 : i32
      %while3A_385 = arith.divsi %while3A_382, %while3A_384 : i32
      %while3A_386 = arith.muli %while3A_385, %while3A_384 : i32
      %while3A_387 = arith.addi %while3A_381, %while3A_386 : i32
      %while3A_388 = arith.constant 1 : i32
      scf.for %while3A_750 = %while3A_381 to %while3A_387 step %while3A_388  : i32 {
        %broadcast_in_dim3A_751 = arith.constant 7 : i32
        %broadcast_in_dim3A_752 = vector.broadcast %broadcast_in_dim3A_751 : i32 to vector<16xi32>
        %broadcast_in_dim3A_753 = vector.broadcast %while3A_750 : i32 to vector<16xi32>
        %gather3A = tpu.vector_load_idx %arg9[%broadcast_in_dim3A_752, %broadcast_in_dim3A_753] : memref<16x32xf32, #tpu.memory_space<vmem>>[vector<16xi32>, vector<16xi32>], vector<16xf32>,
        %scan3A = arith.constant 0 : i32
        %scan3A_754 = arith.constant 0 : i32
        %scan3A_755 = arith.constant 64 : i32
        %scan3A_756 = arith.addi %scan3A_754, %scan3A_755 : i32
        %scan3A_757 = arith.constant 1 : i32
        scf.for %scan3A_759 = %scan3A_754 to %scan3A_756 step %scan3A_757  : i32 {
          %mul3A_760 = arith.constant 16 : i32
          %mul3A_761 = arith.muli %scan3A_759, %mul3A_760 : i32
          %get3A_762 = arith.index_cast %while3A_750 : i32 to index
          %get3A_763 = arith.index_cast %mul3A_761 : i32 to index
          %get3A_764 = tpu.vector_load %arg13[%get3A_762, %get3A_763] {strides = array<i32>} : memref<32x1024xf32, #tpu.memory_space<vmem>>, vector<16xf32>,
          %mul3A_765 = arith.mulf %get3A_764, %gather3A : vector<16xf32>
          %swap3A = arith.index_cast %while3A_750 : i32 to index
          %swap3A_766 = arith.index_cast %mul3A_761 : i32 to index
          %swap3A_767 = tpu.vector_load %arg13[%swap3A, %swap3A_766] {strides = array<i32>} : memref<32x1024xf32, #tpu.memory_space<vmem>>, vector<16xf32>,
          tpu.vector_store %arg13[%swap3A, %swap3A_766], %mul3A_765 {strides = array<i32>} : memref<32x1024xf32, #tpu.memory_space<vmem>>, vector<16xf32>,
        }
        %scan3A_758 = arith.constant 64 : i32
      }
      %while3A_389 = arith.constant 1 : i32
      scf.for %while3A_750 = %while3A_387 to %while3A_383 step %while3A_389  : i32 {
        %broadcast_in_dim3A_751 = arith.constant 7 : i32
        %broadcast_in_dim3A_752 = vector.broadcast %broadcast_in_dim3A_751 : i32 to vector<16xi32>
        %broadcast_in_dim3A_753 = vector.broadcast %while3A_750 : i32 to vector<16xi32>
        %gather3A = tpu.vector_load_idx %arg9[%broadcast_in_dim3A_752, %broadcast_in_dim3A_753] : memref<16x32xf32, #tpu.memory_space<vmem>>[vector<16xi32>, vector<16xi32>], vector<16xf32>,
        %scan3A = arith.constant 0 : i32
        %scan3A_754 = arith.constant 0 : i32
        %scan3A_755 = arith.constant 64 : i32
        %scan3A_756 = arith.addi %scan3A_754, %scan3A_755 : i32
        %scan3A_757 = arith.constant 1 : i32
        scf.for %scan3A_759 = %scan3A_754 to %scan3A_756 step %scan3A_757  : i32 {
          %mul3A_760 = arith.constant 16 : i32
          %mul3A_761 = arith.muli %scan3A_759, %mul3A_760 : i32
          %get3A_762 = arith.index_cast %while3A_750 : i32 to index
          %get3A_763 = arith.index_cast %mul3A_761 : i32 to index
          %get3A_764 = tpu.vector_load %arg13[%get3A_762, %get3A_763] {strides = array<i32>} : memref<32x1024xf32, #tpu.memory_space<vmem>>, vector<16xf32>,
          %mul3A_765 = arith.mulf %get3A_764, %gather3A : vector<16xf32>
          %swap3A = arith.index_cast %while3A_750 : i32 to index
          %swap3A_766 = arith.index_cast %mul3A_761 : i32 to index
          %swap3A_767 = tpu.vector_load %arg13[%swap3A, %swap3A_766] {strides = array<i32>} : memref<32x1024xf32, #tpu.memory_space<vmem>>, vector<16xf32>,
          tpu.vector_store %arg13[%swap3A, %swap3A_766], %mul3A_765 {strides = array<i32>} : memref<32x1024xf32, #tpu.memory_space<vmem>>, vector<16xf32>,
        }
        %scan3A_758 = arith.constant 64 : i32
      }
      %mul3A_390 = arith.constant 128 : i32
      %mul3A_391 = arith.muli %add3A, %mul3A_390 : i32
      %add3A_392 = arith.constant 4096 : i32
      %add3A_393 = arith.addi %add3A_392, %mul3A_391 : i32
      %add3A_394 = arith.constant 96 : i32
      %add3A_395 = arith.addi %add3A_393, %add3A_394 : i32
      %dma_start3A_396 = arith.constant 0 : i32
      %dma_start3A_397 = tpu.memref_slice %arg7[%add3A_395, %dma_start3A_396] : memref<16384x1024xf32, #tpu.memory_space<hbm>> -> memref<32x1024xf32, #tpu.memory_space<hbm>>
      %dma_start3A_398 = arith.constant 0 : i32
      %dma_start3A_399 = tpu.memref_slice %arg7[%add3A_395, %dma_start3A_398] : memref<16384x1024xf32, #tpu.memory_space<hbm>> -> memref<32x1024xf32, #tpu.memory_space<hbm>>
      tpu.enqueue_dma source(%arg13 : memref<32x1024xf32, #tpu.memory_space<vmem>>) target(%dma_start3A_399 : memref<32x1024xf32, #tpu.memory_space<hbm>>) target_semaphore(%arg19 : memref<!tpu.dma_semaphore, #tpu.memory_space<semaphore_mem>>)
      %dma_wait3A_400 = arith.constant 0 : i32
      %dma_wait3A_401 = tpu.memref_slice %arg7[%add3A_395, %dma_wait3A_400] : memref<16384x1024xf32, #tpu.memory_space<hbm>> -> memref<32x1024xf32, #tpu.memory_space<hbm>>
      %dma_wait3A_402 = arith.constant 0 : i32
      %dma_wait3A_403 = tpu.memref_slice %arg7[%add3A_395, %dma_wait3A_402] : memref<16384x1024xf32, #tpu.memory_space<hbm>> -> memref<32x1024xf32, #tpu.memory_space<hbm>>
      tpu.wait_dma2 semaphore(%arg19 : memref<!tpu.dma_semaphore, #tpu.memory_space<semaphore_mem>>) src(%arg13 : memref<32x1024xf32, #tpu.memory_space<vmem>>) dst(%dma_wait3A_403 : memref<32x1024xf32, #tpu.memory_space<hbm>>)
      %dma_start3A_404 = arith.constant 10 : i32
      %dma_start3A_405 = arith.constant 0 : i32
      %dma_start3A_406 = tpu.memref_slice %arg8[%dma_start3A_404, %dma_start3A_405] : memref<16x32xi32, #tpu.memory_space<vmem>> -> memref<1x32xi32, #tpu.memory_space<vmem>>
      %dma_start3A_407 = tpu.memref_squeeze %dma_start3A_406 : memref<1x32xi32, #tpu.memory_space<vmem>> -> memref<32xi32, #tpu.memory_space<vmem>>
      %dma_start3A_408 = arith.constant 0 : i32
      %dma_start3A_409 = arith.constant 0 : i32
      %dma_start3A_410 = tpu.memref_slice %arg2[%dma_start3A_408, %dma_start3A_409] : memref<8192x1024xf32, #tpu.memory_space<hbm>> -> memref<8192x1024xf32, #tpu.memory_space<hbm>>
      tpu.enqueue_indirect_dma source(%dma_start3A_410 : memref<8192x1024xf32, #tpu.memory_space<hbm>>) target(%arg13 : memref<32x1024xf32, #tpu.memory_space<vmem>>) offsets(%dma_start3A_407 : memref<32xi32, #tpu.memory_space<vmem>>) semaphore(%arg16 : memref<!tpu.dma_semaphore, #tpu.memory_space<semaphore_mem>>)
      %dma_wait3A_411 = arith.constant 8 : i32
      %dma_wait3A_412 = arith.constant 0 : i32
      %dma_wait3A_413 = tpu.memref_slice %arg8[%dma_wait3A_411, %dma_wait3A_412] : memref<16x32xi32, #tpu.memory_space<vmem>> -> memref<1x32xi32, #tpu.memory_space<vmem>>
      %dma_wait3A_414 = tpu.memref_squeeze %dma_wait3A_413 : memref<1x32xi32, #tpu.memory_space<vmem>> -> memref<32xi32, #tpu.memory_space<vmem>>
      %dma_wait3A_415 = arith.constant 0 : i32
      %dma_wait3A_416 = arith.constant 0 : i32
      %dma_wait3A_417 = tpu.memref_slice %arg2[%dma_wait3A_415, %dma_wait3A_416] : memref<8192x1024xf32, #tpu.memory_space<hbm>> -> memref<8192x1024xf32, #tpu.memory_space<hbm>>
      tpu.wait_indirect_dma semaphore(%arg17 : memref<!tpu.dma_semaphore, #tpu.memory_space<semaphore_mem>>) src(%dma_wait3A_417 : memref<8192x1024xf32, #tpu.memory_space<hbm>>) dst(%arg14 : memref<32x1024xf32, #tpu.memory_space<vmem>>)
      %slice3A_418 = vector.extract_strided_slice %get3A_4 {offsets = [8], sizes = [1], strides = [1]} : vector<16xi32> to vector<1xi32>
      %squeeze3A_419 = vector.extract %slice3A_418[0] : i32 from vector<1xi32>
      %gt3A_420 = arith.constant 0 : i32
      %gt3A_421 = arith.cmpi sgt, %squeeze3A_419, %gt3A_420 : i32
      %jit3A_422 = arith.constant 32 : i32
      %jit3A_423 = arith.constant 0 : i32
      %select_n3A_424 = arith.select %gt3A_421, %jit3A_422, %jit3A_423 : i32
      %while3A_425 = arith.constant 0 : i32
      %while3A_426 = arith.constant 0 : i32
      %while3A_427 = arith.subi %select_n3A_424, %while3A_426 : i32
      %while3A_428 = arith.addi %while3A_426, %while3A_427 : i32
      %while3A_429 = arith.constant 1 : i32
      %while3A_430 = arith.divsi %while3A_427, %while3A_429 : i32
      %while3A_431 = arith.muli %while3A_430, %while3A_429 : i32
      %while3A_432 = arith.addi %while3A_426, %while3A_431 : i32
      %while3A_433 = arith.constant 1 : i32
      scf.for %while3A_750 = %while3A_426 to %while3A_432 step %while3A_433  : i32 {
        %broadcast_in_dim3A_751 = arith.constant 8 : i32
        %broadcast_in_dim3A_752 = vector.broadcast %broadcast_in_dim3A_751 : i32 to vector<16xi32>
        %broadcast_in_dim3A_753 = vector.broadcast %while3A_750 : i32 to vector<16xi32>
        %gather3A = tpu.vector_load_idx %arg9[%broadcast_in_dim3A_752, %broadcast_in_dim3A_753] : memref<16x32xf32, #tpu.memory_space<vmem>>[vector<16xi32>, vector<16xi32>], vector<16xf32>,
        %scan3A = arith.constant 0 : i32
        %scan3A_754 = arith.constant 0 : i32
        %scan3A_755 = arith.constant 64 : i32
        %scan3A_756 = arith.addi %scan3A_754, %scan3A_755 : i32
        %scan3A_757 = arith.constant 1 : i32
        scf.for %scan3A_759 = %scan3A_754 to %scan3A_756 step %scan3A_757  : i32 {
          %mul3A_760 = arith.constant 16 : i32
          %mul3A_761 = arith.muli %scan3A_759, %mul3A_760 : i32
          %get3A_762 = arith.index_cast %while3A_750 : i32 to index
          %get3A_763 = arith.index_cast %mul3A_761 : i32 to index
          %get3A_764 = tpu.vector_load %arg14[%get3A_762, %get3A_763] {strides = array<i32>} : memref<32x1024xf32, #tpu.memory_space<vmem>>, vector<16xf32>,
          %mul3A_765 = arith.mulf %get3A_764, %gather3A : vector<16xf32>
          %swap3A = arith.index_cast %while3A_750 : i32 to index
          %swap3A_766 = arith.index_cast %mul3A_761 : i32 to index
          %swap3A_767 = tpu.vector_load %arg14[%swap3A, %swap3A_766] {strides = array<i32>} : memref<32x1024xf32, #tpu.memory_space<vmem>>, vector<16xf32>,
          tpu.vector_store %arg14[%swap3A, %swap3A_766], %mul3A_765 {strides = array<i32>} : memref<32x1024xf32, #tpu.memory_space<vmem>>, vector<16xf32>,
        }
        %scan3A_758 = arith.constant 64 : i32
      }
      %while3A_434 = arith.constant 1 : i32
      scf.for %while3A_750 = %while3A_432 to %while3A_428 step %while3A_434  : i32 {
        %broadcast_in_dim3A_751 = arith.constant 8 : i32
        %broadcast_in_dim3A_752 = vector.broadcast %broadcast_in_dim3A_751 : i32 to vector<16xi32>
        %broadcast_in_dim3A_753 = vector.broadcast %while3A_750 : i32 to vector<16xi32>
        %gather3A = tpu.vector_load_idx %arg9[%broadcast_in_dim3A_752, %broadcast_in_dim3A_753] : memref<16x32xf32, #tpu.memory_space<vmem>>[vector<16xi32>, vector<16xi32>], vector<16xf32>,
        %scan3A = arith.constant 0 : i32
        %scan3A_754 = arith.constant 0 : i32
        %scan3A_755 = arith.constant 64 : i32
        %scan3A_756 = arith.addi %scan3A_754, %scan3A_755 : i32
        %scan3A_757 = arith.constant 1 : i32
        scf.for %scan3A_759 = %scan3A_754 to %scan3A_756 step %scan3A_757  : i32 {
          %mul3A_760 = arith.constant 16 : i32
          %mul3A_761 = arith.muli %scan3A_759, %mul3A_760 : i32
          %get3A_762 = arith.index_cast %while3A_750 : i32 to index
          %get3A_763 = arith.index_cast %mul3A_761 : i32 to index
          %get3A_764 = tpu.vector_load %arg14[%get3A_762, %get3A_763] {strides = array<i32>} : memref<32x1024xf32, #tpu.memory_space<vmem>>, vector<16xf32>,
          %mul3A_765 = arith.mulf %get3A_764, %gather3A : vector<16xf32>
          %swap3A = arith.index_cast %while3A_750 : i32 to index
          %swap3A_766 = arith.index_cast %mul3A_761 : i32 to index
          %swap3A_767 = tpu.vector_load %arg14[%swap3A, %swap3A_766] {strides = array<i32>} : memref<32x1024xf32, #tpu.memory_space<vmem>>, vector<16xf32>,
          tpu.vector_store %arg14[%swap3A, %swap3A_766], %mul3A_765 {strides = array<i32>} : memref<32x1024xf32, #tpu.memory_space<vmem>>, vector<16xf32>,
        }
        %scan3A_758 = arith.constant 64 : i32
      }
      %mul3A_435 = arith.constant 128 : i32
      %mul3A_436 = arith.muli %add3A, %mul3A_435 : i32
      %add3A_437 = arith.constant 8192 : i32
      %add3A_438 = arith.addi %add3A_437, %mul3A_436 : i32
      %add3A_439 = arith.constant 0 : i32
      %add3A_440 = arith.addi %add3A_438, %add3A_439 : i32
      %dma_start3A_441 = arith.constant 0 : i32
      %dma_start3A_442 = tpu.memref_slice %arg7[%add3A_440, %dma_start3A_441] : memref<16384x1024xf32, #tpu.memory_space<hbm>> -> memref<32x1024xf32, #tpu.memory_space<hbm>>
      %dma_start3A_443 = arith.constant 0 : i32
      %dma_start3A_444 = tpu.memref_slice %arg7[%add3A_440, %dma_start3A_443] : memref<16384x1024xf32, #tpu.memory_space<hbm>> -> memref<32x1024xf32, #tpu.memory_space<hbm>>
      tpu.enqueue_dma source(%arg14 : memref<32x1024xf32, #tpu.memory_space<vmem>>) target(%dma_start3A_444 : memref<32x1024xf32, #tpu.memory_space<hbm>>) target_semaphore(%arg20 : memref<!tpu.dma_semaphore, #tpu.memory_space<semaphore_mem>>)
      %dma_wait3A_445 = arith.constant 0 : i32
      %dma_wait3A_446 = tpu.memref_slice %arg7[%add3A_440, %dma_wait3A_445] : memref<16384x1024xf32, #tpu.memory_space<hbm>> -> memref<32x1024xf32, #tpu.memory_space<hbm>>
      %dma_wait3A_447 = arith.constant 0 : i32
      %dma_wait3A_448 = tpu.memref_slice %arg7[%add3A_440, %dma_wait3A_447] : memref<16384x1024xf32, #tpu.memory_space<hbm>> -> memref<32x1024xf32, #tpu.memory_space<hbm>>
      tpu.wait_dma2 semaphore(%arg20 : memref<!tpu.dma_semaphore, #tpu.memory_space<semaphore_mem>>) src(%arg14 : memref<32x1024xf32, #tpu.memory_space<vmem>>) dst(%dma_wait3A_448 : memref<32x1024xf32, #tpu.memory_space<hbm>>)
      %dma_start3A_449 = arith.constant 11 : i32
      %dma_start3A_450 = arith.constant 0 : i32
      %dma_start3A_451 = tpu.memref_slice %arg8[%dma_start3A_449, %dma_start3A_450] : memref<16x32xi32, #tpu.memory_space<vmem>> -> memref<1x32xi32, #tpu.memory_space<vmem>>
      %dma_start3A_452 = tpu.memref_squeeze %dma_start3A_451 : memref<1x32xi32, #tpu.memory_space<vmem>> -> memref<32xi32, #tpu.memory_space<vmem>>
      %dma_start3A_453 = arith.constant 0 : i32
      %dma_start3A_454 = arith.constant 0 : i32
      %dma_start3A_455 = tpu.memref_slice %arg2[%dma_start3A_453, %dma_start3A_454] : memref<8192x1024xf32, #tpu.memory_space<hbm>> -> memref<8192x1024xf32, #tpu.memory_space<hbm>>
      tpu.enqueue_indirect_dma source(%dma_start3A_455 : memref<8192x1024xf32, #tpu.memory_space<hbm>>) target(%arg14 : memref<32x1024xf32, #tpu.memory_space<vmem>>) offsets(%dma_start3A_452 : memref<32xi32, #tpu.memory_space<vmem>>) semaphore(%arg17 : memref<!tpu.dma_semaphore, #tpu.memory_space<semaphore_mem>>)
      %dma_wait3A_456 = arith.constant 9 : i32
      %dma_wait3A_457 = arith.constant 0 : i32
      %dma_wait3A_458 = tpu.memref_slice %arg8[%dma_wait3A_456, %dma_wait3A_457] : memref<16x32xi32, #tpu.memory_space<vmem>> -> memref<1x32xi32, #tpu.memory_space<vmem>>
      %dma_wait3A_459 = tpu.memref_squeeze %dma_wait3A_458 : memref<1x32xi32, #tpu.memory_space<vmem>> -> memref<32xi32, #tpu.memory_space<vmem>>
      %dma_wait3A_460 = arith.constant 0 : i32
      %dma_wait3A_461 = arith.constant 0 : i32
      %dma_wait3A_462 = tpu.memref_slice %arg2[%dma_wait3A_460, %dma_wait3A_461] : memref<8192x1024xf32, #tpu.memory_space<hbm>> -> memref<8192x1024xf32, #tpu.memory_space<hbm>>
      tpu.wait_indirect_dma semaphore(%arg15 : memref<!tpu.dma_semaphore, #tpu.memory_space<semaphore_mem>>) src(%dma_wait3A_462 : memref<8192x1024xf32, #tpu.memory_space<hbm>>) dst(%arg12 : memref<32x1024xf32, #tpu.memory_space<vmem>>)
      %slice3A_463 = vector.extract_strided_slice %get3A_4 {offsets = [9], sizes = [1], strides = [1]} : vector<16xi32> to vector<1xi32>
      %squeeze3A_464 = vector.extract %slice3A_463[0] : i32 from vector<1xi32>
      %gt3A_465 = arith.constant 0 : i32
      %gt3A_466 = arith.cmpi sgt, %squeeze3A_464, %gt3A_465 : i32
      %jit3A_467 = arith.constant 32 : i32
      %jit3A_468 = arith.constant 0 : i32
      %select_n3A_469 = arith.select %gt3A_466, %jit3A_467, %jit3A_468 : i32
      %while3A_470 = arith.constant 0 : i32
      %while3A_471 = arith.constant 0 : i32
      %while3A_472 = arith.subi %select_n3A_469, %while3A_471 : i32
      %while3A_473 = arith.addi %while3A_471, %while3A_472 : i32
      %while3A_474 = arith.constant 1 : i32
      %while3A_475 = arith.divsi %while3A_472, %while3A_474 : i32
      %while3A_476 = arith.muli %while3A_475, %while3A_474 : i32
      %while3A_477 = arith.addi %while3A_471, %while3A_476 : i32
      %while3A_478 = arith.constant 1 : i32
      scf.for %while3A_750 = %while3A_471 to %while3A_477 step %while3A_478  : i32 {
        %broadcast_in_dim3A_751 = arith.constant 9 : i32
        %broadcast_in_dim3A_752 = vector.broadcast %broadcast_in_dim3A_751 : i32 to vector<16xi32>
        %broadcast_in_dim3A_753 = vector.broadcast %while3A_750 : i32 to vector<16xi32>
        %gather3A = tpu.vector_load_idx %arg9[%broadcast_in_dim3A_752, %broadcast_in_dim3A_753] : memref<16x32xf32, #tpu.memory_space<vmem>>[vector<16xi32>, vector<16xi32>], vector<16xf32>,
        %scan3A = arith.constant 0 : i32
        %scan3A_754 = arith.constant 0 : i32
        %scan3A_755 = arith.constant 64 : i32
        %scan3A_756 = arith.addi %scan3A_754, %scan3A_755 : i32
        %scan3A_757 = arith.constant 1 : i32
        scf.for %scan3A_759 = %scan3A_754 to %scan3A_756 step %scan3A_757  : i32 {
          %mul3A_760 = arith.constant 16 : i32
          %mul3A_761 = arith.muli %scan3A_759, %mul3A_760 : i32
          %get3A_762 = arith.index_cast %while3A_750 : i32 to index
          %get3A_763 = arith.index_cast %mul3A_761 : i32 to index
          %get3A_764 = tpu.vector_load %arg12[%get3A_762, %get3A_763] {strides = array<i32>} : memref<32x1024xf32, #tpu.memory_space<vmem>>, vector<16xf32>,
          %mul3A_765 = arith.mulf %get3A_764, %gather3A : vector<16xf32>
          %swap3A = arith.index_cast %while3A_750 : i32 to index
          %swap3A_766 = arith.index_cast %mul3A_761 : i32 to index
          %swap3A_767 = tpu.vector_load %arg12[%swap3A, %swap3A_766] {strides = array<i32>} : memref<32x1024xf32, #tpu.memory_space<vmem>>, vector<16xf32>,
          tpu.vector_store %arg12[%swap3A, %swap3A_766], %mul3A_765 {strides = array<i32>} : memref<32x1024xf32, #tpu.memory_space<vmem>>, vector<16xf32>,
        }
        %scan3A_758 = arith.constant 64 : i32
      }
      %while3A_479 = arith.constant 1 : i32
      scf.for %while3A_750 = %while3A_477 to %while3A_473 step %while3A_479  : i32 {
        %broadcast_in_dim3A_751 = arith.constant 9 : i32
        %broadcast_in_dim3A_752 = vector.broadcast %broadcast_in_dim3A_751 : i32 to vector<16xi32>
        %broadcast_in_dim3A_753 = vector.broadcast %while3A_750 : i32 to vector<16xi32>
        %gather3A = tpu.vector_load_idx %arg9[%broadcast_in_dim3A_752, %broadcast_in_dim3A_753] : memref<16x32xf32, #tpu.memory_space<vmem>>[vector<16xi32>, vector<16xi32>], vector<16xf32>,
        %scan3A = arith.constant 0 : i32
        %scan3A_754 = arith.constant 0 : i32
        %scan3A_755 = arith.constant 64 : i32
        %scan3A_756 = arith.addi %scan3A_754, %scan3A_755 : i32
        %scan3A_757 = arith.constant 1 : i32
        scf.for %scan3A_759 = %scan3A_754 to %scan3A_756 step %scan3A_757  : i32 {
          %mul3A_760 = arith.constant 16 : i32
          %mul3A_761 = arith.muli %scan3A_759, %mul3A_760 : i32
          %get3A_762 = arith.index_cast %while3A_750 : i32 to index
          %get3A_763 = arith.index_cast %mul3A_761 : i32 to index
          %get3A_764 = tpu.vector_load %arg12[%get3A_762, %get3A_763] {strides = array<i32>} : memref<32x1024xf32, #tpu.memory_space<vmem>>, vector<16xf32>,
          %mul3A_765 = arith.mulf %get3A_764, %gather3A : vector<16xf32>
          %swap3A = arith.index_cast %while3A_750 : i32 to index
          %swap3A_766 = arith.index_cast %mul3A_761 : i32 to index
          %swap3A_767 = tpu.vector_load %arg12[%swap3A, %swap3A_766] {strides = array<i32>} : memref<32x1024xf32, #tpu.memory_space<vmem>>, vector<16xf32>,
          tpu.vector_store %arg12[%swap3A, %swap3A_766], %mul3A_765 {strides = array<i32>} : memref<32x1024xf32, #tpu.memory_space<vmem>>, vector<16xf32>,
        }
        %scan3A_758 = arith.constant 64 : i32
      }
      %mul3A_480 = arith.constant 128 : i32
      %mul3A_481 = arith.muli %add3A, %mul3A_480 : i32
      %add3A_482 = arith.constant 8192 : i32
      %add3A_483 = arith.addi %add3A_482, %mul3A_481 : i32
      %add3A_484 = arith.constant 32 : i32
      %add3A_485 = arith.addi %add3A_483, %add3A_484 : i32
      %dma_start3A_486 = arith.constant 0 : i32
      %dma_start3A_487 = tpu.memref_slice %arg7[%add3A_485, %dma_start3A_486] : memref<16384x1024xf32, #tpu.memory_space<hbm>> -> memref<32x1024xf32, #tpu.memory_space<hbm>>
      %dma_start3A_488 = arith.constant 0 : i32
      %dma_start3A_489 = tpu.memref_slice %arg7[%add3A_485, %dma_start3A_488] : memref<16384x1024xf32, #tpu.memory_space<hbm>> -> memref<32x1024xf32, #tpu.memory_space<hbm>>
      tpu.enqueue_dma source(%arg12 : memref<32x1024xf32, #tpu.memory_space<vmem>>) target(%dma_start3A_489 : memref<32x1024xf32, #tpu.memory_space<hbm>>) target_semaphore(%arg18 : memref<!tpu.dma_semaphore, #tpu.memory_space<semaphore_mem>>)
      %dma_wait3A_490 = arith.constant 0 : i32
      %dma_wait3A_491 = tpu.memref_slice %arg7[%add3A_485, %dma_wait3A_490] : memref<16384x1024xf32, #tpu.memory_space<hbm>> -> memref<32x1024xf32, #tpu.memory_space<hbm>>
      %dma_wait3A_492 = arith.constant 0 : i32
      %dma_wait3A_493 = tpu.memref_slice %arg7[%add3A_485, %dma_wait3A_492] : memref<16384x1024xf32, #tpu.memory_space<hbm>> -> memref<32x1024xf32, #tpu.memory_space<hbm>>
      tpu.wait_dma2 semaphore(%arg18 : memref<!tpu.dma_semaphore, #tpu.memory_space<semaphore_mem>>) src(%arg12 : memref<32x1024xf32, #tpu.memory_space<vmem>>) dst(%dma_wait3A_493 : memref<32x1024xf32, #tpu.memory_space<hbm>>)
      %dma_start3A_494 = arith.constant 12 : i32
      %dma_start3A_495 = arith.constant 0 : i32
      %dma_start3A_496 = tpu.memref_slice %arg8[%dma_start3A_494, %dma_start3A_495] : memref<16x32xi32, #tpu.memory_space<vmem>> -> memref<1x32xi32, #tpu.memory_space<vmem>>
      %dma_start3A_497 = tpu.memref_squeeze %dma_start3A_496 : memref<1x32xi32, #tpu.memory_space<vmem>> -> memref<32xi32, #tpu.memory_space<vmem>>
      %dma_start3A_498 = arith.constant 0 : i32
      %dma_start3A_499 = arith.constant 0 : i32
      %dma_start3A_500 = tpu.memref_slice %arg2[%dma_start3A_498, %dma_start3A_499] : memref<8192x1024xf32, #tpu.memory_space<hbm>> -> memref<8192x1024xf32, #tpu.memory_space<hbm>>
      tpu.enqueue_indirect_dma source(%dma_start3A_500 : memref<8192x1024xf32, #tpu.memory_space<hbm>>) target(%arg12 : memref<32x1024xf32, #tpu.memory_space<vmem>>) offsets(%dma_start3A_497 : memref<32xi32, #tpu.memory_space<vmem>>) semaphore(%arg15 : memref<!tpu.dma_semaphore, #tpu.memory_space<semaphore_mem>>)
      %dma_wait3A_501 = arith.constant 10 : i32
      %dma_wait3A_502 = arith.constant 0 : i32
      %dma_wait3A_503 = tpu.memref_slice %arg8[%dma_wait3A_501, %dma_wait3A_502] : memref<16x32xi32, #tpu.memory_space<vmem>> -> memref<1x32xi32, #tpu.memory_space<vmem>>
      %dma_wait3A_504 = tpu.memref_squeeze %dma_wait3A_503 : memref<1x32xi32, #tpu.memory_space<vmem>> -> memref<32xi32, #tpu.memory_space<vmem>>
      %dma_wait3A_505 = arith.constant 0 : i32
      %dma_wait3A_506 = arith.constant 0 : i32
      %dma_wait3A_507 = tpu.memref_slice %arg2[%dma_wait3A_505, %dma_wait3A_506] : memref<8192x1024xf32, #tpu.memory_space<hbm>> -> memref<8192x1024xf32, #tpu.memory_space<hbm>>
      tpu.wait_indirect_dma semaphore(%arg16 : memref<!tpu.dma_semaphore, #tpu.memory_space<semaphore_mem>>) src(%dma_wait3A_507 : memref<8192x1024xf32, #tpu.memory_space<hbm>>) dst(%arg13 : memref<32x1024xf32, #tpu.memory_space<vmem>>)
      %slice3A_508 = vector.extract_strided_slice %get3A_4 {offsets = [10], sizes = [1], strides = [1]} : vector<16xi32> to vector<1xi32>
      %squeeze3A_509 = vector.extract %slice3A_508[0] : i32 from vector<1xi32>
      %gt3A_510 = arith.constant 0 : i32
      %gt3A_511 = arith.cmpi sgt, %squeeze3A_509, %gt3A_510 : i32
      %jit3A_512 = arith.constant 32 : i32
      %jit3A_513 = arith.constant 0 : i32
      %select_n3A_514 = arith.select %gt3A_511, %jit3A_512, %jit3A_513 : i32
      %while3A_515 = arith.constant 0 : i32
      %while3A_516 = arith.constant 0 : i32
      %while3A_517 = arith.subi %select_n3A_514, %while3A_516 : i32
      %while3A_518 = arith.addi %while3A_516, %while3A_517 : i32
      %while3A_519 = arith.constant 1 : i32
      %while3A_520 = arith.divsi %while3A_517, %while3A_519 : i32
      %while3A_521 = arith.muli %while3A_520, %while3A_519 : i32
      %while3A_522 = arith.addi %while3A_516, %while3A_521 : i32
      %while3A_523 = arith.constant 1 : i32
      scf.for %while3A_750 = %while3A_516 to %while3A_522 step %while3A_523  : i32 {
        %broadcast_in_dim3A_751 = arith.constant 10 : i32
        %broadcast_in_dim3A_752 = vector.broadcast %broadcast_in_dim3A_751 : i32 to vector<16xi32>
        %broadcast_in_dim3A_753 = vector.broadcast %while3A_750 : i32 to vector<16xi32>
        %gather3A = tpu.vector_load_idx %arg9[%broadcast_in_dim3A_752, %broadcast_in_dim3A_753] : memref<16x32xf32, #tpu.memory_space<vmem>>[vector<16xi32>, vector<16xi32>], vector<16xf32>,
        %scan3A = arith.constant 0 : i32
        %scan3A_754 = arith.constant 0 : i32
        %scan3A_755 = arith.constant 64 : i32
        %scan3A_756 = arith.addi %scan3A_754, %scan3A_755 : i32
        %scan3A_757 = arith.constant 1 : i32
        scf.for %scan3A_759 = %scan3A_754 to %scan3A_756 step %scan3A_757  : i32 {
          %mul3A_760 = arith.constant 16 : i32
          %mul3A_761 = arith.muli %scan3A_759, %mul3A_760 : i32
          %get3A_762 = arith.index_cast %while3A_750 : i32 to index
          %get3A_763 = arith.index_cast %mul3A_761 : i32 to index
          %get3A_764 = tpu.vector_load %arg13[%get3A_762, %get3A_763] {strides = array<i32>} : memref<32x1024xf32, #tpu.memory_space<vmem>>, vector<16xf32>,
          %mul3A_765 = arith.mulf %get3A_764, %gather3A : vector<16xf32>
          %swap3A = arith.index_cast %while3A_750 : i32 to index
          %swap3A_766 = arith.index_cast %mul3A_761 : i32 to index
          %swap3A_767 = tpu.vector_load %arg13[%swap3A, %swap3A_766] {strides = array<i32>} : memref<32x1024xf32, #tpu.memory_space<vmem>>, vector<16xf32>,
          tpu.vector_store %arg13[%swap3A, %swap3A_766], %mul3A_765 {strides = array<i32>} : memref<32x1024xf32, #tpu.memory_space<vmem>>, vector<16xf32>,
        }
        %scan3A_758 = arith.constant 64 : i32
      }
      %while3A_524 = arith.constant 1 : i32
      scf.for %while3A_750 = %while3A_522 to %while3A_518 step %while3A_524  : i32 {
        %broadcast_in_dim3A_751 = arith.constant 10 : i32
        %broadcast_in_dim3A_752 = vector.broadcast %broadcast_in_dim3A_751 : i32 to vector<16xi32>
        %broadcast_in_dim3A_753 = vector.broadcast %while3A_750 : i32 to vector<16xi32>
        %gather3A = tpu.vector_load_idx %arg9[%broadcast_in_dim3A_752, %broadcast_in_dim3A_753] : memref<16x32xf32, #tpu.memory_space<vmem>>[vector<16xi32>, vector<16xi32>], vector<16xf32>,
        %scan3A = arith.constant 0 : i32
        %scan3A_754 = arith.constant 0 : i32
        %scan3A_755 = arith.constant 64 : i32
        %scan3A_756 = arith.addi %scan3A_754, %scan3A_755 : i32
        %scan3A_757 = arith.constant 1 : i32
        scf.for %scan3A_759 = %scan3A_754 to %scan3A_756 step %scan3A_757  : i32 {
          %mul3A_760 = arith.constant 16 : i32
          %mul3A_761 = arith.muli %scan3A_759, %mul3A_760 : i32
          %get3A_762 = arith.index_cast %while3A_750 : i32 to index
          %get3A_763 = arith.index_cast %mul3A_761 : i32 to index
          %get3A_764 = tpu.vector_load %arg13[%get3A_762, %get3A_763] {strides = array<i32>} : memref<32x1024xf32, #tpu.memory_space<vmem>>, vector<16xf32>,
          %mul3A_765 = arith.mulf %get3A_764, %gather3A : vector<16xf32>
          %swap3A = arith.index_cast %while3A_750 : i32 to index
          %swap3A_766 = arith.index_cast %mul3A_761 : i32 to index
          %swap3A_767 = tpu.vector_load %arg13[%swap3A, %swap3A_766] {strides = array<i32>} : memref<32x1024xf32, #tpu.memory_space<vmem>>, vector<16xf32>,
          tpu.vector_store %arg13[%swap3A, %swap3A_766], %mul3A_765 {strides = array<i32>} : memref<32x1024xf32, #tpu.memory_space<vmem>>, vector<16xf32>,
        }
        %scan3A_758 = arith.constant 64 : i32
      }
      %mul3A_525 = arith.constant 128 : i32
      %mul3A_526 = arith.muli %add3A, %mul3A_525 : i32
      %add3A_527 = arith.constant 8192 : i32
      %add3A_528 = arith.addi %add3A_527, %mul3A_526 : i32
      %add3A_529 = arith.constant 64 : i32
      %add3A_530 = arith.addi %add3A_528, %add3A_529 : i32
      %dma_start3A_531 = arith.constant 0 : i32
      %dma_start3A_532 = tpu.memref_slice %arg7[%add3A_530, %dma_start3A_531] : memref<16384x1024xf32, #tpu.memory_space<hbm>> -> memref<32x1024xf32, #tpu.memory_space<hbm>>
      %dma_start3A_533 = arith.constant 0 : i32
      %dma_start3A_534 = tpu.memref_slice %arg7[%add3A_530, %dma_start3A_533] : memref<16384x1024xf32, #tpu.memory_space<hbm>> -> memref<32x1024xf32, #tpu.memory_space<hbm>>
      tpu.enqueue_dma source(%arg13 : memref<32x1024xf32, #tpu.memory_space<vmem>>) target(%dma_start3A_534 : memref<32x1024xf32, #tpu.memory_space<hbm>>) target_semaphore(%arg19 : memref<!tpu.dma_semaphore, #tpu.memory_space<semaphore_mem>>)
      %dma_wait3A_535 = arith.constant 0 : i32
      %dma_wait3A_536 = tpu.memref_slice %arg7[%add3A_530, %dma_wait3A_535] : memref<16384x1024xf32, #tpu.memory_space<hbm>> -> memref<32x1024xf32, #tpu.memory_space<hbm>>
      %dma_wait3A_537 = arith.constant 0 : i32
      %dma_wait3A_538 = tpu.memref_slice %arg7[%add3A_530, %dma_wait3A_537] : memref<16384x1024xf32, #tpu.memory_space<hbm>> -> memref<32x1024xf32, #tpu.memory_space<hbm>>
      tpu.wait_dma2 semaphore(%arg19 : memref<!tpu.dma_semaphore, #tpu.memory_space<semaphore_mem>>) src(%arg13 : memref<32x1024xf32, #tpu.memory_space<vmem>>) dst(%dma_wait3A_538 : memref<32x1024xf32, #tpu.memory_space<hbm>>)
      %dma_start3A_539 = arith.constant 13 : i32
      %dma_start3A_540 = arith.constant 0 : i32
      %dma_start3A_541 = tpu.memref_slice %arg8[%dma_start3A_539, %dma_start3A_540] : memref<16x32xi32, #tpu.memory_space<vmem>> -> memref<1x32xi32, #tpu.memory_space<vmem>>
      %dma_start3A_542 = tpu.memref_squeeze %dma_start3A_541 : memref<1x32xi32, #tpu.memory_space<vmem>> -> memref<32xi32, #tpu.memory_space<vmem>>
      %dma_start3A_543 = arith.constant 0 : i32
      %dma_start3A_544 = arith.constant 0 : i32
      %dma_start3A_545 = tpu.memref_slice %arg2[%dma_start3A_543, %dma_start3A_544] : memref<8192x1024xf32, #tpu.memory_space<hbm>> -> memref<8192x1024xf32, #tpu.memory_space<hbm>>
      tpu.enqueue_indirect_dma source(%dma_start3A_545 : memref<8192x1024xf32, #tpu.memory_space<hbm>>) target(%arg13 : memref<32x1024xf32, #tpu.memory_space<vmem>>) offsets(%dma_start3A_542 : memref<32xi32, #tpu.memory_space<vmem>>) semaphore(%arg16 : memref<!tpu.dma_semaphore, #tpu.memory_space<semaphore_mem>>)
      %dma_wait3A_546 = arith.constant 11 : i32
      %dma_wait3A_547 = arith.constant 0 : i32
      %dma_wait3A_548 = tpu.memref_slice %arg8[%dma_wait3A_546, %dma_wait3A_547] : memref<16x32xi32, #tpu.memory_space<vmem>> -> memref<1x32xi32, #tpu.memory_space<vmem>>
      %dma_wait3A_549 = tpu.memref_squeeze %dma_wait3A_548 : memref<1x32xi32, #tpu.memory_space<vmem>> -> memref<32xi32, #tpu.memory_space<vmem>>
      %dma_wait3A_550 = arith.constant 0 : i32
      %dma_wait3A_551 = arith.constant 0 : i32
      %dma_wait3A_552 = tpu.memref_slice %arg2[%dma_wait3A_550, %dma_wait3A_551] : memref<8192x1024xf32, #tpu.memory_space<hbm>> -> memref<8192x1024xf32, #tpu.memory_space<hbm>>
      tpu.wait_indirect_dma semaphore(%arg17 : memref<!tpu.dma_semaphore, #tpu.memory_space<semaphore_mem>>) src(%dma_wait3A_552 : memref<8192x1024xf32, #tpu.memory_space<hbm>>) dst(%arg14 : memref<32x1024xf32, #tpu.memory_space<vmem>>)
      %slice3A_553 = vector.extract_strided_slice %get3A_4 {offsets = [11], sizes = [1], strides = [1]} : vector<16xi32> to vector<1xi32>
      %squeeze3A_554 = vector.extract %slice3A_553[0] : i32 from vector<1xi32>
      %gt3A_555 = arith.constant 0 : i32
      %gt3A_556 = arith.cmpi sgt, %squeeze3A_554, %gt3A_555 : i32
      %jit3A_557 = arith.constant 32 : i32
      %jit3A_558 = arith.constant 0 : i32
      %select_n3A_559 = arith.select %gt3A_556, %jit3A_557, %jit3A_558 : i32
      %while3A_560 = arith.constant 0 : i32
      %while3A_561 = arith.constant 0 : i32
      %while3A_562 = arith.subi %select_n3A_559, %while3A_561 : i32
      %while3A_563 = arith.addi %while3A_561, %while3A_562 : i32
      %while3A_564 = arith.constant 1 : i32
      %while3A_565 = arith.divsi %while3A_562, %while3A_564 : i32
      %while3A_566 = arith.muli %while3A_565, %while3A_564 : i32
      %while3A_567 = arith.addi %while3A_561, %while3A_566 : i32
      %while3A_568 = arith.constant 1 : i32
      scf.for %while3A_750 = %while3A_561 to %while3A_567 step %while3A_568  : i32 {
        %broadcast_in_dim3A_751 = arith.constant 11 : i32
        %broadcast_in_dim3A_752 = vector.broadcast %broadcast_in_dim3A_751 : i32 to vector<16xi32>
        %broadcast_in_dim3A_753 = vector.broadcast %while3A_750 : i32 to vector<16xi32>
        %gather3A = tpu.vector_load_idx %arg9[%broadcast_in_dim3A_752, %broadcast_in_dim3A_753] : memref<16x32xf32, #tpu.memory_space<vmem>>[vector<16xi32>, vector<16xi32>], vector<16xf32>,
        %scan3A = arith.constant 0 : i32
        %scan3A_754 = arith.constant 0 : i32
        %scan3A_755 = arith.constant 64 : i32
        %scan3A_756 = arith.addi %scan3A_754, %scan3A_755 : i32
        %scan3A_757 = arith.constant 1 : i32
        scf.for %scan3A_759 = %scan3A_754 to %scan3A_756 step %scan3A_757  : i32 {
          %mul3A_760 = arith.constant 16 : i32
          %mul3A_761 = arith.muli %scan3A_759, %mul3A_760 : i32
          %get3A_762 = arith.index_cast %while3A_750 : i32 to index
          %get3A_763 = arith.index_cast %mul3A_761 : i32 to index
          %get3A_764 = tpu.vector_load %arg14[%get3A_762, %get3A_763] {strides = array<i32>} : memref<32x1024xf32, #tpu.memory_space<vmem>>, vector<16xf32>,
          %mul3A_765 = arith.mulf %get3A_764, %gather3A : vector<16xf32>
          %swap3A = arith.index_cast %while3A_750 : i32 to index
          %swap3A_766 = arith.index_cast %mul3A_761 : i32 to index
          %swap3A_767 = tpu.vector_load %arg14[%swap3A, %swap3A_766] {strides = array<i32>} : memref<32x1024xf32, #tpu.memory_space<vmem>>, vector<16xf32>,
          tpu.vector_store %arg14[%swap3A, %swap3A_766], %mul3A_765 {strides = array<i32>} : memref<32x1024xf32, #tpu.memory_space<vmem>>, vector<16xf32>,
        }
        %scan3A_758 = arith.constant 64 : i32
      }
      %while3A_569 = arith.constant 1 : i32
      scf.for %while3A_750 = %while3A_567 to %while3A_563 step %while3A_569  : i32 {
        %broadcast_in_dim3A_751 = arith.constant 11 : i32
        %broadcast_in_dim3A_752 = vector.broadcast %broadcast_in_dim3A_751 : i32 to vector<16xi32>
        %broadcast_in_dim3A_753 = vector.broadcast %while3A_750 : i32 to vector<16xi32>
        %gather3A = tpu.vector_load_idx %arg9[%broadcast_in_dim3A_752, %broadcast_in_dim3A_753] : memref<16x32xf32, #tpu.memory_space<vmem>>[vector<16xi32>, vector<16xi32>], vector<16xf32>,
        %scan3A = arith.constant 0 : i32
        %scan3A_754 = arith.constant 0 : i32
        %scan3A_755 = arith.constant 64 : i32
        %scan3A_756 = arith.addi %scan3A_754, %scan3A_755 : i32
        %scan3A_757 = arith.constant 1 : i32
        scf.for %scan3A_759 = %scan3A_754 to %scan3A_756 step %scan3A_757  : i32 {
          %mul3A_760 = arith.constant 16 : i32
          %mul3A_761 = arith.muli %scan3A_759, %mul3A_760 : i32
          %get3A_762 = arith.index_cast %while3A_750 : i32 to index
          %get3A_763 = arith.index_cast %mul3A_761 : i32 to index
          %get3A_764 = tpu.vector_load %arg14[%get3A_762, %get3A_763] {strides = array<i32>} : memref<32x1024xf32, #tpu.memory_space<vmem>>, vector<16xf32>,
          %mul3A_765 = arith.mulf %get3A_764, %gather3A : vector<16xf32>
          %swap3A = arith.index_cast %while3A_750 : i32 to index
          %swap3A_766 = arith.index_cast %mul3A_761 : i32 to index
          %swap3A_767 = tpu.vector_load %arg14[%swap3A, %swap3A_766] {strides = array<i32>} : memref<32x1024xf32, #tpu.memory_space<vmem>>, vector<16xf32>,
          tpu.vector_store %arg14[%swap3A, %swap3A_766], %mul3A_765 {strides = array<i32>} : memref<32x1024xf32, #tpu.memory_space<vmem>>, vector<16xf32>,
        }
        %scan3A_758 = arith.constant 64 : i32
      }
      %mul3A_570 = arith.constant 128 : i32
      %mul3A_571 = arith.muli %add3A, %mul3A_570 : i32
      %add3A_572 = arith.constant 8192 : i32
      %add3A_573 = arith.addi %add3A_572, %mul3A_571 : i32
      %add3A_574 = arith.constant 96 : i32
      %add3A_575 = arith.addi %add3A_573, %add3A_574 : i32
      %dma_start3A_576 = arith.constant 0 : i32
      %dma_start3A_577 = tpu.memref_slice %arg7[%add3A_575, %dma_start3A_576] : memref<16384x1024xf32, #tpu.memory_space<hbm>> -> memref<32x1024xf32, #tpu.memory_space<hbm>>
      %dma_start3A_578 = arith.constant 0 : i32
      %dma_start3A_579 = tpu.memref_slice %arg7[%add3A_575, %dma_start3A_578] : memref<16384x1024xf32, #tpu.memory_space<hbm>> -> memref<32x1024xf32, #tpu.memory_space<hbm>>
      tpu.enqueue_dma source(%arg14 : memref<32x1024xf32, #tpu.memory_space<vmem>>) target(%dma_start3A_579 : memref<32x1024xf32, #tpu.memory_space<hbm>>) target_semaphore(%arg20 : memref<!tpu.dma_semaphore, #tpu.memory_space<semaphore_mem>>)
      %dma_wait3A_580 = arith.constant 0 : i32
      %dma_wait3A_581 = tpu.memref_slice %arg7[%add3A_575, %dma_wait3A_580] : memref<16384x1024xf32, #tpu.memory_space<hbm>> -> memref<32x1024xf32, #tpu.memory_space<hbm>>
      %dma_wait3A_582 = arith.constant 0 : i32
      %dma_wait3A_583 = tpu.memref_slice %arg7[%add3A_575, %dma_wait3A_582] : memref<16384x1024xf32, #tpu.memory_space<hbm>> -> memref<32x1024xf32, #tpu.memory_space<hbm>>
      tpu.wait_dma2 semaphore(%arg20 : memref<!tpu.dma_semaphore, #tpu.memory_space<semaphore_mem>>) src(%arg14 : memref<32x1024xf32, #tpu.memory_space<vmem>>) dst(%dma_wait3A_583 : memref<32x1024xf32, #tpu.memory_space<hbm>>)
      %dma_start3A_584 = arith.constant 14 : i32
      %dma_start3A_585 = arith.constant 0 : i32
      %dma_start3A_586 = tpu.memref_slice %arg8[%dma_start3A_584, %dma_start3A_585] : memref<16x32xi32, #tpu.memory_space<vmem>> -> memref<1x32xi32, #tpu.memory_space<vmem>>
      %dma_start3A_587 = tpu.memref_squeeze %dma_start3A_586 : memref<1x32xi32, #tpu.memory_space<vmem>> -> memref<32xi32, #tpu.memory_space<vmem>>
      %dma_start3A_588 = arith.constant 0 : i32
      %dma_start3A_589 = arith.constant 0 : i32
      %dma_start3A_590 = tpu.memref_slice %arg2[%dma_start3A_588, %dma_start3A_589] : memref<8192x1024xf32, #tpu.memory_space<hbm>> -> memref<8192x1024xf32, #tpu.memory_space<hbm>>
      tpu.enqueue_indirect_dma source(%dma_start3A_590 : memref<8192x1024xf32, #tpu.memory_space<hbm>>) target(%arg14 : memref<32x1024xf32, #tpu.memory_space<vmem>>) offsets(%dma_start3A_587 : memref<32xi32, #tpu.memory_space<vmem>>) semaphore(%arg17 : memref<!tpu.dma_semaphore, #tpu.memory_space<semaphore_mem>>)
      %dma_wait3A_591 = arith.constant 12 : i32
      %dma_wait3A_592 = arith.constant 0 : i32
      %dma_wait3A_593 = tpu.memref_slice %arg8[%dma_wait3A_591, %dma_wait3A_592] : memref<16x32xi32, #tpu.memory_space<vmem>> -> memref<1x32xi32, #tpu.memory_space<vmem>>
      %dma_wait3A_594 = tpu.memref_squeeze %dma_wait3A_593 : memref<1x32xi32, #tpu.memory_space<vmem>> -> memref<32xi32, #tpu.memory_space<vmem>>
      %dma_wait3A_595 = arith.constant 0 : i32
      %dma_wait3A_596 = arith.constant 0 : i32
      %dma_wait3A_597 = tpu.memref_slice %arg2[%dma_wait3A_595, %dma_wait3A_596] : memref<8192x1024xf32, #tpu.memory_space<hbm>> -> memref<8192x1024xf32, #tpu.memory_space<hbm>>
      tpu.wait_indirect_dma semaphore(%arg15 : memref<!tpu.dma_semaphore, #tpu.memory_space<semaphore_mem>>) src(%dma_wait3A_597 : memref<8192x1024xf32, #tpu.memory_space<hbm>>) dst(%arg12 : memref<32x1024xf32, #tpu.memory_space<vmem>>)
      %slice3A_598 = vector.extract_strided_slice %get3A_4 {offsets = [12], sizes = [1], strides = [1]} : vector<16xi32> to vector<1xi32>
      %squeeze3A_599 = vector.extract %slice3A_598[0] : i32 from vector<1xi32>
      %gt3A_600 = arith.constant 0 : i32
      %gt3A_601 = arith.cmpi sgt, %squeeze3A_599, %gt3A_600 : i32
      %jit3A_602 = arith.constant 32 : i32
      %jit3A_603 = arith.constant 0 : i32
      %select_n3A_604 = arith.select %gt3A_601, %jit3A_602, %jit3A_603 : i32
      %while3A_605 = arith.constant 0 : i32
      %while3A_606 = arith.constant 0 : i32
      %while3A_607 = arith.subi %select_n3A_604, %while3A_606 : i32
      %while3A_608 = arith.addi %while3A_606, %while3A_607 : i32
      %while3A_609 = arith.constant 1 : i32
      %while3A_610 = arith.divsi %while3A_607, %while3A_609 : i32
      %while3A_611 = arith.muli %while3A_610, %while3A_609 : i32
      %while3A_612 = arith.addi %while3A_606, %while3A_611 : i32
      %while3A_613 = arith.constant 1 : i32
      scf.for %while3A_750 = %while3A_606 to %while3A_612 step %while3A_613  : i32 {
        %broadcast_in_dim3A_751 = arith.constant 12 : i32
        %broadcast_in_dim3A_752 = vector.broadcast %broadcast_in_dim3A_751 : i32 to vector<16xi32>
        %broadcast_in_dim3A_753 = vector.broadcast %while3A_750 : i32 to vector<16xi32>
        %gather3A = tpu.vector_load_idx %arg9[%broadcast_in_dim3A_752, %broadcast_in_dim3A_753] : memref<16x32xf32, #tpu.memory_space<vmem>>[vector<16xi32>, vector<16xi32>], vector<16xf32>,
        %scan3A = arith.constant 0 : i32
        %scan3A_754 = arith.constant 0 : i32
        %scan3A_755 = arith.constant 64 : i32
        %scan3A_756 = arith.addi %scan3A_754, %scan3A_755 : i32
        %scan3A_757 = arith.constant 1 : i32
        scf.for %scan3A_759 = %scan3A_754 to %scan3A_756 step %scan3A_757  : i32 {
          %mul3A_760 = arith.constant 16 : i32
          %mul3A_761 = arith.muli %scan3A_759, %mul3A_760 : i32
          %get3A_762 = arith.index_cast %while3A_750 : i32 to index
          %get3A_763 = arith.index_cast %mul3A_761 : i32 to index
          %get3A_764 = tpu.vector_load %arg12[%get3A_762, %get3A_763] {strides = array<i32>} : memref<32x1024xf32, #tpu.memory_space<vmem>>, vector<16xf32>,
          %mul3A_765 = arith.mulf %get3A_764, %gather3A : vector<16xf32>
          %swap3A = arith.index_cast %while3A_750 : i32 to index
          %swap3A_766 = arith.index_cast %mul3A_761 : i32 to index
          %swap3A_767 = tpu.vector_load %arg12[%swap3A, %swap3A_766] {strides = array<i32>} : memref<32x1024xf32, #tpu.memory_space<vmem>>, vector<16xf32>,
          tpu.vector_store %arg12[%swap3A, %swap3A_766], %mul3A_765 {strides = array<i32>} : memref<32x1024xf32, #tpu.memory_space<vmem>>, vector<16xf32>,
        }
        %scan3A_758 = arith.constant 64 : i32
      }
      %while3A_614 = arith.constant 1 : i32
      scf.for %while3A_750 = %while3A_612 to %while3A_608 step %while3A_614  : i32 {
        %broadcast_in_dim3A_751 = arith.constant 12 : i32
        %broadcast_in_dim3A_752 = vector.broadcast %broadcast_in_dim3A_751 : i32 to vector<16xi32>
        %broadcast_in_dim3A_753 = vector.broadcast %while3A_750 : i32 to vector<16xi32>
        %gather3A = tpu.vector_load_idx %arg9[%broadcast_in_dim3A_752, %broadcast_in_dim3A_753] : memref<16x32xf32, #tpu.memory_space<vmem>>[vector<16xi32>, vector<16xi32>], vector<16xf32>,
        %scan3A = arith.constant 0 : i32
        %scan3A_754 = arith.constant 0 : i32
        %scan3A_755 = arith.constant 64 : i32
        %scan3A_756 = arith.addi %scan3A_754, %scan3A_755 : i32
        %scan3A_757 = arith.constant 1 : i32
        scf.for %scan3A_759 = %scan3A_754 to %scan3A_756 step %scan3A_757  : i32 {
          %mul3A_760 = arith.constant 16 : i32
          %mul3A_761 = arith.muli %scan3A_759, %mul3A_760 : i32
          %get3A_762 = arith.index_cast %while3A_750 : i32 to index
          %get3A_763 = arith.index_cast %mul3A_761 : i32 to index
          %get3A_764 = tpu.vector_load %arg12[%get3A_762, %get3A_763] {strides = array<i32>} : memref<32x1024xf32, #tpu.memory_space<vmem>>, vector<16xf32>,
          %mul3A_765 = arith.mulf %get3A_764, %gather3A : vector<16xf32>
          %swap3A = arith.index_cast %while3A_750 : i32 to index
          %swap3A_766 = arith.index_cast %mul3A_761 : i32 to index
          %swap3A_767 = tpu.vector_load %arg12[%swap3A, %swap3A_766] {strides = array<i32>} : memref<32x1024xf32, #tpu.memory_space<vmem>>, vector<16xf32>,
          tpu.vector_store %arg12[%swap3A, %swap3A_766], %mul3A_765 {strides = array<i32>} : memref<32x1024xf32, #tpu.memory_space<vmem>>, vector<16xf32>,
        }
        %scan3A_758 = arith.constant 64 : i32
      }
      %mul3A_615 = arith.constant 128 : i32
      %mul3A_616 = arith.muli %add3A, %mul3A_615 : i32
      %add3A_617 = arith.constant 12288 : i32
      %add3A_618 = arith.addi %add3A_617, %mul3A_616 : i32
      %add3A_619 = arith.constant 0 : i32
      %add3A_620 = arith.addi %add3A_618, %add3A_619 : i32
      %dma_start3A_621 = arith.constant 0 : i32
      %dma_start3A_622 = tpu.memref_slice %arg7[%add3A_620, %dma_start3A_621] : memref<16384x1024xf32, #tpu.memory_space<hbm>> -> memref<32x1024xf32, #tpu.memory_space<hbm>>
      %dma_start3A_623 = arith.constant 0 : i32
      %dma_start3A_624 = tpu.memref_slice %arg7[%add3A_620, %dma_start3A_623] : memref<16384x1024xf32, #tpu.memory_space<hbm>> -> memref<32x1024xf32, #tpu.memory_space<hbm>>
      tpu.enqueue_dma source(%arg12 : memref<32x1024xf32, #tpu.memory_space<vmem>>) target(%dma_start3A_624 : memref<32x1024xf32, #tpu.memory_space<hbm>>) target_semaphore(%arg18 : memref<!tpu.dma_semaphore, #tpu.memory_space<semaphore_mem>>)
      %dma_wait3A_625 = arith.constant 0 : i32
      %dma_wait3A_626 = tpu.memref_slice %arg7[%add3A_620, %dma_wait3A_625] : memref<16384x1024xf32, #tpu.memory_space<hbm>> -> memref<32x1024xf32, #tpu.memory_space<hbm>>
      %dma_wait3A_627 = arith.constant 0 : i32
      %dma_wait3A_628 = tpu.memref_slice %arg7[%add3A_620, %dma_wait3A_627] : memref<16384x1024xf32, #tpu.memory_space<hbm>> -> memref<32x1024xf32, #tpu.memory_space<hbm>>
      tpu.wait_dma2 semaphore(%arg18 : memref<!tpu.dma_semaphore, #tpu.memory_space<semaphore_mem>>) src(%arg12 : memref<32x1024xf32, #tpu.memory_space<vmem>>) dst(%dma_wait3A_628 : memref<32x1024xf32, #tpu.memory_space<hbm>>)
      %dma_start3A_629 = arith.constant 15 : i32
      %dma_start3A_630 = arith.constant 0 : i32
      %dma_start3A_631 = tpu.memref_slice %arg8[%dma_start3A_629, %dma_start3A_630] : memref<16x32xi32, #tpu.memory_space<vmem>> -> memref<1x32xi32, #tpu.memory_space<vmem>>
      %dma_start3A_632 = tpu.memref_squeeze %dma_start3A_631 : memref<1x32xi32, #tpu.memory_space<vmem>> -> memref<32xi32, #tpu.memory_space<vmem>>
      %dma_start3A_633 = arith.constant 0 : i32
      %dma_start3A_634 = arith.constant 0 : i32
      %dma_start3A_635 = tpu.memref_slice %arg2[%dma_start3A_633, %dma_start3A_634] : memref<8192x1024xf32, #tpu.memory_space<hbm>> -> memref<8192x1024xf32, #tpu.memory_space<hbm>>
      tpu.enqueue_indirect_dma source(%dma_start3A_635 : memref<8192x1024xf32, #tpu.memory_space<hbm>>) target(%arg12 : memref<32x1024xf32, #tpu.memory_space<vmem>>) offsets(%dma_start3A_632 : memref<32xi32, #tpu.memory_space<vmem>>) semaphore(%arg15 : memref<!tpu.dma_semaphore, #tpu.memory_space<semaphore_mem>>)
      %dma_wait3A_636 = arith.constant 13 : i32
      %dma_wait3A_637 = arith.constant 0 : i32
      %dma_wait3A_638 = tpu.memref_slice %arg8[%dma_wait3A_636, %dma_wait3A_637] : memref<16x32xi32, #tpu.memory_space<vmem>> -> memref<1x32xi32, #tpu.memory_space<vmem>>
      %dma_wait3A_639 = tpu.memref_squeeze %dma_wait3A_638 : memref<1x32xi32, #tpu.memory_space<vmem>> -> memref<32xi32, #tpu.memory_space<vmem>>
      %dma_wait3A_640 = arith.constant 0 : i32
      %dma_wait3A_641 = arith.constant 0 : i32
      %dma_wait3A_642 = tpu.memref_slice %arg2[%dma_wait3A_640, %dma_wait3A_641] : memref<8192x1024xf32, #tpu.memory_space<hbm>> -> memref<8192x1024xf32, #tpu.memory_space<hbm>>
      tpu.wait_indirect_dma semaphore(%arg16 : memref<!tpu.dma_semaphore, #tpu.memory_space<semaphore_mem>>) src(%dma_wait3A_642 : memref<8192x1024xf32, #tpu.memory_space<hbm>>) dst(%arg13 : memref<32x1024xf32, #tpu.memory_space<vmem>>)
      %slice3A_643 = vector.extract_strided_slice %get3A_4 {offsets = [13], sizes = [1], strides = [1]} : vector<16xi32> to vector<1xi32>
      %squeeze3A_644 = vector.extract %slice3A_643[0] : i32 from vector<1xi32>
      %gt3A_645 = arith.constant 0 : i32
      %gt3A_646 = arith.cmpi sgt, %squeeze3A_644, %gt3A_645 : i32
      %jit3A_647 = arith.constant 32 : i32
      %jit3A_648 = arith.constant 0 : i32
      %select_n3A_649 = arith.select %gt3A_646, %jit3A_647, %jit3A_648 : i32
      %while3A_650 = arith.constant 0 : i32
      %while3A_651 = arith.constant 0 : i32
      %while3A_652 = arith.subi %select_n3A_649, %while3A_651 : i32
      %while3A_653 = arith.addi %while3A_651, %while3A_652 : i32
      %while3A_654 = arith.constant 1 : i32
      %while3A_655 = arith.divsi %while3A_652, %while3A_654 : i32
      %while3A_656 = arith.muli %while3A_655, %while3A_654 : i32
      %while3A_657 = arith.addi %while3A_651, %while3A_656 : i32
      %while3A_658 = arith.constant 1 : i32
      scf.for %while3A_750 = %while3A_651 to %while3A_657 step %while3A_658  : i32 {
        %broadcast_in_dim3A_751 = arith.constant 13 : i32
        %broadcast_in_dim3A_752 = vector.broadcast %broadcast_in_dim3A_751 : i32 to vector<16xi32>
        %broadcast_in_dim3A_753 = vector.broadcast %while3A_750 : i32 to vector<16xi32>
        %gather3A = tpu.vector_load_idx %arg9[%broadcast_in_dim3A_752, %broadcast_in_dim3A_753] : memref<16x32xf32, #tpu.memory_space<vmem>>[vector<16xi32>, vector<16xi32>], vector<16xf32>,
        %scan3A = arith.constant 0 : i32
        %scan3A_754 = arith.constant 0 : i32
        %scan3A_755 = arith.constant 64 : i32
        %scan3A_756 = arith.addi %scan3A_754, %scan3A_755 : i32
        %scan3A_757 = arith.constant 1 : i32
        scf.for %scan3A_759 = %scan3A_754 to %scan3A_756 step %scan3A_757  : i32 {
          %mul3A_760 = arith.constant 16 : i32
          %mul3A_761 = arith.muli %scan3A_759, %mul3A_760 : i32
          %get3A_762 = arith.index_cast %while3A_750 : i32 to index
          %get3A_763 = arith.index_cast %mul3A_761 : i32 to index
          %get3A_764 = tpu.vector_load %arg13[%get3A_762, %get3A_763] {strides = array<i32>} : memref<32x1024xf32, #tpu.memory_space<vmem>>, vector<16xf32>,
          %mul3A_765 = arith.mulf %get3A_764, %gather3A : vector<16xf32>
          %swap3A = arith.index_cast %while3A_750 : i32 to index
          %swap3A_766 = arith.index_cast %mul3A_761 : i32 to index
          %swap3A_767 = tpu.vector_load %arg13[%swap3A, %swap3A_766] {strides = array<i32>} : memref<32x1024xf32, #tpu.memory_space<vmem>>, vector<16xf32>,
          tpu.vector_store %arg13[%swap3A, %swap3A_766], %mul3A_765 {strides = array<i32>} : memref<32x1024xf32, #tpu.memory_space<vmem>>, vector<16xf32>,
        }
        %scan3A_758 = arith.constant 64 : i32
      }
      %while3A_659 = arith.constant 1 : i32
      scf.for %while3A_750 = %while3A_657 to %while3A_653 step %while3A_659  : i32 {
        %broadcast_in_dim3A_751 = arith.constant 13 : i32
        %broadcast_in_dim3A_752 = vector.broadcast %broadcast_in_dim3A_751 : i32 to vector<16xi32>
        %broadcast_in_dim3A_753 = vector.broadcast %while3A_750 : i32 to vector<16xi32>
        %gather3A = tpu.vector_load_idx %arg9[%broadcast_in_dim3A_752, %broadcast_in_dim3A_753] : memref<16x32xf32, #tpu.memory_space<vmem>>[vector<16xi32>, vector<16xi32>], vector<16xf32>,
        %scan3A = arith.constant 0 : i32
        %scan3A_754 = arith.constant 0 : i32
        %scan3A_755 = arith.constant 64 : i32
        %scan3A_756 = arith.addi %scan3A_754, %scan3A_755 : i32
        %scan3A_757 = arith.constant 1 : i32
        scf.for %scan3A_759 = %scan3A_754 to %scan3A_756 step %scan3A_757  : i32 {
          %mul3A_760 = arith.constant 16 : i32
          %mul3A_761 = arith.muli %scan3A_759, %mul3A_760 : i32
          %get3A_762 = arith.index_cast %while3A_750 : i32 to index
          %get3A_763 = arith.index_cast %mul3A_761 : i32 to index
          %get3A_764 = tpu.vector_load %arg13[%get3A_762, %get3A_763] {strides = array<i32>} : memref<32x1024xf32, #tpu.memory_space<vmem>>, vector<16xf32>,
          %mul3A_765 = arith.mulf %get3A_764, %gather3A : vector<16xf32>
          %swap3A = arith.index_cast %while3A_750 : i32 to index
          %swap3A_766 = arith.index_cast %mul3A_761 : i32 to index
          %swap3A_767 = tpu.vector_load %arg13[%swap3A, %swap3A_766] {strides = array<i32>} : memref<32x1024xf32, #tpu.memory_space<vmem>>, vector<16xf32>,
          tpu.vector_store %arg13[%swap3A, %swap3A_766], %mul3A_765 {strides = array<i32>} : memref<32x1024xf32, #tpu.memory_space<vmem>>, vector<16xf32>,
        }
        %scan3A_758 = arith.constant 64 : i32
      }
      %mul3A_660 = arith.constant 128 : i32
      %mul3A_661 = arith.muli %add3A, %mul3A_660 : i32
      %add3A_662 = arith.constant 12288 : i32
      %add3A_663 = arith.addi %add3A_662, %mul3A_661 : i32
      %add3A_664 = arith.constant 32 : i32
      %add3A_665 = arith.addi %add3A_663, %add3A_664 : i32
      %dma_start3A_666 = arith.constant 0 : i32
      %dma_start3A_667 = tpu.memref_slice %arg7[%add3A_665, %dma_start3A_666] : memref<16384x1024xf32, #tpu.memory_space<hbm>> -> memref<32x1024xf32, #tpu.memory_space<hbm>>
      %dma_start3A_668 = arith.constant 0 : i32
      %dma_start3A_669 = tpu.memref_slice %arg7[%add3A_665, %dma_start3A_668] : memref<16384x1024xf32, #tpu.memory_space<hbm>> -> memref<32x1024xf32, #tpu.memory_space<hbm>>
      tpu.enqueue_dma source(%arg13 : memref<32x1024xf32, #tpu.memory_space<vmem>>) target(%dma_start3A_669 : memref<32x1024xf32, #tpu.memory_space<hbm>>) target_semaphore(%arg19 : memref<!tpu.dma_semaphore, #tpu.memory_space<semaphore_mem>>)
      %dma_wait3A_670 = arith.constant 14 : i32
      %dma_wait3A_671 = arith.constant 0 : i32
      %dma_wait3A_672 = tpu.memref_slice %arg8[%dma_wait3A_670, %dma_wait3A_671] : memref<16x32xi32, #tpu.memory_space<vmem>> -> memref<1x32xi32, #tpu.memory_space<vmem>>
      %dma_wait3A_673 = tpu.memref_squeeze %dma_wait3A_672 : memref<1x32xi32, #tpu.memory_space<vmem>> -> memref<32xi32, #tpu.memory_space<vmem>>
      %dma_wait3A_674 = arith.constant 0 : i32
      %dma_wait3A_675 = arith.constant 0 : i32
      %dma_wait3A_676 = tpu.memref_slice %arg2[%dma_wait3A_674, %dma_wait3A_675] : memref<8192x1024xf32, #tpu.memory_space<hbm>> -> memref<8192x1024xf32, #tpu.memory_space<hbm>>
      tpu.wait_indirect_dma semaphore(%arg17 : memref<!tpu.dma_semaphore, #tpu.memory_space<semaphore_mem>>) src(%dma_wait3A_676 : memref<8192x1024xf32, #tpu.memory_space<hbm>>) dst(%arg14 : memref<32x1024xf32, #tpu.memory_space<vmem>>)
      %slice3A_677 = vector.extract_strided_slice %get3A_4 {offsets = [14], sizes = [1], strides = [1]} : vector<16xi32> to vector<1xi32>
      %squeeze3A_678 = vector.extract %slice3A_677[0] : i32 from vector<1xi32>
      %gt3A_679 = arith.constant 0 : i32
      %gt3A_680 = arith.cmpi sgt, %squeeze3A_678, %gt3A_679 : i32
      %jit3A_681 = arith.constant 32 : i32
      %jit3A_682 = arith.constant 0 : i32
      %select_n3A_683 = arith.select %gt3A_680, %jit3A_681, %jit3A_682 : i32
      %while3A_684 = arith.constant 0 : i32
      %while3A_685 = arith.constant 0 : i32
      %while3A_686 = arith.subi %select_n3A_683, %while3A_685 : i32
      %while3A_687 = arith.addi %while3A_685, %while3A_686 : i32
      %while3A_688 = arith.constant 1 : i32
      %while3A_689 = arith.divsi %while3A_686, %while3A_688 : i32
      %while3A_690 = arith.muli %while3A_689, %while3A_688 : i32
      %while3A_691 = arith.addi %while3A_685, %while3A_690 : i32
      %while3A_692 = arith.constant 1 : i32
      scf.for %while3A_750 = %while3A_685 to %while3A_691 step %while3A_692  : i32 {
        %broadcast_in_dim3A_751 = arith.constant 14 : i32
        %broadcast_in_dim3A_752 = vector.broadcast %broadcast_in_dim3A_751 : i32 to vector<16xi32>
        %broadcast_in_dim3A_753 = vector.broadcast %while3A_750 : i32 to vector<16xi32>
        %gather3A = tpu.vector_load_idx %arg9[%broadcast_in_dim3A_752, %broadcast_in_dim3A_753] : memref<16x32xf32, #tpu.memory_space<vmem>>[vector<16xi32>, vector<16xi32>], vector<16xf32>,
        %scan3A = arith.constant 0 : i32
        %scan3A_754 = arith.constant 0 : i32
        %scan3A_755 = arith.constant 64 : i32
        %scan3A_756 = arith.addi %scan3A_754, %scan3A_755 : i32
        %scan3A_757 = arith.constant 1 : i32
        scf.for %scan3A_759 = %scan3A_754 to %scan3A_756 step %scan3A_757  : i32 {
          %mul3A_760 = arith.constant 16 : i32
          %mul3A_761 = arith.muli %scan3A_759, %mul3A_760 : i32
          %get3A_762 = arith.index_cast %while3A_750 : i32 to index
          %get3A_763 = arith.index_cast %mul3A_761 : i32 to index
          %get3A_764 = tpu.vector_load %arg14[%get3A_762, %get3A_763] {strides = array<i32>} : memref<32x1024xf32, #tpu.memory_space<vmem>>, vector<16xf32>,
          %mul3A_765 = arith.mulf %get3A_764, %gather3A : vector<16xf32>
          %swap3A = arith.index_cast %while3A_750 : i32 to index
          %swap3A_766 = arith.index_cast %mul3A_761 : i32 to index
          %swap3A_767 = tpu.vector_load %arg14[%swap3A, %swap3A_766] {strides = array<i32>} : memref<32x1024xf32, #tpu.memory_space<vmem>>, vector<16xf32>,
          tpu.vector_store %arg14[%swap3A, %swap3A_766], %mul3A_765 {strides = array<i32>} : memref<32x1024xf32, #tpu.memory_space<vmem>>, vector<16xf32>,
        }
        %scan3A_758 = arith.constant 64 : i32
      }
      %while3A_693 = arith.constant 1 : i32
      scf.for %while3A_750 = %while3A_691 to %while3A_687 step %while3A_693  : i32 {
        %broadcast_in_dim3A_751 = arith.constant 14 : i32
        %broadcast_in_dim3A_752 = vector.broadcast %broadcast_in_dim3A_751 : i32 to vector<16xi32>
        %broadcast_in_dim3A_753 = vector.broadcast %while3A_750 : i32 to vector<16xi32>
        %gather3A = tpu.vector_load_idx %arg9[%broadcast_in_dim3A_752, %broadcast_in_dim3A_753] : memref<16x32xf32, #tpu.memory_space<vmem>>[vector<16xi32>, vector<16xi32>], vector<16xf32>,
        %scan3A = arith.constant 0 : i32
        %scan3A_754 = arith.constant 0 : i32
        %scan3A_755 = arith.constant 64 : i32
        %scan3A_756 = arith.addi %scan3A_754, %scan3A_755 : i32
        %scan3A_757 = arith.constant 1 : i32
        scf.for %scan3A_759 = %scan3A_754 to %scan3A_756 step %scan3A_757  : i32 {
          %mul3A_760 = arith.constant 16 : i32
          %mul3A_761 = arith.muli %scan3A_759, %mul3A_760 : i32
          %get3A_762 = arith.index_cast %while3A_750 : i32 to index
          %get3A_763 = arith.index_cast %mul3A_761 : i32 to index
          %get3A_764 = tpu.vector_load %arg14[%get3A_762, %get3A_763] {strides = array<i32>} : memref<32x1024xf32, #tpu.memory_space<vmem>>, vector<16xf32>,
          %mul3A_765 = arith.mulf %get3A_764, %gather3A : vector<16xf32>
          %swap3A = arith.index_cast %while3A_750 : i32 to index
          %swap3A_766 = arith.index_cast %mul3A_761 : i32 to index
          %swap3A_767 = tpu.vector_load %arg14[%swap3A, %swap3A_766] {strides = array<i32>} : memref<32x1024xf32, #tpu.memory_space<vmem>>, vector<16xf32>,
          tpu.vector_store %arg14[%swap3A, %swap3A_766], %mul3A_765 {strides = array<i32>} : memref<32x1024xf32, #tpu.memory_space<vmem>>, vector<16xf32>,
        }
        %scan3A_758 = arith.constant 64 : i32
      }
      %mul3A_694 = arith.constant 128 : i32
      %mul3A_695 = arith.muli %add3A, %mul3A_694 : i32
      %add3A_696 = arith.constant 12288 : i32
      %add3A_697 = arith.addi %add3A_696, %mul3A_695 : i32
      %add3A_698 = arith.constant 64 : i32
      %add3A_699 = arith.addi %add3A_697, %add3A_698 : i32
      %dma_start3A_700 = arith.constant 0 : i32
      %dma_start3A_701 = tpu.memref_slice %arg7[%add3A_699, %dma_start3A_700] : memref<16384x1024xf32, #tpu.memory_space<hbm>> -> memref<32x1024xf32, #tpu.memory_space<hbm>>
      %dma_start3A_702 = arith.constant 0 : i32
      %dma_start3A_703 = tpu.memref_slice %arg7[%add3A_699, %dma_start3A_702] : memref<16384x1024xf32, #tpu.memory_space<hbm>> -> memref<32x1024xf32, #tpu.memory_space<hbm>>
      tpu.enqueue_dma source(%arg14 : memref<32x1024xf32, #tpu.memory_space<vmem>>) target(%dma_start3A_703 : memref<32x1024xf32, #tpu.memory_space<hbm>>) target_semaphore(%arg20 : memref<!tpu.dma_semaphore, #tpu.memory_space<semaphore_mem>>)
      %dma_wait3A_704 = arith.constant 15 : i32
      %dma_wait3A_705 = arith.constant 0 : i32
      %dma_wait3A_706 = tpu.memref_slice %arg8[%dma_wait3A_704, %dma_wait3A_705] : memref<16x32xi32, #tpu.memory_space<vmem>> -> memref<1x32xi32, #tpu.memory_space<vmem>>
      %dma_wait3A_707 = tpu.memref_squeeze %dma_wait3A_706 : memref<1x32xi32, #tpu.memory_space<vmem>> -> memref<32xi32, #tpu.memory_space<vmem>>
      %dma_wait3A_708 = arith.constant 0 : i32
      %dma_wait3A_709 = arith.constant 0 : i32
      %dma_wait3A_710 = tpu.memref_slice %arg2[%dma_wait3A_708, %dma_wait3A_709] : memref<8192x1024xf32, #tpu.memory_space<hbm>> -> memref<8192x1024xf32, #tpu.memory_space<hbm>>
      tpu.wait_indirect_dma semaphore(%arg15 : memref<!tpu.dma_semaphore, #tpu.memory_space<semaphore_mem>>) src(%dma_wait3A_710 : memref<8192x1024xf32, #tpu.memory_space<hbm>>) dst(%arg12 : memref<32x1024xf32, #tpu.memory_space<vmem>>)
      %slice3A_711 = vector.extract_strided_slice %get3A_4 {offsets = [15], sizes = [1], strides = [1]} : vector<16xi32> to vector<1xi32>
      %squeeze3A_712 = vector.extract %slice3A_711[0] : i32 from vector<1xi32>
      %gt3A_713 = arith.constant 0 : i32
      %gt3A_714 = arith.cmpi sgt, %squeeze3A_712, %gt3A_713 : i32
      %jit3A_715 = arith.constant 32 : i32
      %jit3A_716 = arith.constant 0 : i32
      %select_n3A_717 = arith.select %gt3A_714, %jit3A_715, %jit3A_716 : i32
      %while3A_718 = arith.constant 0 : i32
      %while3A_719 = arith.constant 0 : i32
      %while3A_720 = arith.subi %select_n3A_717, %while3A_719 : i32
      %while3A_721 = arith.addi %while3A_719, %while3A_720 : i32
      %while3A_722 = arith.constant 1 : i32
      %while3A_723 = arith.divsi %while3A_720, %while3A_722 : i32
      %while3A_724 = arith.muli %while3A_723, %while3A_722 : i32
      %while3A_725 = arith.addi %while3A_719, %while3A_724 : i32
      %while3A_726 = arith.constant 1 : i32
      scf.for %while3A_750 = %while3A_719 to %while3A_725 step %while3A_726  : i32 {
        %broadcast_in_dim3A_751 = arith.constant 15 : i32
        %broadcast_in_dim3A_752 = vector.broadcast %broadcast_in_dim3A_751 : i32 to vector<16xi32>
        %broadcast_in_dim3A_753 = vector.broadcast %while3A_750 : i32 to vector<16xi32>
        %gather3A = tpu.vector_load_idx %arg9[%broadcast_in_dim3A_752, %broadcast_in_dim3A_753] : memref<16x32xf32, #tpu.memory_space<vmem>>[vector<16xi32>, vector<16xi32>], vector<16xf32>,
        %scan3A = arith.constant 0 : i32
        %scan3A_754 = arith.constant 0 : i32
        %scan3A_755 = arith.constant 64 : i32
        %scan3A_756 = arith.addi %scan3A_754, %scan3A_755 : i32
        %scan3A_757 = arith.constant 1 : i32
        scf.for %scan3A_759 = %scan3A_754 to %scan3A_756 step %scan3A_757  : i32 {
          %mul3A_760 = arith.constant 16 : i32
          %mul3A_761 = arith.muli %scan3A_759, %mul3A_760 : i32
          %get3A_762 = arith.index_cast %while3A_750 : i32 to index
          %get3A_763 = arith.index_cast %mul3A_761 : i32 to index
          %get3A_764 = tpu.vector_load %arg12[%get3A_762, %get3A_763] {strides = array<i32>} : memref<32x1024xf32, #tpu.memory_space<vmem>>, vector<16xf32>,
          %mul3A_765 = arith.mulf %get3A_764, %gather3A : vector<16xf32>
          %swap3A = arith.index_cast %while3A_750 : i32 to index
          %swap3A_766 = arith.index_cast %mul3A_761 : i32 to index
          %swap3A_767 = tpu.vector_load %arg12[%swap3A, %swap3A_766] {strides = array<i32>} : memref<32x1024xf32, #tpu.memory_space<vmem>>, vector<16xf32>,
          tpu.vector_store %arg12[%swap3A, %swap3A_766], %mul3A_765 {strides = array<i32>} : memref<32x1024xf32, #tpu.memory_space<vmem>>, vector<16xf32>,
        }
        %scan3A_758 = arith.constant 64 : i32
      }
      %while3A_727 = arith.constant 1 : i32
      scf.for %while3A_750 = %while3A_725 to %while3A_721 step %while3A_727  : i32 {
        %broadcast_in_dim3A_751 = arith.constant 15 : i32
        %broadcast_in_dim3A_752 = vector.broadcast %broadcast_in_dim3A_751 : i32 to vector<16xi32>
        %broadcast_in_dim3A_753 = vector.broadcast %while3A_750 : i32 to vector<16xi32>
        %gather3A = tpu.vector_load_idx %arg9[%broadcast_in_dim3A_752, %broadcast_in_dim3A_753] : memref<16x32xf32, #tpu.memory_space<vmem>>[vector<16xi32>, vector<16xi32>], vector<16xf32>,
        %scan3A = arith.constant 0 : i32
        %scan3A_754 = arith.constant 0 : i32
        %scan3A_755 = arith.constant 64 : i32
        %scan3A_756 = arith.addi %scan3A_754, %scan3A_755 : i32
        %scan3A_757 = arith.constant 1 : i32
        scf.for %scan3A_759 = %scan3A_754 to %scan3A_756 step %scan3A_757  : i32 {
          %mul3A_760 = arith.constant 16 : i32
          %mul3A_761 = arith.muli %scan3A_759, %mul3A_760 : i32
          %get3A_762 = arith.index_cast %while3A_750 : i32 to index
          %get3A_763 = arith.index_cast %mul3A_761 : i32 to index
          %get3A_764 = tpu.vector_load %arg12[%get3A_762, %get3A_763] {strides = array<i32>} : memref<32x1024xf32, #tpu.memory_space<vmem>>, vector<16xf32>,
          %mul3A_765 = arith.mulf %get3A_764, %gather3A : vector<16xf32>
          %swap3A = arith.index_cast %while3A_750 : i32 to index
          %swap3A_766 = arith.index_cast %mul3A_761 : i32 to index
          %swap3A_767 = tpu.vector_load %arg12[%swap3A, %swap3A_766] {strides = array<i32>} : memref<32x1024xf32, #tpu.memory_space<vmem>>, vector<16xf32>,
          tpu.vector_store %arg12[%swap3A, %swap3A_766], %mul3A_765 {strides = array<i32>} : memref<32x1024xf32, #tpu.memory_space<vmem>>, vector<16xf32>,
        }
        %scan3A_758 = arith.constant 64 : i32
      }
      %mul3A_728 = arith.constant 128 : i32
      %mul3A_729 = arith.muli %add3A, %mul3A_728 : i32
      %add3A_730 = arith.constant 12288 : i32
      %add3A_731 = arith.addi %add3A_730, %mul3A_729 : i32
      %add3A_732 = arith.constant 96 : i32
      %add3A_733 = arith.addi %add3A_731, %add3A_732 : i32
      %dma_start3A_734 = arith.constant 0 : i32
      %dma_start3A_735 = tpu.memref_slice %arg7[%add3A_733, %dma_start3A_734] : memref<16384x1024xf32, #tpu.memory_space<hbm>> -> memref<32x1024xf32, #tpu.memory_space<hbm>>
      %dma_start3A_736 = arith.constant 0 : i32
      %dma_start3A_737 = tpu.memref_slice %arg7[%add3A_733, %dma_start3A_736] : memref<16384x1024xf32, #tpu.memory_space<hbm>> -> memref<32x1024xf32, #tpu.memory_space<hbm>>
      tpu.enqueue_dma source(%arg12 : memref<32x1024xf32, #tpu.memory_space<vmem>>) target(%dma_start3A_737 : memref<32x1024xf32, #tpu.memory_space<hbm>>) target_semaphore(%arg18 : memref<!tpu.dma_semaphore, #tpu.memory_space<semaphore_mem>>)
      %dma_wait3A_738 = arith.constant 0 : i32
      %dma_wait3A_739 = tpu.memref_slice %arg7[%add3A_665, %dma_wait3A_738] : memref<16384x1024xf32, #tpu.memory_space<hbm>> -> memref<32x1024xf32, #tpu.memory_space<hbm>>
      %dma_wait3A_740 = arith.constant 0 : i32
      %dma_wait3A_741 = tpu.memref_slice %arg7[%add3A_665, %dma_wait3A_740] : memref<16384x1024xf32, #tpu.memory_space<hbm>> -> memref<32x1024xf32, #tpu.memory_space<hbm>>
      tpu.wait_dma2 semaphore(%arg19 : memref<!tpu.dma_semaphore, #tpu.memory_space<semaphore_mem>>) src(%arg13 : memref<32x1024xf32, #tpu.memory_space<vmem>>) dst(%dma_wait3A_741 : memref<32x1024xf32, #tpu.memory_space<hbm>>)
      %dma_wait3A_742 = arith.constant 0 : i32
      %dma_wait3A_743 = tpu.memref_slice %arg7[%add3A_699, %dma_wait3A_742] : memref<16384x1024xf32, #tpu.memory_space<hbm>> -> memref<32x1024xf32, #tpu.memory_space<hbm>>
      %dma_wait3A_744 = arith.constant 0 : i32
      %dma_wait3A_745 = tpu.memref_slice %arg7[%add3A_699, %dma_wait3A_744] : memref<16384x1024xf32, #tpu.memory_space<hbm>> -> memref<32x1024xf32, #tpu.memory_space<hbm>>
      tpu.wait_dma2 semaphore(%arg20 : memref<!tpu.dma_semaphore, #tpu.memory_space<semaphore_mem>>) src(%arg14 : memref<32x1024xf32, #tpu.memory_space<vmem>>) dst(%dma_wait3A_745 : memref<32x1024xf32, #tpu.memory_space<hbm>>)
      %dma_wait3A_746 = arith.constant 0 : i32
      %dma_wait3A_747 = tpu.memref_slice %arg7[%add3A_733, %dma_wait3A_746] : memref<16384x1024xf32, #tpu.memory_space<hbm>> -> memref<32x1024xf32, #tpu.memory_space<hbm>>
      %dma_wait3A_748 = arith.constant 0 : i32
      %dma_wait3A_749 = tpu.memref_slice %arg7[%add3A_733, %dma_wait3A_748] : memref<16384x1024xf32, #tpu.memory_space<hbm>> -> memref<32x1024xf32, #tpu.memory_space<hbm>>
      tpu.wait_dma2 semaphore(%arg18 : memref<!tpu.dma_semaphore, #tpu.memory_space<semaphore_mem>>) src(%arg12 : memref<32x1024xf32, #tpu.memory_space<vmem>>) dst(%dma_wait3A_749 : memref<32x1024xf32, #tpu.memory_space<hbm>>)
    }
    %while3A_30 = arith.constant 1 : i32
    scf.for %while3A_31 = %while3A_28 to %while3A_24 step %while3A_30  : i32 {
      %dma_start3A = arith.constant 0 : i32
      %dma_start3A_32 = arith.constant 0 : i32
      %dma_start3A_33 = tpu.memref_slice %arg8[%dma_start3A, %dma_start3A_32] : memref<16x32xi32, #tpu.memory_space<vmem>> -> memref<1x32xi32, #tpu.memory_space<vmem>>
      %dma_start3A_34 = tpu.memref_squeeze %dma_start3A_33 : memref<1x32xi32, #tpu.memory_space<vmem>> -> memref<32xi32, #tpu.memory_space<vmem>>
      %dma_start3A_35 = arith.constant 0 : i32
      %dma_start3A_36 = arith.constant 0 : i32
      %dma_start3A_37 = tpu.memref_slice %arg2[%dma_start3A_35, %dma_start3A_36] : memref<8192x1024xf32, #tpu.memory_space<hbm>> -> memref<8192x1024xf32, #tpu.memory_space<hbm>>
      tpu.enqueue_indirect_dma source(%dma_start3A_37 : memref<8192x1024xf32, #tpu.memory_space<hbm>>) target(%arg12 : memref<32x1024xf32, #tpu.memory_space<vmem>>) offsets(%dma_start3A_34 : memref<32xi32, #tpu.memory_space<vmem>>) semaphore(%arg15 : memref<!tpu.dma_semaphore, #tpu.memory_space<semaphore_mem>>)
      %dma_start3A_38 = arith.constant 1 : i32
      %dma_start3A_39 = arith.constant 0 : i32
      %dma_start3A_40 = tpu.memref_slice %arg8[%dma_start3A_38, %dma_start3A_39] : memref<16x32xi32, #tpu.memory_space<vmem>> -> memref<1x32xi32, #tpu.memory_space<vmem>>
      %dma_start3A_41 = tpu.memref_squeeze %dma_start3A_40 : memref<1x32xi32, #tpu.memory_space<vmem>> -> memref<32xi32, #tpu.memory_space<vmem>>
      %dma_start3A_42 = arith.constant 0 : i32
      %dma_start3A_43 = arith.constant 0 : i32
      %dma_start3A_44 = tpu.memref_slice %arg2[%dma_start3A_42, %dma_start3A_43] : memref<8192x1024xf32, #tpu.memory_space<hbm>> -> memref<8192x1024xf32, #tpu.memory_space<hbm>>
      tpu.enqueue_indirect_dma source(%dma_start3A_44 : memref<8192x1024xf32, #tpu.memory_space<hbm>>) target(%arg13 : memref<32x1024xf32, #tpu.memory_space<vmem>>) offsets(%dma_start3A_41 : memref<32xi32, #tpu.memory_space<vmem>>) semaphore(%arg16 : memref<!tpu.dma_semaphore, #tpu.memory_space<semaphore_mem>>)
      %dma_start3A_45 = arith.constant 2 : i32
      %dma_start3A_46 = arith.constant 0 : i32
      %dma_start3A_47 = tpu.memref_slice %arg8[%dma_start3A_45, %dma_start3A_46] : memref<16x32xi32, #tpu.memory_space<vmem>> -> memref<1x32xi32, #tpu.memory_space<vmem>>
      %dma_start3A_48 = tpu.memref_squeeze %dma_start3A_47 : memref<1x32xi32, #tpu.memory_space<vmem>> -> memref<32xi32, #tpu.memory_space<vmem>>
      %dma_start3A_49 = arith.constant 0 : i32
      %dma_start3A_50 = arith.constant 0 : i32
      %dma_start3A_51 = tpu.memref_slice %arg2[%dma_start3A_49, %dma_start3A_50] : memref<8192x1024xf32, #tpu.memory_space<hbm>> -> memref<8192x1024xf32, #tpu.memory_space<hbm>>
      tpu.enqueue_indirect_dma source(%dma_start3A_51 : memref<8192x1024xf32, #tpu.memory_space<hbm>>) target(%arg14 : memref<32x1024xf32, #tpu.memory_space<vmem>>) offsets(%dma_start3A_48 : memref<32xi32, #tpu.memory_space<vmem>>) semaphore(%arg17 : memref<!tpu.dma_semaphore, #tpu.memory_space<semaphore_mem>>)
      %dma_wait3A = arith.constant 0 : i32
      %dma_wait3A_52 = arith.constant 0 : i32
      %dma_wait3A_53 = tpu.memref_slice %arg8[%dma_wait3A, %dma_wait3A_52] : memref<16x32xi32, #tpu.memory_space<vmem>> -> memref<1x32xi32, #tpu.memory_space<vmem>>
      %dma_wait3A_54 = tpu.memref_squeeze %dma_wait3A_53 : memref<1x32xi32, #tpu.memory_space<vmem>> -> memref<32xi32, #tpu.memory_space<vmem>>
      %dma_wait3A_55 = arith.constant 0 : i32
      %dma_wait3A_56 = arith.constant 0 : i32
      %dma_wait3A_57 = tpu.memref_slice %arg2[%dma_wait3A_55, %dma_wait3A_56] : memref<8192x1024xf32, #tpu.memory_space<hbm>> -> memref<8192x1024xf32, #tpu.memory_space<hbm>>
      tpu.wait_indirect_dma semaphore(%arg15 : memref<!tpu.dma_semaphore, #tpu.memory_space<semaphore_mem>>) src(%dma_wait3A_57 : memref<8192x1024xf32, #tpu.memory_space<hbm>>) dst(%arg12 : memref<32x1024xf32, #tpu.memory_space<vmem>>)
      %slice3A_58 = vector.extract_strided_slice %get3A_4 {offsets = [0], sizes = [1], strides = [1]} : vector<16xi32> to vector<1xi32>
      %squeeze3A_59 = vector.extract %slice3A_58[0] : i32 from vector<1xi32>
      %gt3A_60 = arith.constant 0 : i32
      %gt3A_61 = arith.cmpi sgt, %squeeze3A_59, %gt3A_60 : i32
      %jit3A_62 = arith.constant 32 : i32
      %jit3A_63 = arith.constant 0 : i32
      %select_n3A_64 = arith.select %gt3A_61, %jit3A_62, %jit3A_63 : i32
      %while3A_65 = arith.constant 0 : i32
      %while3A_66 = arith.constant 0 : i32
      %while3A_67 = arith.subi %select_n3A_64, %while3A_66 : i32
      %while3A_68 = arith.addi %while3A_66, %while3A_67 : i32
      %while3A_69 = arith.constant 1 : i32
      %while3A_70 = arith.divsi %while3A_67, %while3A_69 : i32
      %while3A_71 = arith.muli %while3A_70, %while3A_69 : i32
      %while3A_72 = arith.addi %while3A_66, %while3A_71 : i32
      %while3A_73 = arith.constant 1 : i32
      scf.for %while3A_750 = %while3A_66 to %while3A_72 step %while3A_73  : i32 {
        %broadcast_in_dim3A_751 = arith.constant 0 : i32
        %broadcast_in_dim3A_752 = vector.broadcast %broadcast_in_dim3A_751 : i32 to vector<16xi32>
        %broadcast_in_dim3A_753 = vector.broadcast %while3A_750 : i32 to vector<16xi32>
        %gather3A = tpu.vector_load_idx %arg9[%broadcast_in_dim3A_752, %broadcast_in_dim3A_753] : memref<16x32xf32, #tpu.memory_space<vmem>>[vector<16xi32>, vector<16xi32>], vector<16xf32>,
        %scan3A = arith.constant 0 : i32
        %scan3A_754 = arith.constant 0 : i32
        %scan3A_755 = arith.constant 64 : i32
        %scan3A_756 = arith.addi %scan3A_754, %scan3A_755 : i32
        %scan3A_757 = arith.constant 1 : i32
        scf.for %scan3A_759 = %scan3A_754 to %scan3A_756 step %scan3A_757  : i32 {
          %mul3A_760 = arith.constant 16 : i32
          %mul3A_761 = arith.muli %scan3A_759, %mul3A_760 : i32
          %get3A_762 = arith.index_cast %while3A_750 : i32 to index
          %get3A_763 = arith.index_cast %mul3A_761 : i32 to index
          %get3A_764 = tpu.vector_load %arg12[%get3A_762, %get3A_763] {strides = array<i32>} : memref<32x1024xf32, #tpu.memory_space<vmem>>, vector<16xf32>,
          %mul3A_765 = arith.mulf %get3A_764, %gather3A : vector<16xf32>
          %swap3A = arith.index_cast %while3A_750 : i32 to index
          %swap3A_766 = arith.index_cast %mul3A_761 : i32 to index
          %swap3A_767 = tpu.vector_load %arg12[%swap3A, %swap3A_766] {strides = array<i32>} : memref<32x1024xf32, #tpu.memory_space<vmem>>, vector<16xf32>,
          tpu.vector_store %arg12[%swap3A, %swap3A_766], %mul3A_765 {strides = array<i32>} : memref<32x1024xf32, #tpu.memory_space<vmem>>, vector<16xf32>,
        }
        %scan3A_758 = arith.constant 64 : i32
      }
      %while3A_74 = arith.constant 1 : i32
      scf.for %while3A_750 = %while3A_72 to %while3A_68 step %while3A_74  : i32 {
        %broadcast_in_dim3A_751 = arith.constant 0 : i32
        %broadcast_in_dim3A_752 = vector.broadcast %broadcast_in_dim3A_751 : i32 to vector<16xi32>
        %broadcast_in_dim3A_753 = vector.broadcast %while3A_750 : i32 to vector<16xi32>
        %gather3A = tpu.vector_load_idx %arg9[%broadcast_in_dim3A_752, %broadcast_in_dim3A_753] : memref<16x32xf32, #tpu.memory_space<vmem>>[vector<16xi32>, vector<16xi32>], vector<16xf32>,
        %scan3A = arith.constant 0 : i32
        %scan3A_754 = arith.constant 0 : i32
        %scan3A_755 = arith.constant 64 : i32
        %scan3A_756 = arith.addi %scan3A_754, %scan3A_755 : i32
        %scan3A_757 = arith.constant 1 : i32
        scf.for %scan3A_759 = %scan3A_754 to %scan3A_756 step %scan3A_757  : i32 {
          %mul3A_760 = arith.constant 16 : i32
          %mul3A_761 = arith.muli %scan3A_759, %mul3A_760 : i32
          %get3A_762 = arith.index_cast %while3A_750 : i32 to index
          %get3A_763 = arith.index_cast %mul3A_761 : i32 to index
          %get3A_764 = tpu.vector_load %arg12[%get3A_762, %get3A_763] {strides = array<i32>} : memref<32x1024xf32, #tpu.memory_space<vmem>>, vector<16xf32>,
          %mul3A_765 = arith.mulf %get3A_764, %gather3A : vector<16xf32>
          %swap3A = arith.index_cast %while3A_750 : i32 to index
          %swap3A_766 = arith.index_cast %mul3A_761 : i32 to index
          %swap3A_767 = tpu.vector_load %arg12[%swap3A, %swap3A_766] {strides = array<i32>} : memref<32x1024xf32, #tpu.memory_space<vmem>>, vector<16xf32>,
          tpu.vector_store %arg12[%swap3A, %swap3A_766], %mul3A_765 {strides = array<i32>} : memref<32x1024xf32, #tpu.memory_space<vmem>>, vector<16xf32>,
        }
        %scan3A_758 = arith.constant 64 : i32
      }
      %mul3A_75 = arith.constant 128 : i32
      %mul3A_76 = arith.muli %add3A, %mul3A_75 : i32
      %add3A_77 = arith.constant 0 : i32
      %add3A_78 = arith.addi %add3A_77, %mul3A_76 : i32
      %add3A_79 = arith.constant 0 : i32
      %add3A_80 = arith.addi %add3A_78, %add3A_79 : i32
      %dma_start3A_81 = arith.constant 0 : i32
      %dma_start3A_82 = tpu.memref_slice %arg7[%add3A_80, %dma_start3A_81] : memref<16384x1024xf32, #tpu.memory_space<hbm>> -> memref<32x1024xf32, #tpu.memory_space<hbm>>
      %dma_start3A_83 = arith.constant 0 : i32
      %dma_start3A_84 = tpu.memref_slice %arg7[%add3A_80, %dma_start3A_83] : memref<16384x1024xf32, #tpu.memory_space<hbm>> -> memref<32x1024xf32, #tpu.memory_space<hbm>>
      tpu.enqueue_dma source(%arg12 : memref<32x1024xf32, #tpu.memory_space<vmem>>) target(%dma_start3A_84 : memref<32x1024xf32, #tpu.memory_space<hbm>>) target_semaphore(%arg18 : memref<!tpu.dma_semaphore, #tpu.memory_space<semaphore_mem>>)
      %dma_wait3A_85 = arith.constant 0 : i32
      %dma_wait3A_86 = tpu.memref_slice %arg7[%add3A_80, %dma_wait3A_85] : memref<16384x1024xf32, #tpu.memory_space<hbm>> -> memref<32x1024xf32, #tpu.memory_space<hbm>>
      %dma_wait3A_87 = arith.constant 0 : i32
      %dma_wait3A_88 = tpu.memref_slice %arg7[%add3A_80, %dma_wait3A_87] : memref<16384x1024xf32, #tpu.memory_space<hbm>> -> memref<32x1024xf32, #tpu.memory_space<hbm>>
      tpu.wait_dma2 semaphore(%arg18 : memref<!tpu.dma_semaphore, #tpu.memory_space<semaphore_mem>>) src(%arg12 : memref<32x1024xf32, #tpu.memory_space<vmem>>) dst(%dma_wait3A_88 : memref<32x1024xf32, #tpu.memory_space<hbm>>)
      %dma_start3A_89 = arith.constant 3 : i32
      %dma_start3A_90 = arith.constant 0 : i32
      %dma_start3A_91 = tpu.memref_slice %arg8[%dma_start3A_89, %dma_start3A_90] : memref<16x32xi32, #tpu.memory_space<vmem>> -> memref<1x32xi32, #tpu.memory_space<vmem>>
      %dma_start3A_92 = tpu.memref_squeeze %dma_start3A_91 : memref<1x32xi32, #tpu.memory_space<vmem>> -> memref<32xi32, #tpu.memory_space<vmem>>
      %dma_start3A_93 = arith.constant 0 : i32
      %dma_start3A_94 = arith.constant 0 : i32
      %dma_start3A_95 = tpu.memref_slice %arg2[%dma_start3A_93, %dma_start3A_94] : memref<8192x1024xf32, #tpu.memory_space<hbm>> -> memref<8192x1024xf32, #tpu.memory_space<hbm>>
      tpu.enqueue_indirect_dma source(%dma_start3A_95 : memref<8192x1024xf32, #tpu.memory_space<hbm>>) target(%arg12 : memref<32x1024xf32, #tpu.memory_space<vmem>>) offsets(%dma_start3A_92 : memref<32xi32, #tpu.memory_space<vmem>>) semaphore(%arg15 : memref<!tpu.dma_semaphore, #tpu.memory_space<semaphore_mem>>)
      %dma_wait3A_96 = arith.constant 1 : i32
      %dma_wait3A_97 = arith.constant 0 : i32
      %dma_wait3A_98 = tpu.memref_slice %arg8[%dma_wait3A_96, %dma_wait3A_97] : memref<16x32xi32, #tpu.memory_space<vmem>> -> memref<1x32xi32, #tpu.memory_space<vmem>>
      %dma_wait3A_99 = tpu.memref_squeeze %dma_wait3A_98 : memref<1x32xi32, #tpu.memory_space<vmem>> -> memref<32xi32, #tpu.memory_space<vmem>>
      %dma_wait3A_100 = arith.constant 0 : i32
      %dma_wait3A_101 = arith.constant 0 : i32
      %dma_wait3A_102 = tpu.memref_slice %arg2[%dma_wait3A_100, %dma_wait3A_101] : memref<8192x1024xf32, #tpu.memory_space<hbm>> -> memref<8192x1024xf32, #tpu.memory_space<hbm>>
      tpu.wait_indirect_dma semaphore(%arg16 : memref<!tpu.dma_semaphore, #tpu.memory_space<semaphore_mem>>) src(%dma_wait3A_102 : memref<8192x1024xf32, #tpu.memory_space<hbm>>) dst(%arg13 : memref<32x1024xf32, #tpu.memory_space<vmem>>)
      %slice3A_103 = vector.extract_strided_slice %get3A_4 {offsets = [1], sizes = [1], strides = [1]} : vector<16xi32> to vector<1xi32>
      %squeeze3A_104 = vector.extract %slice3A_103[0] : i32 from vector<1xi32>
      %gt3A_105 = arith.constant 0 : i32
      %gt3A_106 = arith.cmpi sgt, %squeeze3A_104, %gt3A_105 : i32
      %jit3A_107 = arith.constant 32 : i32
      %jit3A_108 = arith.constant 0 : i32
      %select_n3A_109 = arith.select %gt3A_106, %jit3A_107, %jit3A_108 : i32
      %while3A_110 = arith.constant 0 : i32
      %while3A_111 = arith.constant 0 : i32
      %while3A_112 = arith.subi %select_n3A_109, %while3A_111 : i32
      %while3A_113 = arith.addi %while3A_111, %while3A_112 : i32
      %while3A_114 = arith.constant 1 : i32
      %while3A_115 = arith.divsi %while3A_112, %while3A_114 : i32
      %while3A_116 = arith.muli %while3A_115, %while3A_114 : i32
      %while3A_117 = arith.addi %while3A_111, %while3A_116 : i32
      %while3A_118 = arith.constant 1 : i32
      scf.for %while3A_750 = %while3A_111 to %while3A_117 step %while3A_118  : i32 {
        %broadcast_in_dim3A_751 = arith.constant 1 : i32
        %broadcast_in_dim3A_752 = vector.broadcast %broadcast_in_dim3A_751 : i32 to vector<16xi32>
        %broadcast_in_dim3A_753 = vector.broadcast %while3A_750 : i32 to vector<16xi32>
        %gather3A = tpu.vector_load_idx %arg9[%broadcast_in_dim3A_752, %broadcast_in_dim3A_753] : memref<16x32xf32, #tpu.memory_space<vmem>>[vector<16xi32>, vector<16xi32>], vector<16xf32>,
        %scan3A = arith.constant 0 : i32
        %scan3A_754 = arith.constant 0 : i32
        %scan3A_755 = arith.constant 64 : i32
        %scan3A_756 = arith.addi %scan3A_754, %scan3A_755 : i32
        %scan3A_757 = arith.constant 1 : i32
        scf.for %scan3A_759 = %scan3A_754 to %scan3A_756 step %scan3A_757  : i32 {
          %mul3A_760 = arith.constant 16 : i32
          %mul3A_761 = arith.muli %scan3A_759, %mul3A_760 : i32
          %get3A_762 = arith.index_cast %while3A_750 : i32 to index
          %get3A_763 = arith.index_cast %mul3A_761 : i32 to index
          %get3A_764 = tpu.vector_load %arg13[%get3A_762, %get3A_763] {strides = array<i32>} : memref<32x1024xf32, #tpu.memory_space<vmem>>, vector<16xf32>,
          %mul3A_765 = arith.mulf %get3A_764, %gather3A : vector<16xf32>
          %swap3A = arith.index_cast %while3A_750 : i32 to index
          %swap3A_766 = arith.index_cast %mul3A_761 : i32 to index
          %swap3A_767 = tpu.vector_load %arg13[%swap3A, %swap3A_766] {strides = array<i32>} : memref<32x1024xf32, #tpu.memory_space<vmem>>, vector<16xf32>,
          tpu.vector_store %arg13[%swap3A, %swap3A_766], %mul3A_765 {strides = array<i32>} : memref<32x1024xf32, #tpu.memory_space<vmem>>, vector<16xf32>,
        }
        %scan3A_758 = arith.constant 64 : i32
      }
      %while3A_119 = arith.constant 1 : i32
      scf.for %while3A_750 = %while3A_117 to %while3A_113 step %while3A_119  : i32 {
        %broadcast_in_dim3A_751 = arith.constant 1 : i32
        %broadcast_in_dim3A_752 = vector.broadcast %broadcast_in_dim3A_751 : i32 to vector<16xi32>
        %broadcast_in_dim3A_753 = vector.broadcast %while3A_750 : i32 to vector<16xi32>
        %gather3A = tpu.vector_load_idx %arg9[%broadcast_in_dim3A_752, %broadcast_in_dim3A_753] : memref<16x32xf32, #tpu.memory_space<vmem>>[vector<16xi32>, vector<16xi32>], vector<16xf32>,
        %scan3A = arith.constant 0 : i32
        %scan3A_754 = arith.constant 0 : i32
        %scan3A_755 = arith.constant 64 : i32
        %scan3A_756 = arith.addi %scan3A_754, %scan3A_755 : i32
        %scan3A_757 = arith.constant 1 : i32
        scf.for %scan3A_759 = %scan3A_754 to %scan3A_756 step %scan3A_757  : i32 {
          %mul3A_760 = arith.constant 16 : i32
          %mul3A_761 = arith.muli %scan3A_759, %mul3A_760 : i32
          %get3A_762 = arith.index_cast %while3A_750 : i32 to index
          %get3A_763 = arith.index_cast %mul3A_761 : i32 to index
          %get3A_764 = tpu.vector_load %arg13[%get3A_762, %get3A_763] {strides = array<i32>} : memref<32x1024xf32, #tpu.memory_space<vmem>>, vector<16xf32>,
          %mul3A_765 = arith.mulf %get3A_764, %gather3A : vector<16xf32>
          %swap3A = arith.index_cast %while3A_750 : i32 to index
          %swap3A_766 = arith.index_cast %mul3A_761 : i32 to index
          %swap3A_767 = tpu.vector_load %arg13[%swap3A, %swap3A_766] {strides = array<i32>} : memref<32x1024xf32, #tpu.memory_space<vmem>>, vector<16xf32>,
          tpu.vector_store %arg13[%swap3A, %swap3A_766], %mul3A_765 {strides = array<i32>} : memref<32x1024xf32, #tpu.memory_space<vmem>>, vector<16xf32>,
        }
        %scan3A_758 = arith.constant 64 : i32
      }
      %mul3A_120 = arith.constant 128 : i32
      %mul3A_121 = arith.muli %add3A, %mul3A_120 : i32
      %add3A_122 = arith.constant 0 : i32
      %add3A_123 = arith.addi %add3A_122, %mul3A_121 : i32
      %add3A_124 = arith.constant 32 : i32
      %add3A_125 = arith.addi %add3A_123, %add3A_124 : i32
      %dma_start3A_126 = arith.constant 0 : i32
      %dma_start3A_127 = tpu.memref_slice %arg7[%add3A_125, %dma_start3A_126] : memref<16384x1024xf32, #tpu.memory_space<hbm>> -> memref<32x1024xf32, #tpu.memory_space<hbm>>
      %dma_start3A_128 = arith.constant 0 : i32
      %dma_start3A_129 = tpu.memref_slice %arg7[%add3A_125, %dma_start3A_128] : memref<16384x1024xf32, #tpu.memory_space<hbm>> -> memref<32x1024xf32, #tpu.memory_space<hbm>>
      tpu.enqueue_dma source(%arg13 : memref<32x1024xf32, #tpu.memory_space<vmem>>) target(%dma_start3A_129 : memref<32x1024xf32, #tpu.memory_space<hbm>>) target_semaphore(%arg19 : memref<!tpu.dma_semaphore, #tpu.memory_space<semaphore_mem>>)
      %dma_wait3A_130 = arith.constant 0 : i32
      %dma_wait3A_131 = tpu.memref_slice %arg7[%add3A_125, %dma_wait3A_130] : memref<16384x1024xf32, #tpu.memory_space<hbm>> -> memref<32x1024xf32, #tpu.memory_space<hbm>>
      %dma_wait3A_132 = arith.constant 0 : i32
      %dma_wait3A_133 = tpu.memref_slice %arg7[%add3A_125, %dma_wait3A_132] : memref<16384x1024xf32, #tpu.memory_space<hbm>> -> memref<32x1024xf32, #tpu.memory_space<hbm>>
      tpu.wait_dma2 semaphore(%arg19 : memref<!tpu.dma_semaphore, #tpu.memory_space<semaphore_mem>>) src(%arg13 : memref<32x1024xf32, #tpu.memory_space<vmem>>) dst(%dma_wait3A_133 : memref<32x1024xf32, #tpu.memory_space<hbm>>)
      %dma_start3A_134 = arith.constant 4 : i32
      %dma_start3A_135 = arith.constant 0 : i32
      %dma_start3A_136 = tpu.memref_slice %arg8[%dma_start3A_134, %dma_start3A_135] : memref<16x32xi32, #tpu.memory_space<vmem>> -> memref<1x32xi32, #tpu.memory_space<vmem>>
      %dma_start3A_137 = tpu.memref_squeeze %dma_start3A_136 : memref<1x32xi32, #tpu.memory_space<vmem>> -> memref<32xi32, #tpu.memory_space<vmem>>
      %dma_start3A_138 = arith.constant 0 : i32
      %dma_start3A_139 = arith.constant 0 : i32
      %dma_start3A_140 = tpu.memref_slice %arg2[%dma_start3A_138, %dma_start3A_139] : memref<8192x1024xf32, #tpu.memory_space<hbm>> -> memref<8192x1024xf32, #tpu.memory_space<hbm>>
      tpu.enqueue_indirect_dma source(%dma_start3A_140 : memref<8192x1024xf32, #tpu.memory_space<hbm>>) target(%arg13 : memref<32x1024xf32, #tpu.memory_space<vmem>>) offsets(%dma_start3A_137 : memref<32xi32, #tpu.memory_space<vmem>>) semaphore(%arg16 : memref<!tpu.dma_semaphore, #tpu.memory_space<semaphore_mem>>)
      %dma_wait3A_141 = arith.constant 2 : i32
      %dma_wait3A_142 = arith.constant 0 : i32
      %dma_wait3A_143 = tpu.memref_slice %arg8[%dma_wait3A_141, %dma_wait3A_142] : memref<16x32xi32, #tpu.memory_space<vmem>> -> memref<1x32xi32, #tpu.memory_space<vmem>>
      %dma_wait3A_144 = tpu.memref_squeeze %dma_wait3A_143 : memref<1x32xi32, #tpu.memory_space<vmem>> -> memref<32xi32, #tpu.memory_space<vmem>>
      %dma_wait3A_145 = arith.constant 0 : i32
      %dma_wait3A_146 = arith.constant 0 : i32
      %dma_wait3A_147 = tpu.memref_slice %arg2[%dma_wait3A_145, %dma_wait3A_146] : memref<8192x1024xf32, #tpu.memory_space<hbm>> -> memref<8192x1024xf32, #tpu.memory_space<hbm>>
      tpu.wait_indirect_dma semaphore(%arg17 : memref<!tpu.dma_semaphore, #tpu.memory_space<semaphore_mem>>) src(%dma_wait3A_147 : memref<8192x1024xf32, #tpu.memory_space<hbm>>) dst(%arg14 : memref<32x1024xf32, #tpu.memory_space<vmem>>)
      %slice3A_148 = vector.extract_strided_slice %get3A_4 {offsets = [2], sizes = [1], strides = [1]} : vector<16xi32> to vector<1xi32>
      %squeeze3A_149 = vector.extract %slice3A_148[0] : i32 from vector<1xi32>
      %gt3A_150 = arith.constant 0 : i32
      %gt3A_151 = arith.cmpi sgt, %squeeze3A_149, %gt3A_150 : i32
      %jit3A_152 = arith.constant 32 : i32
      %jit3A_153 = arith.constant 0 : i32
      %select_n3A_154 = arith.select %gt3A_151, %jit3A_152, %jit3A_153 : i32
      %while3A_155 = arith.constant 0 : i32
      %while3A_156 = arith.constant 0 : i32
      %while3A_157 = arith.subi %select_n3A_154, %while3A_156 : i32
      %while3A_158 = arith.addi %while3A_156, %while3A_157 : i32
      %while3A_159 = arith.constant 1 : i32
      %while3A_160 = arith.divsi %while3A_157, %while3A_159 : i32
      %while3A_161 = arith.muli %while3A_160, %while3A_159 : i32
      %while3A_162 = arith.addi %while3A_156, %while3A_161 : i32
      %while3A_163 = arith.constant 1 : i32
      scf.for %while3A_750 = %while3A_156 to %while3A_162 step %while3A_163  : i32 {
        %broadcast_in_dim3A_751 = arith.constant 2 : i32
        %broadcast_in_dim3A_752 = vector.broadcast %broadcast_in_dim3A_751 : i32 to vector<16xi32>
        %broadcast_in_dim3A_753 = vector.broadcast %while3A_750 : i32 to vector<16xi32>
        %gather3A = tpu.vector_load_idx %arg9[%broadcast_in_dim3A_752, %broadcast_in_dim3A_753] : memref<16x32xf32, #tpu.memory_space<vmem>>[vector<16xi32>, vector<16xi32>], vector<16xf32>,
        %scan3A = arith.constant 0 : i32
        %scan3A_754 = arith.constant 0 : i32
        %scan3A_755 = arith.constant 64 : i32
        %scan3A_756 = arith.addi %scan3A_754, %scan3A_755 : i32
        %scan3A_757 = arith.constant 1 : i32
        scf.for %scan3A_759 = %scan3A_754 to %scan3A_756 step %scan3A_757  : i32 {
          %mul3A_760 = arith.constant 16 : i32
          %mul3A_761 = arith.muli %scan3A_759, %mul3A_760 : i32
          %get3A_762 = arith.index_cast %while3A_750 : i32 to index
          %get3A_763 = arith.index_cast %mul3A_761 : i32 to index
          %get3A_764 = tpu.vector_load %arg14[%get3A_762, %get3A_763] {strides = array<i32>} : memref<32x1024xf32, #tpu.memory_space<vmem>>, vector<16xf32>,
          %mul3A_765 = arith.mulf %get3A_764, %gather3A : vector<16xf32>
          %swap3A = arith.index_cast %while3A_750 : i32 to index
          %swap3A_766 = arith.index_cast %mul3A_761 : i32 to index
          %swap3A_767 = tpu.vector_load %arg14[%swap3A, %swap3A_766] {strides = array<i32>} : memref<32x1024xf32, #tpu.memory_space<vmem>>, vector<16xf32>,
          tpu.vector_store %arg14[%swap3A, %swap3A_766], %mul3A_765 {strides = array<i32>} : memref<32x1024xf32, #tpu.memory_space<vmem>>, vector<16xf32>,
        }
        %scan3A_758 = arith.constant 64 : i32
      }
      %while3A_164 = arith.constant 1 : i32
      scf.for %while3A_750 = %while3A_162 to %while3A_158 step %while3A_164  : i32 {
        %broadcast_in_dim3A_751 = arith.constant 2 : i32
        %broadcast_in_dim3A_752 = vector.broadcast %broadcast_in_dim3A_751 : i32 to vector<16xi32>
        %broadcast_in_dim3A_753 = vector.broadcast %while3A_750 : i32 to vector<16xi32>
        %gather3A = tpu.vector_load_idx %arg9[%broadcast_in_dim3A_752, %broadcast_in_dim3A_753] : memref<16x32xf32, #tpu.memory_space<vmem>>[vector<16xi32>, vector<16xi32>], vector<16xf32>,
        %scan3A = arith.constant 0 : i32
        %scan3A_754 = arith.constant 0 : i32
        %scan3A_755 = arith.constant 64 : i32
        %scan3A_756 = arith.addi %scan3A_754, %scan3A_755 : i32
        %scan3A_757 = arith.constant 1 : i32
        scf.for %scan3A_759 = %scan3A_754 to %scan3A_756 step %scan3A_757  : i32 {
          %mul3A_760 = arith.constant 16 : i32
          %mul3A_761 = arith.muli %scan3A_759, %mul3A_760 : i32
          %get3A_762 = arith.index_cast %while3A_750 : i32 to index
          %get3A_763 = arith.index_cast %mul3A_761 : i32 to index
          %get3A_764 = tpu.vector_load %arg14[%get3A_762, %get3A_763] {strides = array<i32>} : memref<32x1024xf32, #tpu.memory_space<vmem>>, vector<16xf32>,
          %mul3A_765 = arith.mulf %get3A_764, %gather3A : vector<16xf32>
          %swap3A = arith.index_cast %while3A_750 : i32 to index
          %swap3A_766 = arith.index_cast %mul3A_761 : i32 to index
          %swap3A_767 = tpu.vector_load %arg14[%swap3A, %swap3A_766] {strides = array<i32>} : memref<32x1024xf32, #tpu.memory_space<vmem>>, vector<16xf32>,
          tpu.vector_store %arg14[%swap3A, %swap3A_766], %mul3A_765 {strides = array<i32>} : memref<32x1024xf32, #tpu.memory_space<vmem>>, vector<16xf32>,
        }
        %scan3A_758 = arith.constant 64 : i32
      }
      %mul3A_165 = arith.constant 128 : i32
      %mul3A_166 = arith.muli %add3A, %mul3A_165 : i32
      %add3A_167 = arith.constant 0 : i32
      %add3A_168 = arith.addi %add3A_167, %mul3A_166 : i32
      %add3A_169 = arith.constant 64 : i32
      %add3A_170 = arith.addi %add3A_168, %add3A_169 : i32
      %dma_start3A_171 = arith.constant 0 : i32
      %dma_start3A_172 = tpu.memref_slice %arg7[%add3A_170, %dma_start3A_171] : memref<16384x1024xf32, #tpu.memory_space<hbm>> -> memref<32x1024xf32, #tpu.memory_space<hbm>>
      %dma_start3A_173 = arith.constant 0 : i32
      %dma_start3A_174 = tpu.memref_slice %arg7[%add3A_170, %dma_start3A_173] : memref<16384x1024xf32, #tpu.memory_space<hbm>> -> memref<32x1024xf32, #tpu.memory_space<hbm>>
      tpu.enqueue_dma source(%arg14 : memref<32x1024xf32, #tpu.memory_space<vmem>>) target(%dma_start3A_174 : memref<32x1024xf32, #tpu.memory_space<hbm>>) target_semaphore(%arg20 : memref<!tpu.dma_semaphore, #tpu.memory_space<semaphore_mem>>)
      %dma_wait3A_175 = arith.constant 0 : i32
      %dma_wait3A_176 = tpu.memref_slice %arg7[%add3A_170, %dma_wait3A_175] : memref<16384x1024xf32, #tpu.memory_space<hbm>> -> memref<32x1024xf32, #tpu.memory_space<hbm>>
      %dma_wait3A_177 = arith.constant 0 : i32
      %dma_wait3A_178 = tpu.memref_slice %arg7[%add3A_170, %dma_wait3A_177] : memref<16384x1024xf32, #tpu.memory_space<hbm>> -> memref<32x1024xf32, #tpu.memory_space<hbm>>
      tpu.wait_dma2 semaphore(%arg20 : memref<!tpu.dma_semaphore, #tpu.memory_space<semaphore_mem>>) src(%arg14 : memref<32x1024xf32, #tpu.memory_space<vmem>>) dst(%dma_wait3A_178 : memref<32x1024xf32, #tpu.memory_space<hbm>>)
      %dma_start3A_179 = arith.constant 5 : i32
      %dma_start3A_180 = arith.constant 0 : i32
      %dma_start3A_181 = tpu.memref_slice %arg8[%dma_start3A_179, %dma_start3A_180] : memref<16x32xi32, #tpu.memory_space<vmem>> -> memref<1x32xi32, #tpu.memory_space<vmem>>
      %dma_start3A_182 = tpu.memref_squeeze %dma_start3A_181 : memref<1x32xi32, #tpu.memory_space<vmem>> -> memref<32xi32, #tpu.memory_space<vmem>>
      %dma_start3A_183 = arith.constant 0 : i32
      %dma_start3A_184 = arith.constant 0 : i32
      %dma_start3A_185 = tpu.memref_slice %arg2[%dma_start3A_183, %dma_start3A_184] : memref<8192x1024xf32, #tpu.memory_space<hbm>> -> memref<8192x1024xf32, #tpu.memory_space<hbm>>
      tpu.enqueue_indirect_dma source(%dma_start3A_185 : memref<8192x1024xf32, #tpu.memory_space<hbm>>) target(%arg14 : memref<32x1024xf32, #tpu.memory_space<vmem>>) offsets(%dma_start3A_182 : memref<32xi32, #tpu.memory_space<vmem>>) semaphore(%arg17 : memref<!tpu.dma_semaphore, #tpu.memory_space<semaphore_mem>>)
      %dma_wait3A_186 = arith.constant 3 : i32
      %dma_wait3A_187 = arith.constant 0 : i32
      %dma_wait3A_188 = tpu.memref_slice %arg8[%dma_wait3A_186, %dma_wait3A_187] : memref<16x32xi32, #tpu.memory_space<vmem>> -> memref<1x32xi32, #tpu.memory_space<vmem>>
      %dma_wait3A_189 = tpu.memref_squeeze %dma_wait3A_188 : memref<1x32xi32, #tpu.memory_space<vmem>> -> memref<32xi32, #tpu.memory_space<vmem>>
      %dma_wait3A_190 = arith.constant 0 : i32
      %dma_wait3A_191 = arith.constant 0 : i32
      %dma_wait3A_192 = tpu.memref_slice %arg2[%dma_wait3A_190, %dma_wait3A_191] : memref<8192x1024xf32, #tpu.memory_space<hbm>> -> memref<8192x1024xf32, #tpu.memory_space<hbm>>
      tpu.wait_indirect_dma semaphore(%arg15 : memref<!tpu.dma_semaphore, #tpu.memory_space<semaphore_mem>>) src(%dma_wait3A_192 : memref<8192x1024xf32, #tpu.memory_space<hbm>>) dst(%arg12 : memref<32x1024xf32, #tpu.memory_space<vmem>>)
      %slice3A_193 = vector.extract_strided_slice %get3A_4 {offsets = [3], sizes = [1], strides = [1]} : vector<16xi32> to vector<1xi32>
      %squeeze3A_194 = vector.extract %slice3A_193[0] : i32 from vector<1xi32>
      %gt3A_195 = arith.constant 0 : i32
      %gt3A_196 = arith.cmpi sgt, %squeeze3A_194, %gt3A_195 : i32
      %jit3A_197 = arith.constant 32 : i32
      %jit3A_198 = arith.constant 0 : i32
      %select_n3A_199 = arith.select %gt3A_196, %jit3A_197, %jit3A_198 : i32
      %while3A_200 = arith.constant 0 : i32
      %while3A_201 = arith.constant 0 : i32
      %while3A_202 = arith.subi %select_n3A_199, %while3A_201 : i32
      %while3A_203 = arith.addi %while3A_201, %while3A_202 : i32
      %while3A_204 = arith.constant 1 : i32
      %while3A_205 = arith.divsi %while3A_202, %while3A_204 : i32
      %while3A_206 = arith.muli %while3A_205, %while3A_204 : i32
      %while3A_207 = arith.addi %while3A_201, %while3A_206 : i32
      %while3A_208 = arith.constant 1 : i32
      scf.for %while3A_750 = %while3A_201 to %while3A_207 step %while3A_208  : i32 {
        %broadcast_in_dim3A_751 = arith.constant 3 : i32
        %broadcast_in_dim3A_752 = vector.broadcast %broadcast_in_dim3A_751 : i32 to vector<16xi32>
        %broadcast_in_dim3A_753 = vector.broadcast %while3A_750 : i32 to vector<16xi32>
        %gather3A = tpu.vector_load_idx %arg9[%broadcast_in_dim3A_752, %broadcast_in_dim3A_753] : memref<16x32xf32, #tpu.memory_space<vmem>>[vector<16xi32>, vector<16xi32>], vector<16xf32>,
        %scan3A = arith.constant 0 : i32
        %scan3A_754 = arith.constant 0 : i32
        %scan3A_755 = arith.constant 64 : i32
        %scan3A_756 = arith.addi %scan3A_754, %scan3A_755 : i32
        %scan3A_757 = arith.constant 1 : i32
        scf.for %scan3A_759 = %scan3A_754 to %scan3A_756 step %scan3A_757  : i32 {
          %mul3A_760 = arith.constant 16 : i32
          %mul3A_761 = arith.muli %scan3A_759, %mul3A_760 : i32
          %get3A_762 = arith.index_cast %while3A_750 : i32 to index
          %get3A_763 = arith.index_cast %mul3A_761 : i32 to index
          %get3A_764 = tpu.vector_load %arg12[%get3A_762, %get3A_763] {strides = array<i32>} : memref<32x1024xf32, #tpu.memory_space<vmem>>, vector<16xf32>,
          %mul3A_765 = arith.mulf %get3A_764, %gather3A : vector<16xf32>
          %swap3A = arith.index_cast %while3A_750 : i32 to index
          %swap3A_766 = arith.index_cast %mul3A_761 : i32 to index
          %swap3A_767 = tpu.vector_load %arg12[%swap3A, %swap3A_766] {strides = array<i32>} : memref<32x1024xf32, #tpu.memory_space<vmem>>, vector<16xf32>,
          tpu.vector_store %arg12[%swap3A, %swap3A_766], %mul3A_765 {strides = array<i32>} : memref<32x1024xf32, #tpu.memory_space<vmem>>, vector<16xf32>,
        }
        %scan3A_758 = arith.constant 64 : i32
      }
      %while3A_209 = arith.constant 1 : i32
      scf.for %while3A_750 = %while3A_207 to %while3A_203 step %while3A_209  : i32 {
        %broadcast_in_dim3A_751 = arith.constant 3 : i32
        %broadcast_in_dim3A_752 = vector.broadcast %broadcast_in_dim3A_751 : i32 to vector<16xi32>
        %broadcast_in_dim3A_753 = vector.broadcast %while3A_750 : i32 to vector<16xi32>
        %gather3A = tpu.vector_load_idx %arg9[%broadcast_in_dim3A_752, %broadcast_in_dim3A_753] : memref<16x32xf32, #tpu.memory_space<vmem>>[vector<16xi32>, vector<16xi32>], vector<16xf32>,
        %scan3A = arith.constant 0 : i32
        %scan3A_754 = arith.constant 0 : i32
        %scan3A_755 = arith.constant 64 : i32
        %scan3A_756 = arith.addi %scan3A_754, %scan3A_755 : i32
        %scan3A_757 = arith.constant 1 : i32
        scf.for %scan3A_759 = %scan3A_754 to %scan3A_756 step %scan3A_757  : i32 {
          %mul3A_760 = arith.constant 16 : i32
          %mul3A_761 = arith.muli %scan3A_759, %mul3A_760 : i32
          %get3A_762 = arith.index_cast %while3A_750 : i32 to index
          %get3A_763 = arith.index_cast %mul3A_761 : i32 to index
          %get3A_764 = tpu.vector_load %arg12[%get3A_762, %get3A_763] {strides = array<i32>} : memref<32x1024xf32, #tpu.memory_space<vmem>>, vector<16xf32>,
          %mul3A_765 = arith.mulf %get3A_764, %gather3A : vector<16xf32>
          %swap3A = arith.index_cast %while3A_750 : i32 to index
          %swap3A_766 = arith.index_cast %mul3A_761 : i32 to index
          %swap3A_767 = tpu.vector_load %arg12[%swap3A, %swap3A_766] {strides = array<i32>} : memref<32x1024xf32, #tpu.memory_space<vmem>>, vector<16xf32>,
          tpu.vector_store %arg12[%swap3A, %swap3A_766], %mul3A_765 {strides = array<i32>} : memref<32x1024xf32, #tpu.memory_space<vmem>>, vector<16xf32>,
        }
        %scan3A_758 = arith.constant 64 : i32
      }
      %mul3A_210 = arith.constant 128 : i32
      %mul3A_211 = arith.muli %add3A, %mul3A_210 : i32
      %add3A_212 = arith.constant 0 : i32
      %add3A_213 = arith.addi %add3A_212, %mul3A_211 : i32
      %add3A_214 = arith.constant 96 : i32
      %add3A_215 = arith.addi %add3A_213, %add3A_214 : i32
      %dma_start3A_216 = arith.constant 0 : i32
      %dma_start3A_217 = tpu.memref_slice %arg7[%add3A_215, %dma_start3A_216] : memref<16384x1024xf32, #tpu.memory_space<hbm>> -> memref<32x1024xf32, #tpu.memory_space<hbm>>
      %dma_start3A_218 = arith.constant 0 : i32
      %dma_start3A_219 = tpu.memref_slice %arg7[%add3A_215, %dma_start3A_218] : memref<16384x1024xf32, #tpu.memory_space<hbm>> -> memref<32x1024xf32, #tpu.memory_space<hbm>>
      tpu.enqueue_dma source(%arg12 : memref<32x1024xf32, #tpu.memory_space<vmem>>) target(%dma_start3A_219 : memref<32x1024xf32, #tpu.memory_space<hbm>>) target_semaphore(%arg18 : memref<!tpu.dma_semaphore, #tpu.memory_space<semaphore_mem>>)
      %dma_wait3A_220 = arith.constant 0 : i32
      %dma_wait3A_221 = tpu.memref_slice %arg7[%add3A_215, %dma_wait3A_220] : memref<16384x1024xf32, #tpu.memory_space<hbm>> -> memref<32x1024xf32, #tpu.memory_space<hbm>>
      %dma_wait3A_222 = arith.constant 0 : i32
      %dma_wait3A_223 = tpu.memref_slice %arg7[%add3A_215, %dma_wait3A_222] : memref<16384x1024xf32, #tpu.memory_space<hbm>> -> memref<32x1024xf32, #tpu.memory_space<hbm>>
      tpu.wait_dma2 semaphore(%arg18 : memref<!tpu.dma_semaphore, #tpu.memory_space<semaphore_mem>>) src(%arg12 : memref<32x1024xf32, #tpu.memory_space<vmem>>) dst(%dma_wait3A_223 : memref<32x1024xf32, #tpu.memory_space<hbm>>)
      %dma_start3A_224 = arith.constant 6 : i32
      %dma_start3A_225 = arith.constant 0 : i32
      %dma_start3A_226 = tpu.memref_slice %arg8[%dma_start3A_224, %dma_start3A_225] : memref<16x32xi32, #tpu.memory_space<vmem>> -> memref<1x32xi32, #tpu.memory_space<vmem>>
      %dma_start3A_227 = tpu.memref_squeeze %dma_start3A_226 : memref<1x32xi32, #tpu.memory_space<vmem>> -> memref<32xi32, #tpu.memory_space<vmem>>
      %dma_start3A_228 = arith.constant 0 : i32
      %dma_start3A_229 = arith.constant 0 : i32
      %dma_start3A_230 = tpu.memref_slice %arg2[%dma_start3A_228, %dma_start3A_229] : memref<8192x1024xf32, #tpu.memory_space<hbm>> -> memref<8192x1024xf32, #tpu.memory_space<hbm>>
      tpu.enqueue_indirect_dma source(%dma_start3A_230 : memref<8192x1024xf32, #tpu.memory_space<hbm>>) target(%arg12 : memref<32x1024xf32, #tpu.memory_space<vmem>>) offsets(%dma_start3A_227 : memref<32xi32, #tpu.memory_space<vmem>>) semaphore(%arg15 : memref<!tpu.dma_semaphore, #tpu.memory_space<semaphore_mem>>)
      %dma_wait3A_231 = arith.constant 4 : i32
      %dma_wait3A_232 = arith.constant 0 : i32
      %dma_wait3A_233 = tpu.memref_slice %arg8[%dma_wait3A_231, %dma_wait3A_232] : memref<16x32xi32, #tpu.memory_space<vmem>> -> memref<1x32xi32, #tpu.memory_space<vmem>>
      %dma_wait3A_234 = tpu.memref_squeeze %dma_wait3A_233 : memref<1x32xi32, #tpu.memory_space<vmem>> -> memref<32xi32, #tpu.memory_space<vmem>>
      %dma_wait3A_235 = arith.constant 0 : i32
      %dma_wait3A_236 = arith.constant 0 : i32
      %dma_wait3A_237 = tpu.memref_slice %arg2[%dma_wait3A_235, %dma_wait3A_236] : memref<8192x1024xf32, #tpu.memory_space<hbm>> -> memref<8192x1024xf32, #tpu.memory_space<hbm>>
      tpu.wait_indirect_dma semaphore(%arg16 : memref<!tpu.dma_semaphore, #tpu.memory_space<semaphore_mem>>) src(%dma_wait3A_237 : memref<8192x1024xf32, #tpu.memory_space<hbm>>) dst(%arg13 : memref<32x1024xf32, #tpu.memory_space<vmem>>)
      %slice3A_238 = vector.extract_strided_slice %get3A_4 {offsets = [4], sizes = [1], strides = [1]} : vector<16xi32> to vector<1xi32>
      %squeeze3A_239 = vector.extract %slice3A_238[0] : i32 from vector<1xi32>
      %gt3A_240 = arith.constant 0 : i32
      %gt3A_241 = arith.cmpi sgt, %squeeze3A_239, %gt3A_240 : i32
      %jit3A_242 = arith.constant 32 : i32
      %jit3A_243 = arith.constant 0 : i32
      %select_n3A_244 = arith.select %gt3A_241, %jit3A_242, %jit3A_243 : i32
      %while3A_245 = arith.constant 0 : i32
      %while3A_246 = arith.constant 0 : i32
      %while3A_247 = arith.subi %select_n3A_244, %while3A_246 : i32
      %while3A_248 = arith.addi %while3A_246, %while3A_247 : i32
      %while3A_249 = arith.constant 1 : i32
      %while3A_250 = arith.divsi %while3A_247, %while3A_249 : i32
      %while3A_251 = arith.muli %while3A_250, %while3A_249 : i32
      %while3A_252 = arith.addi %while3A_246, %while3A_251 : i32
      %while3A_253 = arith.constant 1 : i32
      scf.for %while3A_750 = %while3A_246 to %while3A_252 step %while3A_253  : i32 {
        %broadcast_in_dim3A_751 = arith.constant 4 : i32
        %broadcast_in_dim3A_752 = vector.broadcast %broadcast_in_dim3A_751 : i32 to vector<16xi32>
        %broadcast_in_dim3A_753 = vector.broadcast %while3A_750 : i32 to vector<16xi32>
        %gather3A = tpu.vector_load_idx %arg9[%broadcast_in_dim3A_752, %broadcast_in_dim3A_753] : memref<16x32xf32, #tpu.memory_space<vmem>>[vector<16xi32>, vector<16xi32>], vector<16xf32>,
        %scan3A = arith.constant 0 : i32
        %scan3A_754 = arith.constant 0 : i32
        %scan3A_755 = arith.constant 64 : i32
        %scan3A_756 = arith.addi %scan3A_754, %scan3A_755 : i32
        %scan3A_757 = arith.constant 1 : i32
        scf.for %scan3A_759 = %scan3A_754 to %scan3A_756 step %scan3A_757  : i32 {
          %mul3A_760 = arith.constant 16 : i32
          %mul3A_761 = arith.muli %scan3A_759, %mul3A_760 : i32
          %get3A_762 = arith.index_cast %while3A_750 : i32 to index
          %get3A_763 = arith.index_cast %mul3A_761 : i32 to index
          %get3A_764 = tpu.vector_load %arg13[%get3A_762, %get3A_763] {strides = array<i32>} : memref<32x1024xf32, #tpu.memory_space<vmem>>, vector<16xf32>,
          %mul3A_765 = arith.mulf %get3A_764, %gather3A : vector<16xf32>
          %swap3A = arith.index_cast %while3A_750 : i32 to index
          %swap3A_766 = arith.index_cast %mul3A_761 : i32 to index
          %swap3A_767 = tpu.vector_load %arg13[%swap3A, %swap3A_766] {strides = array<i32>} : memref<32x1024xf32, #tpu.memory_space<vmem>>, vector<16xf32>,
          tpu.vector_store %arg13[%swap3A, %swap3A_766], %mul3A_765 {strides = array<i32>} : memref<32x1024xf32, #tpu.memory_space<vmem>>, vector<16xf32>,
        }
        %scan3A_758 = arith.constant 64 : i32
      }
      %while3A_254 = arith.constant 1 : i32
      scf.for %while3A_750 = %while3A_252 to %while3A_248 step %while3A_254  : i32 {
        %broadcast_in_dim3A_751 = arith.constant 4 : i32
        %broadcast_in_dim3A_752 = vector.broadcast %broadcast_in_dim3A_751 : i32 to vector<16xi32>
        %broadcast_in_dim3A_753 = vector.broadcast %while3A_750 : i32 to vector<16xi32>
        %gather3A = tpu.vector_load_idx %arg9[%broadcast_in_dim3A_752, %broadcast_in_dim3A_753] : memref<16x32xf32, #tpu.memory_space<vmem>>[vector<16xi32>, vector<16xi32>], vector<16xf32>,
        %scan3A = arith.constant 0 : i32
        %scan3A_754 = arith.constant 0 : i32
        %scan3A_755 = arith.constant 64 : i32
        %scan3A_756 = arith.addi %scan3A_754, %scan3A_755 : i32
        %scan3A_757 = arith.constant 1 : i32
        scf.for %scan3A_759 = %scan3A_754 to %scan3A_756 step %scan3A_757  : i32 {
          %mul3A_760 = arith.constant 16 : i32
          %mul3A_761 = arith.muli %scan3A_759, %mul3A_760 : i32
          %get3A_762 = arith.index_cast %while3A_750 : i32 to index
          %get3A_763 = arith.index_cast %mul3A_761 : i32 to index
          %get3A_764 = tpu.vector_load %arg13[%get3A_762, %get3A_763] {strides = array<i32>} : memref<32x1024xf32, #tpu.memory_space<vmem>>, vector<16xf32>,
          %mul3A_765 = arith.mulf %get3A_764, %gather3A : vector<16xf32>
          %swap3A = arith.index_cast %while3A_750 : i32 to index
          %swap3A_766 = arith.index_cast %mul3A_761 : i32 to index
          %swap3A_767 = tpu.vector_load %arg13[%swap3A, %swap3A_766] {strides = array<i32>} : memref<32x1024xf32, #tpu.memory_space<vmem>>, vector<16xf32>,
          tpu.vector_store %arg13[%swap3A, %swap3A_766], %mul3A_765 {strides = array<i32>} : memref<32x1024xf32, #tpu.memory_space<vmem>>, vector<16xf32>,
        }
        %scan3A_758 = arith.constant 64 : i32
      }
      %mul3A_255 = arith.constant 128 : i32
      %mul3A_256 = arith.muli %add3A, %mul3A_255 : i32
      %add3A_257 = arith.constant 4096 : i32
      %add3A_258 = arith.addi %add3A_257, %mul3A_256 : i32
      %add3A_259 = arith.constant 0 : i32
      %add3A_260 = arith.addi %add3A_258, %add3A_259 : i32
      %dma_start3A_261 = arith.constant 0 : i32
      %dma_start3A_262 = tpu.memref_slice %arg7[%add3A_260, %dma_start3A_261] : memref<16384x1024xf32, #tpu.memory_space<hbm>> -> memref<32x1024xf32, #tpu.memory_space<hbm>>
      %dma_start3A_263 = arith.constant 0 : i32
      %dma_start3A_264 = tpu.memref_slice %arg7[%add3A_260, %dma_start3A_263] : memref<16384x1024xf32, #tpu.memory_space<hbm>> -> memref<32x1024xf32, #tpu.memory_space<hbm>>
      tpu.enqueue_dma source(%arg13 : memref<32x1024xf32, #tpu.memory_space<vmem>>) target(%dma_start3A_264 : memref<32x1024xf32, #tpu.memory_space<hbm>>) target_semaphore(%arg19 : memref<!tpu.dma_semaphore, #tpu.memory_space<semaphore_mem>>)
      %dma_wait3A_265 = arith.constant 0 : i32
      %dma_wait3A_266 = tpu.memref_slice %arg7[%add3A_260, %dma_wait3A_265] : memref<16384x1024xf32, #tpu.memory_space<hbm>> -> memref<32x1024xf32, #tpu.memory_space<hbm>>
      %dma_wait3A_267 = arith.constant 0 : i32
      %dma_wait3A_268 = tpu.memref_slice %arg7[%add3A_260, %dma_wait3A_267] : memref<16384x1024xf32, #tpu.memory_space<hbm>> -> memref<32x1024xf32, #tpu.memory_space<hbm>>
      tpu.wait_dma2 semaphore(%arg19 : memref<!tpu.dma_semaphore, #tpu.memory_space<semaphore_mem>>) src(%arg13 : memref<32x1024xf32, #tpu.memory_space<vmem>>) dst(%dma_wait3A_268 : memref<32x1024xf32, #tpu.memory_space<hbm>>)
      %dma_start3A_269 = arith.constant 7 : i32
      %dma_start3A_270 = arith.constant 0 : i32
      %dma_start3A_271 = tpu.memref_slice %arg8[%dma_start3A_269, %dma_start3A_270] : memref<16x32xi32, #tpu.memory_space<vmem>> -> memref<1x32xi32, #tpu.memory_space<vmem>>
      %dma_start3A_272 = tpu.memref_squeeze %dma_start3A_271 : memref<1x32xi32, #tpu.memory_space<vmem>> -> memref<32xi32, #tpu.memory_space<vmem>>
      %dma_start3A_273 = arith.constant 0 : i32
      %dma_start3A_274 = arith.constant 0 : i32
      %dma_start3A_275 = tpu.memref_slice %arg2[%dma_start3A_273, %dma_start3A_274] : memref<8192x1024xf32, #tpu.memory_space<hbm>> -> memref<8192x1024xf32, #tpu.memory_space<hbm>>
      tpu.enqueue_indirect_dma source(%dma_start3A_275 : memref<8192x1024xf32, #tpu.memory_space<hbm>>) target(%arg13 : memref<32x1024xf32, #tpu.memory_space<vmem>>) offsets(%dma_start3A_272 : memref<32xi32, #tpu.memory_space<vmem>>) semaphore(%arg16 : memref<!tpu.dma_semaphore, #tpu.memory_space<semaphore_mem>>)
      %dma_wait3A_276 = arith.constant 5 : i32
      %dma_wait3A_277 = arith.constant 0 : i32
      %dma_wait3A_278 = tpu.memref_slice %arg8[%dma_wait3A_276, %dma_wait3A_277] : memref<16x32xi32, #tpu.memory_space<vmem>> -> memref<1x32xi32, #tpu.memory_space<vmem>>
      %dma_wait3A_279 = tpu.memref_squeeze %dma_wait3A_278 : memref<1x32xi32, #tpu.memory_space<vmem>> -> memref<32xi32, #tpu.memory_space<vmem>>
      %dma_wait3A_280 = arith.constant 0 : i32
      %dma_wait3A_281 = arith.constant 0 : i32
      %dma_wait3A_282 = tpu.memref_slice %arg2[%dma_wait3A_280, %dma_wait3A_281] : memref<8192x1024xf32, #tpu.memory_space<hbm>> -> memref<8192x1024xf32, #tpu.memory_space<hbm>>
      tpu.wait_indirect_dma semaphore(%arg17 : memref<!tpu.dma_semaphore, #tpu.memory_space<semaphore_mem>>) src(%dma_wait3A_282 : memref<8192x1024xf32, #tpu.memory_space<hbm>>) dst(%arg14 : memref<32x1024xf32, #tpu.memory_space<vmem>>)
      %slice3A_283 = vector.extract_strided_slice %get3A_4 {offsets = [5], sizes = [1], strides = [1]} : vector<16xi32> to vector<1xi32>
      %squeeze3A_284 = vector.extract %slice3A_283[0] : i32 from vector<1xi32>
      %gt3A_285 = arith.constant 0 : i32
      %gt3A_286 = arith.cmpi sgt, %squeeze3A_284, %gt3A_285 : i32
      %jit3A_287 = arith.constant 32 : i32
      %jit3A_288 = arith.constant 0 : i32
      %select_n3A_289 = arith.select %gt3A_286, %jit3A_287, %jit3A_288 : i32
      %while3A_290 = arith.constant 0 : i32
      %while3A_291 = arith.constant 0 : i32
      %while3A_292 = arith.subi %select_n3A_289, %while3A_291 : i32
      %while3A_293 = arith.addi %while3A_291, %while3A_292 : i32
      %while3A_294 = arith.constant 1 : i32
      %while3A_295 = arith.divsi %while3A_292, %while3A_294 : i32
      %while3A_296 = arith.muli %while3A_295, %while3A_294 : i32
      %while3A_297 = arith.addi %while3A_291, %while3A_296 : i32
      %while3A_298 = arith.constant 1 : i32
      scf.for %while3A_750 = %while3A_291 to %while3A_297 step %while3A_298  : i32 {
        %broadcast_in_dim3A_751 = arith.constant 5 : i32
        %broadcast_in_dim3A_752 = vector.broadcast %broadcast_in_dim3A_751 : i32 to vector<16xi32>
        %broadcast_in_dim3A_753 = vector.broadcast %while3A_750 : i32 to vector<16xi32>
        %gather3A = tpu.vector_load_idx %arg9[%broadcast_in_dim3A_752, %broadcast_in_dim3A_753] : memref<16x32xf32, #tpu.memory_space<vmem>>[vector<16xi32>, vector<16xi32>], vector<16xf32>,
        %scan3A = arith.constant 0 : i32
        %scan3A_754 = arith.constant 0 : i32
        %scan3A_755 = arith.constant 64 : i32
        %scan3A_756 = arith.addi %scan3A_754, %scan3A_755 : i32
        %scan3A_757 = arith.constant 1 : i32
        scf.for %scan3A_759 = %scan3A_754 to %scan3A_756 step %scan3A_757  : i32 {
          %mul3A_760 = arith.constant 16 : i32
          %mul3A_761 = arith.muli %scan3A_759, %mul3A_760 : i32
          %get3A_762 = arith.index_cast %while3A_750 : i32 to index
          %get3A_763 = arith.index_cast %mul3A_761 : i32 to index
          %get3A_764 = tpu.vector_load %arg14[%get3A_762, %get3A_763] {strides = array<i32>} : memref<32x1024xf32, #tpu.memory_space<vmem>>, vector<16xf32>,
          %mul3A_765 = arith.mulf %get3A_764, %gather3A : vector<16xf32>
          %swap3A = arith.index_cast %while3A_750 : i32 to index
          %swap3A_766 = arith.index_cast %mul3A_761 : i32 to index
          %swap3A_767 = tpu.vector_load %arg14[%swap3A, %swap3A_766] {strides = array<i32>} : memref<32x1024xf32, #tpu.memory_space<vmem>>, vector<16xf32>,
          tpu.vector_store %arg14[%swap3A, %swap3A_766], %mul3A_765 {strides = array<i32>} : memref<32x1024xf32, #tpu.memory_space<vmem>>, vector<16xf32>,
        }
        %scan3A_758 = arith.constant 64 : i32
      }
      %while3A_299 = arith.constant 1 : i32
      scf.for %while3A_750 = %while3A_297 to %while3A_293 step %while3A_299  : i32 {
        %broadcast_in_dim3A_751 = arith.constant 5 : i32
        %broadcast_in_dim3A_752 = vector.broadcast %broadcast_in_dim3A_751 : i32 to vector<16xi32>
        %broadcast_in_dim3A_753 = vector.broadcast %while3A_750 : i32 to vector<16xi32>
        %gather3A = tpu.vector_load_idx %arg9[%broadcast_in_dim3A_752, %broadcast_in_dim3A_753] : memref<16x32xf32, #tpu.memory_space<vmem>>[vector<16xi32>, vector<16xi32>], vector<16xf32>,
        %scan3A = arith.constant 0 : i32
        %scan3A_754 = arith.constant 0 : i32
        %scan3A_755 = arith.constant 64 : i32
        %scan3A_756 = arith.addi %scan3A_754, %scan3A_755 : i32
        %scan3A_757 = arith.constant 1 : i32
        scf.for %scan3A_759 = %scan3A_754 to %scan3A_756 step %scan3A_757  : i32 {
          %mul3A_760 = arith.constant 16 : i32
          %mul3A_761 = arith.muli %scan3A_759, %mul3A_760 : i32
          %get3A_762 = arith.index_cast %while3A_750 : i32 to index
          %get3A_763 = arith.index_cast %mul3A_761 : i32 to index
          %get3A_764 = tpu.vector_load %arg14[%get3A_762, %get3A_763] {strides = array<i32>} : memref<32x1024xf32, #tpu.memory_space<vmem>>, vector<16xf32>,
          %mul3A_765 = arith.mulf %get3A_764, %gather3A : vector<16xf32>
          %swap3A = arith.index_cast %while3A_750 : i32 to index
          %swap3A_766 = arith.index_cast %mul3A_761 : i32 to index
          %swap3A_767 = tpu.vector_load %arg14[%swap3A, %swap3A_766] {strides = array<i32>} : memref<32x1024xf32, #tpu.memory_space<vmem>>, vector<16xf32>,
          tpu.vector_store %arg14[%swap3A, %swap3A_766], %mul3A_765 {strides = array<i32>} : memref<32x1024xf32, #tpu.memory_space<vmem>>, vector<16xf32>,
        }
        %scan3A_758 = arith.constant 64 : i32
      }
      %mul3A_300 = arith.constant 128 : i32
      %mul3A_301 = arith.muli %add3A, %mul3A_300 : i32
      %add3A_302 = arith.constant 4096 : i32
      %add3A_303 = arith.addi %add3A_302, %mul3A_301 : i32
      %add3A_304 = arith.constant 32 : i32
      %add3A_305 = arith.addi %add3A_303, %add3A_304 : i32
      %dma_start3A_306 = arith.constant 0 : i32
      %dma_start3A_307 = tpu.memref_slice %arg7[%add3A_305, %dma_start3A_306] : memref<16384x1024xf32, #tpu.memory_space<hbm>> -> memref<32x1024xf32, #tpu.memory_space<hbm>>
      %dma_start3A_308 = arith.constant 0 : i32
      %dma_start3A_309 = tpu.memref_slice %arg7[%add3A_305, %dma_start3A_308] : memref<16384x1024xf32, #tpu.memory_space<hbm>> -> memref<32x1024xf32, #tpu.memory_space<hbm>>
      tpu.enqueue_dma source(%arg14 : memref<32x1024xf32, #tpu.memory_space<vmem>>) target(%dma_start3A_309 : memref<32x1024xf32, #tpu.memory_space<hbm>>) target_semaphore(%arg20 : memref<!tpu.dma_semaphore, #tpu.memory_space<semaphore_mem>>)
      %dma_wait3A_310 = arith.constant 0 : i32
      %dma_wait3A_311 = tpu.memref_slice %arg7[%add3A_305, %dma_wait3A_310] : memref<16384x1024xf32, #tpu.memory_space<hbm>> -> memref<32x1024xf32, #tpu.memory_space<hbm>>
      %dma_wait3A_312 = arith.constant 0 : i32
      %dma_wait3A_313 = tpu.memref_slice %arg7[%add3A_305, %dma_wait3A_312] : memref<16384x1024xf32, #tpu.memory_space<hbm>> -> memref<32x1024xf32, #tpu.memory_space<hbm>>
      tpu.wait_dma2 semaphore(%arg20 : memref<!tpu.dma_semaphore, #tpu.memory_space<semaphore_mem>>) src(%arg14 : memref<32x1024xf32, #tpu.memory_space<vmem>>) dst(%dma_wait3A_313 : memref<32x1024xf32, #tpu.memory_space<hbm>>)
      %dma_start3A_314 = arith.constant 8 : i32
      %dma_start3A_315 = arith.constant 0 : i32
      %dma_start3A_316 = tpu.memref_slice %arg8[%dma_start3A_314, %dma_start3A_315] : memref<16x32xi32, #tpu.memory_space<vmem>> -> memref<1x32xi32, #tpu.memory_space<vmem>>
      %dma_start3A_317 = tpu.memref_squeeze %dma_start3A_316 : memref<1x32xi32, #tpu.memory_space<vmem>> -> memref<32xi32, #tpu.memory_space<vmem>>
      %dma_start3A_318 = arith.constant 0 : i32
      %dma_start3A_319 = arith.constant 0 : i32
      %dma_start3A_320 = tpu.memref_slice %arg2[%dma_start3A_318, %dma_start3A_319] : memref<8192x1024xf32, #tpu.memory_space<hbm>> -> memref<8192x1024xf32, #tpu.memory_space<hbm>>
      tpu.enqueue_indirect_dma source(%dma_start3A_320 : memref<8192x1024xf32, #tpu.memory_space<hbm>>) target(%arg14 : memref<32x1024xf32, #tpu.memory_space<vmem>>) offsets(%dma_start3A_317 : memref<32xi32, #tpu.memory_space<vmem>>) semaphore(%arg17 : memref<!tpu.dma_semaphore, #tpu.memory_space<semaphore_mem>>)
      %dma_wait3A_321 = arith.constant 6 : i32
      %dma_wait3A_322 = arith.constant 0 : i32
      %dma_wait3A_323 = tpu.memref_slice %arg8[%dma_wait3A_321, %dma_wait3A_322] : memref<16x32xi32, #tpu.memory_space<vmem>> -> memref<1x32xi32, #tpu.memory_space<vmem>>
      %dma_wait3A_324 = tpu.memref_squeeze %dma_wait3A_323 : memref<1x32xi32, #tpu.memory_space<vmem>> -> memref<32xi32, #tpu.memory_space<vmem>>
      %dma_wait3A_325 = arith.constant 0 : i32
      %dma_wait3A_326 = arith.constant 0 : i32
      %dma_wait3A_327 = tpu.memref_slice %arg2[%dma_wait3A_325, %dma_wait3A_326] : memref<8192x1024xf32, #tpu.memory_space<hbm>> -> memref<8192x1024xf32, #tpu.memory_space<hbm>>
      tpu.wait_indirect_dma semaphore(%arg15 : memref<!tpu.dma_semaphore, #tpu.memory_space<semaphore_mem>>) src(%dma_wait3A_327 : memref<8192x1024xf32, #tpu.memory_space<hbm>>) dst(%arg12 : memref<32x1024xf32, #tpu.memory_space<vmem>>)
      %slice3A_328 = vector.extract_strided_slice %get3A_4 {offsets = [6], sizes = [1], strides = [1]} : vector<16xi32> to vector<1xi32>
      %squeeze3A_329 = vector.extract %slice3A_328[0] : i32 from vector<1xi32>
      %gt3A_330 = arith.constant 0 : i32
      %gt3A_331 = arith.cmpi sgt, %squeeze3A_329, %gt3A_330 : i32
      %jit3A_332 = arith.constant 32 : i32
      %jit3A_333 = arith.constant 0 : i32
      %select_n3A_334 = arith.select %gt3A_331, %jit3A_332, %jit3A_333 : i32
      %while3A_335 = arith.constant 0 : i32
      %while3A_336 = arith.constant 0 : i32
      %while3A_337 = arith.subi %select_n3A_334, %while3A_336 : i32
      %while3A_338 = arith.addi %while3A_336, %while3A_337 : i32
      %while3A_339 = arith.constant 1 : i32
      %while3A_340 = arith.divsi %while3A_337, %while3A_339 : i32
      %while3A_341 = arith.muli %while3A_340, %while3A_339 : i32
      %while3A_342 = arith.addi %while3A_336, %while3A_341 : i32
      %while3A_343 = arith.constant 1 : i32
      scf.for %while3A_750 = %while3A_336 to %while3A_342 step %while3A_343  : i32 {
        %broadcast_in_dim3A_751 = arith.constant 6 : i32
        %broadcast_in_dim3A_752 = vector.broadcast %broadcast_in_dim3A_751 : i32 to vector<16xi32>
        %broadcast_in_dim3A_753 = vector.broadcast %while3A_750 : i32 to vector<16xi32>
        %gather3A = tpu.vector_load_idx %arg9[%broadcast_in_dim3A_752, %broadcast_in_dim3A_753] : memref<16x32xf32, #tpu.memory_space<vmem>>[vector<16xi32>, vector<16xi32>], vector<16xf32>,
        %scan3A = arith.constant 0 : i32
        %scan3A_754 = arith.constant 0 : i32
        %scan3A_755 = arith.constant 64 : i32
        %scan3A_756 = arith.addi %scan3A_754, %scan3A_755 : i32
        %scan3A_757 = arith.constant 1 : i32
        scf.for %scan3A_759 = %scan3A_754 to %scan3A_756 step %scan3A_757  : i32 {
          %mul3A_760 = arith.constant 16 : i32
          %mul3A_761 = arith.muli %scan3A_759, %mul3A_760 : i32
          %get3A_762 = arith.index_cast %while3A_750 : i32 to index
          %get3A_763 = arith.index_cast %mul3A_761 : i32 to index
          %get3A_764 = tpu.vector_load %arg12[%get3A_762, %get3A_763] {strides = array<i32>} : memref<32x1024xf32, #tpu.memory_space<vmem>>, vector<16xf32>,
          %mul3A_765 = arith.mulf %get3A_764, %gather3A : vector<16xf32>
          %swap3A = arith.index_cast %while3A_750 : i32 to index
          %swap3A_766 = arith.index_cast %mul3A_761 : i32 to index
          %swap3A_767 = tpu.vector_load %arg12[%swap3A, %swap3A_766] {strides = array<i32>} : memref<32x1024xf32, #tpu.memory_space<vmem>>, vector<16xf32>,
          tpu.vector_store %arg12[%swap3A, %swap3A_766], %mul3A_765 {strides = array<i32>} : memref<32x1024xf32, #tpu.memory_space<vmem>>, vector<16xf32>,
        }
        %scan3A_758 = arith.constant 64 : i32
      }
      %while3A_344 = arith.constant 1 : i32
      scf.for %while3A_750 = %while3A_342 to %while3A_338 step %while3A_344  : i32 {
        %broadcast_in_dim3A_751 = arith.constant 6 : i32
        %broadcast_in_dim3A_752 = vector.broadcast %broadcast_in_dim3A_751 : i32 to vector<16xi32>
        %broadcast_in_dim3A_753 = vector.broadcast %while3A_750 : i32 to vector<16xi32>
        %gather3A = tpu.vector_load_idx %arg9[%broadcast_in_dim3A_752, %broadcast_in_dim3A_753] : memref<16x32xf32, #tpu.memory_space<vmem>>[vector<16xi32>, vector<16xi32>], vector<16xf32>,
        %scan3A = arith.constant 0 : i32
        %scan3A_754 = arith.constant 0 : i32
        %scan3A_755 = arith.constant 64 : i32
        %scan3A_756 = arith.addi %scan3A_754, %scan3A_755 : i32
        %scan3A_757 = arith.constant 1 : i32
        scf.for %scan3A_759 = %scan3A_754 to %scan3A_756 step %scan3A_757  : i32 {
          %mul3A_760 = arith.constant 16 : i32
          %mul3A_761 = arith.muli %scan3A_759, %mul3A_760 : i32
          %get3A_762 = arith.index_cast %while3A_750 : i32 to index
          %get3A_763 = arith.index_cast %mul3A_761 : i32 to index
          %get3A_764 = tpu.vector_load %arg12[%get3A_762, %get3A_763] {strides = array<i32>} : memref<32x1024xf32, #tpu.memory_space<vmem>>, vector<16xf32>,
          %mul3A_765 = arith.mulf %get3A_764, %gather3A : vector<16xf32>
          %swap3A = arith.index_cast %while3A_750 : i32 to index
          %swap3A_766 = arith.index_cast %mul3A_761 : i32 to index
          %swap3A_767 = tpu.vector_load %arg12[%swap3A, %swap3A_766] {strides = array<i32>} : memref<32x1024xf32, #tpu.memory_space<vmem>>, vector<16xf32>,
          tpu.vector_store %arg12[%swap3A, %swap3A_766], %mul3A_765 {strides = array<i32>} : memref<32x1024xf32, #tpu.memory_space<vmem>>, vector<16xf32>,
        }
        %scan3A_758 = arith.constant 64 : i32
      }
      %mul3A_345 = arith.constant 128 : i32
      %mul3A_346 = arith.muli %add3A, %mul3A_345 : i32
      %add3A_347 = arith.constant 4096 : i32
      %add3A_348 = arith.addi %add3A_347, %mul3A_346 : i32
      %add3A_349 = arith.constant 64 : i32
      %add3A_350 = arith.addi %add3A_348, %add3A_349 : i32
      %dma_start3A_351 = arith.constant 0 : i32
      %dma_start3A_352 = tpu.memref_slice %arg7[%add3A_350, %dma_start3A_351] : memref<16384x1024xf32, #tpu.memory_space<hbm>> -> memref<32x1024xf32, #tpu.memory_space<hbm>>
      %dma_start3A_353 = arith.constant 0 : i32
      %dma_start3A_354 = tpu.memref_slice %arg7[%add3A_350, %dma_start3A_353] : memref<16384x1024xf32, #tpu.memory_space<hbm>> -> memref<32x1024xf32, #tpu.memory_space<hbm>>
      tpu.enqueue_dma source(%arg12 : memref<32x1024xf32, #tpu.memory_space<vmem>>) target(%dma_start3A_354 : memref<32x1024xf32, #tpu.memory_space<hbm>>) target_semaphore(%arg18 : memref<!tpu.dma_semaphore, #tpu.memory_space<semaphore_mem>>)
      %dma_wait3A_355 = arith.constant 0 : i32
      %dma_wait3A_356 = tpu.memref_slice %arg7[%add3A_350, %dma_wait3A_355] : memref<16384x1024xf32, #tpu.memory_space<hbm>> -> memref<32x1024xf32, #tpu.memory_space<hbm>>
      %dma_wait3A_357 = arith.constant 0 : i32
      %dma_wait3A_358 = tpu.memref_slice %arg7[%add3A_350, %dma_wait3A_357] : memref<16384x1024xf32, #tpu.memory_space<hbm>> -> memref<32x1024xf32, #tpu.memory_space<hbm>>
      tpu.wait_dma2 semaphore(%arg18 : memref<!tpu.dma_semaphore, #tpu.memory_space<semaphore_mem>>) src(%arg12 : memref<32x1024xf32, #tpu.memory_space<vmem>>) dst(%dma_wait3A_358 : memref<32x1024xf32, #tpu.memory_space<hbm>>)
      %dma_start3A_359 = arith.constant 9 : i32
      %dma_start3A_360 = arith.constant 0 : i32
      %dma_start3A_361 = tpu.memref_slice %arg8[%dma_start3A_359, %dma_start3A_360] : memref<16x32xi32, #tpu.memory_space<vmem>> -> memref<1x32xi32, #tpu.memory_space<vmem>>
      %dma_start3A_362 = tpu.memref_squeeze %dma_start3A_361 : memref<1x32xi32, #tpu.memory_space<vmem>> -> memref<32xi32, #tpu.memory_space<vmem>>
      %dma_start3A_363 = arith.constant 0 : i32
      %dma_start3A_364 = arith.constant 0 : i32
      %dma_start3A_365 = tpu.memref_slice %arg2[%dma_start3A_363, %dma_start3A_364] : memref<8192x1024xf32, #tpu.memory_space<hbm>> -> memref<8192x1024xf32, #tpu.memory_space<hbm>>
      tpu.enqueue_indirect_dma source(%dma_start3A_365 : memref<8192x1024xf32, #tpu.memory_space<hbm>>) target(%arg12 : memref<32x1024xf32, #tpu.memory_space<vmem>>) offsets(%dma_start3A_362 : memref<32xi32, #tpu.memory_space<vmem>>) semaphore(%arg15 : memref<!tpu.dma_semaphore, #tpu.memory_space<semaphore_mem>>)
      %dma_wait3A_366 = arith.constant 7 : i32
      %dma_wait3A_367 = arith.constant 0 : i32
      %dma_wait3A_368 = tpu.memref_slice %arg8[%dma_wait3A_366, %dma_wait3A_367] : memref<16x32xi32, #tpu.memory_space<vmem>> -> memref<1x32xi32, #tpu.memory_space<vmem>>
      %dma_wait3A_369 = tpu.memref_squeeze %dma_wait3A_368 : memref<1x32xi32, #tpu.memory_space<vmem>> -> memref<32xi32, #tpu.memory_space<vmem>>
      %dma_wait3A_370 = arith.constant 0 : i32
      %dma_wait3A_371 = arith.constant 0 : i32
      %dma_wait3A_372 = tpu.memref_slice %arg2[%dma_wait3A_370, %dma_wait3A_371] : memref<8192x1024xf32, #tpu.memory_space<hbm>> -> memref<8192x1024xf32, #tpu.memory_space<hbm>>
      tpu.wait_indirect_dma semaphore(%arg16 : memref<!tpu.dma_semaphore, #tpu.memory_space<semaphore_mem>>) src(%dma_wait3A_372 : memref<8192x1024xf32, #tpu.memory_space<hbm>>) dst(%arg13 : memref<32x1024xf32, #tpu.memory_space<vmem>>)
      %slice3A_373 = vector.extract_strided_slice %get3A_4 {offsets = [7], sizes = [1], strides = [1]} : vector<16xi32> to vector<1xi32>
      %squeeze3A_374 = vector.extract %slice3A_373[0] : i32 from vector<1xi32>
      %gt3A_375 = arith.constant 0 : i32
      %gt3A_376 = arith.cmpi sgt, %squeeze3A_374, %gt3A_375 : i32
      %jit3A_377 = arith.constant 32 : i32
      %jit3A_378 = arith.constant 0 : i32
      %select_n3A_379 = arith.select %gt3A_376, %jit3A_377, %jit3A_378 : i32
      %while3A_380 = arith.constant 0 : i32
      %while3A_381 = arith.constant 0 : i32
      %while3A_382 = arith.subi %select_n3A_379, %while3A_381 : i32
      %while3A_383 = arith.addi %while3A_381, %while3A_382 : i32
      %while3A_384 = arith.constant 1 : i32
      %while3A_385 = arith.divsi %while3A_382, %while3A_384 : i32
      %while3A_386 = arith.muli %while3A_385, %while3A_384 : i32
      %while3A_387 = arith.addi %while3A_381, %while3A_386 : i32
      %while3A_388 = arith.constant 1 : i32
      scf.for %while3A_750 = %while3A_381 to %while3A_387 step %while3A_388  : i32 {
        %broadcast_in_dim3A_751 = arith.constant 7 : i32
        %broadcast_in_dim3A_752 = vector.broadcast %broadcast_in_dim3A_751 : i32 to vector<16xi32>
        %broadcast_in_dim3A_753 = vector.broadcast %while3A_750 : i32 to vector<16xi32>
        %gather3A = tpu.vector_load_idx %arg9[%broadcast_in_dim3A_752, %broadcast_in_dim3A_753] : memref<16x32xf32, #tpu.memory_space<vmem>>[vector<16xi32>, vector<16xi32>], vector<16xf32>,
        %scan3A = arith.constant 0 : i32
        %scan3A_754 = arith.constant 0 : i32
        %scan3A_755 = arith.constant 64 : i32
        %scan3A_756 = arith.addi %scan3A_754, %scan3A_755 : i32
        %scan3A_757 = arith.constant 1 : i32
        scf.for %scan3A_759 = %scan3A_754 to %scan3A_756 step %scan3A_757  : i32 {
          %mul3A_760 = arith.constant 16 : i32
          %mul3A_761 = arith.muli %scan3A_759, %mul3A_760 : i32
          %get3A_762 = arith.index_cast %while3A_750 : i32 to index
          %get3A_763 = arith.index_cast %mul3A_761 : i32 to index
          %get3A_764 = tpu.vector_load %arg13[%get3A_762, %get3A_763] {strides = array<i32>} : memref<32x1024xf32, #tpu.memory_space<vmem>>, vector<16xf32>,
          %mul3A_765 = arith.mulf %get3A_764, %gather3A : vector<16xf32>
          %swap3A = arith.index_cast %while3A_750 : i32 to index
          %swap3A_766 = arith.index_cast %mul3A_761 : i32 to index
          %swap3A_767 = tpu.vector_load %arg13[%swap3A, %swap3A_766] {strides = array<i32>} : memref<32x1024xf32, #tpu.memory_space<vmem>>, vector<16xf32>,
          tpu.vector_store %arg13[%swap3A, %swap3A_766], %mul3A_765 {strides = array<i32>} : memref<32x1024xf32, #tpu.memory_space<vmem>>, vector<16xf32>,
        }
        %scan3A_758 = arith.constant 64 : i32
      }
      %while3A_389 = arith.constant 1 : i32
      scf.for %while3A_750 = %while3A_387 to %while3A_383 step %while3A_389  : i32 {
        %broadcast_in_dim3A_751 = arith.constant 7 : i32
        %broadcast_in_dim3A_752 = vector.broadcast %broadcast_in_dim3A_751 : i32 to vector<16xi32>
        %broadcast_in_dim3A_753 = vector.broadcast %while3A_750 : i32 to vector<16xi32>
        %gather3A = tpu.vector_load_idx %arg9[%broadcast_in_dim3A_752, %broadcast_in_dim3A_753] : memref<16x32xf32, #tpu.memory_space<vmem>>[vector<16xi32>, vector<16xi32>], vector<16xf32>,
        %scan3A = arith.constant 0 : i32
        %scan3A_754 = arith.constant 0 : i32
        %scan3A_755 = arith.constant 64 : i32
        %scan3A_756 = arith.addi %scan3A_754, %scan3A_755 : i32
        %scan3A_757 = arith.constant 1 : i32
        scf.for %scan3A_759 = %scan3A_754 to %scan3A_756 step %scan3A_757  : i32 {
          %mul3A_760 = arith.constant 16 : i32
          %mul3A_761 = arith.muli %scan3A_759, %mul3A_760 : i32
          %get3A_762 = arith.index_cast %while3A_750 : i32 to index
          %get3A_763 = arith.index_cast %mul3A_761 : i32 to index
          %get3A_764 = tpu.vector_load %arg13[%get3A_762, %get3A_763] {strides = array<i32>} : memref<32x1024xf32, #tpu.memory_space<vmem>>, vector<16xf32>,
          %mul3A_765 = arith.mulf %get3A_764, %gather3A : vector<16xf32>
          %swap3A = arith.index_cast %while3A_750 : i32 to index
          %swap3A_766 = arith.index_cast %mul3A_761 : i32 to index
          %swap3A_767 = tpu.vector_load %arg13[%swap3A, %swap3A_766] {strides = array<i32>} : memref<32x1024xf32, #tpu.memory_space<vmem>>, vector<16xf32>,
          tpu.vector_store %arg13[%swap3A, %swap3A_766], %mul3A_765 {strides = array<i32>} : memref<32x1024xf32, #tpu.memory_space<vmem>>, vector<16xf32>,
        }
        %scan3A_758 = arith.constant 64 : i32
      }
      %mul3A_390 = arith.constant 128 : i32
      %mul3A_391 = arith.muli %add3A, %mul3A_390 : i32
      %add3A_392 = arith.constant 4096 : i32
      %add3A_393 = arith.addi %add3A_392, %mul3A_391 : i32
      %add3A_394 = arith.constant 96 : i32
      %add3A_395 = arith.addi %add3A_393, %add3A_394 : i32
      %dma_start3A_396 = arith.constant 0 : i32
      %dma_start3A_397 = tpu.memref_slice %arg7[%add3A_395, %dma_start3A_396] : memref<16384x1024xf32, #tpu.memory_space<hbm>> -> memref<32x1024xf32, #tpu.memory_space<hbm>>
      %dma_start3A_398 = arith.constant 0 : i32
      %dma_start3A_399 = tpu.memref_slice %arg7[%add3A_395, %dma_start3A_398] : memref<16384x1024xf32, #tpu.memory_space<hbm>> -> memref<32x1024xf32, #tpu.memory_space<hbm>>
      tpu.enqueue_dma source(%arg13 : memref<32x1024xf32, #tpu.memory_space<vmem>>) target(%dma_start3A_399 : memref<32x1024xf32, #tpu.memory_space<hbm>>) target_semaphore(%arg19 : memref<!tpu.dma_semaphore, #tpu.memory_space<semaphore_mem>>)
      %dma_wait3A_400 = arith.constant 0 : i32
      %dma_wait3A_401 = tpu.memref_slice %arg7[%add3A_395, %dma_wait3A_400] : memref<16384x1024xf32, #tpu.memory_space<hbm>> -> memref<32x1024xf32, #tpu.memory_space<hbm>>
      %dma_wait3A_402 = arith.constant 0 : i32
      %dma_wait3A_403 = tpu.memref_slice %arg7[%add3A_395, %dma_wait3A_402] : memref<16384x1024xf32, #tpu.memory_space<hbm>> -> memref<32x1024xf32, #tpu.memory_space<hbm>>
      tpu.wait_dma2 semaphore(%arg19 : memref<!tpu.dma_semaphore, #tpu.memory_space<semaphore_mem>>) src(%arg13 : memref<32x1024xf32, #tpu.memory_space<vmem>>) dst(%dma_wait3A_403 : memref<32x1024xf32, #tpu.memory_space<hbm>>)
      %dma_start3A_404 = arith.constant 10 : i32
      %dma_start3A_405 = arith.constant 0 : i32
      %dma_start3A_406 = tpu.memref_slice %arg8[%dma_start3A_404, %dma_start3A_405] : memref<16x32xi32, #tpu.memory_space<vmem>> -> memref<1x32xi32, #tpu.memory_space<vmem>>
      %dma_start3A_407 = tpu.memref_squeeze %dma_start3A_406 : memref<1x32xi32, #tpu.memory_space<vmem>> -> memref<32xi32, #tpu.memory_space<vmem>>
      %dma_start3A_408 = arith.constant 0 : i32
      %dma_start3A_409 = arith.constant 0 : i32
      %dma_start3A_410 = tpu.memref_slice %arg2[%dma_start3A_408, %dma_start3A_409] : memref<8192x1024xf32, #tpu.memory_space<hbm>> -> memref<8192x1024xf32, #tpu.memory_space<hbm>>
      tpu.enqueue_indirect_dma source(%dma_start3A_410 : memref<8192x1024xf32, #tpu.memory_space<hbm>>) target(%arg13 : memref<32x1024xf32, #tpu.memory_space<vmem>>) offsets(%dma_start3A_407 : memref<32xi32, #tpu.memory_space<vmem>>) semaphore(%arg16 : memref<!tpu.dma_semaphore, #tpu.memory_space<semaphore_mem>>)
      %dma_wait3A_411 = arith.constant 8 : i32
      %dma_wait3A_412 = arith.constant 0 : i32
      %dma_wait3A_413 = tpu.memref_slice %arg8[%dma_wait3A_411, %dma_wait3A_412] : memref<16x32xi32, #tpu.memory_space<vmem>> -> memref<1x32xi32, #tpu.memory_space<vmem>>
      %dma_wait3A_414 = tpu.memref_squeeze %dma_wait3A_413 : memref<1x32xi32, #tpu.memory_space<vmem>> -> memref<32xi32, #tpu.memory_space<vmem>>
      %dma_wait3A_415 = arith.constant 0 : i32
      %dma_wait3A_416 = arith.constant 0 : i32
      %dma_wait3A_417 = tpu.memref_slice %arg2[%dma_wait3A_415, %dma_wait3A_416] : memref<8192x1024xf32, #tpu.memory_space<hbm>> -> memref<8192x1024xf32, #tpu.memory_space<hbm>>
      tpu.wait_indirect_dma semaphore(%arg17 : memref<!tpu.dma_semaphore, #tpu.memory_space<semaphore_mem>>) src(%dma_wait3A_417 : memref<8192x1024xf32, #tpu.memory_space<hbm>>) dst(%arg14 : memref<32x1024xf32, #tpu.memory_space<vmem>>)
      %slice3A_418 = vector.extract_strided_slice %get3A_4 {offsets = [8], sizes = [1], strides = [1]} : vector<16xi32> to vector<1xi32>
      %squeeze3A_419 = vector.extract %slice3A_418[0] : i32 from vector<1xi32>
      %gt3A_420 = arith.constant 0 : i32
      %gt3A_421 = arith.cmpi sgt, %squeeze3A_419, %gt3A_420 : i32
      %jit3A_422 = arith.constant 32 : i32
      %jit3A_423 = arith.constant 0 : i32
      %select_n3A_424 = arith.select %gt3A_421, %jit3A_422, %jit3A_423 : i32
      %while3A_425 = arith.constant 0 : i32
      %while3A_426 = arith.constant 0 : i32
      %while3A_427 = arith.subi %select_n3A_424, %while3A_426 : i32
      %while3A_428 = arith.addi %while3A_426, %while3A_427 : i32
      %while3A_429 = arith.constant 1 : i32
      %while3A_430 = arith.divsi %while3A_427, %while3A_429 : i32
      %while3A_431 = arith.muli %while3A_430, %while3A_429 : i32
      %while3A_432 = arith.addi %while3A_426, %while3A_431 : i32
      %while3A_433 = arith.constant 1 : i32
      scf.for %while3A_750 = %while3A_426 to %while3A_432 step %while3A_433  : i32 {
        %broadcast_in_dim3A_751 = arith.constant 8 : i32
        %broadcast_in_dim3A_752 = vector.broadcast %broadcast_in_dim3A_751 : i32 to vector<16xi32>
        %broadcast_in_dim3A_753 = vector.broadcast %while3A_750 : i32 to vector<16xi32>
        %gather3A = tpu.vector_load_idx %arg9[%broadcast_in_dim3A_752, %broadcast_in_dim3A_753] : memref<16x32xf32, #tpu.memory_space<vmem>>[vector<16xi32>, vector<16xi32>], vector<16xf32>,
        %scan3A = arith.constant 0 : i32
        %scan3A_754 = arith.constant 0 : i32
        %scan3A_755 = arith.constant 64 : i32
        %scan3A_756 = arith.addi %scan3A_754, %scan3A_755 : i32
        %scan3A_757 = arith.constant 1 : i32
        scf.for %scan3A_759 = %scan3A_754 to %scan3A_756 step %scan3A_757  : i32 {
          %mul3A_760 = arith.constant 16 : i32
          %mul3A_761 = arith.muli %scan3A_759, %mul3A_760 : i32
          %get3A_762 = arith.index_cast %while3A_750 : i32 to index
          %get3A_763 = arith.index_cast %mul3A_761 : i32 to index
          %get3A_764 = tpu.vector_load %arg14[%get3A_762, %get3A_763] {strides = array<i32>} : memref<32x1024xf32, #tpu.memory_space<vmem>>, vector<16xf32>,
          %mul3A_765 = arith.mulf %get3A_764, %gather3A : vector<16xf32>
          %swap3A = arith.index_cast %while3A_750 : i32 to index
          %swap3A_766 = arith.index_cast %mul3A_761 : i32 to index
          %swap3A_767 = tpu.vector_load %arg14[%swap3A, %swap3A_766] {strides = array<i32>} : memref<32x1024xf32, #tpu.memory_space<vmem>>, vector<16xf32>,
          tpu.vector_store %arg14[%swap3A, %swap3A_766], %mul3A_765 {strides = array<i32>} : memref<32x1024xf32, #tpu.memory_space<vmem>>, vector<16xf32>,
        }
        %scan3A_758 = arith.constant 64 : i32
      }
      %while3A_434 = arith.constant 1 : i32
      scf.for %while3A_750 = %while3A_432 to %while3A_428 step %while3A_434  : i32 {
        %broadcast_in_dim3A_751 = arith.constant 8 : i32
        %broadcast_in_dim3A_752 = vector.broadcast %broadcast_in_dim3A_751 : i32 to vector<16xi32>
        %broadcast_in_dim3A_753 = vector.broadcast %while3A_750 : i32 to vector<16xi32>
        %gather3A = tpu.vector_load_idx %arg9[%broadcast_in_dim3A_752, %broadcast_in_dim3A_753] : memref<16x32xf32, #tpu.memory_space<vmem>>[vector<16xi32>, vector<16xi32>], vector<16xf32>,
        %scan3A = arith.constant 0 : i32
        %scan3A_754 = arith.constant 0 : i32
        %scan3A_755 = arith.constant 64 : i32
        %scan3A_756 = arith.addi %scan3A_754, %scan3A_755 : i32
        %scan3A_757 = arith.constant 1 : i32
        scf.for %scan3A_759 = %scan3A_754 to %scan3A_756 step %scan3A_757  : i32 {
          %mul3A_760 = arith.constant 16 : i32
          %mul3A_761 = arith.muli %scan3A_759, %mul3A_760 : i32
          %get3A_762 = arith.index_cast %while3A_750 : i32 to index
          %get3A_763 = arith.index_cast %mul3A_761 : i32 to index
          %get3A_764 = tpu.vector_load %arg14[%get3A_762, %get3A_763] {strides = array<i32>} : memref<32x1024xf32, #tpu.memory_space<vmem>>, vector<16xf32>,
          %mul3A_765 = arith.mulf %get3A_764, %gather3A : vector<16xf32>
          %swap3A = arith.index_cast %while3A_750 : i32 to index
          %swap3A_766 = arith.index_cast %mul3A_761 : i32 to index
          %swap3A_767 = tpu.vector_load %arg14[%swap3A, %swap3A_766] {strides = array<i32>} : memref<32x1024xf32, #tpu.memory_space<vmem>>, vector<16xf32>,
          tpu.vector_store %arg14[%swap3A, %swap3A_766], %mul3A_765 {strides = array<i32>} : memref<32x1024xf32, #tpu.memory_space<vmem>>, vector<16xf32>,
        }
        %scan3A_758 = arith.constant 64 : i32
      }
      %mul3A_435 = arith.constant 128 : i32
      %mul3A_436 = arith.muli %add3A, %mul3A_435 : i32
      %add3A_437 = arith.constant 8192 : i32
      %add3A_438 = arith.addi %add3A_437, %mul3A_436 : i32
      %add3A_439 = arith.constant 0 : i32
      %add3A_440 = arith.addi %add3A_438, %add3A_439 : i32
      %dma_start3A_441 = arith.constant 0 : i32
      %dma_start3A_442 = tpu.memref_slice %arg7[%add3A_440, %dma_start3A_441] : memref<16384x1024xf32, #tpu.memory_space<hbm>> -> memref<32x1024xf32, #tpu.memory_space<hbm>>
      %dma_start3A_443 = arith.constant 0 : i32
      %dma_start3A_444 = tpu.memref_slice %arg7[%add3A_440, %dma_start3A_443] : memref<16384x1024xf32, #tpu.memory_space<hbm>> -> memref<32x1024xf32, #tpu.memory_space<hbm>>
      tpu.enqueue_dma source(%arg14 : memref<32x1024xf32, #tpu.memory_space<vmem>>) target(%dma_start3A_444 : memref<32x1024xf32, #tpu.memory_space<hbm>>) target_semaphore(%arg20 : memref<!tpu.dma_semaphore, #tpu.memory_space<semaphore_mem>>)
      %dma_wait3A_445 = arith.constant 0 : i32
      %dma_wait3A_446 = tpu.memref_slice %arg7[%add3A_440, %dma_wait3A_445] : memref<16384x1024xf32, #tpu.memory_space<hbm>> -> memref<32x1024xf32, #tpu.memory_space<hbm>>
      %dma_wait3A_447 = arith.constant 0 : i32
      %dma_wait3A_448 = tpu.memref_slice %arg7[%add3A_440, %dma_wait3A_447] : memref<16384x1024xf32, #tpu.memory_space<hbm>> -> memref<32x1024xf32, #tpu.memory_space<hbm>>
      tpu.wait_dma2 semaphore(%arg20 : memref<!tpu.dma_semaphore, #tpu.memory_space<semaphore_mem>>) src(%arg14 : memref<32x1024xf32, #tpu.memory_space<vmem>>) dst(%dma_wait3A_448 : memref<32x1024xf32, #tpu.memory_space<hbm>>)
      %dma_start3A_449 = arith.constant 11 : i32
      %dma_start3A_450 = arith.constant 0 : i32
      %dma_start3A_451 = tpu.memref_slice %arg8[%dma_start3A_449, %dma_start3A_450] : memref<16x32xi32, #tpu.memory_space<vmem>> -> memref<1x32xi32, #tpu.memory_space<vmem>>
      %dma_start3A_452 = tpu.memref_squeeze %dma_start3A_451 : memref<1x32xi32, #tpu.memory_space<vmem>> -> memref<32xi32, #tpu.memory_space<vmem>>
      %dma_start3A_453 = arith.constant 0 : i32
      %dma_start3A_454 = arith.constant 0 : i32
      %dma_start3A_455 = tpu.memref_slice %arg2[%dma_start3A_453, %dma_start3A_454] : memref<8192x1024xf32, #tpu.memory_space<hbm>> -> memref<8192x1024xf32, #tpu.memory_space<hbm>>
      tpu.enqueue_indirect_dma source(%dma_start3A_455 : memref<8192x1024xf32, #tpu.memory_space<hbm>>) target(%arg14 : memref<32x1024xf32, #tpu.memory_space<vmem>>) offsets(%dma_start3A_452 : memref<32xi32, #tpu.memory_space<vmem>>) semaphore(%arg17 : memref<!tpu.dma_semaphore, #tpu.memory_space<semaphore_mem>>)
      %dma_wait3A_456 = arith.constant 9 : i32
      %dma_wait3A_457 = arith.constant 0 : i32
      %dma_wait3A_458 = tpu.memref_slice %arg8[%dma_wait3A_456, %dma_wait3A_457] : memref<16x32xi32, #tpu.memory_space<vmem>> -> memref<1x32xi32, #tpu.memory_space<vmem>>
      %dma_wait3A_459 = tpu.memref_squeeze %dma_wait3A_458 : memref<1x32xi32, #tpu.memory_space<vmem>> -> memref<32xi32, #tpu.memory_space<vmem>>
      %dma_wait3A_460 = arith.constant 0 : i32
      %dma_wait3A_461 = arith.constant 0 : i32
      %dma_wait3A_462 = tpu.memref_slice %arg2[%dma_wait3A_460, %dma_wait3A_461] : memref<8192x1024xf32, #tpu.memory_space<hbm>> -> memref<8192x1024xf32, #tpu.memory_space<hbm>>
      tpu.wait_indirect_dma semaphore(%arg15 : memref<!tpu.dma_semaphore, #tpu.memory_space<semaphore_mem>>) src(%dma_wait3A_462 : memref<8192x1024xf32, #tpu.memory_space<hbm>>) dst(%arg12 : memref<32x1024xf32, #tpu.memory_space<vmem>>)
      %slice3A_463 = vector.extract_strided_slice %get3A_4 {offsets = [9], sizes = [1], strides = [1]} : vector<16xi32> to vector<1xi32>
      %squeeze3A_464 = vector.extract %slice3A_463[0] : i32 from vector<1xi32>
      %gt3A_465 = arith.constant 0 : i32
      %gt3A_466 = arith.cmpi sgt, %squeeze3A_464, %gt3A_465 : i32
      %jit3A_467 = arith.constant 32 : i32
      %jit3A_468 = arith.constant 0 : i32
      %select_n3A_469 = arith.select %gt3A_466, %jit3A_467, %jit3A_468 : i32
      %while3A_470 = arith.constant 0 : i32
      %while3A_471 = arith.constant 0 : i32
      %while3A_472 = arith.subi %select_n3A_469, %while3A_471 : i32
      %while3A_473 = arith.addi %while3A_471, %while3A_472 : i32
      %while3A_474 = arith.constant 1 : i32
      %while3A_475 = arith.divsi %while3A_472, %while3A_474 : i32
      %while3A_476 = arith.muli %while3A_475, %while3A_474 : i32
      %while3A_477 = arith.addi %while3A_471, %while3A_476 : i32
      %while3A_478 = arith.constant 1 : i32
      scf.for %while3A_750 = %while3A_471 to %while3A_477 step %while3A_478  : i32 {
        %broadcast_in_dim3A_751 = arith.constant 9 : i32
        %broadcast_in_dim3A_752 = vector.broadcast %broadcast_in_dim3A_751 : i32 to vector<16xi32>
        %broadcast_in_dim3A_753 = vector.broadcast %while3A_750 : i32 to vector<16xi32>
        %gather3A = tpu.vector_load_idx %arg9[%broadcast_in_dim3A_752, %broadcast_in_dim3A_753] : memref<16x32xf32, #tpu.memory_space<vmem>>[vector<16xi32>, vector<16xi32>], vector<16xf32>,
        %scan3A = arith.constant 0 : i32
        %scan3A_754 = arith.constant 0 : i32
        %scan3A_755 = arith.constant 64 : i32
        %scan3A_756 = arith.addi %scan3A_754, %scan3A_755 : i32
        %scan3A_757 = arith.constant 1 : i32
        scf.for %scan3A_759 = %scan3A_754 to %scan3A_756 step %scan3A_757  : i32 {
          %mul3A_760 = arith.constant 16 : i32
          %mul3A_761 = arith.muli %scan3A_759, %mul3A_760 : i32
          %get3A_762 = arith.index_cast %while3A_750 : i32 to index
          %get3A_763 = arith.index_cast %mul3A_761 : i32 to index
          %get3A_764 = tpu.vector_load %arg12[%get3A_762, %get3A_763] {strides = array<i32>} : memref<32x1024xf32, #tpu.memory_space<vmem>>, vector<16xf32>,
          %mul3A_765 = arith.mulf %get3A_764, %gather3A : vector<16xf32>
          %swap3A = arith.index_cast %while3A_750 : i32 to index
          %swap3A_766 = arith.index_cast %mul3A_761 : i32 to index
          %swap3A_767 = tpu.vector_load %arg12[%swap3A, %swap3A_766] {strides = array<i32>} : memref<32x1024xf32, #tpu.memory_space<vmem>>, vector<16xf32>,
          tpu.vector_store %arg12[%swap3A, %swap3A_766], %mul3A_765 {strides = array<i32>} : memref<32x1024xf32, #tpu.memory_space<vmem>>, vector<16xf32>,
        }
        %scan3A_758 = arith.constant 64 : i32
      }
      %while3A_479 = arith.constant 1 : i32
      scf.for %while3A_750 = %while3A_477 to %while3A_473 step %while3A_479  : i32 {
        %broadcast_in_dim3A_751 = arith.constant 9 : i32
        %broadcast_in_dim3A_752 = vector.broadcast %broadcast_in_dim3A_751 : i32 to vector<16xi32>
        %broadcast_in_dim3A_753 = vector.broadcast %while3A_750 : i32 to vector<16xi32>
        %gather3A = tpu.vector_load_idx %arg9[%broadcast_in_dim3A_752, %broadcast_in_dim3A_753] : memref<16x32xf32, #tpu.memory_space<vmem>>[vector<16xi32>, vector<16xi32>], vector<16xf32>,
        %scan3A = arith.constant 0 : i32
        %scan3A_754 = arith.constant 0 : i32
        %scan3A_755 = arith.constant 64 : i32
        %scan3A_756 = arith.addi %scan3A_754, %scan3A_755 : i32
        %scan3A_757 = arith.constant 1 : i32
        scf.for %scan3A_759 = %scan3A_754 to %scan3A_756 step %scan3A_757  : i32 {
          %mul3A_760 = arith.constant 16 : i32
          %mul3A_761 = arith.muli %scan3A_759, %mul3A_760 : i32
          %get3A_762 = arith.index_cast %while3A_750 : i32 to index
          %get3A_763 = arith.index_cast %mul3A_761 : i32 to index
          %get3A_764 = tpu.vector_load %arg12[%get3A_762, %get3A_763] {strides = array<i32>} : memref<32x1024xf32, #tpu.memory_space<vmem>>, vector<16xf32>,
          %mul3A_765 = arith.mulf %get3A_764, %gather3A : vector<16xf32>
          %swap3A = arith.index_cast %while3A_750 : i32 to index
          %swap3A_766 = arith.index_cast %mul3A_761 : i32 to index
          %swap3A_767 = tpu.vector_load %arg12[%swap3A, %swap3A_766] {strides = array<i32>} : memref<32x1024xf32, #tpu.memory_space<vmem>>, vector<16xf32>,
          tpu.vector_store %arg12[%swap3A, %swap3A_766], %mul3A_765 {strides = array<i32>} : memref<32x1024xf32, #tpu.memory_space<vmem>>, vector<16xf32>,
        }
        %scan3A_758 = arith.constant 64 : i32
      }
      %mul3A_480 = arith.constant 128 : i32
      %mul3A_481 = arith.muli %add3A, %mul3A_480 : i32
      %add3A_482 = arith.constant 8192 : i32
      %add3A_483 = arith.addi %add3A_482, %mul3A_481 : i32
      %add3A_484 = arith.constant 32 : i32
      %add3A_485 = arith.addi %add3A_483, %add3A_484 : i32
      %dma_start3A_486 = arith.constant 0 : i32
      %dma_start3A_487 = tpu.memref_slice %arg7[%add3A_485, %dma_start3A_486] : memref<16384x1024xf32, #tpu.memory_space<hbm>> -> memref<32x1024xf32, #tpu.memory_space<hbm>>
      %dma_start3A_488 = arith.constant 0 : i32
      %dma_start3A_489 = tpu.memref_slice %arg7[%add3A_485, %dma_start3A_488] : memref<16384x1024xf32, #tpu.memory_space<hbm>> -> memref<32x1024xf32, #tpu.memory_space<hbm>>
      tpu.enqueue_dma source(%arg12 : memref<32x1024xf32, #tpu.memory_space<vmem>>) target(%dma_start3A_489 : memref<32x1024xf32, #tpu.memory_space<hbm>>) target_semaphore(%arg18 : memref<!tpu.dma_semaphore, #tpu.memory_space<semaphore_mem>>)
      %dma_wait3A_490 = arith.constant 0 : i32
      %dma_wait3A_491 = tpu.memref_slice %arg7[%add3A_485, %dma_wait3A_490] : memref<16384x1024xf32, #tpu.memory_space<hbm>> -> memref<32x1024xf32, #tpu.memory_space<hbm>>
      %dma_wait3A_492 = arith.constant 0 : i32
      %dma_wait3A_493 = tpu.memref_slice %arg7[%add3A_485, %dma_wait3A_492] : memref<16384x1024xf32, #tpu.memory_space<hbm>> -> memref<32x1024xf32, #tpu.memory_space<hbm>>
      tpu.wait_dma2 semaphore(%arg18 : memref<!tpu.dma_semaphore, #tpu.memory_space<semaphore_mem>>) src(%arg12 : memref<32x1024xf32, #tpu.memory_space<vmem>>) dst(%dma_wait3A_493 : memref<32x1024xf32, #tpu.memory_space<hbm>>)
      %dma_start3A_494 = arith.constant 12 : i32
      %dma_start3A_495 = arith.constant 0 : i32
      %dma_start3A_496 = tpu.memref_slice %arg8[%dma_start3A_494, %dma_start3A_495] : memref<16x32xi32, #tpu.memory_space<vmem>> -> memref<1x32xi32, #tpu.memory_space<vmem>>
      %dma_start3A_497 = tpu.memref_squeeze %dma_start3A_496 : memref<1x32xi32, #tpu.memory_space<vmem>> -> memref<32xi32, #tpu.memory_space<vmem>>
      %dma_start3A_498 = arith.constant 0 : i32
      %dma_start3A_499 = arith.constant 0 : i32
      %dma_start3A_500 = tpu.memref_slice %arg2[%dma_start3A_498, %dma_start3A_499] : memref<8192x1024xf32, #tpu.memory_space<hbm>> -> memref<8192x1024xf32, #tpu.memory_space<hbm>>
      tpu.enqueue_indirect_dma source(%dma_start3A_500 : memref<8192x1024xf32, #tpu.memory_space<hbm>>) target(%arg12 : memref<32x1024xf32, #tpu.memory_space<vmem>>) offsets(%dma_start3A_497 : memref<32xi32, #tpu.memory_space<vmem>>) semaphore(%arg15 : memref<!tpu.dma_semaphore, #tpu.memory_space<semaphore_mem>>)
      %dma_wait3A_501 = arith.constant 10 : i32
      %dma_wait3A_502 = arith.constant 0 : i32
      %dma_wait3A_503 = tpu.memref_slice %arg8[%dma_wait3A_501, %dma_wait3A_502] : memref<16x32xi32, #tpu.memory_space<vmem>> -> memref<1x32xi32, #tpu.memory_space<vmem>>
      %dma_wait3A_504 = tpu.memref_squeeze %dma_wait3A_503 : memref<1x32xi32, #tpu.memory_space<vmem>> -> memref<32xi32, #tpu.memory_space<vmem>>
      %dma_wait3A_505 = arith.constant 0 : i32
      %dma_wait3A_506 = arith.constant 0 : i32
      %dma_wait3A_507 = tpu.memref_slice %arg2[%dma_wait3A_505, %dma_wait3A_506] : memref<8192x1024xf32, #tpu.memory_space<hbm>> -> memref<8192x1024xf32, #tpu.memory_space<hbm>>
      tpu.wait_indirect_dma semaphore(%arg16 : memref<!tpu.dma_semaphore, #tpu.memory_space<semaphore_mem>>) src(%dma_wait3A_507 : memref<8192x1024xf32, #tpu.memory_space<hbm>>) dst(%arg13 : memref<32x1024xf32, #tpu.memory_space<vmem>>)
      %slice3A_508 = vector.extract_strided_slice %get3A_4 {offsets = [10], sizes = [1], strides = [1]} : vector<16xi32> to vector<1xi32>
      %squeeze3A_509 = vector.extract %slice3A_508[0] : i32 from vector<1xi32>
      %gt3A_510 = arith.constant 0 : i32
      %gt3A_511 = arith.cmpi sgt, %squeeze3A_509, %gt3A_510 : i32
      %jit3A_512 = arith.constant 32 : i32
      %jit3A_513 = arith.constant 0 : i32
      %select_n3A_514 = arith.select %gt3A_511, %jit3A_512, %jit3A_513 : i32
      %while3A_515 = arith.constant 0 : i32
      %while3A_516 = arith.constant 0 : i32
      %while3A_517 = arith.subi %select_n3A_514, %while3A_516 : i32
      %while3A_518 = arith.addi %while3A_516, %while3A_517 : i32
      %while3A_519 = arith.constant 1 : i32
      %while3A_520 = arith.divsi %while3A_517, %while3A_519 : i32
      %while3A_521 = arith.muli %while3A_520, %while3A_519 : i32
      %while3A_522 = arith.addi %while3A_516, %while3A_521 : i32
      %while3A_523 = arith.constant 1 : i32
      scf.for %while3A_750 = %while3A_516 to %while3A_522 step %while3A_523  : i32 {
        %broadcast_in_dim3A_751 = arith.constant 10 : i32
        %broadcast_in_dim3A_752 = vector.broadcast %broadcast_in_dim3A_751 : i32 to vector<16xi32>
        %broadcast_in_dim3A_753 = vector.broadcast %while3A_750 : i32 to vector<16xi32>
        %gather3A = tpu.vector_load_idx %arg9[%broadcast_in_dim3A_752, %broadcast_in_dim3A_753] : memref<16x32xf32, #tpu.memory_space<vmem>>[vector<16xi32>, vector<16xi32>], vector<16xf32>,
        %scan3A = arith.constant 0 : i32
        %scan3A_754 = arith.constant 0 : i32
        %scan3A_755 = arith.constant 64 : i32
        %scan3A_756 = arith.addi %scan3A_754, %scan3A_755 : i32
        %scan3A_757 = arith.constant 1 : i32
        scf.for %scan3A_759 = %scan3A_754 to %scan3A_756 step %scan3A_757  : i32 {
          %mul3A_760 = arith.constant 16 : i32
          %mul3A_761 = arith.muli %scan3A_759, %mul3A_760 : i32
          %get3A_762 = arith.index_cast %while3A_750 : i32 to index
          %get3A_763 = arith.index_cast %mul3A_761 : i32 to index
          %get3A_764 = tpu.vector_load %arg13[%get3A_762, %get3A_763] {strides = array<i32>} : memref<32x1024xf32, #tpu.memory_space<vmem>>, vector<16xf32>,
          %mul3A_765 = arith.mulf %get3A_764, %gather3A : vector<16xf32>
          %swap3A = arith.index_cast %while3A_750 : i32 to index
          %swap3A_766 = arith.index_cast %mul3A_761 : i32 to index
          %swap3A_767 = tpu.vector_load %arg13[%swap3A, %swap3A_766] {strides = array<i32>} : memref<32x1024xf32, #tpu.memory_space<vmem>>, vector<16xf32>,
          tpu.vector_store %arg13[%swap3A, %swap3A_766], %mul3A_765 {strides = array<i32>} : memref<32x1024xf32, #tpu.memory_space<vmem>>, vector<16xf32>,
        }
        %scan3A_758 = arith.constant 64 : i32
      }
      %while3A_524 = arith.constant 1 : i32
      scf.for %while3A_750 = %while3A_522 to %while3A_518 step %while3A_524  : i32 {
        %broadcast_in_dim3A_751 = arith.constant 10 : i32
        %broadcast_in_dim3A_752 = vector.broadcast %broadcast_in_dim3A_751 : i32 to vector<16xi32>
        %broadcast_in_dim3A_753 = vector.broadcast %while3A_750 : i32 to vector<16xi32>
        %gather3A = tpu.vector_load_idx %arg9[%broadcast_in_dim3A_752, %broadcast_in_dim3A_753] : memref<16x32xf32, #tpu.memory_space<vmem>>[vector<16xi32>, vector<16xi32>], vector<16xf32>,
        %scan3A = arith.constant 0 : i32
        %scan3A_754 = arith.constant 0 : i32
        %scan3A_755 = arith.constant 64 : i32
        %scan3A_756 = arith.addi %scan3A_754, %scan3A_755 : i32
        %scan3A_757 = arith.constant 1 : i32
        scf.for %scan3A_759 = %scan3A_754 to %scan3A_756 step %scan3A_757  : i32 {
          %mul3A_760 = arith.constant 16 : i32
          %mul3A_761 = arith.muli %scan3A_759, %mul3A_760 : i32
          %get3A_762 = arith.index_cast %while3A_750 : i32 to index
          %get3A_763 = arith.index_cast %mul3A_761 : i32 to index
          %get3A_764 = tpu.vector_load %arg13[%get3A_762, %get3A_763] {strides = array<i32>} : memref<32x1024xf32, #tpu.memory_space<vmem>>, vector<16xf32>,
          %mul3A_765 = arith.mulf %get3A_764, %gather3A : vector<16xf32>
          %swap3A = arith.index_cast %while3A_750 : i32 to index
          %swap3A_766 = arith.index_cast %mul3A_761 : i32 to index
          %swap3A_767 = tpu.vector_load %arg13[%swap3A, %swap3A_766] {strides = array<i32>} : memref<32x1024xf32, #tpu.memory_space<vmem>>, vector<16xf32>,
          tpu.vector_store %arg13[%swap3A, %swap3A_766], %mul3A_765 {strides = array<i32>} : memref<32x1024xf32, #tpu.memory_space<vmem>>, vector<16xf32>,
        }
        %scan3A_758 = arith.constant 64 : i32
      }
      %mul3A_525 = arith.constant 128 : i32
      %mul3A_526 = arith.muli %add3A, %mul3A_525 : i32
      %add3A_527 = arith.constant 8192 : i32
      %add3A_528 = arith.addi %add3A_527, %mul3A_526 : i32
      %add3A_529 = arith.constant 64 : i32
      %add3A_530 = arith.addi %add3A_528, %add3A_529 : i32
      %dma_start3A_531 = arith.constant 0 : i32
      %dma_start3A_532 = tpu.memref_slice %arg7[%add3A_530, %dma_start3A_531] : memref<16384x1024xf32, #tpu.memory_space<hbm>> -> memref<32x1024xf32, #tpu.memory_space<hbm>>
      %dma_start3A_533 = arith.constant 0 : i32
      %dma_start3A_534 = tpu.memref_slice %arg7[%add3A_530, %dma_start3A_533] : memref<16384x1024xf32, #tpu.memory_space<hbm>> -> memref<32x1024xf32, #tpu.memory_space<hbm>>
      tpu.enqueue_dma source(%arg13 : memref<32x1024xf32, #tpu.memory_space<vmem>>) target(%dma_start3A_534 : memref<32x1024xf32, #tpu.memory_space<hbm>>) target_semaphore(%arg19 : memref<!tpu.dma_semaphore, #tpu.memory_space<semaphore_mem>>)
      %dma_wait3A_535 = arith.constant 0 : i32
      %dma_wait3A_536 = tpu.memref_slice %arg7[%add3A_530, %dma_wait3A_535] : memref<16384x1024xf32, #tpu.memory_space<hbm>> -> memref<32x1024xf32, #tpu.memory_space<hbm>>
      %dma_wait3A_537 = arith.constant 0 : i32
      %dma_wait3A_538 = tpu.memref_slice %arg7[%add3A_530, %dma_wait3A_537] : memref<16384x1024xf32, #tpu.memory_space<hbm>> -> memref<32x1024xf32, #tpu.memory_space<hbm>>
      tpu.wait_dma2 semaphore(%arg19 : memref<!tpu.dma_semaphore, #tpu.memory_space<semaphore_mem>>) src(%arg13 : memref<32x1024xf32, #tpu.memory_space<vmem>>) dst(%dma_wait3A_538 : memref<32x1024xf32, #tpu.memory_space<hbm>>)
      %dma_start3A_539 = arith.constant 13 : i32
      %dma_start3A_540 = arith.constant 0 : i32
      %dma_start3A_541 = tpu.memref_slice %arg8[%dma_start3A_539, %dma_start3A_540] : memref<16x32xi32, #tpu.memory_space<vmem>> -> memref<1x32xi32, #tpu.memory_space<vmem>>
      %dma_start3A_542 = tpu.memref_squeeze %dma_start3A_541 : memref<1x32xi32, #tpu.memory_space<vmem>> -> memref<32xi32, #tpu.memory_space<vmem>>
      %dma_start3A_543 = arith.constant 0 : i32
      %dma_start3A_544 = arith.constant 0 : i32
      %dma_start3A_545 = tpu.memref_slice %arg2[%dma_start3A_543, %dma_start3A_544] : memref<8192x1024xf32, #tpu.memory_space<hbm>> -> memref<8192x1024xf32, #tpu.memory_space<hbm>>
      tpu.enqueue_indirect_dma source(%dma_start3A_545 : memref<8192x1024xf32, #tpu.memory_space<hbm>>) target(%arg13 : memref<32x1024xf32, #tpu.memory_space<vmem>>) offsets(%dma_start3A_542 : memref<32xi32, #tpu.memory_space<vmem>>) semaphore(%arg16 : memref<!tpu.dma_semaphore, #tpu.memory_space<semaphore_mem>>)
      %dma_wait3A_546 = arith.constant 11 : i32
      %dma_wait3A_547 = arith.constant 0 : i32
      %dma_wait3A_548 = tpu.memref_slice %arg8[%dma_wait3A_546, %dma_wait3A_547] : memref<16x32xi32, #tpu.memory_space<vmem>> -> memref<1x32xi32, #tpu.memory_space<vmem>>
      %dma_wait3A_549 = tpu.memref_squeeze %dma_wait3A_548 : memref<1x32xi32, #tpu.memory_space<vmem>> -> memref<32xi32, #tpu.memory_space<vmem>>
      %dma_wait3A_550 = arith.constant 0 : i32
      %dma_wait3A_551 = arith.constant 0 : i32
      %dma_wait3A_552 = tpu.memref_slice %arg2[%dma_wait3A_550, %dma_wait3A_551] : memref<8192x1024xf32, #tpu.memory_space<hbm>> -> memref<8192x1024xf32, #tpu.memory_space<hbm>>
      tpu.wait_indirect_dma semaphore(%arg17 : memref<!tpu.dma_semaphore, #tpu.memory_space<semaphore_mem>>) src(%dma_wait3A_552 : memref<8192x1024xf32, #tpu.memory_space<hbm>>) dst(%arg14 : memref<32x1024xf32, #tpu.memory_space<vmem>>)
      %slice3A_553 = vector.extract_strided_slice %get3A_4 {offsets = [11], sizes = [1], strides = [1]} : vector<16xi32> to vector<1xi32>
      %squeeze3A_554 = vector.extract %slice3A_553[0] : i32 from vector<1xi32>
      %gt3A_555 = arith.constant 0 : i32
      %gt3A_556 = arith.cmpi sgt, %squeeze3A_554, %gt3A_555 : i32
      %jit3A_557 = arith.constant 32 : i32
      %jit3A_558 = arith.constant 0 : i32
      %select_n3A_559 = arith.select %gt3A_556, %jit3A_557, %jit3A_558 : i32
      %while3A_560 = arith.constant 0 : i32
      %while3A_561 = arith.constant 0 : i32
      %while3A_562 = arith.subi %select_n3A_559, %while3A_561 : i32
      %while3A_563 = arith.addi %while3A_561, %while3A_562 : i32
      %while3A_564 = arith.constant 1 : i32
      %while3A_565 = arith.divsi %while3A_562, %while3A_564 : i32
      %while3A_566 = arith.muli %while3A_565, %while3A_564 : i32
      %while3A_567 = arith.addi %while3A_561, %while3A_566 : i32
      %while3A_568 = arith.constant 1 : i32
      scf.for %while3A_750 = %while3A_561 to %while3A_567 step %while3A_568  : i32 {
        %broadcast_in_dim3A_751 = arith.constant 11 : i32
        %broadcast_in_dim3A_752 = vector.broadcast %broadcast_in_dim3A_751 : i32 to vector<16xi32>
        %broadcast_in_dim3A_753 = vector.broadcast %while3A_750 : i32 to vector<16xi32>
        %gather3A = tpu.vector_load_idx %arg9[%broadcast_in_dim3A_752, %broadcast_in_dim3A_753] : memref<16x32xf32, #tpu.memory_space<vmem>>[vector<16xi32>, vector<16xi32>], vector<16xf32>,
        %scan3A = arith.constant 0 : i32
        %scan3A_754 = arith.constant 0 : i32
        %scan3A_755 = arith.constant 64 : i32
        %scan3A_756 = arith.addi %scan3A_754, %scan3A_755 : i32
        %scan3A_757 = arith.constant 1 : i32
        scf.for %scan3A_759 = %scan3A_754 to %scan3A_756 step %scan3A_757  : i32 {
          %mul3A_760 = arith.constant 16 : i32
          %mul3A_761 = arith.muli %scan3A_759, %mul3A_760 : i32
          %get3A_762 = arith.index_cast %while3A_750 : i32 to index
          %get3A_763 = arith.index_cast %mul3A_761 : i32 to index
          %get3A_764 = tpu.vector_load %arg14[%get3A_762, %get3A_763] {strides = array<i32>} : memref<32x1024xf32, #tpu.memory_space<vmem>>, vector<16xf32>,
          %mul3A_765 = arith.mulf %get3A_764, %gather3A : vector<16xf32>
          %swap3A = arith.index_cast %while3A_750 : i32 to index
          %swap3A_766 = arith.index_cast %mul3A_761 : i32 to index
          %swap3A_767 = tpu.vector_load %arg14[%swap3A, %swap3A_766] {strides = array<i32>} : memref<32x1024xf32, #tpu.memory_space<vmem>>, vector<16xf32>,
          tpu.vector_store %arg14[%swap3A, %swap3A_766], %mul3A_765 {strides = array<i32>} : memref<32x1024xf32, #tpu.memory_space<vmem>>, vector<16xf32>,
        }
        %scan3A_758 = arith.constant 64 : i32
      }
      %while3A_569 = arith.constant 1 : i32
      scf.for %while3A_750 = %while3A_567 to %while3A_563 step %while3A_569  : i32 {
        %broadcast_in_dim3A_751 = arith.constant 11 : i32
        %broadcast_in_dim3A_752 = vector.broadcast %broadcast_in_dim3A_751 : i32 to vector<16xi32>
        %broadcast_in_dim3A_753 = vector.broadcast %while3A_750 : i32 to vector<16xi32>
        %gather3A = tpu.vector_load_idx %arg9[%broadcast_in_dim3A_752, %broadcast_in_dim3A_753] : memref<16x32xf32, #tpu.memory_space<vmem>>[vector<16xi32>, vector<16xi32>], vector<16xf32>,
        %scan3A = arith.constant 0 : i32
        %scan3A_754 = arith.constant 0 : i32
        %scan3A_755 = arith.constant 64 : i32
        %scan3A_756 = arith.addi %scan3A_754, %scan3A_755 : i32
        %scan3A_757 = arith.constant 1 : i32
        scf.for %scan3A_759 = %scan3A_754 to %scan3A_756 step %scan3A_757  : i32 {
          %mul3A_760 = arith.constant 16 : i32
          %mul3A_761 = arith.muli %scan3A_759, %mul3A_760 : i32
          %get3A_762 = arith.index_cast %while3A_750 : i32 to index
          %get3A_763 = arith.index_cast %mul3A_761 : i32 to index
          %get3A_764 = tpu.vector_load %arg14[%get3A_762, %get3A_763] {strides = array<i32>} : memref<32x1024xf32, #tpu.memory_space<vmem>>, vector<16xf32>,
          %mul3A_765 = arith.mulf %get3A_764, %gather3A : vector<16xf32>
          %swap3A = arith.index_cast %while3A_750 : i32 to index
          %swap3A_766 = arith.index_cast %mul3A_761 : i32 to index
          %swap3A_767 = tpu.vector_load %arg14[%swap3A, %swap3A_766] {strides = array<i32>} : memref<32x1024xf32, #tpu.memory_space<vmem>>, vector<16xf32>,
          tpu.vector_store %arg14[%swap3A, %swap3A_766], %mul3A_765 {strides = array<i32>} : memref<32x1024xf32, #tpu.memory_space<vmem>>, vector<16xf32>,
        }
        %scan3A_758 = arith.constant 64 : i32
      }
      %mul3A_570 = arith.constant 128 : i32
      %mul3A_571 = arith.muli %add3A, %mul3A_570 : i32
      %add3A_572 = arith.constant 8192 : i32
      %add3A_573 = arith.addi %add3A_572, %mul3A_571 : i32
      %add3A_574 = arith.constant 96 : i32
      %add3A_575 = arith.addi %add3A_573, %add3A_574 : i32
      %dma_start3A_576 = arith.constant 0 : i32
      %dma_start3A_577 = tpu.memref_slice %arg7[%add3A_575, %dma_start3A_576] : memref<16384x1024xf32, #tpu.memory_space<hbm>> -> memref<32x1024xf32, #tpu.memory_space<hbm>>
      %dma_start3A_578 = arith.constant 0 : i32
      %dma_start3A_579 = tpu.memref_slice %arg7[%add3A_575, %dma_start3A_578] : memref<16384x1024xf32, #tpu.memory_space<hbm>> -> memref<32x1024xf32, #tpu.memory_space<hbm>>
      tpu.enqueue_dma source(%arg14 : memref<32x1024xf32, #tpu.memory_space<vmem>>) target(%dma_start3A_579 : memref<32x1024xf32, #tpu.memory_space<hbm>>) target_semaphore(%arg20 : memref<!tpu.dma_semaphore, #tpu.memory_space<semaphore_mem>>)
      %dma_wait3A_580 = arith.constant 0 : i32
      %dma_wait3A_581 = tpu.memref_slice %arg7[%add3A_575, %dma_wait3A_580] : memref<16384x1024xf32, #tpu.memory_space<hbm>> -> memref<32x1024xf32, #tpu.memory_space<hbm>>
      %dma_wait3A_582 = arith.constant 0 : i32
      %dma_wait3A_583 = tpu.memref_slice %arg7[%add3A_575, %dma_wait3A_582] : memref<16384x1024xf32, #tpu.memory_space<hbm>> -> memref<32x1024xf32, #tpu.memory_space<hbm>>
      tpu.wait_dma2 semaphore(%arg20 : memref<!tpu.dma_semaphore, #tpu.memory_space<semaphore_mem>>) src(%arg14 : memref<32x1024xf32, #tpu.memory_space<vmem>>) dst(%dma_wait3A_583 : memref<32x1024xf32, #tpu.memory_space<hbm>>)
      %dma_start3A_584 = arith.constant 14 : i32
      %dma_start3A_585 = arith.constant 0 : i32
      %dma_start3A_586 = tpu.memref_slice %arg8[%dma_start3A_584, %dma_start3A_585] : memref<16x32xi32, #tpu.memory_space<vmem>> -> memref<1x32xi32, #tpu.memory_space<vmem>>
      %dma_start3A_587 = tpu.memref_squeeze %dma_start3A_586 : memref<1x32xi32, #tpu.memory_space<vmem>> -> memref<32xi32, #tpu.memory_space<vmem>>
      %dma_start3A_588 = arith.constant 0 : i32
      %dma_start3A_589 = arith.constant 0 : i32
      %dma_start3A_590 = tpu.memref_slice %arg2[%dma_start3A_588, %dma_start3A_589] : memref<8192x1024xf32, #tpu.memory_space<hbm>> -> memref<8192x1024xf32, #tpu.memory_space<hbm>>
      tpu.enqueue_indirect_dma source(%dma_start3A_590 : memref<8192x1024xf32, #tpu.memory_space<hbm>>) target(%arg14 : memref<32x1024xf32, #tpu.memory_space<vmem>>) offsets(%dma_start3A_587 : memref<32xi32, #tpu.memory_space<vmem>>) semaphore(%arg17 : memref<!tpu.dma_semaphore, #tpu.memory_space<semaphore_mem>>)
      %dma_wait3A_591 = arith.constant 12 : i32
      %dma_wait3A_592 = arith.constant 0 : i32
      %dma_wait3A_593 = tpu.memref_slice %arg8[%dma_wait3A_591, %dma_wait3A_592] : memref<16x32xi32, #tpu.memory_space<vmem>> -> memref<1x32xi32, #tpu.memory_space<vmem>>
      %dma_wait3A_594 = tpu.memref_squeeze %dma_wait3A_593 : memref<1x32xi32, #tpu.memory_space<vmem>> -> memref<32xi32, #tpu.memory_space<vmem>>
      %dma_wait3A_595 = arith.constant 0 : i32
      %dma_wait3A_596 = arith.constant 0 : i32
      %dma_wait3A_597 = tpu.memref_slice %arg2[%dma_wait3A_595, %dma_wait3A_596] : memref<8192x1024xf32, #tpu.memory_space<hbm>> -> memref<8192x1024xf32, #tpu.memory_space<hbm>>
      tpu.wait_indirect_dma semaphore(%arg15 : memref<!tpu.dma_semaphore, #tpu.memory_space<semaphore_mem>>) src(%dma_wait3A_597 : memref<8192x1024xf32, #tpu.memory_space<hbm>>) dst(%arg12 : memref<32x1024xf32, #tpu.memory_space<vmem>>)
      %slice3A_598 = vector.extract_strided_slice %get3A_4 {offsets = [12], sizes = [1], strides = [1]} : vector<16xi32> to vector<1xi32>
      %squeeze3A_599 = vector.extract %slice3A_598[0] : i32 from vector<1xi32>
      %gt3A_600 = arith.constant 0 : i32
      %gt3A_601 = arith.cmpi sgt, %squeeze3A_599, %gt3A_600 : i32
      %jit3A_602 = arith.constant 32 : i32
      %jit3A_603 = arith.constant 0 : i32
      %select_n3A_604 = arith.select %gt3A_601, %jit3A_602, %jit3A_603 : i32
      %while3A_605 = arith.constant 0 : i32
      %while3A_606 = arith.constant 0 : i32
      %while3A_607 = arith.subi %select_n3A_604, %while3A_606 : i32
      %while3A_608 = arith.addi %while3A_606, %while3A_607 : i32
      %while3A_609 = arith.constant 1 : i32
      %while3A_610 = arith.divsi %while3A_607, %while3A_609 : i32
      %while3A_611 = arith.muli %while3A_610, %while3A_609 : i32
      %while3A_612 = arith.addi %while3A_606, %while3A_611 : i32
      %while3A_613 = arith.constant 1 : i32
      scf.for %while3A_750 = %while3A_606 to %while3A_612 step %while3A_613  : i32 {
        %broadcast_in_dim3A_751 = arith.constant 12 : i32
        %broadcast_in_dim3A_752 = vector.broadcast %broadcast_in_dim3A_751 : i32 to vector<16xi32>
        %broadcast_in_dim3A_753 = vector.broadcast %while3A_750 : i32 to vector<16xi32>
        %gather3A = tpu.vector_load_idx %arg9[%broadcast_in_dim3A_752, %broadcast_in_dim3A_753] : memref<16x32xf32, #tpu.memory_space<vmem>>[vector<16xi32>, vector<16xi32>], vector<16xf32>,
        %scan3A = arith.constant 0 : i32
        %scan3A_754 = arith.constant 0 : i32
        %scan3A_755 = arith.constant 64 : i32
        %scan3A_756 = arith.addi %scan3A_754, %scan3A_755 : i32
        %scan3A_757 = arith.constant 1 : i32
        scf.for %scan3A_759 = %scan3A_754 to %scan3A_756 step %scan3A_757  : i32 {
          %mul3A_760 = arith.constant 16 : i32
          %mul3A_761 = arith.muli %scan3A_759, %mul3A_760 : i32
          %get3A_762 = arith.index_cast %while3A_750 : i32 to index
          %get3A_763 = arith.index_cast %mul3A_761 : i32 to index
          %get3A_764 = tpu.vector_load %arg12[%get3A_762, %get3A_763] {strides = array<i32>} : memref<32x1024xf32, #tpu.memory_space<vmem>>, vector<16xf32>,
          %mul3A_765 = arith.mulf %get3A_764, %gather3A : vector<16xf32>
          %swap3A = arith.index_cast %while3A_750 : i32 to index
          %swap3A_766 = arith.index_cast %mul3A_761 : i32 to index
          %swap3A_767 = tpu.vector_load %arg12[%swap3A, %swap3A_766] {strides = array<i32>} : memref<32x1024xf32, #tpu.memory_space<vmem>>, vector<16xf32>,
          tpu.vector_store %arg12[%swap3A, %swap3A_766], %mul3A_765 {strides = array<i32>} : memref<32x1024xf32, #tpu.memory_space<vmem>>, vector<16xf32>,
        }
        %scan3A_758 = arith.constant 64 : i32
      }
      %while3A_614 = arith.constant 1 : i32
      scf.for %while3A_750 = %while3A_612 to %while3A_608 step %while3A_614  : i32 {
        %broadcast_in_dim3A_751 = arith.constant 12 : i32
        %broadcast_in_dim3A_752 = vector.broadcast %broadcast_in_dim3A_751 : i32 to vector<16xi32>
        %broadcast_in_dim3A_753 = vector.broadcast %while3A_750 : i32 to vector<16xi32>
        %gather3A = tpu.vector_load_idx %arg9[%broadcast_in_dim3A_752, %broadcast_in_dim3A_753] : memref<16x32xf32, #tpu.memory_space<vmem>>[vector<16xi32>, vector<16xi32>], vector<16xf32>,
        %scan3A = arith.constant 0 : i32
        %scan3A_754 = arith.constant 0 : i32
        %scan3A_755 = arith.constant 64 : i32
        %scan3A_756 = arith.addi %scan3A_754, %scan3A_755 : i32
        %scan3A_757 = arith.constant 1 : i32
        scf.for %scan3A_759 = %scan3A_754 to %scan3A_756 step %scan3A_757  : i32 {
          %mul3A_760 = arith.constant 16 : i32
          %mul3A_761 = arith.muli %scan3A_759, %mul3A_760 : i32
          %get3A_762 = arith.index_cast %while3A_750 : i32 to index
          %get3A_763 = arith.index_cast %mul3A_761 : i32 to index
          %get3A_764 = tpu.vector_load %arg12[%get3A_762, %get3A_763] {strides = array<i32>} : memref<32x1024xf32, #tpu.memory_space<vmem>>, vector<16xf32>,
          %mul3A_765 = arith.mulf %get3A_764, %gather3A : vector<16xf32>
          %swap3A = arith.index_cast %while3A_750 : i32 to index
          %swap3A_766 = arith.index_cast %mul3A_761 : i32 to index
          %swap3A_767 = tpu.vector_load %arg12[%swap3A, %swap3A_766] {strides = array<i32>} : memref<32x1024xf32, #tpu.memory_space<vmem>>, vector<16xf32>,
          tpu.vector_store %arg12[%swap3A, %swap3A_766], %mul3A_765 {strides = array<i32>} : memref<32x1024xf32, #tpu.memory_space<vmem>>, vector<16xf32>,
        }
        %scan3A_758 = arith.constant 64 : i32
      }
      %mul3A_615 = arith.constant 128 : i32
      %mul3A_616 = arith.muli %add3A, %mul3A_615 : i32
      %add3A_617 = arith.constant 12288 : i32
      %add3A_618 = arith.addi %add3A_617, %mul3A_616 : i32
      %add3A_619 = arith.constant 0 : i32
      %add3A_620 = arith.addi %add3A_618, %add3A_619 : i32
      %dma_start3A_621 = arith.constant 0 : i32
      %dma_start3A_622 = tpu.memref_slice %arg7[%add3A_620, %dma_start3A_621] : memref<16384x1024xf32, #tpu.memory_space<hbm>> -> memref<32x1024xf32, #tpu.memory_space<hbm>>
      %dma_start3A_623 = arith.constant 0 : i32
      %dma_start3A_624 = tpu.memref_slice %arg7[%add3A_620, %dma_start3A_623] : memref<16384x1024xf32, #tpu.memory_space<hbm>> -> memref<32x1024xf32, #tpu.memory_space<hbm>>
      tpu.enqueue_dma source(%arg12 : memref<32x1024xf32, #tpu.memory_space<vmem>>) target(%dma_start3A_624 : memref<32x1024xf32, #tpu.memory_space<hbm>>) target_semaphore(%arg18 : memref<!tpu.dma_semaphore, #tpu.memory_space<semaphore_mem>>)
      %dma_wait3A_625 = arith.constant 0 : i32
      %dma_wait3A_626 = tpu.memref_slice %arg7[%add3A_620, %dma_wait3A_625] : memref<16384x1024xf32, #tpu.memory_space<hbm>> -> memref<32x1024xf32, #tpu.memory_space<hbm>>
      %dma_wait3A_627 = arith.constant 0 : i32
      %dma_wait3A_628 = tpu.memref_slice %arg7[%add3A_620, %dma_wait3A_627] : memref<16384x1024xf32, #tpu.memory_space<hbm>> -> memref<32x1024xf32, #tpu.memory_space<hbm>>
      tpu.wait_dma2 semaphore(%arg18 : memref<!tpu.dma_semaphore, #tpu.memory_space<semaphore_mem>>) src(%arg12 : memref<32x1024xf32, #tpu.memory_space<vmem>>) dst(%dma_wait3A_628 : memref<32x1024xf32, #tpu.memory_space<hbm>>)
      %dma_start3A_629 = arith.constant 15 : i32
      %dma_start3A_630 = arith.constant 0 : i32
      %dma_start3A_631 = tpu.memref_slice %arg8[%dma_start3A_629, %dma_start3A_630] : memref<16x32xi32, #tpu.memory_space<vmem>> -> memref<1x32xi32, #tpu.memory_space<vmem>>
      %dma_start3A_632 = tpu.memref_squeeze %dma_start3A_631 : memref<1x32xi32, #tpu.memory_space<vmem>> -> memref<32xi32, #tpu.memory_space<vmem>>
      %dma_start3A_633 = arith.constant 0 : i32
      %dma_start3A_634 = arith.constant 0 : i32
      %dma_start3A_635 = tpu.memref_slice %arg2[%dma_start3A_633, %dma_start3A_634] : memref<8192x1024xf32, #tpu.memory_space<hbm>> -> memref<8192x1024xf32, #tpu.memory_space<hbm>>
      tpu.enqueue_indirect_dma source(%dma_start3A_635 : memref<8192x1024xf32, #tpu.memory_space<hbm>>) target(%arg12 : memref<32x1024xf32, #tpu.memory_space<vmem>>) offsets(%dma_start3A_632 : memref<32xi32, #tpu.memory_space<vmem>>) semaphore(%arg15 : memref<!tpu.dma_semaphore, #tpu.memory_space<semaphore_mem>>)
      %dma_wait3A_636 = arith.constant 13 : i32
      %dma_wait3A_637 = arith.constant 0 : i32
      %dma_wait3A_638 = tpu.memref_slice %arg8[%dma_wait3A_636, %dma_wait3A_637] : memref<16x32xi32, #tpu.memory_space<vmem>> -> memref<1x32xi32, #tpu.memory_space<vmem>>
      %dma_wait3A_639 = tpu.memref_squeeze %dma_wait3A_638 : memref<1x32xi32, #tpu.memory_space<vmem>> -> memref<32xi32, #tpu.memory_space<vmem>>
      %dma_wait3A_640 = arith.constant 0 : i32
      %dma_wait3A_641 = arith.constant 0 : i32
      %dma_wait3A_642 = tpu.memref_slice %arg2[%dma_wait3A_640, %dma_wait3A_641] : memref<8192x1024xf32, #tpu.memory_space<hbm>> -> memref<8192x1024xf32, #tpu.memory_space<hbm>>
      tpu.wait_indirect_dma semaphore(%arg16 : memref<!tpu.dma_semaphore, #tpu.memory_space<semaphore_mem>>) src(%dma_wait3A_642 : memref<8192x1024xf32, #tpu.memory_space<hbm>>) dst(%arg13 : memref<32x1024xf32, #tpu.memory_space<vmem>>)
      %slice3A_643 = vector.extract_strided_slice %get3A_4 {offsets = [13], sizes = [1], strides = [1]} : vector<16xi32> to vector<1xi32>
      %squeeze3A_644 = vector.extract %slice3A_643[0] : i32 from vector<1xi32>
      %gt3A_645 = arith.constant 0 : i32
      %gt3A_646 = arith.cmpi sgt, %squeeze3A_644, %gt3A_645 : i32
      %jit3A_647 = arith.constant 32 : i32
      %jit3A_648 = arith.constant 0 : i32
      %select_n3A_649 = arith.select %gt3A_646, %jit3A_647, %jit3A_648 : i32
      %while3A_650 = arith.constant 0 : i32
      %while3A_651 = arith.constant 0 : i32
      %while3A_652 = arith.subi %select_n3A_649, %while3A_651 : i32
      %while3A_653 = arith.addi %while3A_651, %while3A_652 : i32
      %while3A_654 = arith.constant 1 : i32
      %while3A_655 = arith.divsi %while3A_652, %while3A_654 : i32
      %while3A_656 = arith.muli %while3A_655, %while3A_654 : i32
      %while3A_657 = arith.addi %while3A_651, %while3A_656 : i32
      %while3A_658 = arith.constant 1 : i32
      scf.for %while3A_750 = %while3A_651 to %while3A_657 step %while3A_658  : i32 {
        %broadcast_in_dim3A_751 = arith.constant 13 : i32
        %broadcast_in_dim3A_752 = vector.broadcast %broadcast_in_dim3A_751 : i32 to vector<16xi32>
        %broadcast_in_dim3A_753 = vector.broadcast %while3A_750 : i32 to vector<16xi32>
        %gather3A = tpu.vector_load_idx %arg9[%broadcast_in_dim3A_752, %broadcast_in_dim3A_753] : memref<16x32xf32, #tpu.memory_space<vmem>>[vector<16xi32>, vector<16xi32>], vector<16xf32>,
        %scan3A = arith.constant 0 : i32
        %scan3A_754 = arith.constant 0 : i32
        %scan3A_755 = arith.constant 64 : i32
        %scan3A_756 = arith.addi %scan3A_754, %scan3A_755 : i32
        %scan3A_757 = arith.constant 1 : i32
        scf.for %scan3A_759 = %scan3A_754 to %scan3A_756 step %scan3A_757  : i32 {
          %mul3A_760 = arith.constant 16 : i32
          %mul3A_761 = arith.muli %scan3A_759, %mul3A_760 : i32
          %get3A_762 = arith.index_cast %while3A_750 : i32 to index
          %get3A_763 = arith.index_cast %mul3A_761 : i32 to index
          %get3A_764 = tpu.vector_load %arg13[%get3A_762, %get3A_763] {strides = array<i32>} : memref<32x1024xf32, #tpu.memory_space<vmem>>, vector<16xf32>,
          %mul3A_765 = arith.mulf %get3A_764, %gather3A : vector<16xf32>
          %swap3A = arith.index_cast %while3A_750 : i32 to index
          %swap3A_766 = arith.index_cast %mul3A_761 : i32 to index
          %swap3A_767 = tpu.vector_load %arg13[%swap3A, %swap3A_766] {strides = array<i32>} : memref<32x1024xf32, #tpu.memory_space<vmem>>, vector<16xf32>,
          tpu.vector_store %arg13[%swap3A, %swap3A_766], %mul3A_765 {strides = array<i32>} : memref<32x1024xf32, #tpu.memory_space<vmem>>, vector<16xf32>,
        }
        %scan3A_758 = arith.constant 64 : i32
      }
      %while3A_659 = arith.constant 1 : i32
      scf.for %while3A_750 = %while3A_657 to %while3A_653 step %while3A_659  : i32 {
        %broadcast_in_dim3A_751 = arith.constant 13 : i32
        %broadcast_in_dim3A_752 = vector.broadcast %broadcast_in_dim3A_751 : i32 to vector<16xi32>
        %broadcast_in_dim3A_753 = vector.broadcast %while3A_750 : i32 to vector<16xi32>
        %gather3A = tpu.vector_load_idx %arg9[%broadcast_in_dim3A_752, %broadcast_in_dim3A_753] : memref<16x32xf32, #tpu.memory_space<vmem>>[vector<16xi32>, vector<16xi32>], vector<16xf32>,
        %scan3A = arith.constant 0 : i32
        %scan3A_754 = arith.constant 0 : i32
        %scan3A_755 = arith.constant 64 : i32
        %scan3A_756 = arith.addi %scan3A_754, %scan3A_755 : i32
        %scan3A_757 = arith.constant 1 : i32
        scf.for %scan3A_759 = %scan3A_754 to %scan3A_756 step %scan3A_757  : i32 {
          %mul3A_760 = arith.constant 16 : i32
          %mul3A_761 = arith.muli %scan3A_759, %mul3A_760 : i32
          %get3A_762 = arith.index_cast %while3A_750 : i32 to index
          %get3A_763 = arith.index_cast %mul3A_761 : i32 to index
          %get3A_764 = tpu.vector_load %arg13[%get3A_762, %get3A_763] {strides = array<i32>} : memref<32x1024xf32, #tpu.memory_space<vmem>>, vector<16xf32>,
          %mul3A_765 = arith.mulf %get3A_764, %gather3A : vector<16xf32>
          %swap3A = arith.index_cast %while3A_750 : i32 to index
          %swap3A_766 = arith.index_cast %mul3A_761 : i32 to index
          %swap3A_767 = tpu.vector_load %arg13[%swap3A, %swap3A_766] {strides = array<i32>} : memref<32x1024xf32, #tpu.memory_space<vmem>>, vector<16xf32>,
          tpu.vector_store %arg13[%swap3A, %swap3A_766], %mul3A_765 {strides = array<i32>} : memref<32x1024xf32, #tpu.memory_space<vmem>>, vector<16xf32>,
        }
        %scan3A_758 = arith.constant 64 : i32
      }
      %mul3A_660 = arith.constant 128 : i32
      %mul3A_661 = arith.muli %add3A, %mul3A_660 : i32
      %add3A_662 = arith.constant 12288 : i32
      %add3A_663 = arith.addi %add3A_662, %mul3A_661 : i32
      %add3A_664 = arith.constant 32 : i32
      %add3A_665 = arith.addi %add3A_663, %add3A_664 : i32
      %dma_start3A_666 = arith.constant 0 : i32
      %dma_start3A_667 = tpu.memref_slice %arg7[%add3A_665, %dma_start3A_666] : memref<16384x1024xf32, #tpu.memory_space<hbm>> -> memref<32x1024xf32, #tpu.memory_space<hbm>>
      %dma_start3A_668 = arith.constant 0 : i32
      %dma_start3A_669 = tpu.memref_slice %arg7[%add3A_665, %dma_start3A_668] : memref<16384x1024xf32, #tpu.memory_space<hbm>> -> memref<32x1024xf32, #tpu.memory_space<hbm>>
      tpu.enqueue_dma source(%arg13 : memref<32x1024xf32, #tpu.memory_space<vmem>>) target(%dma_start3A_669 : memref<32x1024xf32, #tpu.memory_space<hbm>>) target_semaphore(%arg19 : memref<!tpu.dma_semaphore, #tpu.memory_space<semaphore_mem>>)
      %dma_wait3A_670 = arith.constant 14 : i32
      %dma_wait3A_671 = arith.constant 0 : i32
      %dma_wait3A_672 = tpu.memref_slice %arg8[%dma_wait3A_670, %dma_wait3A_671] : memref<16x32xi32, #tpu.memory_space<vmem>> -> memref<1x32xi32, #tpu.memory_space<vmem>>
      %dma_wait3A_673 = tpu.memref_squeeze %dma_wait3A_672 : memref<1x32xi32, #tpu.memory_space<vmem>> -> memref<32xi32, #tpu.memory_space<vmem>>
      %dma_wait3A_674 = arith.constant 0 : i32
      %dma_wait3A_675 = arith.constant 0 : i32
      %dma_wait3A_676 = tpu.memref_slice %arg2[%dma_wait3A_674, %dma_wait3A_675] : memref<8192x1024xf32, #tpu.memory_space<hbm>> -> memref<8192x1024xf32, #tpu.memory_space<hbm>>
      tpu.wait_indirect_dma semaphore(%arg17 : memref<!tpu.dma_semaphore, #tpu.memory_space<semaphore_mem>>) src(%dma_wait3A_676 : memref<8192x1024xf32, #tpu.memory_space<hbm>>) dst(%arg14 : memref<32x1024xf32, #tpu.memory_space<vmem>>)
      %slice3A_677 = vector.extract_strided_slice %get3A_4 {offsets = [14], sizes = [1], strides = [1]} : vector<16xi32> to vector<1xi32>
      %squeeze3A_678 = vector.extract %slice3A_677[0] : i32 from vector<1xi32>
      %gt3A_679 = arith.constant 0 : i32
      %gt3A_680 = arith.cmpi sgt, %squeeze3A_678, %gt3A_679 : i32
      %jit3A_681 = arith.constant 32 : i32
      %jit3A_682 = arith.constant 0 : i32
      %select_n3A_683 = arith.select %gt3A_680, %jit3A_681, %jit3A_682 : i32
      %while3A_684 = arith.constant 0 : i32
      %while3A_685 = arith.constant 0 : i32
      %while3A_686 = arith.subi %select_n3A_683, %while3A_685 : i32
      %while3A_687 = arith.addi %while3A_685, %while3A_686 : i32
      %while3A_688 = arith.constant 1 : i32
      %while3A_689 = arith.divsi %while3A_686, %while3A_688 : i32
      %while3A_690 = arith.muli %while3A_689, %while3A_688 : i32
      %while3A_691 = arith.addi %while3A_685, %while3A_690 : i32
      %while3A_692 = arith.constant 1 : i32
      scf.for %while3A_750 = %while3A_685 to %while3A_691 step %while3A_692  : i32 {
        %broadcast_in_dim3A_751 = arith.constant 14 : i32
        %broadcast_in_dim3A_752 = vector.broadcast %broadcast_in_dim3A_751 : i32 to vector<16xi32>
        %broadcast_in_dim3A_753 = vector.broadcast %while3A_750 : i32 to vector<16xi32>
        %gather3A = tpu.vector_load_idx %arg9[%broadcast_in_dim3A_752, %broadcast_in_dim3A_753] : memref<16x32xf32, #tpu.memory_space<vmem>>[vector<16xi32>, vector<16xi32>], vector<16xf32>,
        %scan3A = arith.constant 0 : i32
        %scan3A_754 = arith.constant 0 : i32
        %scan3A_755 = arith.constant 64 : i32
        %scan3A_756 = arith.addi %scan3A_754, %scan3A_755 : i32
        %scan3A_757 = arith.constant 1 : i32
        scf.for %scan3A_759 = %scan3A_754 to %scan3A_756 step %scan3A_757  : i32 {
          %mul3A_760 = arith.constant 16 : i32
          %mul3A_761 = arith.muli %scan3A_759, %mul3A_760 : i32
          %get3A_762 = arith.index_cast %while3A_750 : i32 to index
          %get3A_763 = arith.index_cast %mul3A_761 : i32 to index
          %get3A_764 = tpu.vector_load %arg14[%get3A_762, %get3A_763] {strides = array<i32>} : memref<32x1024xf32, #tpu.memory_space<vmem>>, vector<16xf32>,
          %mul3A_765 = arith.mulf %get3A_764, %gather3A : vector<16xf32>
          %swap3A = arith.index_cast %while3A_750 : i32 to index
          %swap3A_766 = arith.index_cast %mul3A_761 : i32 to index
          %swap3A_767 = tpu.vector_load %arg14[%swap3A, %swap3A_766] {strides = array<i32>} : memref<32x1024xf32, #tpu.memory_space<vmem>>, vector<16xf32>,
          tpu.vector_store %arg14[%swap3A, %swap3A_766], %mul3A_765 {strides = array<i32>} : memref<32x1024xf32, #tpu.memory_space<vmem>>, vector<16xf32>,
        }
        %scan3A_758 = arith.constant 64 : i32
      }
      %while3A_693 = arith.constant 1 : i32
      scf.for %while3A_750 = %while3A_691 to %while3A_687 step %while3A_693  : i32 {
        %broadcast_in_dim3A_751 = arith.constant 14 : i32
        %broadcast_in_dim3A_752 = vector.broadcast %broadcast_in_dim3A_751 : i32 to vector<16xi32>
        %broadcast_in_dim3A_753 = vector.broadcast %while3A_750 : i32 to vector<16xi32>
        %gather3A = tpu.vector_load_idx %arg9[%broadcast_in_dim3A_752, %broadcast_in_dim3A_753] : memref<16x32xf32, #tpu.memory_space<vmem>>[vector<16xi32>, vector<16xi32>], vector<16xf32>,
        %scan3A = arith.constant 0 : i32
        %scan3A_754 = arith.constant 0 : i32
        %scan3A_755 = arith.constant 64 : i32
        %scan3A_756 = arith.addi %scan3A_754, %scan3A_755 : i32
        %scan3A_757 = arith.constant 1 : i32
        scf.for %scan3A_759 = %scan3A_754 to %scan3A_756 step %scan3A_757  : i32 {
          %mul3A_760 = arith.constant 16 : i32
          %mul3A_761 = arith.muli %scan3A_759, %mul3A_760 : i32
          %get3A_762 = arith.index_cast %while3A_750 : i32 to index
          %get3A_763 = arith.index_cast %mul3A_761 : i32 to index
          %get3A_764 = tpu.vector_load %arg14[%get3A_762, %get3A_763] {strides = array<i32>} : memref<32x1024xf32, #tpu.memory_space<vmem>>, vector<16xf32>,
          %mul3A_765 = arith.mulf %get3A_764, %gather3A : vector<16xf32>
          %swap3A = arith.index_cast %while3A_750 : i32 to index
          %swap3A_766 = arith.index_cast %mul3A_761 : i32 to index
          %swap3A_767 = tpu.vector_load %arg14[%swap3A, %swap3A_766] {strides = array<i32>} : memref<32x1024xf32, #tpu.memory_space<vmem>>, vector<16xf32>,
          tpu.vector_store %arg14[%swap3A, %swap3A_766], %mul3A_765 {strides = array<i32>} : memref<32x1024xf32, #tpu.memory_space<vmem>>, vector<16xf32>,
        }
        %scan3A_758 = arith.constant 64 : i32
      }
      %mul3A_694 = arith.constant 128 : i32
      %mul3A_695 = arith.muli %add3A, %mul3A_694 : i32
      %add3A_696 = arith.constant 12288 : i32
      %add3A_697 = arith.addi %add3A_696, %mul3A_695 : i32
      %add3A_698 = arith.constant 64 : i32
      %add3A_699 = arith.addi %add3A_697, %add3A_698 : i32
      %dma_start3A_700 = arith.constant 0 : i32
      %dma_start3A_701 = tpu.memref_slice %arg7[%add3A_699, %dma_start3A_700] : memref<16384x1024xf32, #tpu.memory_space<hbm>> -> memref<32x1024xf32, #tpu.memory_space<hbm>>
      %dma_start3A_702 = arith.constant 0 : i32
      %dma_start3A_703 = tpu.memref_slice %arg7[%add3A_699, %dma_start3A_702] : memref<16384x1024xf32, #tpu.memory_space<hbm>> -> memref<32x1024xf32, #tpu.memory_space<hbm>>
      tpu.enqueue_dma source(%arg14 : memref<32x1024xf32, #tpu.memory_space<vmem>>) target(%dma_start3A_703 : memref<32x1024xf32, #tpu.memory_space<hbm>>) target_semaphore(%arg20 : memref<!tpu.dma_semaphore, #tpu.memory_space<semaphore_mem>>)
      %dma_wait3A_704 = arith.constant 15 : i32
      %dma_wait3A_705 = arith.constant 0 : i32
      %dma_wait3A_706 = tpu.memref_slice %arg8[%dma_wait3A_704, %dma_wait3A_705] : memref<16x32xi32, #tpu.memory_space<vmem>> -> memref<1x32xi32, #tpu.memory_space<vmem>>
      %dma_wait3A_707 = tpu.memref_squeeze %dma_wait3A_706 : memref<1x32xi32, #tpu.memory_space<vmem>> -> memref<32xi32, #tpu.memory_space<vmem>>
      %dma_wait3A_708 = arith.constant 0 : i32
      %dma_wait3A_709 = arith.constant 0 : i32
      %dma_wait3A_710 = tpu.memref_slice %arg2[%dma_wait3A_708, %dma_wait3A_709] : memref<8192x1024xf32, #tpu.memory_space<hbm>> -> memref<8192x1024xf32, #tpu.memory_space<hbm>>
      tpu.wait_indirect_dma semaphore(%arg15 : memref<!tpu.dma_semaphore, #tpu.memory_space<semaphore_mem>>) src(%dma_wait3A_710 : memref<8192x1024xf32, #tpu.memory_space<hbm>>) dst(%arg12 : memref<32x1024xf32, #tpu.memory_space<vmem>>)
      %slice3A_711 = vector.extract_strided_slice %get3A_4 {offsets = [15], sizes = [1], strides = [1]} : vector<16xi32> to vector<1xi32>
      %squeeze3A_712 = vector.extract %slice3A_711[0] : i32 from vector<1xi32>
      %gt3A_713 = arith.constant 0 : i32
      %gt3A_714 = arith.cmpi sgt, %squeeze3A_712, %gt3A_713 : i32
      %jit3A_715 = arith.constant 32 : i32
      %jit3A_716 = arith.constant 0 : i32
      %select_n3A_717 = arith.select %gt3A_714, %jit3A_715, %jit3A_716 : i32
      %while3A_718 = arith.constant 0 : i32
      %while3A_719 = arith.constant 0 : i32
      %while3A_720 = arith.subi %select_n3A_717, %while3A_719 : i32
      %while3A_721 = arith.addi %while3A_719, %while3A_720 : i32
      %while3A_722 = arith.constant 1 : i32
      %while3A_723 = arith.divsi %while3A_720, %while3A_722 : i32
      %while3A_724 = arith.muli %while3A_723, %while3A_722 : i32
      %while3A_725 = arith.addi %while3A_719, %while3A_724 : i32
      %while3A_726 = arith.constant 1 : i32
      scf.for %while3A_750 = %while3A_719 to %while3A_725 step %while3A_726  : i32 {
        %broadcast_in_dim3A_751 = arith.constant 15 : i32
        %broadcast_in_dim3A_752 = vector.broadcast %broadcast_in_dim3A_751 : i32 to vector<16xi32>
        %broadcast_in_dim3A_753 = vector.broadcast %while3A_750 : i32 to vector<16xi32>
        %gather3A = tpu.vector_load_idx %arg9[%broadcast_in_dim3A_752, %broadcast_in_dim3A_753] : memref<16x32xf32, #tpu.memory_space<vmem>>[vector<16xi32>, vector<16xi32>], vector<16xf32>,
        %scan3A = arith.constant 0 : i32
        %scan3A_754 = arith.constant 0 : i32
        %scan3A_755 = arith.constant 64 : i32
        %scan3A_756 = arith.addi %scan3A_754, %scan3A_755 : i32
        %scan3A_757 = arith.constant 1 : i32
        scf.for %scan3A_759 = %scan3A_754 to %scan3A_756 step %scan3A_757  : i32 {
          %mul3A_760 = arith.constant 16 : i32
          %mul3A_761 = arith.muli %scan3A_759, %mul3A_760 : i32
          %get3A_762 = arith.index_cast %while3A_750 : i32 to index
          %get3A_763 = arith.index_cast %mul3A_761 : i32 to index
          %get3A_764 = tpu.vector_load %arg12[%get3A_762, %get3A_763] {strides = array<i32>} : memref<32x1024xf32, #tpu.memory_space<vmem>>, vector<16xf32>,
          %mul3A_765 = arith.mulf %get3A_764, %gather3A : vector<16xf32>
          %swap3A = arith.index_cast %while3A_750 : i32 to index
          %swap3A_766 = arith.index_cast %mul3A_761 : i32 to index
          %swap3A_767 = tpu.vector_load %arg12[%swap3A, %swap3A_766] {strides = array<i32>} : memref<32x1024xf32, #tpu.memory_space<vmem>>, vector<16xf32>,
          tpu.vector_store %arg12[%swap3A, %swap3A_766], %mul3A_765 {strides = array<i32>} : memref<32x1024xf32, #tpu.memory_space<vmem>>, vector<16xf32>,
        }
        %scan3A_758 = arith.constant 64 : i32
      }
      %while3A_727 = arith.constant 1 : i32
      scf.for %while3A_750 = %while3A_725 to %while3A_721 step %while3A_727  : i32 {
        %broadcast_in_dim3A_751 = arith.constant 15 : i32
        %broadcast_in_dim3A_752 = vector.broadcast %broadcast_in_dim3A_751 : i32 to vector<16xi32>
        %broadcast_in_dim3A_753 = vector.broadcast %while3A_750 : i32 to vector<16xi32>
        %gather3A = tpu.vector_load_idx %arg9[%broadcast_in_dim3A_752, %broadcast_in_dim3A_753] : memref<16x32xf32, #tpu.memory_space<vmem>>[vector<16xi32>, vector<16xi32>], vector<16xf32>,
        %scan3A = arith.constant 0 : i32
        %scan3A_754 = arith.constant 0 : i32
        %scan3A_755 = arith.constant 64 : i32
        %scan3A_756 = arith.addi %scan3A_754, %scan3A_755 : i32
        %scan3A_757 = arith.constant 1 : i32
        scf.for %scan3A_759 = %scan3A_754 to %scan3A_756 step %scan3A_757  : i32 {
          %mul3A_760 = arith.constant 16 : i32
          %mul3A_761 = arith.muli %scan3A_759, %mul3A_760 : i32
          %get3A_762 = arith.index_cast %while3A_750 : i32 to index
          %get3A_763 = arith.index_cast %mul3A_761 : i32 to index
          %get3A_764 = tpu.vector_load %arg12[%get3A_762, %get3A_763] {strides = array<i32>} : memref<32x1024xf32, #tpu.memory_space<vmem>>, vector<16xf32>,
          %mul3A_765 = arith.mulf %get3A_764, %gather3A : vector<16xf32>
          %swap3A = arith.index_cast %while3A_750 : i32 to index
          %swap3A_766 = arith.index_cast %mul3A_761 : i32 to index
          %swap3A_767 = tpu.vector_load %arg12[%swap3A, %swap3A_766] {strides = array<i32>} : memref<32x1024xf32, #tpu.memory_space<vmem>>, vector<16xf32>,
          tpu.vector_store %arg12[%swap3A, %swap3A_766], %mul3A_765 {strides = array<i32>} : memref<32x1024xf32, #tpu.memory_space<vmem>>, vector<16xf32>,
        }
        %scan3A_758 = arith.constant 64 : i32
      }
      %mul3A_728 = arith.constant 128 : i32
      %mul3A_729 = arith.muli %add3A, %mul3A_728 : i32
      %add3A_730 = arith.constant 12288 : i32
      %add3A_731 = arith.addi %add3A_730, %mul3A_729 : i32
      %add3A_732 = arith.constant 96 : i32
      %add3A_733 = arith.addi %add3A_731, %add3A_732 : i32
      %dma_start3A_734 = arith.constant 0 : i32
      %dma_start3A_735 = tpu.memref_slice %arg7[%add3A_733, %dma_start3A_734] : memref<16384x1024xf32, #tpu.memory_space<hbm>> -> memref<32x1024xf32, #tpu.memory_space<hbm>>
      %dma_start3A_736 = arith.constant 0 : i32
      %dma_start3A_737 = tpu.memref_slice %arg7[%add3A_733, %dma_start3A_736] : memref<16384x1024xf32, #tpu.memory_space<hbm>> -> memref<32x1024xf32, #tpu.memory_space<hbm>>
      tpu.enqueue_dma source(%arg12 : memref<32x1024xf32, #tpu.memory_space<vmem>>) target(%dma_start3A_737 : memref<32x1024xf32, #tpu.memory_space<hbm>>) target_semaphore(%arg18 : memref<!tpu.dma_semaphore, #tpu.memory_space<semaphore_mem>>)
      %dma_wait3A_738 = arith.constant 0 : i32
      %dma_wait3A_739 = tpu.memref_slice %arg7[%add3A_665, %dma_wait3A_738] : memref<16384x1024xf32, #tpu.memory_space<hbm>> -> memref<32x1024xf32, #tpu.memory_space<hbm>>
      %dma_wait3A_740 = arith.constant 0 : i32
      %dma_wait3A_741 = tpu.memref_slice %arg7[%add3A_665, %dma_wait3A_740] : memref<16384x1024xf32, #tpu.memory_space<hbm>> -> memref<32x1024xf32, #tpu.memory_space<hbm>>
      tpu.wait_dma2 semaphore(%arg19 : memref<!tpu.dma_semaphore, #tpu.memory_space<semaphore_mem>>) src(%arg13 : memref<32x1024xf32, #tpu.memory_space<vmem>>) dst(%dma_wait3A_741 : memref<32x1024xf32, #tpu.memory_space<hbm>>)
      %dma_wait3A_742 = arith.constant 0 : i32
      %dma_wait3A_743 = tpu.memref_slice %arg7[%add3A_699, %dma_wait3A_742] : memref<16384x1024xf32, #tpu.memory_space<hbm>> -> memref<32x1024xf32, #tpu.memory_space<hbm>>
      %dma_wait3A_744 = arith.constant 0 : i32
      %dma_wait3A_745 = tpu.memref_slice %arg7[%add3A_699, %dma_wait3A_744] : memref<16384x1024xf32, #tpu.memory_space<hbm>> -> memref<32x1024xf32, #tpu.memory_space<hbm>>
      tpu.wait_dma2 semaphore(%arg20 : memref<!tpu.dma_semaphore, #tpu.memory_space<semaphore_mem>>) src(%arg14 : memref<32x1024xf32, #tpu.memory_space<vmem>>) dst(%dma_wait3A_745 : memref<32x1024xf32, #tpu.memory_space<hbm>>)
      %dma_wait3A_746 = arith.constant 0 : i32
      %dma_wait3A_747 = tpu.memref_slice %arg7[%add3A_733, %dma_wait3A_746] : memref<16384x1024xf32, #tpu.memory_space<hbm>> -> memref<32x1024xf32, #tpu.memory_space<hbm>>
      %dma_wait3A_748 = arith.constant 0 : i32
      %dma_wait3A_749 = tpu.memref_slice %arg7[%add3A_733, %dma_wait3A_748] : memref<16384x1024xf32, #tpu.memory_space<hbm>> -> memref<32x1024xf32, #tpu.memory_space<hbm>>
      tpu.wait_dma2 semaphore(%arg18 : memref<!tpu.dma_semaphore, #tpu.memory_space<semaphore_mem>>) src(%arg12 : memref<32x1024xf32, #tpu.memory_space<vmem>>) dst(%dma_wait3A_749 : memref<32x1024xf32, #tpu.memory_space<hbm>>)
    }
    return
  }
}

module attributes {stable_mosaic.version = 14 : i64} {
  func.func @_positions_body(%arg0: memref<4x4096xi32, #tpu.memory_space<vmem>>, %arg1: memref<4x4096xi32, #tpu.memory_space<vmem>>, %arg2: memref<4x4096xf32, #tpu.memory_space<vmem>>, %arg3: memref<4x128xi32, #tpu.memory_space<vmem>>, %arg4: memref<32x16xi32, #tpu.memory_space<vmem>>) attributes {dimension_semantics = [], scalar_prefetch = 0 : i64, scratch_operands = 0 : i64, tpu.core_type = #tpu.core_type<tc>} {
    %get3A = arith.constant 0 : index
    %get3A_0 = arith.constant 0 : index
    %get3A_1 = vector.load %arg0[%get3A, %get3A_0] : memref<4x4096xi32, #tpu.memory_space<vmem>>, vector<4x4096xi32>
    %ne3A = arith.constant 1 : i32
    %ne3A_2 = vector.broadcast %ne3A : i32 to vector<4x4096xi32>
    %ne3A_3 = arith.cmpi ne, %get3A_1, %ne3A_2 : vector<4x4096xi32>
    %jit3A = arith.constant 1 : i32
    %jit3A_4 = arith.constant 0 : i32
    %broadcast_in_dim3A = vector.broadcast %jit3A : i32 to vector<4x4096xi32>
    %broadcast_in_dim3A_5 = vector.broadcast %jit3A_4 : i32 to vector<4x4096xi32>
    %select_n3A = arith.select %ne3A_3, %broadcast_in_dim3A, %broadcast_in_dim3A_5 : vector<4x4096xi1>, vector<4x4096xi32>
    %broadcast_in_dim3A_6 = arith.constant 0 : i32
    %broadcast_in_dim3A_7 = vector.broadcast %broadcast_in_dim3A_6 : i32 to vector<4x1xi32>
    %slice3A = vector.extract_strided_slice %select_n3A {offsets = [0, 0], sizes = [4, 4095], strides = [1, 1]} : vector<4x4096xi32> to vector<4x4095xi32>
    %concatenate3A = tpu.concatenate %broadcast_in_dim3A_7, %slice3A in 1 : vector<4x1xi32>, vector<4x4095xi32> -> vector<4x4096xi32>
    %add3A = arith.addi %select_n3A, %concatenate3A : vector<4x4096xi32>
    %broadcast_in_dim3A_8 = arith.constant 0 : i32
    %broadcast_in_dim3A_9 = vector.broadcast %broadcast_in_dim3A_8 : i32 to vector<4x2xi32>
    %slice3A_10 = vector.extract_strided_slice %add3A {offsets = [0, 0], sizes = [4, 4094], strides = [1, 1]} : vector<4x4096xi32> to vector<4x4094xi32>
    %concatenate3A_11 = tpu.concatenate %broadcast_in_dim3A_9, %slice3A_10 in 1 : vector<4x2xi32>, vector<4x4094xi32> -> vector<4x4096xi32>
    %add3A_12 = arith.addi %add3A, %concatenate3A_11 : vector<4x4096xi32>
    %broadcast_in_dim3A_13 = arith.constant 0 : i32
    %broadcast_in_dim3A_14 = vector.broadcast %broadcast_in_dim3A_13 : i32 to vector<4x4xi32>
    %slice3A_15 = vector.extract_strided_slice %add3A_12 {offsets = [0, 0], sizes = [4, 4092], strides = [1, 1]} : vector<4x4096xi32> to vector<4x4092xi32>
    %concatenate3A_16 = tpu.concatenate %broadcast_in_dim3A_14, %slice3A_15 in 1 : vector<4x4xi32>, vector<4x4092xi32> -> vector<4x4096xi32>
    %add3A_17 = arith.addi %add3A_12, %concatenate3A_16 : vector<4x4096xi32>
    %broadcast_in_dim3A_18 = arith.constant 0 : i32
    %broadcast_in_dim3A_19 = vector.broadcast %broadcast_in_dim3A_18 : i32 to vector<4x8xi32>
    %slice3A_20 = vector.extract_strided_slice %add3A_17 {offsets = [0, 0], sizes = [4, 4088], strides = [1, 1]} : vector<4x4096xi32> to vector<4x4088xi32>
    %concatenate3A_21 = tpu.concatenate %broadcast_in_dim3A_19, %slice3A_20 in 1 : vector<4x8xi32>, vector<4x4088xi32> -> vector<4x4096xi32>
    %add3A_22 = arith.addi %add3A_17, %concatenate3A_21 : vector<4x4096xi32>
    %broadcast_in_dim3A_23 = arith.constant 0 : i32
    %broadcast_in_dim3A_24 = vector.broadcast %broadcast_in_dim3A_23 : i32 to vector<4x16xi32>
    %slice3A_25 = vector.extract_strided_slice %add3A_22 {offsets = [0, 0], sizes = [4, 4080], strides = [1, 1]} : vector<4x4096xi32> to vector<4x4080xi32>
    %concatenate3A_26 = tpu.concatenate %broadcast_in_dim3A_24, %slice3A_25 in 1 : vector<4x16xi32>, vector<4x4080xi32> -> vector<4x4096xi32>
    %add3A_27 = arith.addi %add3A_22, %concatenate3A_26 : vector<4x4096xi32>
    %broadcast_in_dim3A_28 = arith.constant 0 : i32
    %broadcast_in_dim3A_29 = vector.broadcast %broadcast_in_dim3A_28 : i32 to vector<4x32xi32>
    %slice3A_30 = vector.extract_strided_slice %add3A_27 {offsets = [0, 0], sizes = [4, 4064], strides = [1, 1]} : vector<4x4096xi32> to vector<4x4064xi32>
    %concatenate3A_31 = tpu.concatenate %broadcast_in_dim3A_29, %slice3A_30 in 1 : vector<4x32xi32>, vector<4x4064xi32> -> vector<4x4096xi32>
    %add3A_32 = arith.addi %add3A_27, %concatenate3A_31 : vector<4x4096xi32>
    %broadcast_in_dim3A_33 = arith.constant 0 : i32
    %broadcast_in_dim3A_34 = vector.broadcast %broadcast_in_dim3A_33 : i32 to vector<4x64xi32>
    %slice3A_35 = vector.extract_strided_slice %add3A_32 {offsets = [0, 0], sizes = [4, 4032], strides = [1, 1]} : vector<4x4096xi32> to vector<4x4032xi32>
    %concatenate3A_36 = tpu.concatenate %broadcast_in_dim3A_34, %slice3A_35 in 1 : vector<4x64xi32>, vector<4x4032xi32> -> vector<4x4096xi32>
    %add3A_37 = arith.addi %add3A_32, %concatenate3A_36 : vector<4x4096xi32>
    %broadcast_in_dim3A_38 = arith.constant 0 : i32
    %broadcast_in_dim3A_39 = vector.broadcast %broadcast_in_dim3A_38 : i32 to vector<4x128xi32>
    %slice3A_40 = vector.extract_strided_slice %add3A_37 {offsets = [0, 0], sizes = [4, 3968], strides = [1, 1]} : vector<4x4096xi32> to vector<4x3968xi32>
    %concatenate3A_41 = tpu.concatenate %broadcast_in_dim3A_39, %slice3A_40 in 1 : vector<4x128xi32>, vector<4x3968xi32> -> vector<4x4096xi32>
    %add3A_42 = arith.addi %add3A_37, %concatenate3A_41 : vector<4x4096xi32>
    %broadcast_in_dim3A_43 = arith.constant 0 : i32
    %broadcast_in_dim3A_44 = vector.broadcast %broadcast_in_dim3A_43 : i32 to vector<4x256xi32>
    %slice3A_45 = vector.extract_strided_slice %add3A_42 {offsets = [0, 0], sizes = [4, 3840], strides = [1, 1]} : vector<4x4096xi32> to vector<4x3840xi32>
    %concatenate3A_46 = tpu.concatenate %broadcast_in_dim3A_44, %slice3A_45 in 1 : vector<4x256xi32>, vector<4x3840xi32> -> vector<4x4096xi32>
    %add3A_47 = arith.addi %add3A_42, %concatenate3A_46 : vector<4x4096xi32>
    %broadcast_in_dim3A_48 = arith.constant 0 : i32
    %broadcast_in_dim3A_49 = vector.broadcast %broadcast_in_dim3A_48 : i32 to vector<4x512xi32>
    %slice3A_50 = vector.extract_strided_slice %add3A_47 {offsets = [0, 0], sizes = [4, 3584], strides = [1, 1]} : vector<4x4096xi32> to vector<4x3584xi32>
    %concatenate3A_51 = tpu.concatenate %broadcast_in_dim3A_49, %slice3A_50 in 1 : vector<4x512xi32>, vector<4x3584xi32> -> vector<4x4096xi32>
    %add3A_52 = arith.addi %add3A_47, %concatenate3A_51 : vector<4x4096xi32>
    %broadcast_in_dim3A_53 = arith.constant 0 : i32
    %broadcast_in_dim3A_54 = vector.broadcast %broadcast_in_dim3A_53 : i32 to vector<4x1024xi32>
    %slice3A_55 = vector.extract_strided_slice %add3A_52 {offsets = [0, 0], sizes = [4, 3072], strides = [1, 1]} : vector<4x4096xi32> to vector<4x3072xi32>
    %concatenate3A_56 = tpu.concatenate %broadcast_in_dim3A_54, %slice3A_55 in 1 : vector<4x1024xi32>, vector<4x3072xi32> -> vector<4x4096xi32>
    %add3A_57 = arith.addi %add3A_52, %concatenate3A_56 : vector<4x4096xi32>
    %broadcast_in_dim3A_58 = arith.constant 0 : i32
    %broadcast_in_dim3A_59 = vector.broadcast %broadcast_in_dim3A_58 : i32 to vector<4x2048xi32>
    %slice3A_60 = vector.extract_strided_slice %add3A_57 {offsets = [0, 0], sizes = [4, 2048], strides = [1, 1]} : vector<4x4096xi32> to vector<4x2048xi32>
    %concatenate3A_61 = tpu.concatenate %broadcast_in_dim3A_59, %slice3A_60 in 1 : vector<4x2048xi32>, vector<4x2048xi32> -> vector<4x4096xi32>
    %add3A_62 = arith.addi %add3A_57, %concatenate3A_61 : vector<4x4096xi32>
    %sub3A = arith.constant 1 : i32
    %sub3A_63 = vector.broadcast %sub3A : i32 to vector<4x4096xi32>
    %sub3A_64 = arith.subi %add3A_62, %sub3A_63 : vector<4x4096xi32>
    %mul3A = arith.muli %sub3A_64, %select_n3A : vector<4x4096xi32>
    %swap3A = arith.constant 0 : index
    %swap3A_65 = arith.constant 0 : index
    %swap3A_66 = vector.load %arg1[%swap3A, %swap3A_65] : memref<4x4096xi32, #tpu.memory_space<vmem>>, vector<4x4096xi32>
    tpu.vector_store %arg1[%swap3A, %swap3A_65], %mul3A {strides = array<i32>} : memref<4x4096xi32, #tpu.memory_space<vmem>>, vector<4x4096xi32>,
    %convert_element_type3A = arith.sitofp %select_n3A : vector<4x4096xi32> to vector<4x4096xf32>
    %swap3A_67 = arith.constant 0 : index
    %swap3A_68 = arith.constant 0 : index
    %swap3A_69 = vector.load %arg2[%swap3A_67, %swap3A_68] : memref<4x4096xf32, #tpu.memory_space<vmem>>, vector<4x4096xf32>
    tpu.vector_store %arg2[%swap3A_67, %swap3A_68], %convert_element_type3A {strides = array<i32>} : memref<4x4096xf32, #tpu.memory_space<vmem>>, vector<4x4096xf32>,
    %reshape3A = vector.shape_cast %select_n3A : vector<4x4096xi32> to vector<4x128x32xi32>
    %reduce_sum3A = arith.constant dense<0> : vector<4x128xi32>
    %reduce_sum3A_70 = vector.multi_reduction <add>, %reshape3A, %reduce_sum3A [2] : vector<4x128x32xi32> to vector<4x128xi32>
    %sub3A_71 = arith.constant 32 : i32
    %sub3A_72 = vector.broadcast %sub3A_71 : i32 to vector<4x128xi32>
    %sub3A_73 = arith.subi %sub3A_72, %reduce_sum3A_70 : vector<4x128xi32>
    %swap3A_74 = arith.constant 0 : index
    %swap3A_75 = arith.constant 0 : index
    %swap3A_76 = vector.load %arg3[%swap3A_74, %swap3A_75] : memref<4x128xi32, #tpu.memory_space<vmem>>, vector<4x128xi32>
    tpu.vector_store %arg3[%swap3A_74, %swap3A_75], %sub3A_73 {strides = array<i32>} : memref<4x128xi32, #tpu.memory_space<vmem>>, vector<4x128xi32>,
    %reshape3A_77 = vector.shape_cast %select_n3A : vector<4x4096xi32> to vector<4x32x128xi32>
    %reduce_sum3A_78 = arith.constant dense<0> : vector<4x32xi32>
    %reduce_sum3A_79 = vector.multi_reduction <add>, %reshape3A_77, %reduce_sum3A_78 [2] : vector<4x32x128xi32> to vector<4x32xi32>
    %broadcast_in_dim3A_80 = arith.constant 0 : i32
    %broadcast_in_dim3A_81 = vector.broadcast %broadcast_in_dim3A_80 : i32 to vector<4x1xi32>
    %slice3A_82 = vector.extract_strided_slice %reduce_sum3A_79 {offsets = [0, 0], sizes = [4, 31], strides = [1, 1]} : vector<4x32xi32> to vector<4x31xi32>
    %concatenate3A_83 = tpu.concatenate %broadcast_in_dim3A_81, %slice3A_82 in 1 : vector<4x1xi32>, vector<4x31xi32> -> vector<4x32xi32>
    %add3A_84 = arith.addi %reduce_sum3A_79, %concatenate3A_83 : vector<4x32xi32>
    %broadcast_in_dim3A_85 = arith.constant 0 : i32
    %broadcast_in_dim3A_86 = vector.broadcast %broadcast_in_dim3A_85 : i32 to vector<4x2xi32>
    %slice3A_87 = vector.extract_strided_slice %add3A_84 {offsets = [0, 0], sizes = [4, 30], strides = [1, 1]} : vector<4x32xi32> to vector<4x30xi32>
    %concatenate3A_88 = tpu.concatenate %broadcast_in_dim3A_86, %slice3A_87 in 1 : vector<4x2xi32>, vector<4x30xi32> -> vector<4x32xi32>
    %add3A_89 = arith.addi %add3A_84, %concatenate3A_88 : vector<4x32xi32>
    %broadcast_in_dim3A_90 = arith.constant 0 : i32
    %broadcast_in_dim3A_91 = vector.broadcast %broadcast_in_dim3A_90 : i32 to vector<4x4xi32>
    %slice3A_92 = vector.extract_strided_slice %add3A_89 {offsets = [0, 0], sizes = [4, 28], strides = [1, 1]} : vector<4x32xi32> to vector<4x28xi32>
    %concatenate3A_93 = tpu.concatenate %broadcast_in_dim3A_91, %slice3A_92 in 1 : vector<4x4xi32>, vector<4x28xi32> -> vector<4x32xi32>
    %add3A_94 = arith.addi %add3A_89, %concatenate3A_93 : vector<4x32xi32>
    %broadcast_in_dim3A_95 = arith.constant 0 : i32
    %broadcast_in_dim3A_96 = vector.broadcast %broadcast_in_dim3A_95 : i32 to vector<4x8xi32>
    %slice3A_97 = vector.extract_strided_slice %add3A_94 {offsets = [0, 0], sizes = [4, 24], strides = [1, 1]} : vector<4x32xi32> to vector<4x24xi32>
    %concatenate3A_98 = tpu.concatenate %broadcast_in_dim3A_96, %slice3A_97 in 1 : vector<4x8xi32>, vector<4x24xi32> -> vector<4x32xi32>
    %add3A_99 = arith.addi %add3A_94, %concatenate3A_98 : vector<4x32xi32>
    %broadcast_in_dim3A_100 = arith.constant 0 : i32
    %broadcast_in_dim3A_101 = vector.broadcast %broadcast_in_dim3A_100 : i32 to vector<4x16xi32>
    %slice3A_102 = vector.extract_strided_slice %add3A_99 {offsets = [0, 0], sizes = [4, 16], strides = [1, 1]} : vector<4x32xi32> to vector<4x16xi32>
    %concatenate3A_103 = tpu.concatenate %broadcast_in_dim3A_101, %slice3A_102 in 1 : vector<4x16xi32>, vector<4x16xi32> -> vector<4x32xi32>
    %add3A_104 = arith.addi %add3A_99, %concatenate3A_103 : vector<4x32xi32>
    %sub3A_105 = arith.subi %add3A_104, %reduce_sum3A_79 : vector<4x32xi32>
    %broadcast_in_dim3A_106 = arith.constant true
    %broadcast_in_dim3A_107 = vector.broadcast %broadcast_in_dim3A_106 : i1 to vector<32xi1>
    %slice3A_108 = vector.extract_strided_slice %sub3A_105 {offsets = [0, 0], sizes = [1, 32], strides = [1, 1]} : vector<4x32xi32> to vector<1x32xi32>
    %squeeze3A = vector.shape_cast %slice3A_108 : vector<1x32xi32> to vector<32xi32>
    %slice3A_109 = vector.extract_strided_slice %sub3A_105 {offsets = [1, 0], sizes = [1, 32], strides = [1, 1]} : vector<4x32xi32> to vector<1x32xi32>
    %squeeze3A_110 = vector.shape_cast %slice3A_109 : vector<1x32xi32> to vector<32xi32>
    %eq3A = arith.cmpi eq, %squeeze3A, %squeeze3A_110 : vector<32xi32>
    %and3A = arith.andi %broadcast_in_dim3A_107, %eq3A : vector<32xi1>
    %slice3A_111 = vector.extract_strided_slice %sub3A_105 {offsets = [0, 0], sizes = [1, 32], strides = [1, 1]} : vector<4x32xi32> to vector<1x32xi32>
    %squeeze3A_112 = vector.shape_cast %slice3A_111 : vector<1x32xi32> to vector<32xi32>
    %slice3A_113 = vector.extract_strided_slice %sub3A_105 {offsets = [2, 0], sizes = [1, 32], strides = [1, 1]} : vector<4x32xi32> to vector<1x32xi32>
    %squeeze3A_114 = vector.shape_cast %slice3A_113 : vector<1x32xi32> to vector<32xi32>
    %eq3A_115 = arith.cmpi eq, %squeeze3A_112, %squeeze3A_114 : vector<32xi32>
    %and3A_116 = arith.andi %and3A, %eq3A_115 : vector<32xi1>
    %slice3A_117 = vector.extract_strided_slice %sub3A_105 {offsets = [0, 0], sizes = [1, 32], strides = [1, 1]} : vector<4x32xi32> to vector<1x32xi32>
    %squeeze3A_118 = vector.shape_cast %slice3A_117 : vector<1x32xi32> to vector<32xi32>
    %slice3A_119 = vector.extract_strided_slice %sub3A_105 {offsets = [3, 0], sizes = [1, 32], strides = [1, 1]} : vector<4x32xi32> to vector<1x32xi32>
    %squeeze3A_120 = vector.shape_cast %slice3A_119 : vector<1x32xi32> to vector<32xi32>
    %eq3A_121 = arith.cmpi eq, %squeeze3A_118, %squeeze3A_120 : vector<32xi32>
    %and3A_122 = arith.andi %and3A_116, %eq3A_121 : vector<32xi1>
    %reduce_sum3A_123 = arith.constant dense<0> : vector<32xi32>
    %reduce_sum3A_124 = vector.multi_reduction <add>, %reduce_sum3A_79, %reduce_sum3A_123 [0] : vector<4x32xi32> to vector<32xi32>
    %eq3A_125 = arith.constant 512 : i32
    %eq3A_126 = vector.broadcast %eq3A_125 : i32 to vector<32xi32>
    %eq3A_127 = arith.cmpi eq, %reduce_sum3A_124, %eq3A_126 : vector<32xi32>
    %and3A_128 = arith.andi %and3A_122, %eq3A_127 : vector<32xi1>
    %jit3A_129 = arith.constant 1 : i32
    %jit3A_130 = arith.constant 0 : i32
    %broadcast_in_dim3A_131 = vector.broadcast %jit3A_129 : i32 to vector<32xi32>
    %broadcast_in_dim3A_132 = vector.broadcast %jit3A_130 : i32 to vector<32xi32>
    %select_n3A_133 = arith.select %and3A_128, %broadcast_in_dim3A_131, %broadcast_in_dim3A_132 : vector<32xi1>, vector<32xi32>
    %broadcast_in_dim3A_134 = vector.shape_cast %select_n3A_133 : vector<32xi32> to vector<32x1xi32>
    %broadcast_in_dim3A_135 = vector.shape_cast %broadcast_in_dim3A_134 : vector<32x1xi32> to vector<32x1xi32>
    %broadcast_in_dim3A_136 = vector.broadcast %broadcast_in_dim3A_135 : vector<32x1xi32> to vector<32x16xi32>
    %swap3A_137 = arith.constant 0 : index
    %swap3A_138 = arith.constant 0 : index
    %swap3A_139 = vector.load %arg4[%swap3A_137, %swap3A_138] : memref<32x16xi32, #tpu.memory_space<vmem>>, vector<32x16xi32>
    tpu.vector_store %arg4[%swap3A_137, %swap3A_138], %broadcast_in_dim3A_136 {strides = array<i32>} : memref<32x16xi32, #tpu.memory_space<vmem>>, vector<32x16xi32>,
    return
  }
}

</mosaic_0001>

<sc_bundles>
// kernel: kernel.4.cloned.1.call-start
scs
__scs_entry_jumppad:
0x0: {  	(pc) =	sbr.rel $0x88, $3  }
0x1: {  	(tag) =	ssettag $0x0;
	lr =	simm.s32 $0x1  }
0x2: {  	[smem:$0x3F9F] =	sst lr;
	_ =	strace $0xD0000000  }
0x3: {  	_ = 	snop  }
0x4: {  	_ = 	snop  }
0x5: {  	_ = 	snop  }
0x6: {  	_ = 	snop  }
0x7: {  	_ = 	snop  }
__scs_overlays_trampoline_lowered:
0x8: {  	[smem:$0x3FAE] =	sst s0  }
0x9: {  	[smem:$0x3FAF] =	sst s1  }
0xa: {  	[smem:$0x3FB0] =	sst s2  }
0xb: {  	[smem:$0x3FB1] =	sst s3  }
0xc: {  	[smem:$0x3FB2] =	sst s4  }
0xd: {  	[smem:$0x3FB3] =	sst s5  }
0xe: {  	[smem:$0x3FB4] =	sst s6  }
0xf: {  	[smem:$0x3FB5] =	sst s7  }
0x10: {  	[smem:$0x3FB6] =	sst s8  }
0x11: {  	[smem:$0x3FB7] =	sst s9;
	s0 =	simm.s32 @!p0 $0x0  }
0x12: {  	s1 =	sld [smem:$0x3F9D];
	s0 =	simm.s32 @p0 $0x1  }
0x13: {  	[smem:$0x3FB8] =	sst s0;
	s0 =	simm.s32 @!p1 $0x0  }
0x14: {  	s2 =	sld [smem:$0x3F9C];
	s0 =	simm.s32 @p1 $0x1  }
0x15: {  	[smem:$0x3FB9] =	sst s0;
	s0 =	simm.s32 @!p2 $0x0  }
0x16: {  	s3 =	sld [smem:$0x3FDB];
	s0 =	simm.s32 @p2 $0x1  }
0x17: {  	s4 =	simm.s32 $0x1BF5;
	[smem:$0x3FBB] =	sst s0  }
0x18: {  	s0 =	sld [smem:$0x3F9E];
	_ =	swait.ge [sflag:s4], $0x0  }
0x19: {  	s7 =	sld [smem:$0x3F9F]  }
0x1a: {  	s8 =	sadd.s32 $0xFFFFE003, lr  }
0x1b: {  	s9 =	sadd.s32 $0xFFFFFEF7, lr;
	s5 =	simm.s32 $0xFFFFFFFF;
	p2 =	slt.u32 s8, $0xFFFFF086  }
0x1c: {  	p1 =	slt.u32 s9, $0xF7A;
	s5 =	simm.s32 @!p2 $0x0  }
0x1d: {  	s5 =	simm.s32 @p1 $0x1;
	p0 =	seq.s32 s7, s2  }
0x1e: {  	s7 =	smul.u32 @!p0 $0xF7A, s2;
	p2 =	seq.s32 @!p0 s5, $0x0  }
0x1f: {  	s9 =	smul.u32 $0xF7A, s1;
	s8 =	simm.s32 @!p0 $0x1BF5;
	p2 =	por !p2, p0  }
0x20: {  	[sflag:s8] =	ssyncset.s32 @!p0 $0xFFFFF086;
	s6 =	sadd.s32 @!p0 s3, s7;
	s7 =	simm.s32 @!p0 $0x108  }
0x21: {  	s3 =	sadd.s32 s3, s9;
	s6 =	sadd.s32 @!p0 $0x88, s6;
	s7 =	simm.s32 @p2 $0x1082  }
0x22: {  	[simem:s7], [sflag:s8] =	dma.local @!p0 [hbm:s6], $0xF7A  }
0x23: {  	s9 =	sor.u32 $0xD0000000, s2;
	s6 =	simm.s32 $0x108;
	_ =	swait.ge @!p0 [sflag:s8], $0x0  }
0x24: {  	s3 =	sadd.s32 $0x88, s3;
	s6 =	simm.s32 @!p1 $0x1082;
	[sflag:s4] =	ssyncset.s32 $0xFFFFF086  }
0x25: {  	[simem:s6], [sflag:s4] =	dma.local [hbm:s3], $0xF7A  }
0x26: {  	[smem:$0x3F9F] =	sst s1;
	(tag) =	ssettag s2;
	_ =	strace s9  }
0x27: {  	s1 =	sld [smem:$0x3FAF]  }
0x28: {  	s2 =	sld [smem:$0x3FB0]  }
0x29: {  	s4 =	sld [smem:$0x3FB2]  }
0x2a: {  	p0 =	seq.s32 s5, $0x0;
	s5 =	sld [smem:$0x3FB3]  }
0x2b: {  	s6 =	sld [smem:$0x3FB4]  }
0x2c: {  	s7 =	sld [smem:$0x3FB5]  }
0x2d: {  	s3 =	simm.s32 $0x108;
	s8 =	sld [smem:$0x3FB6]  }
0x2e: {  	s3 =	simm.s32 @!p0 $0x1082;
	s9 =	sld [smem:$0x3FB7]  }
0x2f: {  	lr =	sadd.s32 s0, s3;
	s0 =	sld [smem:$0x3FAE]  }
0x30: {  	s3 =	sld [smem:$0x3FB1]  }
0x31: {  	[smem:$0x3FBA] =	sst s10  }
0x32: {  	s10 =	sld [smem:$0x3FB8];
	_ =	sdelay $0x3  }
0x33: {  	p0 =	seq.s32 s10, $0x1;
	s10 =	sld [smem:$0x3FBA];
	_ =	sdelay $0x3  }
0x34: {  	[smem:$0x3FBA] =	sst s10  }
0x35: {  	s10 =	sld [smem:$0x3FB9];
	_ =	sdelay $0x3  }
0x36: {  	p1 =	seq.s32 s10, $0x1;
	s10 =	sld [smem:$0x3FBA];
	_ =	sdelay $0x3  }
0x37: {  	[smem:$0x3FBA] =	sst s10  }
0x38: {  	s10 =	sld [smem:$0x3FBB]  }
0x39: {  	_ = 	snop;
	(pc) =	sbr.ind lr, $3  }
0x3a: {  	_ = 	snop  }
0x3b: {  	_ = 	snop  }
0x3c: {  	p2 =	seq.s32 s10, $0x1;
	s10 =	sld [smem:$0x3FBA]  }
0x3d: {  	_ =	shalt  }
0x3e: {  	_ =	shalt  }
0x3f: {  	_ =	shalt  }
0x40: {  	_ =	shalt  }
0x41: {  	_ =	shalt  }
0x42: {  	_ =	shalt  }
0x43: {  	_ =	shalt  }
0x44: {  	_ =	shalt  }
0x45: {  	_ =	shalt  }
0x46: {  	_ =	shalt  }
0x47: {  	_ =	shalt  }
0x48: {  	_ =	shalt  }
0x49: {  	_ =	shalt  }
0x4a: {  	_ =	shalt  }
0x4b: {  	_ =	shalt  }
0x4c: {  	_ =	shalt  }
0x4d: {  	_ =	shalt  }
0x4e: {  	_ =	shalt  }
0x4f: {  	_ =	shalt  }
0x50: {  	_ =	shalt  }
0x51: {  	_ =	shalt  }
0x52: {  	_ =	shalt  }
0x53: {  	_ =	shalt  }
0x54: {  	_ =	shalt  }
0x55: {  	_ =	shalt  }
0x56: {  	_ =	shalt  }
0x57: {  	_ =	shalt  }
0x58: {  	_ =	shalt  }
0x59: {  	_ =	shalt  }
0x5a: {  	_ =	shalt  }
0x5b: {  	_ =	shalt  }
0x5c: {  	_ =	shalt  }
0x5d: {  	_ =	shalt  }
0x5e: {  	_ =	shalt  }
0x5f: {  	_ =	shalt  }
0x60: {  	_ =	shalt  }
0x61: {  	_ =	shalt  }
0x62: {  	_ =	shalt  }
0x63: {  	_ =	shalt  }
0x64: {  	_ =	shalt  }
0x65: {  	_ =	shalt  }
0x66: {  	_ =	shalt  }
0x67: {  	_ =	shalt  }
0x68: {  	_ =	shalt  }
0x69: {  	_ =	shalt  }
0x6a: {  	_ =	shalt  }
0x6b: {  	_ =	shalt  }
0x6c: {  	_ =	shalt  }
0x6d: {  	_ =	shalt  }
0x6e: {  	_ =	shalt  }
0x6f: {  	_ =	shalt  }
0x70: {  	_ =	shalt  }
0x71: {  	_ =	shalt  }
0x72: {  	_ =	shalt  }
0x73: {  	_ =	shalt  }
0x74: {  	_ =	shalt  }
0x75: {  	_ =	shalt  }
0x76: {  	_ =	shalt  }
0x77: {  	_ =	shalt  }
0x78: {  	_ =	shalt  }
0x79: {  	_ =	shalt  }
0x7a: {  	_ =	shalt  }
0x7b: {  	_ =	shalt  }
0x7c: {  	_ =	shalt  }
0x7d: {  	_ =	shalt  }
0x7e: {  	_ =	shalt  }
0x7f: {  	_ =	shalt  }
0x80: {  	_ =	shalt  }
0x81: {  	_ =	shalt  }
0x82: {  	_ =	shalt  }
0x83: {  	_ =	shalt  }
0x84: {  	_ =	shalt  }
0x85: {  	_ =	shalt  }
0x86: {  	_ =	shalt  }
0x87: {  	_ =	shalt  }
.Lfunc_end0:
.L_simem_size_0:
called_computation_lowered:
.L_overlay_start_0:
0x88: {  	s2 =	sld [smem:$0x3FD9]  }
0x89: {  	s3 =	sld [smem:$0x3FFE];
	_ =	sdelay $0x1  }
0x8a: {  	s1 =	srdreg.scid  }
0x8b: {  	s0 =	sand.u32 $0x1, s1  }
0x8c: {  	s17 =	sshll.u32 s0, $0xA;
	s2 =	sadd.s32 s3, s2  }
0x8d: {  	s2 =	sadd.s32 s2, s17  }
0x8e: {  	[smem:$0x3FC6] =	sst s2  }
0x8f: {  	_ = 	snop  }
0x90: {  	s2 =	sld [smem:$0x3FC9]  }
0x91: {  	s18 =	sld [smem:$0x3FD0];
	(tm) =	ssettm $0x1  }
0x92: {  	s4 =	sld [smem:$0x3FFB];
	_ =	sdelay $0x3  }
0x93: {  	_ =	strace s4  }
0x94: {  	s4 =	sld [smem:$0x3FFC];
	_ =	sdelay $0x3  }
0x95: {  	_ =	strace s4  }
0x96: {  	s4 =	sld [smem:$0x3FFD];
	_ =	sdelay $0x3  }
0x97: {  	_ =	strace s4  }
0x98: {  	_ =	strace $0x8FFFFFFF  }
0x99: {  	s19 =	sld [smem:$0x3FDB];
	_ =	sdelay $0x1  }
0x9a: {  	s5 =	simm.s32 $_scs_section_size  }
0x9b: {  	s6 =	simm.s32 $_size__tile_overlayer_lowered;
	s7 =	simm.s32 $_tile_overlayer_lowered  }
0x9c: {  	s22 =	simm.s32 $0x1BFF;
	s21 =	sshll.u32 s7, $0x1;
	s4 =	sadd.s32 s5, s19  }
0x9d: {  	s8 =	simm.s32 $0x0;
	s20 =	sshll.u32 s6, $0x1;
	s6 =	sadd.s32 s21, s4  }
0x9e: {  	[timem:s8], [sflag:s22] =	dma.local [hbm:s6], s20  }
0x9f: {  	_ =	swait.ge [sflag:s22], s20  }
0xa0: {  	s5 =	ssub.s32 $0x0, s20;
	[sflag:s22] =	ssyncset.done $0x0  }
0xa1: {  	[sflag:s22] =	ssyncadd.s32 s5;
	_ =	sdelay $0x1  }
0xa2: {  	s23 =	simm.s32 $0x1B8B  }
0xa3: {  	_ =	swait.ge [sflag:s23], $0x1  }
0xa4: {  	[sflag:s23] =	ssyncset.done $0x0  }
0xa5: {  	s25 =	simm.s32 $0x1B8E;
	s24 =	sld [smem:$0x3FFE];
	[sflag:s23] =	ssyncadd.s32 $0xFFFFFFFF  }
0xa6: {  	s26 =	simm.s32 $execute0_lowered;
	[smem:$0x3FD2] =	sst s25  }
0xa7: {  	s6 =	sshll.u32 s26, $0x1;
	_ =	strace $0x80000046;
	[dreg:$0x1] =	wrdreg $0xFFFFFFFF  }
0xa8: {  	s28 =	simm.s32 $_size_execute0_lowered;
	s4 =	sadd.s32 s4, s6;
	[dreg:$0x0] =	wrdreg $0x0  }
0xa9: {  	s6 =	sshll.u32 s28, $0x1;
	[dreg:$0x2] =	wrdreg s4  }
0xaa: {  	[dreg:$0x3] =	wrdreg s6  }
0xab: {  	[dreg:$0x4] =	wrdreg $0xC0  }
0xac: {  	_ =	task [dreg:s8], $0x5FFFF  }
0xad: {  	[dreg:$0x1] =	wrdreg $0xFFFFFFFF  }
0xae: {  	[dreg:$0x0] =	wrdreg $0x60  }
0xaf: {  	[dreg:$0x2] =	wrdreg s2  }
0xb0: {  	[dreg:$0x3] =	wrdreg s24  }
0xb1: {  	[dreg:$0x4] =	wrdreg s18  }
0xb2: {  	[dreg:$0x5] =	wrdreg $0x9  }
0xb3: {  	_ =	task.clear_ibuf [dreg:s8], $0x6FFFF;
	_ =	strace $0x90000046  }
0xb4: {  	s29 =	simm.s32 $0x9;
	_ =	strace $0x80000048  }
0xb5: {  	_ =	swait.ge [sflag:s29], $0x1  }
0xb6: {  	[sflag:s29] =	ssyncadd.s32 $0xFFFFFFFF  }
0xb7: {  	_ =	strace $0x90000048  }
0xb8: {  	_ =	sfence  }
0xb9: {  	s30 =	sld [smem:$0x0];
	_ =	sdelay $0x2  }
0xba: {  	s31 =	sshll.u32 s1, $0xD;
	s1 =	sshrl.u32 s1, $0x2  }
0xbb: {  	s3 =	sand.u32 $0x4000, s31;
	s1 =	sadd.s32 s1, s30  }
0xbc: {  	s0 =	sor.u32 s3, s0;
	s1 =	sshll.u32 s1, $0x11  }
0xbd: {  	s0 =	sor.u32 s1, s0  }
0xbe: {  	s0 =	sadd.s32 $0x8F2B, s0  }
0xbf: {  	[sflag:s0] =	ssyncadd.remote.s32 $0x1  }
0xc0: {  	_ =	sfence.sel $0xFFFF  }
0xc1: {  	[dreg:$0x0] =	wrdreg $0xFFFFFFFF;
	(pc) =	sbr.abs _section_cstart, $3  }
0xc2: {  	[dreg:$0x1] =	wrdreg $0xFFFFFFFF  }
0xc3: {  	_ =	task.clear_ibuf [dreg:s8], $0x2FFFF;
	_ =	strace $0x9FFFFFFF  }
0xc4: {  	(tm) =	ssettm $0x7FFFFFFF  }
0xc5: {  	_ =	shalt  }
tec
execute0_lowered:
.L_overlay_start_1:
0x0: {  	(tag) =	ssettag $0x1  }
0x1: {  	s1 =	rddreg [dreg:$0x0]  }
0x2: {  	s0 =	rddreg [dreg:$0x1];
	s2 =	srdreg.scid  }
0x3: {  	s3 =	stileid.u32;
	s4 =	rddreg [dreg:$0x2]  }
0x4: {  	s2 =	sand.u32 $0x1, s2;
	s5 =	sshll.u32 s3, $0x1;
	s3 =	simm.s32 $0x0  }
0x5: {  	s5 =	sor.u32 s2, s5;
	[smem:$0x7FF] =	sst s3  }
0x6: {  	s6 =	sshll.u32 s5, $0x8;
	_ =	strace $0x80000047;
	s7 =	sshll.u32 s5, $0x1  }
0x7: {  	s8 =	sshll.u32 s5, $0x4;
	s11 =	sshll.u32 s5, $0xE;
	s6 =	sadd.s32 s6, s0  }
0x8: {  	s7 =	sadd.s32 s7, s0;
	s0 =	sadd.s32 s8, s0;
	s4 =	sadd.s32 s4, s11  }
0x9: {  	s13 =	sadd.s32 $0xA00, s0;
	s0 =	sadd.s32 $0x80000, s4;
	[dreg:$0x17] =	wrdreg s4  }
0xa: {  	s14 =	sadd.s32 $0x100000, s4;
	[dreg:$0x8] =	wrdreg s0  }
0xb: {  	s29 =	simm.s32 $0x7;
	s15 =	sadd.s32 $0x180000, s4;
	[dreg:$0x9] =	wrdreg s14  }
0xc: {  	s30 =	simm.s32 $0x800;
	s16 =	sadd.s32 $0x1000, s4;
	[dreg:$0xa] =	wrdreg s15  }
0xd: {  	s28 =	simm.s32 $0x11900;
	s17 =	sadd.s32 $0x81000, s4;
	[dreg:$0x18] =	wrdreg s16  }
0xe: {  	s31 =	simm.s32 $0x0;
	s18 =	sadd.s32 $0x101000, s4;
	[dreg:$0xb] =	wrdreg s17  }
0xf: {  	s10 =	sadd.s32 $0x300, s1;
	s19 =	sadd.s32 $0x181000, s4;
	[dreg:$0xc] =	wrdreg s18  }
0x10: {  	s2 =	ssub.s32 $0x2, s2;
	s20 =	sadd.s32 $0x2000, s4;
	[dreg:$0xd] =	wrdreg s19  }
0x11: {  	s9 =	sshrl.u32 s2, $0x1;
	s21 =	sadd.s32 $0x82000, s4;
	[dreg:$0xe] =	wrdreg s20  }
0x12: {  	s2 =	ssub.s32 s2, s9;
	s22 =	sadd.s32 $0x102000, s4;
	[dreg:$0xf] =	wrdreg s21  }
0x13: {  	s8 =	sadd.s32 $0x100, s1;
	s23 =	sadd.s32 $0x182000, s4;
	[dreg:$0x10] =	wrdreg s22  }
0x14: {  	s9 =	sadd.s32 $0x200, s1;
	s24 =	sadd.s32 $0x3000, s4;
	[dreg:$0x11] =	wrdreg s23  }
0x15: {  	s11 =	simm.s32 $0x6;
	s25 =	sadd.s32 $0x83000, s4;
	[dreg:$0x12] =	wrdreg s24  }
0x16: {  	s12 =	sadd.s32 $0xE00, s6;
	s26 =	sadd.s32 $0x103000, s4;
	[dreg:$0x13] =	wrdreg s25  }
0x17: {  	s6 =	sadd.s32 $0x2E00, s6;
	s7 =	sadd.s32 $0xC00, s7;
	[dreg:$0x15] =	wrdreg s26  }
0x18: {  	s5 =	smax.u32 s2, $0x1;
	s14 =	sadd.s32 $0x183000, s4;
	[dreg:$0x4] =	wrdreg s12  }
.Ltmp0:
0x19: {  	s0 =	simm.s32 $0x1100;
	[dreg:$0x5] =	wrdreg s6;
	(pc) =	sbr.rel .LBB2_1-.Ltmp0, $4  }
0x1a: {  	s20 =	simm.s32 $0x4100;
	s21 =	simm.s32 $0x6100;
	[dreg:$0x6] =	wrdreg s7  }
0x1b: {  	v2 =	vlaneseq.u32;
	s25 =	simm.s32 $0x7100;
	s22 =	simm.s32 $0x8100;
	[dreg:$0x7] =	wrdreg s13  }
0x1c: {  	vm0 =	vmmov $0xffff;
	v1 =	vshrl.u32 v2, $0x3;
	s24 =	simm.s32 $0x9100;
	s18 =	simm.s32 $0x11100;
	[dreg:$0x14] =	wrdreg s5  }
0x1d: {  	v0 =	vand.u32 $0x7, v2;
	v2 =	vor.u32 $0x8, v2;
	v1 =	vmul.u32 $0x8, v1;
	s26 =	simm.s32 $0x1;
	s23 =	simm.s32 $0x5;
	[dreg:$0x16] =	wrdreg s14  }
.LBB2_2:
0x1e: {  	v3 =	vld [tilespmem:$0x0];
	_ =	sdelay $0x4  }
0x1f: {  	v4 =	vshll.u32 v3, $0x3  }
0x20: {  	v3 =	vand.u32 $0x7, v3;
	v4 =	vand.u32 $0xFFFFFFC0, v4  }
0x21: {  	v3 =	vor.u32 v3, v4  }
0x22: {  	v4 =	vperm.xlane v3, v0;
	_ =	sdelay $0x1  }
0x23: {  	v4 =	vadd.s32 v1, v4;
	_ =	sdelay $0x4  }
0x24: {  	[tilespmem:s0], [sflag:$0x1] =	stream.indirect_vreg.gather [hbm4b:s1+s3], $0x80, v4, vm0, $0xb8;
	[tilespmem:$0x19100] =	vst v63  }
0x25: {  	s4 =	simm.s32 $0x1900;
	v3 =	vperm.xlane v3, v2  }
0x26: {  	[tilespmem:s4], [sflag:$0x1] =	stream.indirect_vreg.gather [hbm4b:s8+s3], $0x80, v4, vm0, $0xb8;
	[tilespmem:$0x19100] =	vst v63  }
0x27: {  	s19 =	simm.s32 $0x2100;
	v3 =	vadd.s32 v1, v3  }
0x28: {  	[tilespmem:s19], [sflag:$0x1] =	stream.indirect_vreg.gather [hbm4b:s9+s3], $0x80, v4, vm0, $0xb8;
	[tilespmem:$0x19100] =	vst v63  }
0x29: {  	s18 =	simm.s32 $0x2900  }
0x2a: {  	[tilespmem:s18], [sflag:$0x1] =	stream.indirect_vreg.gather [hbm4b:s10+s3], $0x80, v4, vm0, $0xb8;
	[tilespmem:$0x19100] =	vst v63  }
0x2b: {  	s17 =	simm.s32 $0x3100  }
0x2c: {  	[tilespmem:s17], [sflag:$0x1] =	stream.indirect_vreg.gather [hbm4b:s1+s3], $0x80, v3, vm0, $0xb8;
	[tilespmem:$0x19100] =	vst v63  }
0x2d: {  	s20 =	simm.s32 $0x3900  }
0x2e: {  	[tilespmem:s20], [sflag:$0x1] =	stream.indirect_vreg.gather [hbm4b:s8+s3], $0x80, v3, vm0, $0xb8;
	[tilespmem:$0x19100] =	vst v63  }
0x2f: {  	s2 =	simm.s32 $0x4100  }
0x30: {  	[tilespmem:s2], [sflag:$0x1] =	stream.indirect_vreg.gather [hbm4b:s9+s3], $0x80, v3, vm0, $0xb8;
	[tilespmem:$0x19100] =	vst v63  }
0x31: {  	s16 =	simm.s32 $0x4900  }
0x32: {  	[tilespmem:s16], [sflag:$0x1] =	stream.indirect_vreg.gather [hbm4b:s10+s3], $0x80, v3, vm0, $0xb8;
	[tilespmem:$0x19100] =	vst v63  }
0x33: {  	v3 =	vld [tilespmem:$0x10];
	_ =	sdelay $0x4  }
0x34: {  	v57 =	vshll.u32 v3, $0x3  }
0x35: {  	v3 =	vand.u32 $0x7, v3;
	v4 =	vand.u32 $0xFFFFFFC0, v57  }
0x36: {  	v3 =	vor.u32 v3, v4  }
0x37: {  	v4 =	vperm.xlane v3, v0;
	_ =	sdelay $0x1  }
0x38: {  	v4 =	vadd.s32 v1, v4;
	_ =	sdelay $0x3  }
0x39: {  	s15 =	simm.s32 $0x5100  }
0x3a: {  	[tilespmem:s15], [sflag:$0x1] =	stream.indirect_vreg.gather [hbm4b:s1+s3], $0x80, v4, vm0, $0xb8;
	[tilespmem:$0x19100] =	vst v63  }
0x3b: {  	s21 =	simm.s32 $0x5900;
	v3 =	vperm.xlane v3, v2  }
0x3c: {  	[tilespmem:s21], [sflag:$0x1] =	stream.indirect_vreg.gather [hbm4b:s8+s3], $0x80, v4, vm0, $0xb8;
	[tilespmem:$0x19100] =	vst v63  }
0x3d: {  	s25 =	simm.s32 $0x6100;
	v3 =	vadd.s32 v1, v3  }
0x3e: {  	[tilespmem:s25], [sflag:$0x1] =	stream.indirect_vreg.gather [hbm4b:s9+s3], $0x80, v4, vm0, $0xb8;
	[tilespmem:$0x19100] =	vst v63  }
0x3f: {  	s25 =	simm.s32 $0x6900  }
0x40: {  	[tilespmem:s25], [sflag:$0x1] =	stream.indirect_vreg.gather [hbm4b:s10+s3], $0x80, v4, vm0, $0xb8;
	[tilespmem:$0x19100] =	vst v63  }
0x41: {  	s22 =	simm.s32 $0x7100  }
0x42: {  	[tilespmem:s22], [sflag:$0x1] =	stream.indirect_vreg.gather [hbm4b:s1+s3], $0x80, v3, vm0, $0xb8;
	[tilespmem:$0x19100] =	vst v63  }
0x43: {  	s22 =	simm.s32 $0x7900  }
0x44: {  	[tilespmem:s22], [sflag:$0x1] =	stream.indirect_vreg.gather [hbm4b:s8+s3], $0x80, v3, vm0, $0xb8;
	[tilespmem:$0x19100] =	vst v63  }
0x45: {  	s24 =	simm.s32 $0x8100  }
0x46: {  	[tilespmem:s24], [sflag:$0x1] =	stream.indirect_vreg.gather [hbm4b:s9+s3], $0x80, v3, vm0, $0xb8;
	[tilespmem:$0x19100] =	vst v63  }
0x47: {  	s24 =	simm.s32 $0x8900  }
0x48: {  	[tilespmem:s24], [sflag:$0x1] =	stream.indirect_vreg.gather [hbm4b:s10+s3], $0x80, v3, vm0, $0xb8;
	[tilespmem:$0x19100] =	vst v63  }
0x49: {  	v3 =	vld [tilespmem:$0x80];
	_ =	sdelay $0x4  }
0x4a: {  	v58 =	vshll.u32 v3, $0x3  }
0x4b: {  	v3 =	vand.u32 $0x7, v3;
	v4 =	vand.u32 $0xFFFFFFC0, v58  }
0x4c: {  	v3 =	vor.u32 v3, v4  }
0x4d: {  	v4 =	vperm.xlane v3, v0;
	_ =	sdelay $0x1  }
0x4e: {  	v4 =	vadd.s32 v1, v4;
	_ =	sdelay $0x3  }
0x4f: {  	s2 =	simm.s32 $0x9100  }
0x50: {  	[tilespmem:s2], [sflag:$0x2] =	stream.indirect_vreg.gather [hbm4b:s1+s3], $0x80, v4, vm0, $0xb8;
	[tilespmem:$0x19100] =	vst v63  }
0x51: {  	v3 =	vperm.xlane v3, v2;
	s2 =	simm.s32 $0x9900  }
0x52: {  	[tilespmem:s2], [sflag:$0x2] =	stream.indirect_vreg.gather [hbm4b:s8+s3], $0x80, v4, vm0, $0xb8;
	[tilespmem:$0x19100] =	vst v63  }
0x53: {  	v3 =	vadd.s32 v1, v3;
	s2 =	simm.s32 $0xA100  }
0x54: {  	[tilespmem:s2], [sflag:$0x2] =	stream.indirect_vreg.gather [hbm4b:s9+s3], $0x80, v4, vm0, $0xb8;
	[tilespmem:$0x19100] =	vst v63  }
0x55: {  	s2 =	simm.s32 $0xA900  }
0x56: {  	[tilespmem:s2], [sflag:$0x2] =	stream.indirect_vreg.gather [hbm4b:s10+s3], $0x80, v4, vm0, $0xb8;
	[tilespmem:$0x19100] =	vst v63  }
0x57: {  	s2 =	simm.s32 $0xB100  }
0x58: {  	[tilespmem:s2], [sflag:$0x2] =	stream.indirect_vreg.gather [hbm4b:s1+s3], $0x80, v3, vm0, $0xb8;
	[tilespmem:$0x19100] =	vst v63  }
0x59: {  	s2 =	simm.s32 $0xB900  }
0x5a: {  	[tilespmem:s2], [sflag:$0x2] =	stream.indirect_vreg.gather [hbm4b:s8+s3], $0x80, v3, vm0, $0xb8;
	[tilespmem:$0x19100] =	vst v63  }
0x5b: {  	s2 =	simm.s32 $0xC100  }
0x5c: {  	[tilespmem:s2], [sflag:$0x2] =	stream.indirect_vreg.gather [hbm4b:s9+s3], $0x80, v3, vm0, $0xb8;
	[tilespmem:$0x19100] =	vst v63  }
0x5d: {  	s2 =	simm.s32 $0xC900  }
0x5e: {  	[tilespmem:s2], [sflag:$0x2] =	stream.indirect_vreg.gather [hbm4b:s10+s3], $0x80, v3, vm0, $0xb8;
	[tilespmem:$0x19100] =	vst v63  }
0x5f: {  	v3 =	vld [tilespmem:$0x90];
	_ =	sdelay $0x4  }
0x60: {  	v59 =	vshll.u32 v3, $0x3  }
0x61: {  	v3 =	vand.u32 $0x7, v3;
	v4 =	vand.u32 $0xFFFFFFC0, v59  }
0x62: {  	v3 =	vor.u32 v3, v4  }
0x63: {  	v4 =	vperm.xlane v3, v0;
	_ =	sdelay $0x1  }
0x64: {  	v4 =	vadd.s32 v1, v4;
	_ =	sdelay $0x3  }
0x65: {  	s2 =	simm.s32 $0xD100  }
0x66: {  	[tilespmem:s2], [sflag:$0x2] =	stream.indirect_vreg.gather [hbm4b:s1+s3], $0x80, v4, vm0, $0xb8;
	[tilespmem:$0x19100] =	vst v63  }
0x67: {  	v3 =	vperm.xlane v3, v2;
	s2 =	simm.s32 $0xD900  }
0x68: {  	[tilespmem:s2], [sflag:$0x2] =	stream.indirect_vreg.gather [hbm4b:s8+s3], $0x80, v4, vm0, $0xb8;
	[tilespmem:$0x19100] =	vst v63  }
0x69: {  	v3 =	vadd.s32 v1, v3;
	s2 =	simm.s32 $0xE100  }
0x6a: {  	[tilespmem:s2], [sflag:$0x2] =	stream.indirect_vreg.gather [hbm4b:s9+s3], $0x80, v4, vm0, $0xb8;
	[tilespmem:$0x19100] =	vst v63  }
0x6b: {  	s2 =	simm.s32 $0xE900  }
0x6c: {  	[tilespmem:s2], [sflag:$0x2] =	stream.indirect_vreg.gather [hbm4b:s10+s3], $0x80, v4, vm0, $0xb8;
	[tilespmem:$0x19100] =	vst v63  }
0x6d: {  	s2 =	simm.s32 $0xF100  }
0x6e: {  	[tilespmem:s2], [sflag:$0x2] =	stream.indirect_vreg.gather [hbm4b:s1+s3], $0x80, v3, vm0, $0xb8;
	[tilespmem:$0x19100] =	vst v63  }
0x6f: {  	s2 =	simm.s32 $0xF900  }
0x70: {  	[tilespmem:s2], [sflag:$0x2] =	stream.indirect_vreg.gather [hbm4b:s8+s3], $0x80, v3, vm0, $0xb8;
	[tilespmem:$0x19100] =	vst v63  }
0x71: {  	s2 =	simm.s32 $0x10100  }
0x72: {  	[tilespmem:s2], [sflag:$0x2] =	stream.indirect_vreg.gather [hbm4b:s9+s3], $0x80, v3, vm0, $0xb8;
	[tilespmem:$0x19100] =	vst v63  }
0x73: {  	s2 =	simm.s32 $0x10900  }
0x74: {  	[tilespmem:s2], [sflag:$0x2] =	stream.indirect_vreg.gather [hbm4b:s10+s3], $0x80, v3, vm0, $0xb8;
	[tilespmem:$0x19100] =	vst v63  }
0x75: {  	v3 =	vld [tilespmem:$0x100];
	_ =	sdelay $0x4  }
0x76: {  	v60 =	vshll.u32 v3, $0x3  }
0x77: {  	v3 =	vand.u32 $0x7, v3;
	v4 =	vand.u32 $0xFFFFFFC0, v60  }
0x78: {  	v3 =	vor.u32 v3, v4  }
0x79: {  	v4 =	vperm.xlane v3, v0;
	_ =	sdelay $0x1  }
0x7a: {  	v4 =	vadd.s32 v1, v4;
	_ =	sdelay $0x3  }
0x7b: {  	s28 =	simm.s32 $0x11100  }
0x7c: {  	[tilespmem:s28], [sflag:$0x3] =	stream.indirect_vreg.gather [hbm4b:s1+s3], $0x80, v4, vm0, $0xb8;
	[tilespmem:$0x19100] =	vst v63  }
0x7d: {  	v3 =	vperm.xlane v3, v2;
	s28 =	simm.s32 $0x11900  }
0x7e: {  	[tilespmem:s28], [sflag:$0x3] =	stream.indirect_vreg.gather [hbm4b:s8+s3], $0x80, v4, vm0, $0xb8;
	[tilespmem:$0x19100] =	vst v63  }
0x7f: {  	s2 =	simm.s32 $0x12100;
	v3 =	vadd.s32 v1, v3  }
0x80: {  	[tilespmem:s2], [sflag:$0x3] =	stream.indirect_vreg.gather [hbm4b:s9+s3], $0x80, v4, vm0, $0xb8;
	[tilespmem:$0x19100] =	vst v63  }
0x81: {  	s2 =	simm.s32 $0x12900  }
0x82: {  	[tilespmem:s2], [sflag:$0x3] =	stream.indirect_vreg.gather [hbm4b:s10+s3], $0x80, v4, vm0, $0xb8;
	[tilespmem:$0x19100] =	vst v63  }
0x83: {  	s2 =	simm.s32 $0x13100  }
0x84: {  	[tilespmem:s2], [sflag:$0x3] =	stream.indirect_vreg.gather [hbm4b:s1+s3], $0x80, v3, vm0, $0xb8;
	[tilespmem:$0x19100] =	vst v63  }
0x85: {  	s2 =	simm.s32 $0x13900  }
0x86: {  	[tilespmem:s2], [sflag:$0x3] =	stream.indirect_vreg.gather [hbm4b:s8+s3], $0x80, v3, vm0, $0xb8;
	[tilespmem:$0x19100] =	vst v63  }
0x87: {  	s2 =	simm.s32 $0x14100  }
0x88: {  	[tilespmem:s2], [sflag:$0x3] =	stream.indirect_vreg.gather [hbm4b:s9+s3], $0x80, v3, vm0, $0xb8;
	[tilespmem:$0x19100] =	vst v63  }
0x89: {  	s2 =	simm.s32 $0x14900  }
0x8a: {  	[tilespmem:s2], [sflag:$0x3] =	stream.indirect_vreg.gather [hbm4b:s10+s3], $0x80, v3, vm0, $0xb8;
	[tilespmem:$0x19100] =	vst v63  }
0x8b: {  	v3 =	vld [tilespmem:$0x110];
	_ =	sdelay $0x4  }
0x8c: {  	v61 =	vshll.u32 v3, $0x3  }
0x8d: {  	v3 =	vand.u32 $0x7, v3;
	v4 =	vand.u32 $0xFFFFFFC0, v61  }
0x8e: {  	v3 =	vor.u32 v3, v4  }
0x8f: {  	v4 =	vperm.xlane v3, v0;
	_ =	sdelay $0x1  }
0x90: {  	v4 =	vadd.s32 v1, v4;
	_ =	sdelay $0x3  }
0x91: {  	s2 =	simm.s32 $0x15100  }
0x92: {  	[tilespmem:s2], [sflag:$0x3] =	stream.indirect_vreg.gather [hbm4b:s1+s3], $0x80, v4, vm0, $0xb8;
	[tilespmem:$0x19100] =	vst v63  }
0x93: {  	v3 =	vperm.xlane v3, v2;
	s2 =	simm.s32 $0x15900  }
0x94: {  	[tilespmem:s2], [sflag:$0x3] =	stream.indirect_vreg.gather [hbm4b:s8+s3], $0x80, v4, vm0, $0xb8;
	[tilespmem:$0x19100] =	vst v63  }
0x95: {  	v3 =	vadd.s32 v1, v3;
	s2 =	simm.s32 $0x16100  }
0x96: {  	[tilespmem:s2], [sflag:$0x3] =	stream.indirect_vreg.gather [hbm4b:s9+s3], $0x80, v4, vm0, $0xb8;
	[tilespmem:$0x19100] =	vst v63  }
0x97: {  	s2 =	simm.s32 $0x16900  }
0x98: {  	[tilespmem:s2], [sflag:$0x3] =	stream.indirect_vreg.gather [hbm4b:s10+s3], $0x80, v4, vm0, $0xb8;
	[tilespmem:$0x19100] =	vst v63  }
0x99: {  	s2 =	simm.s32 $0x17100  }
0x9a: {  	[tilespmem:s2], [sflag:$0x3] =	stream.indirect_vreg.gather [hbm4b:s1+s3], $0x80, v3, vm0, $0xb8;
	[tilespmem:$0x19100] =	vst v63  }
0x9b: {  	s2 =	simm.s32 $0x17900  }
0x9c: {  	[tilespmem:s2], [sflag:$0x3] =	stream.indirect_vreg.gather [hbm4b:s8+s3], $0x80, v3, vm0, $0xb8;
	[tilespmem:$0x19100] =	vst v63  }
0x9d: {  	s2 =	simm.s32 $0x18100  }
0x9e: {  	[tilespmem:s2], [sflag:$0x3] =	stream.indirect_vreg.gather [hbm4b:s9+s3], $0x80, v3, vm0, $0xb8;
	[tilespmem:$0x19100] =	vst v63  }
0x9f: {  	s2 =	simm.s32 $0x18900  }
0xa0: {  	[tilespmem:s2], [sflag:$0x3] =	stream.indirect_vreg.gather [hbm4b:s10+s3], $0x80, v3, vm0, $0xb8;
	[tilespmem:$0x19100] =	vst v63  }
0xa1: {  	_ =	swait.ge [sflag:s26], $0x8000  }
0xa2: {  	[sflag:s26] =	ssyncset.done $0x0  }
0xa3: {  	s2 =	rddreg [dreg:$0x17];
	[sflag:s26] =	ssyncadd.s32 $0xFFFF8000  }
0xa4: {  	[hbm4b:s2+s3] =	stream.linear.scatter [tilespmem:s0], [sflag:$0x4], $0x8000, $0x38;
	[tilespmem:$0x19100] =	vst v63  }
0xa5: {  	s2 =	rddreg [dreg:$0x8]  }
0xa6: {  	[hbm4b:s2+s3] =	stream.linear.scatter [tilespmem:s0], [sflag:$0x4], $0x8000, $0x38;
	[tilespmem:$0x19100] =	vst v63  }
0xa7: {  	s2 =	rddreg [dreg:$0x9]  }
0xa8: {  	[hbm4b:s2+s3] =	stream.linear.scatter [tilespmem:s0], [sflag:$0x4], $0x8000, $0x38;
	[tilespmem:$0x19100] =	vst v63  }
0xa9: {  	s2 =	rddreg [dreg:$0xa]  }
0xaa: {  	[hbm4b:s2+s3] =	stream.linear.scatter [tilespmem:s0], [sflag:$0x4], $0x8000, $0x38;
	[tilespmem:$0x19100] =	vst v63  }
0xab: {  	s2 =	simm.s32 $0x4  }
0xac: {  	_ =	swait.ge [sflag:s2], $0x8000  }
0xad: {  	[sflag:s2] =	ssyncset.done $0x0  }
0xae: {  	[sflag:s2] =	ssyncadd.s32 $0xFFFF8000  }
0xaf: {  	_ =	swait.ge [sflag:s2], $0x8000  }
0xb0: {  	[sflag:s2] =	ssyncset.done $0x0  }
0xb1: {  	[sflag:s2] =	ssyncadd.s32 $0xFFFF8000  }
0xb2: {  	_ =	swait.ge [sflag:s2], $0x8000  }
0xb3: {  	[sflag:s2] =	ssyncset.done $0x0  }
0xb4: {  	[sflag:s2] =	ssyncadd.s32 $0xFFFF8000  }
0xb5: {  	_ =	swait.ge [sflag:s2], $0x8000  }
0xb6: {  	[sflag:s2] =	ssyncset.done $0x0  }
0xb7: {  	[sflag:s2] =	ssyncadd.s32 $0xFFFF8000  }
0xb8: {  	v3 =	vld [tilespmem:$0x180];
	_ =	sdelay $0x4  }
0xb9: {  	v62 =	vshll.u32 v3, $0x3  }
0xba: {  	v3 =	vand.u32 $0x7, v3;
	v4 =	vand.u32 $0xFFFFFFC0, v62  }
0xbb: {  	v3 =	vor.u32 v3, v4  }
0xbc: {  	v4 =	vperm.xlane v3, v0;
	_ =	sdelay $0x1  }
0xbd: {  	v4 =	vadd.s32 v1, v4;
	_ =	sdelay $0x4  }
0xbe: {  	[tilespmem:s0], [sflag:$0x1] =	stream.indirect_vreg.gather [hbm4b:s1+s3], $0x80, v4, vm0, $0xb8;
	[tilespmem:$0x19100] =	vst v63  }
0xbf: {  	v3 =	vperm.xlane v3, v2  }
0xc0: {  	[tilespmem:s4], [sflag:$0x1] =	stream.indirect_vreg.gather [hbm4b:s8+s3], $0x80, v4, vm0, $0xb8;
	[tilespmem:$0x19100] =	vst v63  }
0xc1: {  	v3 =	vadd.s32 v1, v3  }
0xc2: {  	[tilespmem:s19], [sflag:$0x1] =	stream.indirect_vreg.gather [hbm4b:s9+s3], $0x80, v4, vm0, $0xb8;
	[tilespmem:$0x19100] =	vst v63  }
0xc3: {  	_ = 	snop  }
0xc4: {  	[tilespmem:s18], [sflag:$0x1] =	stream.indirect_vreg.gather [hbm4b:s10+s3], $0x80, v4, vm0, $0xb8;
	[tilespmem:$0x19100] =	vst v63  }
0xc5: {  	_ = 	snop  }
0xc6: {  	[tilespmem:s17], [sflag:$0x1] =	stream.indirect_vreg.gather [hbm4b:s1+s3], $0x80, v3, vm0, $0xb8;
	[tilespmem:$0x19100] =	vst v63  }
0xc7: {  	_ = 	snop  }
0xc8: {  	[tilespmem:s20], [sflag:$0x1] =	stream.indirect_vreg.gather [hbm4b:s8+s3], $0x80, v3, vm0, $0xb8;
	[tilespmem:$0x19100] =	vst v63  }
0xc9: {  	s20 =	simm.s32 $0x4100  }
0xca: {  	[tilespmem:s20], [sflag:$0x1] =	stream.indirect_vreg.gather [hbm4b:s9+s3], $0x80, v3, vm0, $0xb8;
	[tilespmem:$0x19100] =	vst v63  }
0xcb: {  	_ = 	snop  }
0xcc: {  	[tilespmem:s16], [sflag:$0x1] =	stream.indirect_vreg.gather [hbm4b:s10+s3], $0x80, v3, vm0, $0xb8;
	[tilespmem:$0x19100] =	vst v63  }
0xcd: {  	v3 =	vld [tilespmem:$0x190];
	_ =	sdelay $0x4  }
0xce: {  	v63 =	vshll.u32 v3, $0x3  }
0xcf: {  	v3 =	vand.u32 $0x7, v3;
	v4 =	vand.u32 $0xFFFFFFC0, v63  }
0xd0: {  	v3 =	vor.u32 v3, v4  }
0xd1: {  	v4 =	vperm.xlane v3, v0;
	_ =	sdelay $0x1  }
0xd2: {  	v4 =	vadd.s32 v1, v4;
	_ =	sdelay $0x4  }
0xd3: {  	[tilespmem:s15], [sflag:$0x1] =	stream.indirect_vreg.gather [hbm4b:s1+s3], $0x80, v4, vm0, $0xb8;
	[tilespmem:$0x19100] =	vst v63  }
0xd4: {  	v3 =	vperm.xlane v3, v2  }
0xd5: {  	[tilespmem:s21], [sflag:$0x1] =	stream.indirect_vreg.gather [hbm4b:s8+s3], $0x80, v4, vm0, $0xb8;
	[tilespmem:$0x19100] =	vst v63  }
0xd6: {  	v3 =	vadd.s32 v1, v3;
	s21 =	simm.s32 $0x6100  }
0xd7: {  	[tilespmem:s21], [sflag:$0x1] =	stream.indirect_vreg.gather [hbm4b:s9+s3], $0x80, v4, vm0, $0xb8;
	[tilespmem:$0x19100] =	vst v63  }
0xd8: {  	_ = 	snop  }
0xd9: {  	[tilespmem:s25], [sflag:$0x1] =	stream.indirect_vreg.gather [hbm4b:s10+s3], $0x80, v4, vm0, $0xb8;
	[tilespmem:$0x19100] =	vst v63  }
0xda: {  	s25 =	simm.s32 $0x7100  }
0xdb: {  	[tilespmem:s25], [sflag:$0x1] =	stream.indirect_vreg.gather [hbm4b:s1+s3], $0x80, v3, vm0, $0xb8;
	[tilespmem:$0x19100] =	vst v63  }
0xdc: {  	_ = 	snop  }
0xdd: {  	[tilespmem:s22], [sflag:$0x1] =	stream.indirect_vreg.gather [hbm4b:s8+s3], $0x80, v3, vm0, $0xb8;
	[tilespmem:$0x19100] =	vst v63  }
0xde: {  	s22 =	simm.s32 $0x8100  }
0xdf: {  	[tilespmem:s22], [sflag:$0x1] =	stream.indirect_vreg.gather [hbm4b:s9+s3], $0x80, v3, vm0, $0xb8;
	[tilespmem:$0x19100] =	vst v63  }
0xe0: {  	s19 =	simm.s32 $0x2  }
0xe1: {  	[tilespmem:s24], [sflag:$0x1] =	stream.indirect_vreg.gather [hbm4b:s10+s3], $0x80, v3, vm0, $0xb8;
	[tilespmem:$0x19100] =	vst v63  }
0xe2: {  	_ =	swait.ge [sflag:s19], $0x8000  }
0xe3: {  	[sflag:s19] =	ssyncset.done $0x0  }
0xe4: {  	s24 =	simm.s32 $0x9100;
	s15 =	rddreg [dreg:$0x18];
	[sflag:s19] =	ssyncadd.s32 $0xFFFF8000  }
0xe5: {  	[hbm4b:s15+s3] =	stream.linear.scatter [tilespmem:s24], [sflag:$0x5], $0x8000, $0x38;
	[tilespmem:$0x19100] =	vst v63  }
0xe6: {  	s16 =	rddreg [dreg:$0xb]  }
0xe7: {  	[hbm4b:s16+s3] =	stream.linear.scatter [tilespmem:s24], [sflag:$0x5], $0x8000, $0x38;
	[tilespmem:$0x19100] =	vst v63  }
0xe8: {  	s17 =	rddreg [dreg:$0xc]  }
0xe9: {  	[hbm4b:s17+s3] =	stream.linear.scatter [tilespmem:s24], [sflag:$0x5], $0x8000, $0x38;
	[tilespmem:$0x19100] =	vst v63  }
0xea: {  	s19 =	rddreg [dreg:$0xd];
	s15 =	simm.s32 $0x3  }
0xeb: {  	[hbm4b:s19+s3] =	stream.linear.scatter [tilespmem:s24], [sflag:$0x5], $0x8000, $0x38;
	[tilespmem:$0x19100] =	vst v63  }
0xec: {  	_ =	swait.ge [sflag:s15], $0x8000  }
0xed: {  	[sflag:s15] =	ssyncset.done $0x0  }
0xee: {  	s18 =	simm.s32 $0x11100;
	s16 =	rddreg [dreg:$0xe];
	[sflag:s15] =	ssyncadd.s32 $0xFFFF8000  }
0xef: {  	[hbm4b:s16+s3] =	stream.linear.scatter [tilespmem:s18], [sflag:$0x6], $0x8000, $0x38;
	[tilespmem:$0x19100] =	vst v63  }
0xf0: {  	s17 =	rddreg [dreg:$0xf]  }
0xf1: {  	[hbm4b:s17+s3] =	stream.linear.scatter [tilespmem:s18], [sflag:$0x6], $0x8000, $0x38;
	[tilespmem:$0x19100] =	vst v63  }
0xf2: {  	s19 =	rddreg [dreg:$0x10]  }
0xf3: {  	[hbm4b:s19+s3] =	stream.linear.scatter [tilespmem:s18], [sflag:$0x6], $0x8000, $0x38;
	[tilespmem:$0x19100] =	vst v63  }
0xf4: {  	s15 =	rddreg [dreg:$0x11]  }
0xf5: {  	[hbm4b:s15+s3] =	stream.linear.scatter [tilespmem:s18], [sflag:$0x6], $0x8000, $0x38;
	[tilespmem:$0x19100] =	vst v63  }
0xf6: {  	_ =	swait.ge [sflag:s26], $0x8000  }
0xf7: {  	[sflag:s26] =	ssyncset.done $0x0  }
0xf8: {  	s16 =	rddreg [dreg:$0x12];
	[sflag:s26] =	ssyncadd.s32 $0xFFFF8000  }
0xf9: {  	[hbm4b:s16+s3] =	stream.linear.scatter [tilespmem:s0], [sflag:$0x4], $0x8000, $0x38;
	[tilespmem:$0x19100] =	vst v63  }
0xfa: {  	s17 =	rddreg [dreg:$0x13]  }
0xfb: {  	[hbm4b:s17+s3] =	stream.linear.scatter [tilespmem:s0], [sflag:$0x4], $0x8000, $0x38;
	[tilespmem:$0x19100] =	vst v63  }
0xfc: {  	s19 =	rddreg [dreg:$0x15]  }
0xfd: {  	[hbm4b:s19+s3] =	stream.linear.scatter [tilespmem:s0], [sflag:$0x4], $0x8000, $0x38;
	[tilespmem:$0x19100] =	vst v63  }
0xfe: {  	_ = 	snop  }
0xff: {  	[hbm4b:s14+s3] =	stream.linear.scatter [tilespmem:s0], [sflag:$0x4], $0x8000, $0x38;
	[tilespmem:$0x19100] =	vst v63  }
0x100: {  	_ =	swait.ge [sflag:s23], $0x8000  }
0x101: {  	[sflag:s23] =	ssyncset.done $0x0  }
0x102: {  	[sflag:s23] =	ssyncadd.s32 $0xFFFF8000  }
0x103: {  	_ =	swait.ge [sflag:s23], $0x8000  }
0x104: {  	[sflag:s23] =	ssyncset.done $0x0  }
0x105: {  	[sflag:s23] =	ssyncadd.s32 $0xFFFF8000  }
0x106: {  	_ =	swait.ge [sflag:s23], $0x8000  }
0x107: {  	[sflag:s23] =	ssyncset.done $0x0  }
0x108: {  	[sflag:s23] =	ssyncadd.s32 $0xFFFF8000  }
0x109: {  	_ =	swait.ge [sflag:s23], $0x8000  }
0x10a: {  	[sflag:s23] =	ssyncset.done $0x0  }
0x10b: {  	[sflag:s23] =	ssyncadd.s32 $0xFFFF8000  }
0x10c: {  	_ =	swait.ge [sflag:s11], $0x8000  }
0x10d: {  	[sflag:s11] =	ssyncset.done $0x0  }
0x10e: {  	[sflag:s11] =	ssyncadd.s32 $0xFFFF8000  }
0x10f: {  	_ =	swait.ge [sflag:s11], $0x8000  }
0x110: {  	[sflag:s11] =	ssyncset.done $0x0  }
0x111: {  	[sflag:s11] =	ssyncadd.s32 $0xFFFF8000  }
0x112: {  	_ =	swait.ge [sflag:s11], $0x8000  }
0x113: {  	[sflag:s11] =	ssyncset.done $0x0  }
0x114: {  	[sflag:s11] =	ssyncadd.s32 $0xFFFF8000  }
0x115: {  	_ =	swait.ge [sflag:s11], $0x8000  }
0x116: {  	[sflag:s11] =	ssyncset.done $0x0  }
0x117: {  	[sflag:s11] =	ssyncadd.s32 $0xFFFF8000  }
0x118: {  	_ =	swait.ge [sflag:s2], $0x8000  }
0x119: {  	[sflag:s2] =	ssyncset.done $0x0  }
0x11a: {  	s4 =	simm.s32 $0x4;
	s17 =	simm.s32 $0x4;
	[sflag:s2] =	ssyncadd.s32 $0xFFFF8000  }
.LBB2_68:
0x11b: {  	_ =	swait.ge [sflag:s2], $0x8000  }
0x11c: {  	[sflag:s2] =	ssyncset.done $0x0  }
0x11d: {  	s31 =	sadd.s32 $0x1, s31;
	[sflag:s2] =	ssyncadd.s32 $0xFFFF8000  }
0x11e: {  	p0 =	sne.s32 s31, s5;
	_ =	swait.ge [sflag:s4], $0x8000  }
.Ltmp1:
0x11f: {  	[sflag:s4] =	ssyncset.done $0x0;
	(pc) =	sbr.rel @!p0 .LBB2_69-.Ltmp1, $4  }
0x120: {  	[sflag:s4] =	ssyncadd.s32 $0xFFFF8000  }
0x121: {  	_ =	swait.ge [sflag:s17], $0x8000  }
0x122: {  	[sflag:s17] =	ssyncset.done $0x0  }
0x123: {  	[sflag:s17] =	ssyncadd.s32 $0xFFFF8000  }
.LBB2_1:
0x124: {  	[tilespmem:s3], [sflag:$0x7] =	stream.linear.gather [hbm4b:s12+s3], $0x800, $0x38;
	[tilespmem:$0x19100] =	vst v63  }
0x125: {  	_ =	swait.ge [sflag:s29], $0x800  }
0x126: {  	[sflag:s29] =	ssyncset.done $0x0  }
0x127: {  	[sflag:s29] =	ssyncadd.s32 $0xFFFFF800  }
0x128: {  	[tilespmem:s30], [sflag:$0x7] =	stream.linear.gather [hbm4b:s6+s3], $0x800, $0x38;
	[tilespmem:$0x19100] =	vst v63  }
0x129: {  	_ =	swait.ge [sflag:s29], $0x800  }
0x12a: {  	[sflag:s29] =	ssyncset.done $0x0  }
0x12b: {  	s2 =	simm.s32 $0x1000;
	[sflag:s29] =	ssyncadd.s32 $0xFFFFF800  }
0x12c: {  	[tilespmem:s2], [sflag:$0x7] =	stream.linear.gather [hbm4b:s7+s3], $0x10, $0x38;
	[tilespmem:$0x19100] =	vst v63  }
0x12d: {  	_ =	swait.ge [sflag:s29], $0x10  }
0x12e: {  	[sflag:s29] =	ssyncset.done $0x0  }
0x12f: {  	s17 =	simm.s32 $0x1080;
	[sflag:s29] =	ssyncadd.s32 $0xFFFFFFF0  }
0x130: {  	[tilespmem:s17], [sflag:$0x7] =	stream.linear.gather [hbm4b:s13+s3], $0x80, $0x38;
	[tilespmem:$0x19100] =	vst v63  }
0x131: {  	_ =	swait.ge [sflag:s29], $0x80  }
0x132: {  	[sflag:s29] =	ssyncset.done $0x0  }
0x133: {  	[sflag:s29] =	ssyncadd.s32 $0xFFFFFF80  }
0x134: {  	v3 =	vld [tilespmem:$0x1080];
	_ =	sdelay $0x4  }
0x135: {  	(v2sf) =	vpush v3, $0x0;
	_ =	sdelay $0xe  }
0x136: {  	s19 =	spop (v2sf)  }
0x137: {  	p0 =	slt.s32 s19, $0x1  }
.Ltmp2:
0x138: {  	_ = 	snop;
	(pc) =	sbr.rel @!p0 .LBB2_2-.Ltmp2, $1  }
0x139: {  	_ =	sdelay $0x3  }
0x13a: {  	v3 =	vld [tilespmem:$0x0];
	_ =	sdelay $0x4  }
0x13b: {  	v4 =	vshll.u32 v3, $0x3  }
0x13c: {  	v3 =	vand.u32 $0x7, v3;
	v4 =	vand.u32 $0xFFFFFFC0, v4  }
0x13d: {  	v3 =	vor.u32 v3, v4  }
0x13e: {  	v4 =	vperm.xlane v3, v0;
	_ =	sdelay $0x1  }
0x13f: {  	v4 =	vadd.s32 v1, v4;
	_ =	sdelay $0x3  }
0x140: {  	s13 =	simm.s32 $0x0  }
0x141: {  	v5 =	vld [tilespmem:$0x1000];
	[tilespmem:s0], [sflag:$0x1] =	stream.indirect_vreg.gather [hbm4b:s1+s13], $0x80, v4, vm0, $0xb8  }
0x142: {  	s2 =	simm.s32 $0x1900;
	v3 =	vperm.xlane v3, v2  }
0x143: {  	[tilespmem:s2], [sflag:$0x1] =	stream.indirect_vreg.gather [hbm4b:s8+s13], $0x80, v4, vm0, $0xb8;
	[tilespmem:$0x19100] =	vst v63  }
0x144: {  	s14 =	simm.s32 $0x2100;
	v3 =	vadd.s32 v1, v3  }
0x145: {  	[tilespmem:s14], [sflag:$0x1] =	stream.indirect_vreg.gather [hbm4b:s9+s13], $0x80, v4, vm0, $0xb8;
	[tilespmem:$0x19100] =	vst v63  }
0x146: {  	s15 =	simm.s32 $0x2900  }
0x147: {  	[tilespmem:s15], [sflag:$0x1] =	stream.indirect_vreg.gather [hbm4b:s10+s13], $0x80, v4, vm0, $0xb8;
	[tilespmem:$0x19100] =	vst v63  }
0x148: {  	s16 =	simm.s32 $0x3100  }
0x149: {  	[tilespmem:s16], [sflag:$0x1] =	stream.indirect_vreg.gather [hbm4b:s1+s13], $0x80, v3, vm0, $0xb8;
	[tilespmem:$0x19100] =	vst v63  }
0x14a: {  	s17 =	simm.s32 $0x3900  }
0x14b: {  	[tilespmem:s17], [sflag:$0x1] =	stream.indirect_vreg.gather [hbm4b:s8+s13], $0x80, v3, vm0, $0xb8;
	[tilespmem:$0x19100] =	vst v63  }
0x14c: {  	_ = 	snop  }
0x14d: {  	[tilespmem:s20], [sflag:$0x1] =	stream.indirect_vreg.gather [hbm4b:s9+s13], $0x80, v3, vm0, $0xb8;
	[tilespmem:$0x19100] =	vst v63  }
0x14e: {  	s19 =	simm.s32 $0x4900  }
0x14f: {  	[tilespmem:s19], [sflag:$0x1] =	stream.indirect_vreg.gather [hbm4b:s10+s13], $0x80, v3, vm0, $0xb8;
	[tilespmem:$0x19100] =	vst v63  }
0x150: {  	v3 =	vld [tilespmem:$0x10];
	_ =	sdelay $0x4  }
0x151: {  	v59 =	vshll.u32 v3, $0x3  }
0x152: {  	v3 =	vand.u32 $0x7, v3;
	v4 =	vand.u32 $0xFFFFFFC0, v59  }
0x153: {  	v3 =	vor.u32 v3, v4  }
0x154: {  	v4 =	vperm.xlane v3, v0;
	_ =	sdelay $0x1  }
0x155: {  	v4 =	vadd.s32 v1, v4;
	_ =	sdelay $0x3  }
0x156: {  	s20 =	simm.s32 $0x5100  }
0x157: {  	[tilespmem:s20], [sflag:$0x1] =	stream.indirect_vreg.gather [hbm4b:s1+s13], $0x80, v4, vm0, $0xb8;
	[tilespmem:$0x19100] =	vst v63  }
0x158: {  	s6 =	simm.s32 $0x5900;
	v3 =	vperm.xlane v3, v2  }
0x159: {  	[tilespmem:s6], [sflag:$0x1] =	stream.indirect_vreg.gather [hbm4b:s8+s13], $0x80, v4, vm0, $0xb8;
	[tilespmem:$0x19100] =	vst v63  }
0x15a: {  	v3 =	vadd.s32 v1, v3  }
0x15b: {  	[tilespmem:s21], [sflag:$0x1] =	stream.indirect_vreg.gather [hbm4b:s9+s13], $0x80, v4, vm0, $0xb8;
	[tilespmem:$0x19100] =	vst v63  }
0x15c: {  	s7 =	simm.s32 $0x6900  }
0x15d: {  	[tilespmem:s7], [sflag:$0x1] =	stream.indirect_vreg.gather [hbm4b:s10+s13], $0x80, v4, vm0, $0xb8;
	[tilespmem:$0x19100] =	vst v63  }
0x15e: {  	_ = 	snop  }
0x15f: {  	[tilespmem:s25], [sflag:$0x1] =	stream.indirect_vreg.gather [hbm4b:s1+s13], $0x80, v3, vm0, $0xb8;
	[tilespmem:$0x19100] =	vst v63  }
0x160: {  	s12 =	simm.s32 $0x7900  }
0x161: {  	[tilespmem:s12], [sflag:$0x1] =	stream.indirect_vreg.gather [hbm4b:s8+s13], $0x80, v3, vm0, $0xb8;
	[tilespmem:$0x19100] =	vst v63  }
0x162: {  	_ = 	snop  }
0x163: {  	[tilespmem:s22], [sflag:$0x1] =	stream.indirect_vreg.gather [hbm4b:s9+s13], $0x80, v3, vm0, $0xb8;
	[tilespmem:$0x19100] =	vst v63  }
0x164: {  	s14 =	simm.s32 $0x8900  }
0x165: {  	[tilespmem:s14], [sflag:$0x1] =	stream.indirect_vreg.gather [hbm4b:s10+s13], $0x80, v3, vm0, $0xb8;
	[tilespmem:$0x19100] =	vst v63  }
0x166: {  	v3 =	vld [tilespmem:$0x80];
	_ =	sdelay $0x4  }
0x167: {  	v60 =	vshll.u32 v3, $0x3  }
0x168: {  	v3 =	vand.u32 $0x7, v3;
	v4 =	vand.u32 $0xFFFFFFC0, v60  }
0x169: {  	v3 =	vor.u32 v3, v4  }
0x16a: {  	v4 =	vperm.xlane v3, v0;
	_ =	sdelay $0x1  }
0x16b: {  	v4 =	vadd.s32 v1, v4;
	_ =	sdelay $0x4  }
0x16c: {  	[tilespmem:s24], [sflag:$0x2] =	stream.indirect_vreg.gather [hbm4b:s1+s13], $0x80, v4, vm0, $0xb8;
	[tilespmem:$0x19100] =	vst v63  }
0x16d: {  	s15 =	simm.s32 $0x9900;
	v3 =	vperm.xlane v3, v2  }
0x16e: {  	[tilespmem:s15], [sflag:$0x2] =	stream.indirect_vreg.gather [hbm4b:s8+s13], $0x80, v4, vm0, $0xb8;
	[tilespmem:$0x19100] =	vst v63  }
0x16f: {  	s16 =	simm.s32 $0xA100;
	v3 =	vadd.s32 v1, v3  }
0x170: {  	[tilespmem:s16], [sflag:$0x2] =	stream.indirect_vreg.gather [hbm4b:s9+s13], $0x80, v4, vm0, $0xb8;
	[tilespmem:$0x19100] =	vst v63  }
0x171: {  	s17 =	simm.s32 $0xA900  }
0x172: {  	[tilespmem:s17], [sflag:$0x2] =	stream.indirect_vreg.gather [hbm4b:s10+s13], $0x80, v4, vm0, $0xb8;
	[tilespmem:$0x19100] =	vst v63  }
0x173: {  	s19 =	simm.s32 $0xB100  }
0x174: {  	[tilespmem:s19], [sflag:$0x2] =	stream.indirect_vreg.gather [hbm4b:s1+s13], $0x80, v3, vm0, $0xb8;
	[tilespmem:$0x19100] =	vst v63  }
0x175: {  	s20 =	simm.s32 $0xB900  }
0x176: {  	[tilespmem:s20], [sflag:$0x2] =	stream.indirect_vreg.gather [hbm4b:s8+s13], $0x80, v3, vm0, $0xb8;
	[tilespmem:$0x19100] =	vst v63  }
0x177: {  	s6 =	simm.s32 $0xC100  }
0x178: {  	[tilespmem:s6], [sflag:$0x2] =	stream.indirect_vreg.gather [hbm4b:s9+s13], $0x80, v3, vm0, $0xb8;
	[tilespmem:$0x19100] =	vst v63  }
0x179: {  	s7 =	simm.s32 $0xC900  }
0x17a: {  	[tilespmem:s7], [sflag:$0x2] =	stream.indirect_vreg.gather [hbm4b:s10+s13], $0x80, v3, vm0, $0xb8;
	[tilespmem:$0x19100] =	vst v63  }
0x17b: {  	v3 =	vld [tilespmem:$0x90];
	_ =	sdelay $0x4  }
0x17c: {  	v61 =	vshll.u32 v3, $0x3  }
0x17d: {  	v3 =	vand.u32 $0x7, v3;
	v4 =	vand.u32 $0xFFFFFFC0, v61  }
0x17e: {  	v3 =	vor.u32 v3, v4  }
0x17f: {  	v4 =	vperm.xlane v3, v0;
	_ =	sdelay $0x1  }
0x180: {  	v4 =	vadd.s32 v1, v4;
	_ =	sdelay $0x3  }
0x181: {  	s12 =	simm.s32 $0xD100  }
0x182: {  	[tilespmem:s12], [sflag:$0x2] =	stream.indirect_vreg.gather [hbm4b:s1+s13], $0x80, v4, vm0, $0xb8;
	[tilespmem:$0x19100] =	vst v63  }
0x183: {  	s14 =	simm.s32 $0xD900;
	v3 =	vperm.xlane v3, v2  }
0x184: {  	[tilespmem:s14], [sflag:$0x2] =	stream.indirect_vreg.gather [hbm4b:s8+s13], $0x80, v4, vm0, $0xb8;
	[tilespmem:$0x19100] =	vst v63  }
0x185: {  	s15 =	simm.s32 $0xE100;
	v3 =	vadd.s32 v1, v3  }
0x186: {  	[tilespmem:s15], [sflag:$0x2] =	stream.indirect_vreg.gather [hbm4b:s9+s13], $0x80, v4, vm0, $0xb8;
	[tilespmem:$0x19100] =	vst v63  }
0x187: {  	s16 =	simm.s32 $0xE900  }
0x188: {  	[tilespmem:s16], [sflag:$0x2] =	stream.indirect_vreg.gather [hbm4b:s10+s13], $0x80, v4, vm0, $0xb8;
	[tilespmem:$0x19100] =	vst v63  }
0x189: {  	s17 =	simm.s32 $0xF100  }
0x18a: {  	[tilespmem:s17], [sflag:$0x2] =	stream.indirect_vreg.gather [hbm4b:s1+s13], $0x80, v3, vm0, $0xb8;
	[tilespmem:$0x19100] =	vst v63  }
0x18b: {  	s19 =	simm.s32 $0xF900  }
0x18c: {  	[tilespmem:s19], [sflag:$0x2] =	stream.indirect_vreg.gather [hbm4b:s8+s13], $0x80, v3, vm0, $0xb8;
	[tilespmem:$0x19100] =	vst v63  }
0x18d: {  	s20 =	simm.s32 $0x10100  }
0x18e: {  	[tilespmem:s20], [sflag:$0x2] =	stream.indirect_vreg.gather [hbm4b:s9+s13], $0x80, v3, vm0, $0xb8;
	[tilespmem:$0x19100] =	vst v63  }
0x18f: {  	s6 =	simm.s32 $0x10900  }
0x190: {  	[tilespmem:s6], [sflag:$0x2] =	stream.indirect_vreg.gather [hbm4b:s10+s13], $0x80, v3, vm0, $0xb8;
	[tilespmem:$0x19100] =	vst v63  }
0x191: {  	v3 =	vld [tilespmem:$0x100];
	_ =	sdelay $0x4  }
0x192: {  	v62 =	vshll.u32 v3, $0x3  }
0x193: {  	v3 =	vand.u32 $0x7, v3;
	v4 =	vand.u32 $0xFFFFFFC0, v62  }
0x194: {  	v3 =	vor.u32 v3, v4  }
0x195: {  	v4 =	vperm.xlane v3, v0;
	_ =	sdelay $0x1  }
0x196: {  	v4 =	vadd.s32 v1, v4;
	_ =	sdelay $0x4  }
0x197: {  	[tilespmem:s18], [sflag:$0x3] =	stream.indirect_vreg.gather [hbm4b:s1+s13], $0x80, v4, vm0, $0xb8;
	[tilespmem:$0x19100] =	vst v63  }
0x198: {  	v3 =	vperm.xlane v3, v2  }
0x199: {  	[tilespmem:s28], [sflag:$0x3] =	stream.indirect_vreg.gather [hbm4b:s8+s13], $0x80, v4, vm0, $0xb8;
	[tilespmem:$0x19100] =	vst v63  }
0x19a: {  	s7 =	simm.s32 $0x12100;
	v3 =	vadd.s32 v1, v3  }
0x19b: {  	[tilespmem:s7], [sflag:$0x3] =	stream.indirect_vreg.gather [hbm4b:s9+s13], $0x80, v4, vm0, $0xb8;
	[tilespmem:$0x19100] =	vst v63  }
0x19c: {  	(v2sf) =	vpush v5, $0x0;
	s12 =	simm.s32 $0x12900  }
0x19d: {  	(v2sf) =	vpush v5, $0x1;
	[tilespmem:s12], [sflag:$0x3] =	stream.indirect_vreg.gather [hbm4b:s10+s13], $0x80, v4, vm0, $0xb8;
	[tilespmem:$0x19100] =	vst v63  }
0x19e: {  	(v2sf) =	vpush v5, $0x2;
	s14 =	simm.s32 $0x13100  }
0x19f: {  	(v2sf) =	vpush v5, $0x3;
	[tilespmem:s14], [sflag:$0x3] =	stream.indirect_vreg.gather [hbm4b:s1+s13], $0x80, v3, vm0, $0xb8;
	[tilespmem:$0x19100] =	vst v63  }
0x1a0: {  	(v2sf) =	vpush v5, $0x4;
	s15 =	simm.s32 $0x13900  }
0x1a1: {  	(v2sf) =	vpush v5, $0x5;
	[tilespmem:s15], [sflag:$0x3] =	stream.indirect_vreg.gather [hbm4b:s8+s13], $0x80, v3, vm0, $0xb8;
	[tilespmem:$0x19100] =	vst v63  }
0x1a2: {  	(v2sf) =	vpush v5, $0x6;
	s16 =	simm.s32 $0x14100  }
0x1a3: {  	(v2sf) =	vpush v5, $0x7;
	[tilespmem:s16], [sflag:$0x3] =	stream.indirect_vreg.gather [hbm4b:s9+s13], $0x80, v3, vm0, $0xb8;
	[tilespmem:$0x19100] =	vst v63  }
0x1a4: {  	(v2sf) =	vpush v5, $0x8;
	s17 =	simm.s32 $0x14900  }
0x1a5: {  	(v2sf) =	vpush v5, $0x9;
	[tilespmem:s17], [sflag:$0x3] =	stream.indirect_vreg.gather [hbm4b:s10+s13], $0x80, v3, vm0, $0xb8;
	[tilespmem:$0x19100] =	vst v63  }
0x1a6: {  	v3 =	vld [tilespmem:$0x110]  }
0x1a7: {  	(v2sf) =	vpush v5, $0xA;
	_ =	sdelay $0x1  }
0x1a8: {  	(v2sf) =	vpush v5, $0xB;
	_ =	sdelay $0x1  }
0x1a9: {  	s2 =	spop (v2sf);
	(v2sf) =	vpush v5, $0xC;
	v63 =	vshll.u32 v3, $0x3  }
0x1aa: {  	s14 =	spop (v2sf);
	v3 =	vand.u32 $0x7, v3;
	v4 =	vand.u32 $0xFFFFFFC0, v63  }
0x1ab: {  	(v2sf) =	vpush v5, $0xD;
	s12 =	spop (v2sf);
	v3 =	vor.u32 v3, v4  }
0x1ac: {  	s7 =	spop (v2sf);
	v4 =	vperm.xlane v3, v0  }
0x1ad: {  	(v2sf) =	vpush v5, $0xE;
	s6 =	spop (v2sf)  }
0x1ae: {  	s5 =	rddreg [dreg:$0x18];
	s15 =	spop (v2sf);
	v4 =	vadd.s32 v1, v4  }
0x1af: {  	(v2sf) =	vpush v5, $0xF;
	[smem:$0x7FA] =	sst s15;
	s18 =	spop (v2sf)  }
0x1b0: {  	[smem:$0x7FB] =	sst s18;
	s19 =	spop (v2sf)  }
0x1b1: {  	p0 =	slt.s32 s2, $0x1;
	[smem:$0x7FC] =	sst s19;
	s20 =	spop (v2sf)  }
0x1b2: {  	s16 =	simm.s32 $0x15100;
	[smem:$0x7FD] =	sst s20;
	s17 =	spop (v2sf)  }
0x1b3: {  	[tilespmem:s16], [sflag:$0x3] =	stream.indirect_vreg.gather [hbm4b:s1+s13], $0x80, v4, vm0, $0xb8;
	[tilespmem:$0x19100] =	vst v63  }
0x1b4: {  	s18 =	simm.s32 $0x15900;
	[dreg:$0x1f] =	wrdreg s17;
	s19 =	spop (v2sf);
	v3 =	vperm.xlane v3, v2  }
0x1b5: {  	[tilespmem:s18], [sflag:$0x3] =	stream.indirect_vreg.gather [hbm4b:s8+s13], $0x80, v4, vm0, $0xb8;
	[tilespmem:$0x19100] =	vst v63  }
0x1b6: {  	s20 =	simm.s32 $0x16100;
	[dreg:$0x1e] =	wrdreg s19;
	v3 =	vadd.s32 v1, v3;
	s16 =	spop (v2sf)  }
0x1b7: {  	[tilespmem:s20], [sflag:$0x3] =	stream.indirect_vreg.gather [hbm4b:s9+s13], $0x80, v4, vm0, $0xb8;
	[tilespmem:$0x19100] =	vst v63  }
0x1b8: {  	s17 =	simm.s32 $0x16900;
	[dreg:$0x1d] =	wrdreg s16;
	s18 =	spop (v2sf)  }
0x1b9: {  	[tilespmem:s17], [sflag:$0x3] =	stream.indirect_vreg.gather [hbm4b:s10+s13], $0x80, v4, vm0, $0xb8;
	[tilespmem:$0x19100] =	vst v63  }
0x1ba: {  	s19 =	simm.s32 $0x17100;
	[dreg:$0x1c] =	wrdreg s18;
	s20 =	spop (v2sf)  }
0x1bb: {  	[tilespmem:s19], [sflag:$0x3] =	stream.indirect_vreg.gather [hbm4b:s1+s13], $0x80, v3, vm0, $0xb8;
	[tilespmem:$0x19100] =	vst v63  }
0x1bc: {  	s16 =	simm.s32 $0x17900;
	[dreg:$0x1b] =	wrdreg s20;
	s17 =	spop (v2sf)  }
0x1bd: {  	[tilespmem:s16], [sflag:$0x3] =	stream.indirect_vreg.gather [hbm4b:s8+s13], $0x80, v3, vm0, $0xb8;
	[tilespmem:$0x19100] =	vst v63  }
0x1be: {  	s18 =	simm.s32 $0x18100;
	[dreg:$0x1a] =	wrdreg s17;
	s19 =	spop (v2sf)  }
0x1bf: {  	[tilespmem:s18], [sflag:$0x3] =	stream.indirect_vreg.gather [hbm4b:s9+s13], $0x80, v3, vm0, $0xb8;
	[tilespmem:$0x19100] =	vst v63  }
.Ltmp3:
0x1c0: {  	s20 =	simm.s32 $0x18900;
	[dreg:$0x19] =	wrdreg s19;
	(pc) =	sbr.rel @p0 .LBB2_7-.Ltmp3, $4  }
0x1c1: {  	[tilespmem:s20], [sflag:$0x3] =	stream.indirect_vreg.gather [hbm4b:s10+s13], $0x80, v3, vm0, $0xb8;
	[tilespmem:$0x19100] =	vst v63  }
0x1c2: {  	s4 =	rddreg [dreg:$0x17];
	_ =	swait.ge [sflag:s26], $0x8000  }
0x1c3: {  	[sflag:s26] =	ssyncset.done $0x0  }
0x1c4: {  	s15 =	simm.s32 $0x0;
	[sflag:s26] =	ssyncadd.s32 $0xFFFF8000  }
.LBB2_4:
0x1c5: {  	v3 =	vmov s15;
	s2 =	sshll.u32 s15, $0xA;
	s16 =	sshll.u32 s15, $0x7  }
0x1c6: {  	s2 =	sand.u32 $0x6000, s2;
	s16 =	sand.u32 $0x380, s16  }
0x1c7: {  	s2 =	sor.u32 s16, s2  }
0x1c8: {  	s20 =	sand.u32 $0x1C00, s13;
	s16 =	sadd.s32 $0x1100, s2  }
0x1c9: {  	s17 =	sand.u32 $0x70, s13;
	s2 =	sadd.s32 s20, s16  }
0x1ca: {  	v3 =	vld.idx.msk [tilespmem:v3+s30+$0x0], $0xffff;
	s17 =	sadd.s32 s17, s2  }
0x1cb: {  	v4 =	vld [tilespmem:s17+$0x0];
	_ =	sdelay $0x3  }
0x1cc: {  	s18 =	simm.s32 $0x80  }
0x1cd: {  	s19 =	simm.s32 $0x20;
	s20 =	simm.s32 $0x10;
	s2 =	sand.u32 $0x1C00, s18;
	v4 =	vmul.f32 v4, v3  }
.LBB2_5:
0x1ce: {  	p0 =	sne.s32 s19, $0x3F0;
	s20 =	sand.u32 $0x70, s20;
	s2 =	sadd.s32 s2, s16  }
0x1cf: {  	[tilespmem:s17+$0x0] =	vst v4;
	s17 =	sadd.s32 s20, s2;
	s20 =	smov.u32 s19  }
0x1d0: {  	v4 =	vld [tilespmem:s17+$0x0]  }
.Ltmp4:
0x1d1: {  	(pc) =	sbr.rel @p0 .LBB2_5-.Ltmp4, $3  }
0x1d2: {  	_ =	sdelay $0x1  }
0x1d3: {  	s18 =	sadd.s32 $0x80, s18  }
0x1d4: {  	s2 =	sand.u32 $0x1C00, s18;
	s19 =	sadd.s32 $0x10, s19;
	v4 =	vmul.f32 v4, v3  }
0x1d5: {  	s18 =	sand.u32 $0x70, s20;
	s2 =	sadd.s32 s2, s16  }
0x1d6: {  	s2 =	sadd.s32 s18, s2;
	[tilespmem:s17+$0x0] =	vst v4  }
0x1d7: {  	v4 =	vld [tilespmem:s2+$0x0]  }
0x1d8: {  	s15 =	sadd.s32 $0x1, s15  }
0x1d9: {  	p0 =	sne.s32 s15, $0x20  }
.Ltmp5:
0x1da: {  	_ = 	snop;
	(pc) =	sbr.rel @p0 .LBB2_4-.Ltmp5, $3  }
0x1db: {  	_ = 	snop  }
0x1dc: {  	v3 =	vmul.f32 v4, v3;
	_ =	sdelay $0x1  }
0x1dd: {  	[tilespmem:s2+$0x0] =	vst v3  }
.LBB2_7:
0x1de: {  	s13 =	simm.s32 $0x0;
	s2 =	simm.s32 $0x4  }
0x1df: {  	[hbm4b:s4+s13] =	stream.linear.scatter [tilespmem:s0], [sflag:$0x4], $0x8000, $0x38;
	[tilespmem:$0x19100] =	vst v63  }
0x1e0: {  	_ =	swait.ge [sflag:s2], $0x8000  }
0x1e1: {  	[sflag:s2] =	ssyncset.done $0x0  }
0x1e2: {  	[sflag:s2] =	ssyncadd.s32 $0xFFFF8000  }
0x1e3: {  	v3 =	vld [tilespmem:$0x180];
	_ =	sdelay $0x4  }
0x1e4: {  	v4 =	vshll.u32 v3, $0x3  }
0x1e5: {  	v3 =	vand.u32 $0x7, v3;
	v4 =	vand.u32 $0xFFFFFFC0, v4  }
0x1e6: {  	v3 =	vor.u32 v3, v4  }
0x1e7: {  	v4 =	vperm.xlane v3, v0;
	_ =	sdelay $0x1  }
0x1e8: {  	v4 =	vadd.s32 v1, v4;
	_ =	sdelay $0x4  }
0x1e9: {  	[tilespmem:s0], [sflag:$0x1] =	stream.indirect_vreg.gather [hbm4b:s1+s13], $0x80, v4, vm0, $0xb8;
	[tilespmem:$0x19100] =	vst v63  }
0x1ea: {  	s4 =	simm.s32 $0x1900;
	v3 =	vperm.xlane v3, v2  }
0x1eb: {  	[tilespmem:s4], [sflag:$0x1] =	stream.indirect_vreg.gather [hbm4b:s8+s13], $0x80, v4, vm0, $0xb8;
	[tilespmem:$0x19100] =	vst v63  }
0x1ec: {  	s15 =	simm.s32 $0x2100;
	v3 =	vadd.s32 v1, v3  }
0x1ed: {  	[tilespmem:s15], [sflag:$0x1] =	stream.indirect_vreg.gather [hbm4b:s9+s13], $0x80, v4, vm0, $0xb8;
	[tilespmem:$0x19100] =	vst v63  }
0x1ee: {  	s16 =	simm.s32 $0x2900  }
0x1ef: {  	[tilespmem:s16], [sflag:$0x1] =	stream.indirect_vreg.gather [hbm4b:s10+s13], $0x80, v4, vm0, $0xb8;
	[tilespmem:$0x19100] =	vst v63  }
0x1f0: {  	s17 =	simm.s32 $0x3100  }
0x1f1: {  	[tilespmem:s17], [sflag:$0x1] =	stream.indirect_vreg.gather [hbm4b:s1+s13], $0x80, v3, vm0, $0xb8;
	[tilespmem:$0x19100] =	vst v63  }
0x1f2: {  	s18 =	simm.s32 $0x3900  }
0x1f3: {  	[tilespmem:s18], [sflag:$0x1] =	stream.indirect_vreg.gather [hbm4b:s8+s13], $0x80, v3, vm0, $0xb8;
	[tilespmem:$0x19100] =	vst v63  }
0x1f4: {  	s20 =	simm.s32 $0x4100  }
0x1f5: {  	[tilespmem:s20], [sflag:$0x1] =	stream.indirect_vreg.gather [hbm4b:s9+s13], $0x80, v3, vm0, $0xb8;
	[tilespmem:$0x19100] =	vst v63  }
0x1f6: {  	s19 =	simm.s32 $0x4900  }
0x1f7: {  	[tilespmem:s19], [sflag:$0x1] =	stream.indirect_vreg.gather [hbm4b:s10+s13], $0x80, v3, vm0, $0xb8;
	[tilespmem:$0x19100] =	vst v63  }
0x1f8: {  	v3 =	vld [tilespmem:$0x190];
	_ =	sdelay $0x4  }
0x1f9: {  	v63 =	vshll.u32 v3, $0x3  }
0x1fa: {  	v3 =	vand.u32 $0x7, v3;
	v4 =	vand.u32 $0xFFFFFFC0, v63  }
0x1fb: {  	v3 =	vor.u32 v3, v4  }
0x1fc: {  	v4 =	vperm.xlane v3, v0;
	_ =	sdelay $0x1  }
0x1fd: {  	v4 =	vadd.s32 v1, v4;
	_ =	sdelay $0x3  }
0x1fe: {  	s4 =	simm.s32 $0x5100  }
0x1ff: {  	[tilespmem:s4], [sflag:$0x1] =	stream.indirect_vreg.gather [hbm4b:s1+s13], $0x80, v4, vm0, $0xb8;
	[tilespmem:$0x19100] =	vst v63  }
0x200: {  	s15 =	simm.s32 $0x5900;
	v3 =	vperm.xlane v3, v2  }
0x201: {  	[tilespmem:s15], [sflag:$0x1] =	stream.indirect_vreg.gather [hbm4b:s8+s13], $0x80, v4, vm0, $0xb8;
	[tilespmem:$0x19100] =	vst v63  }
0x202: {  	v3 =	vadd.s32 v1, v3  }
0x203: {  	[tilespmem:s21], [sflag:$0x1] =	stream.indirect_vreg.gather [hbm4b:s9+s13], $0x80, v4, vm0, $0xb8;
	[tilespmem:$0x19100] =	vst v63  }
0x204: {  	s16 =	simm.s32 $0x6900  }
0x205: {  	[tilespmem:s16], [sflag:$0x1] =	stream.indirect_vreg.gather [hbm4b:s10+s13], $0x80, v4, vm0, $0xb8;
	[tilespmem:$0x19100] =	vst v63  }
0x206: {  	_ = 	snop  }
0x207: {  	[tilespmem:s25], [sflag:$0x1] =	stream.indirect_vreg.gather [hbm4b:s1+s13], $0x80, v3, vm0, $0xb8;
	[tilespmem:$0x19100] =	vst v63  }
0x208: {  	s17 =	simm.s32 $0x7900  }
0x209: {  	[tilespmem:s17], [sflag:$0x1] =	stream.indirect_vreg.gather [hbm4b:s8+s13], $0x80, v3, vm0, $0xb8;
	[tilespmem:$0x19100] =	vst v63  }
0x20a: {  	p0 =	slt.s32 s14, $0x1  }
0x20b: {  	[tilespmem:s22], [sflag:$0x1] =	stream.indirect_vreg.gather [hbm4b:s9+s13], $0x80, v3, vm0, $0xb8;
	[tilespmem:$0x19100] =	vst v63  }
.Ltmp6:
0x20c: {  	s18 =	simm.s32 $0x8900;
	s19 =	simm.s32 $0x2;
	(pc) =	sbr.rel @p0 .LBB2_11-.Ltmp6, $4  }
0x20d: {  	[tilespmem:s18], [sflag:$0x1] =	stream.indirect_vreg.gather [hbm4b:s10+s13], $0x80, v3, vm0, $0xb8;
	[tilespmem:$0x19100] =	vst v63  }
0x20e: {  	_ =	swait.ge [sflag:s19], $0x8000  }
0x20f: {  	[sflag:s19] =	ssyncset.done $0x0  }
0x210: {  	s14 =	simm.s32 $0x0;
	[sflag:s19] =	ssyncadd.s32 $0xFFFF8000  }
.LBB2_8:
0x211: {  	v3 =	vmov s14  }
0x212: {  	v3 =	vand.u32 $0x7F, v3  }
0x213: {  	s2 =	sshll.u32 s14, $0xA;
	s15 =	sshll.u32 s14, $0x7;
	v3 =	vor.u32 $0x80, v3  }
0x214: {  	s2 =	sand.u32 $0x6000, s2;
	s15 =	sand.u32 $0x380, s15;
	v3 =	vbroadcast v3, $0x0  }
0x215: {  	s2 =	sor.u32 s15, s2  }
0x216: {  	s19 =	sand.u32 $0x1C00, s13;
	s15 =	sadd.s32 $0x9100, s2  }
0x217: {  	s16 =	sand.u32 $0x70, s13;
	s2 =	sadd.s32 s19, s15  }
0x218: {  	s16 =	sadd.s32 s16, s2  }
0x219: {  	v4 =	vld [tilespmem:s16+$0x0]  }
0x21a: {  	v3 =	vld.idx.msk [tilespmem:v3+s30+$0x0], $0xffff;
	_ =	sdelay $0x3  }
0x21b: {  	s17 =	simm.s32 $0x80  }
0x21c: {  	s18 =	simm.s32 $0x20;
	s19 =	simm.s32 $0x10;
	s2 =	sand.u32 $0x1C00, s17;
	v4 =	vmul.f32 v4, v3  }
.LBB2_9:
0x21d: {  	p0 =	sne.s32 s18, $0x3F0;
	s19 =	sand.u32 $0x70, s19;
	s2 =	sadd.s32 s2, s15  }
0x21e: {  	[tilespmem:s16+$0x0] =	vst v4;
	s16 =	sadd.s32 s19, s2;
	s19 =	smov.u32 s18  }
0x21f: {  	v4 =	vld [tilespmem:s16+$0x0]  }
.Ltmp7:
0x220: {  	(pc) =	sbr.rel @p0 .LBB2_9-.Ltmp7, $3  }
0x221: {  	_ =	sdelay $0x1  }
0x222: {  	s17 =	sadd.s32 $0x80, s17  }
0x223: {  	s2 =	sand.u32 $0x1C00, s17;
	s18 =	sadd.s32 $0x10, s18;
	v4 =	vmul.f32 v4, v3  }
0x224: {  	s17 =	sand.u32 $0x70, s19;
	s2 =	sadd.s32 s2, s15  }
0x225: {  	s2 =	sadd.s32 s17, s2;
	[tilespmem:s16+$0x0] =	vst v4  }
0x226: {  	v4 =	vld [tilespmem:s2+$0x0]  }
0x227: {  	s14 =	sadd.s32 $0x1, s14  }
0x228: {  	p0 =	sne.s32 s14, $0x20  }
.Ltmp8:
0x229: {  	_ = 	snop;
	(pc) =	sbr.rel @p0 .LBB2_8-.Ltmp8, $3  }
0x22a: {  	_ = 	snop  }
0x22b: {  	v3 =	vmul.f32 v4, v3;
	_ =	sdelay $0x1  }
0x22c: {  	[tilespmem:s2+$0x0] =	vst v3  }
.LBB2_11:
0x22d: {  	s13 =	simm.s32 $0x0  }
0x22e: {  	[hbm4b:s5+s13] =	stream.linear.scatter [tilespmem:s24], [sflag:$0x5], $0x8000, $0x38;
	[tilespmem:$0x19100] =	vst v63  }
0x22f: {  	_ =	swait.ge [sflag:s23], $0x8000  }
0x230: {  	[sflag:s23] =	ssyncset.done $0x0  }
0x231: {  	[sflag:s23] =	ssyncadd.s32 $0xFFFF8000  }
0x232: {  	v3 =	vld [tilespmem:$0x200];
	_ =	sdelay $0x4  }
0x233: {  	v4 =	vshll.u32 v3, $0x3  }
0x234: {  	v3 =	vand.u32 $0x7, v3;
	v4 =	vand.u32 $0xFFFFFFC0, v4  }
0x235: {  	v3 =	vor.u32 v3, v4  }
0x236: {  	v4 =	vperm.xlane v3, v0;
	_ =	sdelay $0x1  }
0x237: {  	v4 =	vadd.s32 v1, v4;
	_ =	sdelay $0x4  }
0x238: {  	[tilespmem:s24], [sflag:$0x2] =	stream.indirect_vreg.gather [hbm4b:s1+s13], $0x80, v4, vm0, $0xb8;
	[tilespmem:$0x19100] =	vst v63  }
0x239: {  	s2 =	simm.s32 $0x9900;
	v3 =	vperm.xlane v3, v2  }
0x23a: {  	[tilespmem:s2], [sflag:$0x2] =	stream.indirect_vreg.gather [hbm4b:s8+s13], $0x80, v4, vm0, $0xb8;
	[tilespmem:$0x19100] =	vst v63  }
0x23b: {  	s14 =	simm.s32 $0xA100;
	v3 =	vadd.s32 v1, v3  }
0x23c: {  	[tilespmem:s14], [sflag:$0x2] =	stream.indirect_vreg.gather [hbm4b:s9+s13], $0x80, v4, vm0, $0xb8;
	[tilespmem:$0x19100] =	vst v63  }
0x23d: {  	s15 =	simm.s32 $0xA900  }
0x23e: {  	[tilespmem:s15], [sflag:$0x2] =	stream.indirect_vreg.gather [hbm4b:s10+s13], $0x80, v4, vm0, $0xb8;
	[tilespmem:$0x19100] =	vst v63  }
0x23f: {  	s16 =	simm.s32 $0xB100  }
0x240: {  	[tilespmem:s16], [sflag:$0x2] =	stream.indirect_vreg.gather [hbm4b:s1+s13], $0x80, v3, vm0, $0xb8;
	[tilespmem:$0x19100] =	vst v63  }
0x241: {  	s17 =	simm.s32 $0xB900  }
0x242: {  	[tilespmem:s17], [sflag:$0x2] =	stream.indirect_vreg.gather [hbm4b:s8+s13], $0x80, v3, vm0, $0xb8;
	[tilespmem:$0x19100] =	vst v63  }
0x243: {  	s18 =	simm.s32 $0xC100  }
0x244: {  	[tilespmem:s18], [sflag:$0x2] =	stream.indirect_vreg.gather [hbm4b:s9+s13], $0x80, v3, vm0, $0xb8;
	[tilespmem:$0x19100] =	vst v63  }
0x245: {  	s19 =	simm.s32 $0xC900  }
0x246: {  	[tilespmem:s19], [sflag:$0x2] =	stream.indirect_vreg.gather [hbm4b:s10+s13], $0x80, v3, vm0, $0xb8;
	[tilespmem:$0x19100] =	vst v63  }
0x247: {  	v3 =	vld [tilespmem:$0x210];
	_ =	sdelay $0x4  }
0x248: {  	v63 =	vshll.u32 v3, $0x3  }
0x249: {  	v3 =	vand.u32 $0x7, v3;
	v4 =	vand.u32 $0xFFFFFFC0, v63  }
0x24a: {  	v3 =	vor.u32 v3, v4  }
0x24b: {  	v4 =	vperm.xlane v3, v0;
	_ =	sdelay $0x1  }
0x24c: {  	v4 =	vadd.s32 v1, v4;
	_ =	sdelay $0x3  }
0x24d: {  	s4 =	simm.s32 $0xD100  }
0x24e: {  	[tilespmem:s4], [sflag:$0x2] =	stream.indirect_vreg.gather [hbm4b:s1+s13], $0x80, v4, vm0, $0xb8;
	[tilespmem:$0x19100] =	vst v63  }
0x24f: {  	s5 =	simm.s32 $0xD900;
	v3 =	vperm.xlane v3, v2  }
0x250: {  	[tilespmem:s5], [sflag:$0x2] =	stream.indirect_vreg.gather [hbm4b:s8+s13], $0x80, v4, vm0, $0xb8;
	[tilespmem:$0x19100] =	vst v63  }
0x251: {  	s14 =	simm.s32 $0xE100;
	v3 =	vadd.s32 v1, v3  }
0x252: {  	[tilespmem:s14], [sflag:$0x2] =	stream.indirect_vreg.gather [hbm4b:s9+s13], $0x80, v4, vm0, $0xb8;
	[tilespmem:$0x19100] =	vst v63  }
0x253: {  	s15 =	simm.s32 $0xE900  }
0x254: {  	[tilespmem:s15], [sflag:$0x2] =	stream.indirect_vreg.gather [hbm4b:s10+s13], $0x80, v4, vm0, $0xb8;
	[tilespmem:$0x19100] =	vst v63  }
0x255: {  	s16 =	simm.s32 $0xF100  }
0x256: {  	[tilespmem:s16], [sflag:$0x2] =	stream.indirect_vreg.gather [hbm4b:s1+s13], $0x80, v3, vm0, $0xb8;
	[tilespmem:$0x19100] =	vst v63  }
0x257: {  	s17 =	simm.s32 $0xF900  }
0x258: {  	[tilespmem:s17], [sflag:$0x2] =	stream.indirect_vreg.gather [hbm4b:s8+s13], $0x80, v3, vm0, $0xb8;
	[tilespmem:$0x19100] =	vst v63  }
0x259: {  	s18 =	simm.s32 $0x10100  }
0x25a: {  	[tilespmem:s18], [sflag:$0x2] =	stream.indirect_vreg.gather [hbm4b:s9+s13], $0x80, v3, vm0, $0xb8;
	[tilespmem:$0x19100] =	vst v63  }
0x25b: {  	p0 =	slt.s32 s12, $0x1;
	s19 =	simm.s32 $0x10900  }
0x25c: {  	[tilespmem:s19], [sflag:$0x2] =	stream.indirect_vreg.gather [hbm4b:s10+s13], $0x80, v3, vm0, $0xb8;
	[tilespmem:$0x19100] =	vst v63  }
.Ltmp9:
0x25d: {  	_ = 	snop;
	(pc) =	sbr.rel @p0 .LBB2_15-.Ltmp9, $4  }
0x25e: {  	s19 =	simm.s32 $0x3  }
0x25f: {  	_ =	swait.ge [sflag:s19], $0x8000  }
0x260: {  	[sflag:s19] =	ssyncset.done $0x0  }
0x261: {  	s12 =	simm.s32 $0x0;
	[sflag:s19] =	ssyncadd.s32 $0xFFFF8000  }
.LBB2_12:
0x262: {  	v3 =	vmov s12  }
0x263: {  	v3 =	vand.u32 $0x7F, v3  }
0x264: {  	s2 =	sshll.u32 s12, $0xA;
	s14 =	sshll.u32 s12, $0x7;
	v3 =	vor.u32 $0x100, v3  }
0x265: {  	s2 =	sand.u32 $0x6000, s2;
	s14 =	sand.u32 $0x380, s14;
	v3 =	vbroadcast v3, $0x0  }
0x266: {  	s2 =	sor.u32 s14, s2  }
0x267: {  	s18 =	sand.u32 $0x1C00, s13;
	s14 =	sadd.s32 $0x11100, s2  }
0x268: {  	s15 =	sand.u32 $0x70, s13;
	s2 =	sadd.s32 s18, s14  }
0x269: {  	s15 =	sadd.s32 s15, s2  }
0x26a: {  	v4 =	vld [tilespmem:s15+$0x0]  }
0x26b: {  	v3 =	vld.idx.msk [tilespmem:v3+s30+$0x0], $0xffff;
	_ =	sdelay $0x3  }
0x26c: {  	s16 =	simm.s32 $0x80  }
0x26d: {  	s17 =	simm.s32 $0x20;
	s18 =	simm.s32 $0x10;
	s2 =	sand.u32 $0x1C00, s16;
	v4 =	vmul.f32 v4, v3  }
.LBB2_13:
0x26e: {  	p0 =	sne.s32 s17, $0x3F0;
	s18 =	sand.u32 $0x70, s18;
	s2 =	sadd.s32 s2, s14  }
0x26f: {  	[tilespmem:s15+$0x0] =	vst v4;
	s15 =	sadd.s32 s18, s2;
	s18 =	smov.u32 s17  }
0x270: {  	v4 =	vld [tilespmem:s15+$0x0]  }
.Ltmp10:
0x271: {  	(pc) =	sbr.rel @p0 .LBB2_13-.Ltmp10, $3  }
0x272: {  	_ =	sdelay $0x1  }
0x273: {  	s16 =	sadd.s32 $0x80, s16  }
0x274: {  	s2 =	sand.u32 $0x1C00, s16;
	s17 =	sadd.s32 $0x10, s17;
	v4 =	vmul.f32 v4, v3  }
0x275: {  	s16 =	sand.u32 $0x70, s18;
	s2 =	sadd.s32 s2, s14  }
0x276: {  	s2 =	sadd.s32 s16, s2;
	[tilespmem:s15+$0x0] =	vst v4  }
0x277: {  	v4 =	vld [tilespmem:s2+$0x0]  }
0x278: {  	s12 =	sadd.s32 $0x1, s12  }
0x279: {  	p0 =	sne.s32 s12, $0x20  }
.Ltmp11:
0x27a: {  	_ = 	snop;
	(pc) =	sbr.rel @p0 .LBB2_12-.Ltmp11, $3  }
0x27b: {  	_ = 	snop  }
0x27c: {  	v3 =	vmul.f32 v4, v3;
	_ =	sdelay $0x1  }
0x27d: {  	[tilespmem:s2+$0x0] =	vst v3  }
.LBB2_15:
0x27e: {  	s12 =	simm.s32 $0x0;
	s2 =	rddreg [dreg:$0xe];
	s18 =	simm.s32 $0x11100  }
0x27f: {  	[hbm4b:s2+s12] =	stream.linear.scatter [tilespmem:s18], [sflag:$0x6], $0x8000, $0x38;
	[tilespmem:$0x19100] =	vst v63  }
0x280: {  	_ =	swait.ge [sflag:s11], $0x8000  }
0x281: {  	[sflag:s11] =	ssyncset.done $0x0  }
0x282: {  	[sflag:s11] =	ssyncadd.s32 $0xFFFF8000  }
0x283: {  	v3 =	vld [tilespmem:$0x280];
	_ =	sdelay $0x4  }
0x284: {  	v4 =	vshll.u32 v3, $0x3  }
0x285: {  	v3 =	vand.u32 $0x7, v3;
	v4 =	vand.u32 $0xFFFFFFC0, v4  }
0x286: {  	v3 =	vor.u32 v3, v4  }
0x287: {  	v4 =	vperm.xlane v3, v0;
	_ =	sdelay $0x1  }
0x288: {  	v4 =	vadd.s32 v1, v4;
	_ =	sdelay $0x4  }
0x289: {  	[tilespmem:s18], [sflag:$0x3] =	stream.indirect_vreg.gather [hbm4b:s1+s12], $0x80, v4, vm0, $0xb8;
	[tilespmem:$0x19100] =	vst v63  }
0x28a: {  	v3 =	vperm.xlane v3, v2  }
0x28b: {  	[tilespmem:s28], [sflag:$0x3] =	stream.indirect_vreg.gather [hbm4b:s8+s12], $0x80, v4, vm0, $0xb8;
	[tilespmem:$0x19100] =	vst v63  }
0x28c: {  	s4 =	simm.s32 $0x12100;
	v3 =	vadd.s32 v1, v3  }
0x28d: {  	[tilespmem:s4], [sflag:$0x3] =	stream.indirect_vreg.gather [hbm4b:s9+s12], $0x80, v4, vm0, $0xb8;
	[tilespmem:$0x19100] =	vst v63  }
0x28e: {  	s5 =	simm.s32 $0x12900  }
0x28f: {  	[tilespmem:s5], [sflag:$0x3] =	stream.indirect_vreg.gather [hbm4b:s10+s12], $0x80, v4, vm0, $0xb8;
	[tilespmem:$0x19100] =	vst v63  }
0x290: {  	s13 =	simm.s32 $0x13100  }
0x291: {  	[tilespmem:s13], [sflag:$0x3] =	stream.indirect_vreg.gather [hbm4b:s1+s12], $0x80, v3, vm0, $0xb8;
	[tilespmem:$0x19100] =	vst v63  }
0x292: {  	s14 =	simm.s32 $0x13900  }
0x293: {  	[tilespmem:s14], [sflag:$0x3] =	stream.indirect_vreg.gather [hbm4b:s8+s12], $0x80, v3, vm0, $0xb8;
	[tilespmem:$0x19100] =	vst v63  }
0x294: {  	s15 =	simm.s32 $0x14100  }
0x295: {  	[tilespmem:s15], [sflag:$0x3] =	stream.indirect_vreg.gather [hbm4b:s9+s12], $0x80, v3, vm0, $0xb8;
	[tilespmem:$0x19100] =	vst v63  }
0x296: {  	s16 =	simm.s32 $0x14900  }
0x297: {  	[tilespmem:s16], [sflag:$0x3] =	stream.indirect_vreg.gather [hbm4b:s10+s12], $0x80, v3, vm0, $0xb8;
	[tilespmem:$0x19100] =	vst v63  }
0x298: {  	v3 =	vld [tilespmem:$0x290];
	_ =	sdelay $0x4  }
0x299: {  	v63 =	vshll.u32 v3, $0x3  }
0x29a: {  	v3 =	vand.u32 $0x7, v3;
	v4 =	vand.u32 $0xFFFFFFC0, v63  }
0x29b: {  	v3 =	vor.u32 v3, v4  }
0x29c: {  	v4 =	vperm.xlane v3, v0;
	_ =	sdelay $0x1  }
0x29d: {  	v4 =	vadd.s32 v1, v4;
	_ =	sdelay $0x3  }
0x29e: {  	s17 =	simm.s32 $0x15100  }
0x29f: {  	[tilespmem:s17], [sflag:$0x3] =	stream.indirect_vreg.gather [hbm4b:s1+s12], $0x80, v4, vm0, $0xb8;
	[tilespmem:$0x19100] =	vst v63  }
0x2a0: {  	s4 =	simm.s32 $0x15900;
	v3 =	vperm.xlane v3, v2  }
0x2a1: {  	[tilespmem:s4], [sflag:$0x3] =	stream.indirect_vreg.gather [hbm4b:s8+s12], $0x80, v4, vm0, $0xb8;
	[tilespmem:$0x19100] =	vst v63  }
0x2a2: {  	s5 =	simm.s32 $0x16100;
	v3 =	vadd.s32 v1, v3  }
0x2a3: {  	[tilespmem:s5], [sflag:$0x3] =	stream.indirect_vreg.gather [hbm4b:s9+s12], $0x80, v4, vm0, $0xb8;
	[tilespmem:$0x19100] =	vst v63  }
0x2a4: {  	s13 =	simm.s32 $0x16900  }
0x2a5: {  	[tilespmem:s13], [sflag:$0x3] =	stream.indirect_vreg.gather [hbm4b:s10+s12], $0x80, v4, vm0, $0xb8;
	[tilespmem:$0x19100] =	vst v63  }
0x2a6: {  	s14 =	simm.s32 $0x17100  }
0x2a7: {  	[tilespmem:s14], [sflag:$0x3] =	stream.indirect_vreg.gather [hbm4b:s1+s12], $0x80, v3, vm0, $0xb8;
	[tilespmem:$0x19100] =	vst v63  }
0x2a8: {  	s15 =	simm.s32 $0x17900  }
0x2a9: {  	[tilespmem:s15], [sflag:$0x3] =	stream.indirect_vreg.gather [hbm4b:s8+s12], $0x80, v3, vm0, $0xb8;
	[tilespmem:$0x19100] =	vst v63  }
0x2aa: {  	p0 =	slt.s32 s7, $0x1;
	s16 =	simm.s32 $0x18100  }
0x2ab: {  	[tilespmem:s16], [sflag:$0x3] =	stream.indirect_vreg.gather [hbm4b:s9+s12], $0x80, v3, vm0, $0xb8;
	[tilespmem:$0x19100] =	vst v63  }
.Ltmp12:
0x2ac: {  	s17 =	simm.s32 $0x18900;
	(pc) =	sbr.rel @p0 .LBB2_19-.Ltmp12, $4  }
0x2ad: {  	[tilespmem:s17], [sflag:$0x3] =	stream.indirect_vreg.gather [hbm4b:s10+s12], $0x80, v3, vm0, $0xb8;
	[tilespmem:$0x19100] =	vst v63  }
0x2ae: {  	_ =	swait.ge [sflag:s26], $0x8000  }
0x2af: {  	[sflag:s26] =	ssyncset.done $0x0  }
0x2b0: {  	s7 =	simm.s32 $0x0;
	[sflag:s26] =	ssyncadd.s32 $0xFFFF8000  }
.LBB2_16:
0x2b1: {  	v3 =	vmov s7  }
0x2b2: {  	v3 =	vand.u32 $0x7F, v3  }
0x2b3: {  	s2 =	sshll.u32 s7, $0xA;
	s13 =	sshll.u32 s7, $0x7;
	v3 =	vor.u32 $0x180, v3  }
0x2b4: {  	s2 =	sand.u32 $0x6000, s2;
	s13 =	sand.u32 $0x380, s13;
	v3 =	vbroadcast v3, $0x0  }
0x2b5: {  	s2 =	sor.u32 s13, s2  }
0x2b6: {  	s17 =	sand.u32 $0x1C00, s12;
	s13 =	sadd.s32 $0x1100, s2  }
0x2b7: {  	s14 =	sand.u32 $0x70, s12;
	s2 =	sadd.s32 s17, s13  }
0x2b8: {  	s14 =	sadd.s32 s14, s2  }
0x2b9: {  	v4 =	vld [tilespmem:s14+$0x0]  }
0x2ba: {  	v3 =	vld.idx.msk [tilespmem:v3+s30+$0x0], $0xffff;
	_ =	sdelay $0x3  }
0x2bb: {  	s15 =	simm.s32 $0x80  }
0x2bc: {  	s16 =	simm.s32 $0x20;
	s17 =	simm.s32 $0x10;
	s2 =	sand.u32 $0x1C00, s15;
	v4 =	vmul.f32 v4, v3  }
.LBB2_17:
0x2bd: {  	p0 =	sne.s32 s16, $0x3F0;
	s17 =	sand.u32 $0x70, s17;
	s2 =	sadd.s32 s2, s13  }
0x2be: {  	[tilespmem:s14+$0x0] =	vst v4;
	s14 =	sadd.s32 s17, s2;
	s17 =	smov.u32 s16  }
0x2bf: {  	v4 =	vld [tilespmem:s14+$0x0]  }
.Ltmp13:
0x2c0: {  	(pc) =	sbr.rel @p0 .LBB2_17-.Ltmp13, $3  }
0x2c1: {  	_ =	sdelay $0x1  }
0x2c2: {  	s15 =	sadd.s32 $0x80, s15  }
0x2c3: {  	s2 =	sand.u32 $0x1C00, s15;
	s16 =	sadd.s32 $0x10, s16;
	v4 =	vmul.f32 v4, v3  }
0x2c4: {  	s15 =	sand.u32 $0x70, s17;
	s2 =	sadd.s32 s2, s13  }
0x2c5: {  	s2 =	sadd.s32 s15, s2;
	[tilespmem:s14+$0x0] =	vst v4  }
0x2c6: {  	v4 =	vld [tilespmem:s2+$0x0]  }
0x2c7: {  	s7 =	sadd.s32 $0x1, s7  }
0x2c8: {  	p0 =	sne.s32 s7, $0x20  }
.Ltmp14:
0x2c9: {  	_ = 	snop;
	(pc) =	sbr.rel @p0 .LBB2_16-.Ltmp14, $3  }
0x2ca: {  	_ = 	snop  }
0x2cb: {  	v3 =	vmul.f32 v4, v3;
	_ =	sdelay $0x1  }
0x2cc: {  	[tilespmem:s2+$0x0] =	vst v3  }
.LBB2_19:
0x2cd: {  	s7 =	simm.s32 $0x0;
	s2 =	rddreg [dreg:$0x12];
	s17 =	simm.s32 $0x4  }
0x2ce: {  	[hbm4b:s2+s7] =	stream.linear.scatter [tilespmem:s0], [sflag:$0x4], $0x8000, $0x38;
	[tilespmem:$0x19100] =	vst v63  }
0x2cf: {  	_ =	swait.ge [sflag:s17], $0x8000  }
0x2d0: {  	[sflag:s17] =	ssyncset.done $0x0  }
0x2d1: {  	[sflag:s17] =	ssyncadd.s32 $0xFFFF8000  }
0x2d2: {  	v3 =	vld [tilespmem:$0x300];
	_ =	sdelay $0x4  }
0x2d3: {  	v4 =	vshll.u32 v3, $0x3  }
0x2d4: {  	v3 =	vand.u32 $0x7, v3;
	v4 =	vand.u32 $0xFFFFFFC0, v4  }
0x2d5: {  	v3 =	vor.u32 v3, v4  }
0x2d6: {  	v4 =	vperm.xlane v3, v0;
	_ =	sdelay $0x1  }
0x2d7: {  	v4 =	vadd.s32 v1, v4;
	_ =	sdelay $0x4  }
0x2d8: {  	[tilespmem:s0], [sflag:$0x1] =	stream.indirect_vreg.gather [hbm4b:s1+s7], $0x80, v4, vm0, $0xb8;
	[tilespmem:$0x19100] =	vst v63  }
0x2d9: {  	s12 =	simm.s32 $0x1900;
	v3 =	vperm.xlane v3, v2  }
0x2da: {  	[tilespmem:s12], [sflag:$0x1] =	stream.indirect_vreg.gather [hbm4b:s8+s7], $0x80, v4, vm0, $0xb8;
	[tilespmem:$0x19100] =	vst v63  }
0x2db: {  	s13 =	simm.s32 $0x2100;
	v3 =	vadd.s32 v1, v3  }
0x2dc: {  	[tilespmem:s13], [sflag:$0x1] =	stream.indirect_vreg.gather [hbm4b:s9+s7], $0x80, v4, vm0, $0xb8;
	[tilespmem:$0x19100] =	vst v63  }
0x2dd: {  	s14 =	simm.s32 $0x2900  }
0x2de: {  	[tilespmem:s14], [sflag:$0x1] =	stream.indirect_vreg.gather [hbm4b:s10+s7], $0x80, v4, vm0, $0xb8;
	[tilespmem:$0x19100] =	vst v63  }
0x2df: {  	s15 =	simm.s32 $0x3100  }
0x2e0: {  	[tilespmem:s15], [sflag:$0x1] =	stream.indirect_vreg.gather [hbm4b:s1+s7], $0x80, v3, vm0, $0xb8;
	[tilespmem:$0x19100] =	vst v63  }
0x2e1: {  	s16 =	simm.s32 $0x3900  }
0x2e2: {  	[tilespmem:s16], [sflag:$0x1] =	stream.indirect_vreg.gather [hbm4b:s8+s7], $0x80, v3, vm0, $0xb8;
	[tilespmem:$0x19100] =	vst v63  }
0x2e3: {  	_ = 	snop  }
0x2e4: {  	[tilespmem:s20], [sflag:$0x1] =	stream.indirect_vreg.gather [hbm4b:s9+s7], $0x80, v3, vm0, $0xb8;
	[tilespmem:$0x19100] =	vst v63  }
0x2e5: {  	s4 =	simm.s32 $0x4900  }
0x2e6: {  	[tilespmem:s4], [sflag:$0x1] =	stream.indirect_vreg.gather [hbm4b:s10+s7], $0x80, v3, vm0, $0xb8;
	[tilespmem:$0x19100] =	vst v63  }
0x2e7: {  	v3 =	vld [tilespmem:$0x310];
	_ =	sdelay $0x4  }
0x2e8: {  	v63 =	vshll.u32 v3, $0x3  }
0x2e9: {  	v3 =	vand.u32 $0x7, v3;
	v4 =	vand.u32 $0xFFFFFFC0, v63  }
0x2ea: {  	v3 =	vor.u32 v3, v4  }
0x2eb: {  	v4 =	vperm.xlane v3, v0;
	_ =	sdelay $0x1  }
0x2ec: {  	v4 =	vadd.s32 v1, v4;
	_ =	sdelay $0x3  }
0x2ed: {  	s5 =	simm.s32 $0x5100  }
0x2ee: {  	[tilespmem:s5], [sflag:$0x1] =	stream.indirect_vreg.gather [hbm4b:s1+s7], $0x80, v4, vm0, $0xb8;
	[tilespmem:$0x19100] =	vst v63  }
0x2ef: {  	s12 =	simm.s32 $0x5900;
	v3 =	vperm.xlane v3, v2  }
0x2f0: {  	[tilespmem:s12], [sflag:$0x1] =	stream.indirect_vreg.gather [hbm4b:s8+s7], $0x80, v4, vm0, $0xb8;
	[tilespmem:$0x19100] =	vst v63  }
0x2f1: {  	v3 =	vadd.s32 v1, v3  }
0x2f2: {  	[tilespmem:s21], [sflag:$0x1] =	stream.indirect_vreg.gather [hbm4b:s9+s7], $0x80, v4, vm0, $0xb8;
	[tilespmem:$0x19100] =	vst v63  }
0x2f3: {  	s13 =	simm.s32 $0x6900  }
0x2f4: {  	[tilespmem:s13], [sflag:$0x1] =	stream.indirect_vreg.gather [hbm4b:s10+s7], $0x80, v4, vm0, $0xb8;
	[tilespmem:$0x19100] =	vst v63  }
0x2f5: {  	_ = 	snop  }
0x2f6: {  	[tilespmem:s25], [sflag:$0x1] =	stream.indirect_vreg.gather [hbm4b:s1+s7], $0x80, v3, vm0, $0xb8;
	[tilespmem:$0x19100] =	vst v63  }
0x2f7: {  	s14 =	simm.s32 $0x7900  }
0x2f8: {  	[tilespmem:s14], [sflag:$0x1] =	stream.indirect_vreg.gather [hbm4b:s8+s7], $0x80, v3, vm0, $0xb8;
	[tilespmem:$0x19100] =	vst v63  }
0x2f9: {  	p0 =	slt.s32 s6, $0x1  }
0x2fa: {  	[tilespmem:s22], [sflag:$0x1] =	stream.indirect_vreg.gather [hbm4b:s9+s7], $0x80, v3, vm0, $0xb8;
	[tilespmem:$0x19100] =	vst v63  }
.Ltmp15:
0x2fb: {  	s15 =	simm.s32 $0x8900;
	s16 =	simm.s32 $0x2;
	(pc) =	sbr.rel @p0 .LBB2_23-.Ltmp15, $4  }
0x2fc: {  	[tilespmem:s15], [sflag:$0x1] =	stream.indirect_vreg.gather [hbm4b:s10+s7], $0x80, v3, vm0, $0xb8;
	[tilespmem:$0x19100] =	vst v63  }
0x2fd: {  	_ =	swait.ge [sflag:s16], $0x8000  }
0x2fe: {  	[sflag:s16] =	ssyncset.done $0x0  }
0x2ff: {  	s6 =	simm.s32 $0x0;
	[sflag:s16] =	ssyncadd.s32 $0xFFFF8000  }
.LBB2_20:
0x300: {  	v3 =	vmov s6  }
0x301: {  	v3 =	vand.u32 $0x7F, v3  }
0x302: {  	s2 =	sshll.u32 s6, $0xA;
	s12 =	sshll.u32 s6, $0x7;
	v3 =	vor.u32 $0x200, v3  }
0x303: {  	s2 =	sand.u32 $0x6000, s2;
	s12 =	sand.u32 $0x380, s12;
	v3 =	vbroadcast v3, $0x0  }
0x304: {  	s2 =	sor.u32 s12, s2  }
0x305: {  	s16 =	sand.u32 $0x1C00, s7;
	s12 =	sadd.s32 $0x9100, s2  }
0x306: {  	s13 =	sand.u32 $0x70, s7;
	s2 =	sadd.s32 s16, s12  }
0x307: {  	s13 =	sadd.s32 s13, s2  }
0x308: {  	v4 =	vld [tilespmem:s13+$0x0]  }
0x309: {  	v3 =	vld.idx.msk [tilespmem:v3+s30+$0x0], $0xffff;
	_ =	sdelay $0x3  }
0x30a: {  	s14 =	simm.s32 $0x80  }
0x30b: {  	s15 =	simm.s32 $0x20;
	s16 =	simm.s32 $0x10;
	s2 =	sand.u32 $0x1C00, s14;
	v4 =	vmul.f32 v4, v3  }
.LBB2_21:
0x30c: {  	p0 =	sne.s32 s15, $0x3F0;
	s16 =	sand.u32 $0x70, s16;
	s2 =	sadd.s32 s2, s12  }
0x30d: {  	[tilespmem:s13+$0x0] =	vst v4;
	s13 =	sadd.s32 s16, s2;
	s16 =	smov.u32 s15  }
0x30e: {  	v4 =	vld [tilespmem:s13+$0x0]  }
.Ltmp16:
0x30f: {  	(pc) =	sbr.rel @p0 .LBB2_21-.Ltmp16, $3  }
0x310: {  	_ =	sdelay $0x1  }
0x311: {  	s14 =	sadd.s32 $0x80, s14  }
0x312: {  	s2 =	sand.u32 $0x1C00, s14;
	s15 =	sadd.s32 $0x10, s15;
	v4 =	vmul.f32 v4, v3  }
0x313: {  	s14 =	sand.u32 $0x70, s16;
	s2 =	sadd.s32 s2, s12  }
0x314: {  	s2 =	sadd.s32 s14, s2;
	[tilespmem:s13+$0x0] =	vst v4  }
0x315: {  	v4 =	vld [tilespmem:s2+$0x0]  }
0x316: {  	s6 =	sadd.s32 $0x1, s6  }
0x317: {  	p0 =	sne.s32 s6, $0x20  }
.Ltmp17:
0x318: {  	_ = 	snop;
	(pc) =	sbr.rel @p0 .LBB2_20-.Ltmp17, $3  }
0x319: {  	_ = 	snop  }
0x31a: {  	v3 =	vmul.f32 v4, v3;
	_ =	sdelay $0x1  }
0x31b: {  	[tilespmem:s2+$0x0] =	vst v3  }
.LBB2_23:
0x31c: {  	s6 =	simm.s32 $0x0;
	s2 =	rddreg [dreg:$0x8]  }
0x31d: {  	[hbm4b:s2+s6] =	stream.linear.scatter [tilespmem:s24], [sflag:$0x5], $0x8000, $0x38;
	[tilespmem:$0x19100] =	vst v63  }
0x31e: {  	_ =	swait.ge [sflag:s23], $0x8000  }
0x31f: {  	[sflag:s23] =	ssyncset.done $0x0  }
0x320: {  	[sflag:s23] =	ssyncadd.s32 $0xFFFF8000  }
0x321: {  	v3 =	vld [tilespmem:$0x380];
	_ =	sdelay $0x4  }
0x322: {  	v4 =	vshll.u32 v3, $0x3  }
0x323: {  	v3 =	vand.u32 $0x7, v3;
	v4 =	vand.u32 $0xFFFFFFC0, v4  }
0x324: {  	v3 =	vor.u32 v3, v4  }
0x325: {  	v4 =	vperm.xlane v3, v0;
	_ =	sdelay $0x1  }
0x326: {  	v4 =	vadd.s32 v1, v4;
	_ =	sdelay $0x4  }
0x327: {  	[tilespmem:s24], [sflag:$0x2] =	stream.indirect_vreg.gather [hbm4b:s1+s6], $0x80, v4, vm0, $0xb8;
	[tilespmem:$0x19100] =	vst v63  }
0x328: {  	s4 =	simm.s32 $0x9900;
	v3 =	vperm.xlane v3, v2  }
0x329: {  	[tilespmem:s4], [sflag:$0x2] =	stream.indirect_vreg.gather [hbm4b:s8+s6], $0x80, v4, vm0, $0xb8;
	[tilespmem:$0x19100] =	vst v63  }
0x32a: {  	s5 =	simm.s32 $0xA100;
	v3 =	vadd.s32 v1, v3  }
0x32b: {  	[tilespmem:s5], [sflag:$0x2] =	stream.indirect_vreg.gather [hbm4b:s9+s6], $0x80, v4, vm0, $0xb8;
	[tilespmem:$0x19100] =	vst v63  }
0x32c: {  	s7 =	simm.s32 $0xA900  }
0x32d: {  	[tilespmem:s7], [sflag:$0x2] =	stream.indirect_vreg.gather [hbm4b:s10+s6], $0x80, v4, vm0, $0xb8;
	[tilespmem:$0x19100] =	vst v63  }
0x32e: {  	s12 =	simm.s32 $0xB100  }
0x32f: {  	[tilespmem:s12], [sflag:$0x2] =	stream.indirect_vreg.gather [hbm4b:s1+s6], $0x80, v3, vm0, $0xb8;
	[tilespmem:$0x19100] =	vst v63  }
0x330: {  	s13 =	simm.s32 $0xB900  }
0x331: {  	[tilespmem:s13], [sflag:$0x2] =	stream.indirect_vreg.gather [hbm4b:s8+s6], $0x80, v3, vm0, $0xb8;
	[tilespmem:$0x19100] =	vst v63  }
0x332: {  	s14 =	simm.s32 $0xC100  }
0x333: {  	[tilespmem:s14], [sflag:$0x2] =	stream.indirect_vreg.gather [hbm4b:s9+s6], $0x80, v3, vm0, $0xb8;
	[tilespmem:$0x19100] =	vst v63  }
0x334: {  	s15 =	simm.s32 $0xC900  }
0x335: {  	[tilespmem:s15], [sflag:$0x2] =	stream.indirect_vreg.gather [hbm4b:s10+s6], $0x80, v3, vm0, $0xb8;
	[tilespmem:$0x19100] =	vst v63  }
0x336: {  	v3 =	vld [tilespmem:$0x390];
	_ =	sdelay $0x4  }
0x337: {  	v63 =	vshll.u32 v3, $0x3  }
0x338: {  	v3 =	vand.u32 $0x7, v3;
	v4 =	vand.u32 $0xFFFFFFC0, v63  }
0x339: {  	v3 =	vor.u32 v3, v4  }
0x33a: {  	v4 =	vperm.xlane v3, v0;
	_ =	sdelay $0x1  }
0x33b: {  	v4 =	vadd.s32 v1, v4;
	_ =	sdelay $0x3  }
0x33c: {  	s16 =	simm.s32 $0xD100  }
0x33d: {  	[tilespmem:s16], [sflag:$0x2] =	stream.indirect_vreg.gather [hbm4b:s1+s6], $0x80, v4, vm0, $0xb8;
	[tilespmem:$0x19100] =	vst v63  }
0x33e: {  	s4 =	simm.s32 $0xD900;
	v3 =	vperm.xlane v3, v2  }
0x33f: {  	[tilespmem:s4], [sflag:$0x2] =	stream.indirect_vreg.gather [hbm4b:s8+s6], $0x80, v4, vm0, $0xb8;
	[tilespmem:$0x19100] =	vst v63  }
0x340: {  	s5 =	simm.s32 $0xE100;
	v3 =	vadd.s32 v1, v3  }
0x341: {  	[tilespmem:s5], [sflag:$0x2] =	stream.indirect_vreg.gather [hbm4b:s9+s6], $0x80, v4, vm0, $0xb8;
	[tilespmem:$0x19100] =	vst v63  }
0x342: {  	s7 =	simm.s32 $0xE900  }
0x343: {  	[tilespmem:s7], [sflag:$0x2] =	stream.indirect_vreg.gather [hbm4b:s10+s6], $0x80, v4, vm0, $0xb8;
	[tilespmem:$0x19100] =	vst v63  }
0x344: {  	s12 =	simm.s32 $0xF100  }
0x345: {  	[tilespmem:s12], [sflag:$0x2] =	stream.indirect_vreg.gather [hbm4b:s1+s6], $0x80, v3, vm0, $0xb8;
	[tilespmem:$0x19100] =	vst v63  }
0x346: {  	s13 =	simm.s32 $0xF900  }
0x347: {  	[tilespmem:s13], [sflag:$0x2] =	stream.indirect_vreg.gather [hbm4b:s8+s6], $0x80, v3, vm0, $0xb8;
	[tilespmem:$0x19100] =	vst v63  }
0x348: {  	s14 =	simm.s32 $0x10100  }
0x349: {  	[tilespmem:s14], [sflag:$0x2] =	stream.indirect_vreg.gather [hbm4b:s9+s6], $0x80, v3, vm0, $0xb8;
	[tilespmem:$0x19100] =	vst v63  }
0x34a: {  	s15 =	simm.s32 $0x10900  }
0x34b: {  	[tilespmem:s15], [sflag:$0x2] =	stream.indirect_vreg.gather [hbm4b:s10+s6], $0x80, v3, vm0, $0xb8;
	[tilespmem:$0x19100] =	vst v63  }
0x34c: {  	_ =	swait.ge [sflag:s19], $0x8000  }
0x34d: {  	s16 =	sld [smem:$0x7FA];
	_ =	sdelay $0x2  }
0x34e: {  	p0 =	slt.s32 s16, $0x1  }
.Ltmp18:
0x34f: {  	_ = 	snop;
	(pc) =	sbr.rel @p0 .LBB2_27-.Ltmp18, $3  }
0x350: {  	_ =	sdelay $0x1  }
0x351: {  	[sflag:s19] =	ssyncset.done $0x0  }
0x352: {  	s5 =	simm.s32 $0x0;
	[sflag:s19] =	ssyncadd.s32 $0xFFFF8000  }
.LBB2_24:
0x353: {  	v3 =	vmov s5  }
0x354: {  	v3 =	vand.u32 $0x7F, v3  }
0x355: {  	s2 =	sshll.u32 s5, $0xA;
	s7 =	sshll.u32 s5, $0x7;
	v3 =	vor.u32 $0x280, v3  }
0x356: {  	s2 =	sand.u32 $0x6000, s2;
	s7 =	sand.u32 $0x380, s7;
	v3 =	vbroadcast v3, $0x0  }
0x357: {  	s2 =	sor.u32 s7, s2  }
0x358: {  	s16 =	sand.u32 $0x1C00, s6;
	s7 =	sadd.s32 $0x11100, s2  }
0x359: {  	s12 =	sand.u32 $0x70, s6;
	s2 =	sadd.s32 s16, s7  }
0x35a: {  	s12 =	sadd.s32 s12, s2  }
0x35b: {  	v4 =	vld [tilespmem:s12+$0x0]  }
0x35c: {  	v3 =	vld.idx.msk [tilespmem:v3+s30+$0x0], $0xffff;
	_ =	sdelay $0x3  }
0x35d: {  	s13 =	simm.s32 $0x80  }
0x35e: {  	s15 =	simm.s32 $0x10;
	s14 =	simm.s32 $0x20;
	s2 =	sand.u32 $0x1C00, s13;
	v4 =	vmul.f32 v4, v3  }
.LBB2_25:
0x35f: {  	p0 =	sne.s32 s14, $0x3F0;
	s15 =	sand.u32 $0x70, s15;
	s2 =	sadd.s32 s2, s7  }
0x360: {  	[tilespmem:s12+$0x0] =	vst v4;
	s12 =	sadd.s32 s15, s2;
	s15 =	smov.u32 s14  }
0x361: {  	v4 =	vld [tilespmem:s12+$0x0]  }
.Ltmp19:
0x362: {  	(pc) =	sbr.rel @p0 .LBB2_25-.Ltmp19, $3  }
0x363: {  	_ =	sdelay $0x1  }
0x364: {  	s13 =	sadd.s32 $0x80, s13  }
0x365: {  	s2 =	sand.u32 $0x1C00, s13;
	s14 =	sadd.s32 $0x10, s14;
	v4 =	vmul.f32 v4, v3  }
0x366: {  	s13 =	sand.u32 $0x70, s15;
	s2 =	sadd.s32 s2, s7  }
0x367: {  	s2 =	sadd.s32 s13, s2;
	[tilespmem:s12+$0x0] =	vst v4  }
0x368: {  	v4 =	vld [tilespmem:s2+$0x0]  }
0x369: {  	s5 =	sadd.s32 $0x1, s5  }
0x36a: {  	p0 =	sne.s32 s5, $0x20  }
.Ltmp20:
0x36b: {  	_ = 	snop;
	(pc) =	sbr.rel @p0 .LBB2_24-.Ltmp20, $3  }
0x36c: {  	_ = 	snop  }
0x36d: {  	v3 =	vmul.f32 v4, v3;
	_ =	sdelay $0x1  }
0x36e: {  	[tilespmem:s2+$0x0] =	vst v3  }
.LBB2_27:
0x36f: {  	s5 =	simm.s32 $0x0;
	s2 =	rddreg [dreg:$0xb]  }
0x370: {  	[hbm4b:s2+s5] =	stream.linear.scatter [tilespmem:s18], [sflag:$0x6], $0x8000, $0x38;
	[tilespmem:$0x19100] =	vst v63  }
0x371: {  	_ =	swait.ge [sflag:s11], $0x8000  }
0x372: {  	[sflag:s11] =	ssyncset.done $0x0  }
0x373: {  	[sflag:s11] =	ssyncadd.s32 $0xFFFF8000  }
0x374: {  	v3 =	vld [tilespmem:$0x400];
	_ =	sdelay $0x4  }
0x375: {  	v4 =	vshll.u32 v3, $0x3  }
0x376: {  	v3 =	vand.u32 $0x7, v3;
	v4 =	vand.u32 $0xFFFFFFC0, v4  }
0x377: {  	v3 =	vor.u32 v3, v4  }
0x378: {  	v4 =	vperm.xlane v3, v0;
	_ =	sdelay $0x1  }
0x379: {  	v4 =	vadd.s32 v1, v4;
	_ =	sdelay $0x4  }
0x37a: {  	[tilespmem:s18], [sflag:$0x3] =	stream.indirect_vreg.gather [hbm4b:s1+s5], $0x80, v4, vm0, $0xb8;
	[tilespmem:$0x19100] =	vst v63  }
0x37b: {  	v3 =	vperm.xlane v3, v2  }
0x37c: {  	[tilespmem:s28], [sflag:$0x3] =	stream.indirect_vreg.gather [hbm4b:s8+s5], $0x80, v4, vm0, $0xb8;
	[tilespmem:$0x19100] =	vst v63  }
0x37d: {  	s6 =	simm.s32 $0x12100;
	v3 =	vadd.s32 v1, v3  }
0x37e: {  	[tilespmem:s6], [sflag:$0x3] =	stream.indirect_vreg.gather [hbm4b:s9+s5], $0x80, v4, vm0, $0xb8;
	[tilespmem:$0x19100] =	vst v63  }
0x37f: {  	s7 =	simm.s32 $0x12900  }
0x380: {  	[tilespmem:s7], [sflag:$0x3] =	stream.indirect_vreg.gather [hbm4b:s10+s5], $0x80, v4, vm0, $0xb8;
	[tilespmem:$0x19100] =	vst v63  }
0x381: {  	s12 =	simm.s32 $0x13100  }
0x382: {  	[tilespmem:s12], [sflag:$0x3] =	stream.indirect_vreg.gather [hbm4b:s1+s5], $0x80, v3, vm0, $0xb8;
	[tilespmem:$0x19100] =	vst v63  }
0x383: {  	s13 =	simm.s32 $0x13900  }
0x384: {  	[tilespmem:s13], [sflag:$0x3] =	stream.indirect_vreg.gather [hbm4b:s8+s5], $0x80, v3, vm0, $0xb8;
	[tilespmem:$0x19100] =	vst v63  }
0x385: {  	s14 =	simm.s32 $0x14100  }
0x386: {  	[tilespmem:s14], [sflag:$0x3] =	stream.indirect_vreg.gather [hbm4b:s9+s5], $0x80, v3, vm0, $0xb8;
	[tilespmem:$0x19100] =	vst v63  }
0x387: {  	s15 =	simm.s32 $0x14900  }
0x388: {  	[tilespmem:s15], [sflag:$0x3] =	stream.indirect_vreg.gather [hbm4b:s10+s5], $0x80, v3, vm0, $0xb8;
	[tilespmem:$0x19100] =	vst v63  }
0x389: {  	v3 =	vld [tilespmem:$0x410];
	_ =	sdelay $0x4  }
0x38a: {  	v63 =	vshll.u32 v3, $0x3  }
0x38b: {  	v3 =	vand.u32 $0x7, v3;
	v4 =	vand.u32 $0xFFFFFFC0, v63  }
0x38c: {  	v3 =	vor.u32 v3, v4  }
0x38d: {  	v4 =	vperm.xlane v3, v0;
	_ =	sdelay $0x1  }
0x38e: {  	v4 =	vadd.s32 v1, v4;
	_ =	sdelay $0x3  }
0x38f: {  	s16 =	simm.s32 $0x15100  }
0x390: {  	[tilespmem:s16], [sflag:$0x3] =	stream.indirect_vreg.gather [hbm4b:s1+s5], $0x80, v4, vm0, $0xb8;
	[tilespmem:$0x19100] =	vst v63  }
0x391: {  	s4 =	simm.s32 $0x15900;
	v3 =	vperm.xlane v3, v2  }
0x392: {  	[tilespmem:s4], [sflag:$0x3] =	stream.indirect_vreg.gather [hbm4b:s8+s5], $0x80, v4, vm0, $0xb8;
	[tilespmem:$0x19100] =	vst v63  }
0x393: {  	s6 =	simm.s32 $0x16100;
	v3 =	vadd.s32 v1, v3  }
0x394: {  	[tilespmem:s6], [sflag:$0x3] =	stream.indirect_vreg.gather [hbm4b:s9+s5], $0x80, v4, vm0, $0xb8;
	[tilespmem:$0x19100] =	vst v63  }
0x395: {  	s7 =	simm.s32 $0x16900  }
0x396: {  	[tilespmem:s7], [sflag:$0x3] =	stream.indirect_vreg.gather [hbm4b:s10+s5], $0x80, v4, vm0, $0xb8;
	[tilespmem:$0x19100] =	vst v63  }
0x397: {  	s12 =	simm.s32 $0x17100  }
0x398: {  	[tilespmem:s12], [sflag:$0x3] =	stream.indirect_vreg.gather [hbm4b:s1+s5], $0x80, v3, vm0, $0xb8;
	[tilespmem:$0x19100] =	vst v63  }
0x399: {  	s13 =	simm.s32 $0x17900  }
0x39a: {  	[tilespmem:s13], [sflag:$0x3] =	stream.indirect_vreg.gather [hbm4b:s8+s5], $0x80, v3, vm0, $0xb8;
	[tilespmem:$0x19100] =	vst v63  }
0x39b: {  	s14 =	simm.s32 $0x18100  }
0x39c: {  	[tilespmem:s14], [sflag:$0x3] =	stream.indirect_vreg.gather [hbm4b:s9+s5], $0x80, v3, vm0, $0xb8;
	[tilespmem:$0x19100] =	vst v63  }
0x39d: {  	s15 =	simm.s32 $0x18900  }
0x39e: {  	[tilespmem:s15], [sflag:$0x3] =	stream.indirect_vreg.gather [hbm4b:s10+s5], $0x80, v3, vm0, $0xb8;
	[tilespmem:$0x19100] =	vst v63  }
0x39f: {  	_ =	swait.ge [sflag:s26], $0x8000  }
0x3a0: {  	s16 =	sld [smem:$0x7FB];
	_ =	sdelay $0x2  }
0x3a1: {  	p0 =	slt.s32 s16, $0x1  }
.Ltmp21:
0x3a2: {  	_ = 	snop;
	(pc) =	sbr.rel @p0 .LBB2_31-.Ltmp21, $3  }
0x3a3: {  	_ =	sdelay $0x1  }
0x3a4: {  	[sflag:s26] =	ssyncset.done $0x0  }
0x3a5: {  	s4 =	simm.s32 $0x0;
	[sflag:s26] =	ssyncadd.s32 $0xFFFF8000  }
.LBB2_28:
0x3a6: {  	v3 =	vmov s4  }
0x3a7: {  	v3 =	vand.u32 $0x7F, v3  }
0x3a8: {  	s2 =	sshll.u32 s4, $0xA;
	s6 =	sshll.u32 s4, $0x7;
	v3 =	vor.u32 $0x300, v3  }
0x3a9: {  	s2 =	sand.u32 $0x6000, s2;
	s6 =	sand.u32 $0x380, s6;
	v3 =	vbroadcast v3, $0x0  }
0x3aa: {  	s2 =	sor.u32 s6, s2  }
0x3ab: {  	s16 =	sand.u32 $0x1C00, s5;
	s6 =	sadd.s32 $0x1100, s2  }
0x3ac: {  	s7 =	sand.u32 $0x70, s5;
	s2 =	sadd.s32 s16, s6  }
0x3ad: {  	s7 =	sadd.s32 s7, s2  }
0x3ae: {  	v4 =	vld [tilespmem:s7+$0x0]  }
0x3af: {  	v3 =	vld.idx.msk [tilespmem:v3+s30+$0x0], $0xffff;
	_ =	sdelay $0x3  }
0x3b0: {  	s12 =	simm.s32 $0x80  }
0x3b1: {  	s14 =	simm.s32 $0x10;
	s13 =	simm.s32 $0x20;
	s2 =	sand.u32 $0x1C00, s12;
	v4 =	vmul.f32 v4, v3  }
.LBB2_29:
0x3b2: {  	p0 =	sne.s32 s13, $0x3F0;
	s14 =	sand.u32 $0x70, s14;
	s2 =	sadd.s32 s2, s6  }
0x3b3: {  	[tilespmem:s7+$0x0] =	vst v4;
	s7 =	sadd.s32 s14, s2;
	s14 =	smov.u32 s13  }
0x3b4: {  	v4 =	vld [tilespmem:s7+$0x0]  }
.Ltmp22:
0x3b5: {  	(pc) =	sbr.rel @p0 .LBB2_29-.Ltmp22, $3  }
0x3b6: {  	_ =	sdelay $0x1  }
0x3b7: {  	s12 =	sadd.s32 $0x80, s12  }
0x3b8: {  	s2 =	sand.u32 $0x1C00, s12;
	s13 =	sadd.s32 $0x10, s13;
	v4 =	vmul.f32 v4, v3  }
0x3b9: {  	s12 =	sand.u32 $0x70, s14;
	s2 =	sadd.s32 s2, s6  }
0x3ba: {  	s2 =	sadd.s32 s12, s2;
	[tilespmem:s7+$0x0] =	vst v4  }
0x3bb: {  	v4 =	vld [tilespmem:s2+$0x0]  }
0x3bc: {  	s4 =	sadd.s32 $0x1, s4  }
0x3bd: {  	p0 =	sne.s32 s4, $0x20  }
.Ltmp23:
0x3be: {  	_ = 	snop;
	(pc) =	sbr.rel @p0 .LBB2_28-.Ltmp23, $3  }
0x3bf: {  	_ = 	snop  }
0x3c0: {  	v3 =	vmul.f32 v4, v3;
	_ =	sdelay $0x1  }
0x3c1: {  	[tilespmem:s2+$0x0] =	vst v3  }
.LBB2_31:
0x3c2: {  	s4 =	simm.s32 $0x0;
	s2 =	rddreg [dreg:$0xf]  }
0x3c3: {  	[hbm4b:s2+s4] =	stream.linear.scatter [tilespmem:s0], [sflag:$0x4], $0x8000, $0x38;
	[tilespmem:$0x19100] =	vst v63  }
0x3c4: {  	_ =	swait.ge [sflag:s17], $0x8000  }
0x3c5: {  	[sflag:s17] =	ssyncset.done $0x0  }
0x3c6: {  	[sflag:s17] =	ssyncadd.s32 $0xFFFF8000  }
0x3c7: {  	v3 =	vld [tilespmem:$0x480];
	_ =	sdelay $0x4  }
0x3c8: {  	v4 =	vshll.u32 v3, $0x3  }
0x3c9: {  	v3 =	vand.u32 $0x7, v3;
	v4 =	vand.u32 $0xFFFFFFC0, v4  }
0x3ca: {  	v3 =	vor.u32 v3, v4  }
0x3cb: {  	v4 =	vperm.xlane v3, v0;
	_ =	sdelay $0x1  }
0x3cc: {  	v4 =	vadd.s32 v1, v4;
	_ =	sdelay $0x4  }
0x3cd: {  	[tilespmem:s0], [sflag:$0x1] =	stream.indirect_vreg.gather [hbm4b:s1+s4], $0x80, v4, vm0, $0xb8;
	[tilespmem:$0x19100] =	vst v63  }
0x3ce: {  	s13 =	simm.s32 $0x1900;
	v3 =	vperm.xlane v3, v2  }
0x3cf: {  	[tilespmem:s13], [sflag:$0x1] =	stream.indirect_vreg.gather [hbm4b:s8+s4], $0x80, v4, vm0, $0xb8;
	[tilespmem:$0x19100] =	vst v63  }
0x3d0: {  	s14 =	simm.s32 $0x2100;
	v3 =	vadd.s32 v1, v3  }
0x3d1: {  	[tilespmem:s14], [sflag:$0x1] =	stream.indirect_vreg.gather [hbm4b:s9+s4], $0x80, v4, vm0, $0xb8;
	[tilespmem:$0x19100] =	vst v63  }
0x3d2: {  	s15 =	simm.s32 $0x2900  }
0x3d3: {  	[tilespmem:s15], [sflag:$0x1] =	stream.indirect_vreg.gather [hbm4b:s10+s4], $0x80, v4, vm0, $0xb8;
	[tilespmem:$0x19100] =	vst v63  }
0x3d4: {  	s16 =	simm.s32 $0x3100  }
0x3d5: {  	[tilespmem:s16], [sflag:$0x1] =	stream.indirect_vreg.gather [hbm4b:s1+s4], $0x80, v3, vm0, $0xb8;
	[tilespmem:$0x19100] =	vst v63  }
0x3d6: {  	s5 =	simm.s32 $0x3900  }
0x3d7: {  	[tilespmem:s5], [sflag:$0x1] =	stream.indirect_vreg.gather [hbm4b:s8+s4], $0x80, v3, vm0, $0xb8;
	[tilespmem:$0x19100] =	vst v63  }
0x3d8: {  	_ = 	snop  }
0x3d9: {  	[tilespmem:s20], [sflag:$0x1] =	stream.indirect_vreg.gather [hbm4b:s9+s4], $0x80, v3, vm0, $0xb8;
	[tilespmem:$0x19100] =	vst v63  }
0x3da: {  	s6 =	simm.s32 $0x4900  }
0x3db: {  	[tilespmem:s6], [sflag:$0x1] =	stream.indirect_vreg.gather [hbm4b:s10+s4], $0x80, v3, vm0, $0xb8;
	[tilespmem:$0x19100] =	vst v63  }
0x3dc: {  	v3 =	vld [tilespmem:$0x490];
	_ =	sdelay $0x4  }
0x3dd: {  	v63 =	vshll.u32 v3, $0x3  }
0x3de: {  	v3 =	vand.u32 $0x7, v3;
	v4 =	vand.u32 $0xFFFFFFC0, v63  }
0x3df: {  	v3 =	vor.u32 v3, v4  }
0x3e0: {  	v4 =	vperm.xlane v3, v0;
	_ =	sdelay $0x1  }
0x3e1: {  	v4 =	vadd.s32 v1, v4;
	_ =	sdelay $0x3  }
0x3e2: {  	s7 =	simm.s32 $0x5100  }
0x3e3: {  	[tilespmem:s7], [sflag:$0x1] =	stream.indirect_vreg.gather [hbm4b:s1+s4], $0x80, v4, vm0, $0xb8;
	[tilespmem:$0x19100] =	vst v63  }
0x3e4: {  	s12 =	simm.s32 $0x5900;
	v3 =	vperm.xlane v3, v2  }
0x3e5: {  	[tilespmem:s12], [sflag:$0x1] =	stream.indirect_vreg.gather [hbm4b:s8+s4], $0x80, v4, vm0, $0xb8;
	[tilespmem:$0x19100] =	vst v63  }
0x3e6: {  	v3 =	vadd.s32 v1, v3  }
0x3e7: {  	[tilespmem:s21], [sflag:$0x1] =	stream.indirect_vreg.gather [hbm4b:s9+s4], $0x80, v4, vm0, $0xb8;
	[tilespmem:$0x19100] =	vst v63  }
0x3e8: {  	s13 =	simm.s32 $0x6900  }
0x3e9: {  	[tilespmem:s13], [sflag:$0x1] =	stream.indirect_vreg.gather [hbm4b:s10+s4], $0x80, v4, vm0, $0xb8;
	[tilespmem:$0x19100] =	vst v63  }
0x3ea: {  	_ = 	snop  }
0x3eb: {  	[tilespmem:s25], [sflag:$0x1] =	stream.indirect_vreg.gather [hbm4b:s1+s4], $0x80, v3, vm0, $0xb8;
	[tilespmem:$0x19100] =	vst v63  }
0x3ec: {  	s14 =	simm.s32 $0x7900  }
0x3ed: {  	[tilespmem:s14], [sflag:$0x1] =	stream.indirect_vreg.gather [hbm4b:s8+s4], $0x80, v3, vm0, $0xb8;
	[tilespmem:$0x19100] =	vst v63  }
0x3ee: {  	_ = 	snop  }
0x3ef: {  	[tilespmem:s22], [sflag:$0x1] =	stream.indirect_vreg.gather [hbm4b:s9+s4], $0x80, v3, vm0, $0xb8;
	[tilespmem:$0x19100] =	vst v63  }
0x3f0: {  	s15 =	simm.s32 $0x8900;
	s16 =	simm.s32 $0x2  }
0x3f1: {  	[tilespmem:s15], [sflag:$0x1] =	stream.indirect_vreg.gather [hbm4b:s10+s4], $0x80, v3, vm0, $0xb8;
	[tilespmem:$0x19100] =	vst v63  }
0x3f2: {  	_ =	swait.ge [sflag:s16], $0x8000  }
0x3f3: {  	s5 =	sld [smem:$0x7FC];
	_ =	sdelay $0x2  }
0x3f4: {  	p0 =	slt.s32 s5, $0x1  }
.Ltmp24:
0x3f5: {  	_ = 	snop;
	(pc) =	sbr.rel @p0 .LBB2_35-.Ltmp24, $3  }
0x3f6: {  	_ =	sdelay $0x1  }
0x3f7: {  	[sflag:s16] =	ssyncset.done $0x0  }
0x3f8: {  	s2 =	simm.s32 $0x0;
	[sflag:s16] =	ssyncadd.s32 $0xFFFF8000  }
.LBB2_32:
0x3f9: {  	v3 =	vmov s2  }
0x3fa: {  	v3 =	vand.u32 $0x7F, v3  }
0x3fb: {  	s5 =	sshll.u32 s2, $0xA;
	s6 =	sshll.u32 s2, $0x7;
	v3 =	vor.u32 $0x380, v3  }
0x3fc: {  	s5 =	sand.u32 $0x6000, s5;
	s6 =	sand.u32 $0x380, s6;
	v3 =	vbroadcast v3, $0x0  }
0x3fd: {  	s5 =	sor.u32 s6, s5  }
0x3fe: {  	s16 =	sand.u32 $0x1C00, s4;
	s5 =	sadd.s32 $0x9100, s5  }
0x3ff: {  	s7 =	sand.u32 $0x70, s4;
	s6 =	sadd.s32 s16, s5  }
0x400: {  	s6 =	sadd.s32 s7, s6  }
0x401: {  	v4 =	vld [tilespmem:s6+$0x0]  }
0x402: {  	v3 =	vld.idx.msk [tilespmem:v3+s30+$0x0], $0xffff;
	_ =	sdelay $0x3  }
0x403: {  	s7 =	simm.s32 $0x80  }
0x404: {  	s13 =	simm.s32 $0x10;
	s12 =	simm.s32 $0x20;
	s14 =	sand.u32 $0x1C00, s7;
	v4 =	vmul.f32 v4, v3  }
.LBB2_33:
0x405: {  	p0 =	sne.s32 s12, $0x3F0;
	s13 =	sand.u32 $0x70, s13;
	s14 =	sadd.s32 s14, s5  }
0x406: {  	[tilespmem:s6+$0x0] =	vst v4;
	s6 =	sadd.s32 s13, s14;
	s13 =	smov.u32 s12  }
0x407: {  	v4 =	vld [tilespmem:s6+$0x0]  }
.Ltmp25:
0x408: {  	(pc) =	sbr.rel @p0 .LBB2_33-.Ltmp25, $3  }
0x409: {  	_ =	sdelay $0x1  }
0x40a: {  	s7 =	sadd.s32 $0x80, s7  }
0x40b: {  	s14 =	sand.u32 $0x1C00, s7;
	s12 =	sadd.s32 $0x10, s12;
	v4 =	vmul.f32 v4, v3  }
0x40c: {  	s7 =	sand.u32 $0x70, s13;
	s5 =	sadd.s32 s14, s5  }
0x40d: {  	s5 =	sadd.s32 s7, s5;
	[tilespmem:s6+$0x0] =	vst v4  }
0x40e: {  	v4 =	vld [tilespmem:s5+$0x0]  }
0x40f: {  	s2 =	sadd.s32 $0x1, s2  }
0x410: {  	p0 =	sne.s32 s2, $0x20  }
.Ltmp26:
0x411: {  	_ = 	snop;
	(pc) =	sbr.rel @p0 .LBB2_32-.Ltmp26, $3  }
0x412: {  	_ = 	snop  }
0x413: {  	v3 =	vmul.f32 v4, v3;
	_ =	sdelay $0x1  }
0x414: {  	[tilespmem:s5+$0x0] =	vst v3  }
.LBB2_35:
0x415: {  	s2 =	simm.s32 $0x0;
	s4 =	rddreg [dreg:$0x13]  }
0x416: {  	[hbm4b:s4+s2] =	stream.linear.scatter [tilespmem:s24], [sflag:$0x5], $0x8000, $0x38;
	[tilespmem:$0x19100] =	vst v63  }
0x417: {  	_ =	swait.ge [sflag:s23], $0x8000  }
0x418: {  	[sflag:s23] =	ssyncset.done $0x0  }
0x419: {  	[sflag:s23] =	ssyncadd.s32 $0xFFFF8000  }
0x41a: {  	v3 =	vld [tilespmem:$0x500];
	_ =	sdelay $0x4  }
0x41b: {  	v4 =	vshll.u32 v3, $0x3  }
0x41c: {  	v3 =	vand.u32 $0x7, v3;
	v4 =	vand.u32 $0xFFFFFFC0, v4  }
0x41d: {  	v3 =	vor.u32 v3, v4  }
0x41e: {  	v4 =	vperm.xlane v3, v0;
	_ =	sdelay $0x1  }
0x41f: {  	v4 =	vadd.s32 v1, v4;
	_ =	sdelay $0x4  }
0x420: {  	[tilespmem:s24], [sflag:$0x2] =	stream.indirect_vreg.gather [hbm4b:s1+s2], $0x80, v4, vm0, $0xb8;
	[tilespmem:$0x19100] =	vst v63  }
0x421: {  	s5 =	simm.s32 $0x9900;
	v3 =	vperm.xlane v3, v2  }
0x422: {  	[tilespmem:s5], [sflag:$0x2] =	stream.indirect_vreg.gather [hbm4b:s8+s2], $0x80, v4, vm0, $0xb8;
	[tilespmem:$0x19100] =	vst v63  }
0x423: {  	s6 =	simm.s32 $0xA100;
	v3 =	vadd.s32 v1, v3  }
0x424: {  	[tilespmem:s6], [sflag:$0x2] =	stream.indirect_vreg.gather [hbm4b:s9+s2], $0x80, v4, vm0, $0xb8;
	[tilespmem:$0x19100] =	vst v63  }
0x425: {  	s7 =	simm.s32 $0xA900  }
0x426: {  	[tilespmem:s7], [sflag:$0x2] =	stream.indirect_vreg.gather [hbm4b:s10+s2], $0x80, v4, vm0, $0xb8;
	[tilespmem:$0x19100] =	vst v63  }
0x427: {  	s12 =	simm.s32 $0xB100  }
0x428: {  	[tilespmem:s12], [sflag:$0x2] =	stream.indirect_vreg.gather [hbm4b:s1+s2], $0x80, v3, vm0, $0xb8;
	[tilespmem:$0x19100] =	vst v63  }
0x429: {  	s13 =	simm.s32 $0xB900  }
0x42a: {  	[tilespmem:s13], [sflag:$0x2] =	stream.indirect_vreg.gather [hbm4b:s8+s2], $0x80, v3, vm0, $0xb8;
	[tilespmem:$0x19100] =	vst v63  }
0x42b: {  	s14 =	simm.s32 $0xC100  }
0x42c: {  	[tilespmem:s14], [sflag:$0x2] =	stream.indirect_vreg.gather [hbm4b:s9+s2], $0x80, v3, vm0, $0xb8;
	[tilespmem:$0x19100] =	vst v63  }
0x42d: {  	s15 =	simm.s32 $0xC900  }
0x42e: {  	[tilespmem:s15], [sflag:$0x2] =	stream.indirect_vreg.gather [hbm4b:s10+s2], $0x80, v3, vm0, $0xb8;
	[tilespmem:$0x19100] =	vst v63  }
0x42f: {  	v3 =	vld [tilespmem:$0x510];
	_ =	sdelay $0x4  }
0x430: {  	v63 =	vshll.u32 v3, $0x3  }
0x431: {  	v3 =	vand.u32 $0x7, v3;
	v4 =	vand.u32 $0xFFFFFFC0, v63  }
0x432: {  	v3 =	vor.u32 v3, v4  }
0x433: {  	v4 =	vperm.xlane v3, v0;
	_ =	sdelay $0x1  }
0x434: {  	v4 =	vadd.s32 v1, v4;
	_ =	sdelay $0x3  }
0x435: {  	s16 =	simm.s32 $0xD100  }
0x436: {  	[tilespmem:s16], [sflag:$0x2] =	stream.indirect_vreg.gather [hbm4b:s1+s2], $0x80, v4, vm0, $0xb8;
	[tilespmem:$0x19100] =	vst v63  }
0x437: {  	s5 =	simm.s32 $0xD900;
	v3 =	vperm.xlane v3, v2  }
0x438: {  	[tilespmem:s5], [sflag:$0x2] =	stream.indirect_vreg.gather [hbm4b:s8+s2], $0x80, v4, vm0, $0xb8;
	[tilespmem:$0x19100] =	vst v63  }
0x439: {  	s6 =	simm.s32 $0xE100;
	v3 =	vadd.s32 v1, v3  }
0x43a: {  	[tilespmem:s6], [sflag:$0x2] =	stream.indirect_vreg.gather [hbm4b:s9+s2], $0x80, v4, vm0, $0xb8;
	[tilespmem:$0x19100] =	vst v63  }
0x43b: {  	s7 =	simm.s32 $0xE900  }
0x43c: {  	[tilespmem:s7], [sflag:$0x2] =	stream.indirect_vreg.gather [hbm4b:s10+s2], $0x80, v4, vm0, $0xb8;
	[tilespmem:$0x19100] =	vst v63  }
0x43d: {  	s12 =	simm.s32 $0xF100  }
0x43e: {  	[tilespmem:s12], [sflag:$0x2] =	stream.indirect_vreg.gather [hbm4b:s1+s2], $0x80, v3, vm0, $0xb8;
	[tilespmem:$0x19100] =	vst v63  }
0x43f: {  	s13 =	simm.s32 $0xF900  }
0x440: {  	[tilespmem:s13], [sflag:$0x2] =	stream.indirect_vreg.gather [hbm4b:s8+s2], $0x80, v3, vm0, $0xb8;
	[tilespmem:$0x19100] =	vst v63  }
0x441: {  	s14 =	simm.s32 $0x10100  }
0x442: {  	[tilespmem:s14], [sflag:$0x2] =	stream.indirect_vreg.gather [hbm4b:s9+s2], $0x80, v3, vm0, $0xb8;
	[tilespmem:$0x19100] =	vst v63  }
0x443: {  	s15 =	simm.s32 $0x10900  }
0x444: {  	[tilespmem:s15], [sflag:$0x2] =	stream.indirect_vreg.gather [hbm4b:s10+s2], $0x80, v3, vm0, $0xb8;
	[tilespmem:$0x19100] =	vst v63  }
0x445: {  	_ =	swait.ge [sflag:s19], $0x8000  }
0x446: {  	s16 =	sld [smem:$0x7FD];
	_ =	sdelay $0x2  }
0x447: {  	p0 =	slt.s32 s16, $0x1  }
.Ltmp27:
0x448: {  	_ = 	snop;
	(pc) =	sbr.rel @p0 .LBB2_39-.Ltmp27, $3  }
0x449: {  	_ =	sdelay $0x1  }
0x44a: {  	[sflag:s19] =	ssyncset.done $0x0  }
0x44b: {  	s4 =	simm.s32 $0x0;
	[sflag:s19] =	ssyncadd.s32 $0xFFFF8000  }
.LBB2_36:
0x44c: {  	v3 =	vmov s4  }
0x44d: {  	v3 =	vand.u32 $0x7F, v3  }
0x44e: {  	s5 =	sshll.u32 s4, $0xA;
	s6 =	sshll.u32 s4, $0x7;
	v3 =	vor.u32 $0x400, v3  }
0x44f: {  	s5 =	sand.u32 $0x6000, s5;
	s6 =	sand.u32 $0x380, s6;
	v3 =	vbroadcast v3, $0x0  }
0x450: {  	s5 =	sor.u32 s6, s5  }
0x451: {  	s16 =	sand.u32 $0x1C00, s2;
	s5 =	sadd.s32 $0x11100, s5  }
0x452: {  	s7 =	sand.u32 $0x70, s2;
	s6 =	sadd.s32 s16, s5  }
0x453: {  	s6 =	sadd.s32 s7, s6  }
0x454: {  	v4 =	vld [tilespmem:s6+$0x0]  }
0x455: {  	v3 =	vld.idx.msk [tilespmem:v3+s30+$0x0], $0xffff;
	_ =	sdelay $0x3  }
0x456: {  	s7 =	simm.s32 $0x80  }
0x457: {  	s13 =	simm.s32 $0x10;
	s12 =	simm.s32 $0x20;
	s14 =	sand.u32 $0x1C00, s7;
	v4 =	vmul.f32 v4, v3  }
.LBB2_37:
0x458: {  	p0 =	sne.s32 s12, $0x3F0;
	s13 =	sand.u32 $0x70, s13;
	s14 =	sadd.s32 s14, s5  }
0x459: {  	[tilespmem:s6+$0x0] =	vst v4;
	s6 =	sadd.s32 s13, s14;
	s13 =	smov.u32 s12  }
0x45a: {  	v4 =	vld [tilespmem:s6+$0x0]  }
.Ltmp28:
0x45b: {  	(pc) =	sbr.rel @p0 .LBB2_37-.Ltmp28, $3  }
0x45c: {  	_ =	sdelay $0x1  }
0x45d: {  	s7 =	sadd.s32 $0x80, s7  }
0x45e: {  	s14 =	sand.u32 $0x1C00, s7;
	s12 =	sadd.s32 $0x10, s12;
	v4 =	vmul.f32 v4, v3  }
0x45f: {  	s7 =	sand.u32 $0x70, s13;
	s5 =	sadd.s32 s14, s5  }
0x460: {  	s5 =	sadd.s32 s7, s5;
	[tilespmem:s6+$0x0] =	vst v4  }
0x461: {  	v4 =	vld [tilespmem:s5+$0x0]  }
0x462: {  	s4 =	sadd.s32 $0x1, s4  }
0x463: {  	p0 =	sne.s32 s4, $0x20  }
.Ltmp29:
0x464: {  	_ = 	snop;
	(pc) =	sbr.rel @p0 .LBB2_36-.Ltmp29, $3  }
0x465: {  	_ = 	snop  }
0x466: {  	v3 =	vmul.f32 v4, v3;
	_ =	sdelay $0x1  }
0x467: {  	[tilespmem:s5+$0x0] =	vst v3  }
.LBB2_39:
0x468: {  	s2 =	simm.s32 $0x0;
	s4 =	rddreg [dreg:$0x9]  }
0x469: {  	[hbm4b:s4+s2] =	stream.linear.scatter [tilespmem:s18], [sflag:$0x6], $0x8000, $0x38;
	[tilespmem:$0x19100] =	vst v63  }
0x46a: {  	_ =	swait.ge [sflag:s11], $0x8000  }
0x46b: {  	[sflag:s11] =	ssyncset.done $0x0  }
0x46c: {  	[sflag:s11] =	ssyncadd.s32 $0xFFFF8000  }
0x46d: {  	v3 =	vld [tilespmem:$0x580];
	_ =	sdelay $0x4  }
0x46e: {  	v4 =	vshll.u32 v3, $0x3  }
0x46f: {  	v3 =	vand.u32 $0x7, v3;
	v4 =	vand.u32 $0xFFFFFFC0, v4  }
0x470: {  	v3 =	vor.u32 v3, v4  }
0x471: {  	v4 =	vperm.xlane v3, v0;
	_ =	sdelay $0x1  }
0x472: {  	v4 =	vadd.s32 v1, v4;
	_ =	sdelay $0x4  }
0x473: {  	[tilespmem:s18], [sflag:$0x3] =	stream.indirect_vreg.gather [hbm4b:s1+s2], $0x80, v4, vm0, $0xb8;
	[tilespmem:$0x19100] =	vst v63  }
0x474: {  	v3 =	vperm.xlane v3, v2  }
0x475: {  	[tilespmem:s28], [sflag:$0x3] =	stream.indirect_vreg.gather [hbm4b:s8+s2], $0x80, v4, vm0, $0xb8;
	[tilespmem:$0x19100] =	vst v63  }
0x476: {  	s6 =	simm.s32 $0x12100;
	v3 =	vadd.s32 v1, v3  }
0x477: {  	[tilespmem:s6], [sflag:$0x3] =	stream.indirect_vreg.gather [hbm4b:s9+s2], $0x80, v4, vm0, $0xb8;
	[tilespmem:$0x19100] =	vst v63  }
0x478: {  	s7 =	simm.s32 $0x12900  }
0x479: {  	[tilespmem:s7], [sflag:$0x3] =	stream.indirect_vreg.gather [hbm4b:s10+s2], $0x80, v4, vm0, $0xb8;
	[tilespmem:$0x19100] =	vst v63  }
0x47a: {  	s12 =	simm.s32 $0x13100  }
0x47b: {  	[tilespmem:s12], [sflag:$0x3] =	stream.indirect_vreg.gather [hbm4b:s1+s2], $0x80, v3, vm0, $0xb8;
	[tilespmem:$0x19100] =	vst v63  }
0x47c: {  	s13 =	simm.s32 $0x13900  }
0x47d: {  	[tilespmem:s13], [sflag:$0x3] =	stream.indirect_vreg.gather [hbm4b:s8+s2], $0x80, v3, vm0, $0xb8;
	[tilespmem:$0x19100] =	vst v63  }
0x47e: {  	s14 =	simm.s32 $0x14100  }
0x47f: {  	[tilespmem:s14], [sflag:$0x3] =	stream.indirect_vreg.gather [hbm4b:s9+s2], $0x80, v3, vm0, $0xb8;
	[tilespmem:$0x19100] =	vst v63  }
0x480: {  	s15 =	simm.s32 $0x14900  }
0x481: {  	[tilespmem:s15], [sflag:$0x3] =	stream.indirect_vreg.gather [hbm4b:s10+s2], $0x80, v3, vm0, $0xb8;
	[tilespmem:$0x19100] =	vst v63  }
0x482: {  	v3 =	vld [tilespmem:$0x590];
	_ =	sdelay $0x4  }
0x483: {  	v63 =	vshll.u32 v3, $0x3  }
0x484: {  	v3 =	vand.u32 $0x7, v3;
	v4 =	vand.u32 $0xFFFFFFC0, v63  }
0x485: {  	v3 =	vor.u32 v3, v4  }
0x486: {  	v4 =	vperm.xlane v3, v0;
	_ =	sdelay $0x1  }
0x487: {  	v4 =	vadd.s32 v1, v4;
	_ =	sdelay $0x3  }
0x488: {  	s16 =	simm.s32 $0x15100  }
0x489: {  	[tilespmem:s16], [sflag:$0x3] =	stream.indirect_vreg.gather [hbm4b:s1+s2], $0x80, v4, vm0, $0xb8;
	[tilespmem:$0x19100] =	vst v63  }
0x48a: {  	s5 =	simm.s32 $0x15900;
	v3 =	vperm.xlane v3, v2  }
0x48b: {  	[tilespmem:s5], [sflag:$0x3] =	stream.indirect_vreg.gather [hbm4b:s8+s2], $0x80, v4, vm0, $0xb8;
	[tilespmem:$0x19100] =	vst v63  }
0x48c: {  	s6 =	simm.s32 $0x16100;
	v3 =	vadd.s32 v1, v3  }
0x48d: {  	[tilespmem:s6], [sflag:$0x3] =	stream.indirect_vreg.gather [hbm4b:s9+s2], $0x80, v4, vm0, $0xb8;
	[tilespmem:$0x19100] =	vst v63  }
0x48e: {  	s7 =	simm.s32 $0x16900  }
0x48f: {  	[tilespmem:s7], [sflag:$0x3] =	stream.indirect_vreg.gather [hbm4b:s10+s2], $0x80, v4, vm0, $0xb8;
	[tilespmem:$0x19100] =	vst v63  }
0x490: {  	s12 =	simm.s32 $0x17100  }
0x491: {  	[tilespmem:s12], [sflag:$0x3] =	stream.indirect_vreg.gather [hbm4b:s1+s2], $0x80, v3, vm0, $0xb8;
	[tilespmem:$0x19100] =	vst v63  }
0x492: {  	s13 =	simm.s32 $0x17900  }
0x493: {  	[tilespmem:s13], [sflag:$0x3] =	stream.indirect_vreg.gather [hbm4b:s8+s2], $0x80, v3, vm0, $0xb8;
	[tilespmem:$0x19100] =	vst v63  }
0x494: {  	s14 =	simm.s32 $0x18100  }
0x495: {  	[tilespmem:s14], [sflag:$0x3] =	stream.indirect_vreg.gather [hbm4b:s9+s2], $0x80, v3, vm0, $0xb8;
	[tilespmem:$0x19100] =	vst v63  }
0x496: {  	s15 =	simm.s32 $0x18900  }
0x497: {  	[tilespmem:s15], [sflag:$0x3] =	stream.indirect_vreg.gather [hbm4b:s10+s2], $0x80, v3, vm0, $0xb8;
	[tilespmem:$0x19100] =	vst v63  }
0x498: {  	_ =	swait.ge [sflag:s26], $0x8000  }
0x499: {  	s16 =	rddreg [dreg:$0x1f]  }
0x49a: {  	p0 =	slt.s32 s16, $0x1  }
.Ltmp30:
0x49b: {  	_ = 	snop;
	(pc) =	sbr.rel @p0 .LBB2_43-.Ltmp30, $3  }
0x49c: {  	_ =	sdelay $0x1  }
0x49d: {  	[sflag:s26] =	ssyncset.done $0x0  }
0x49e: {  	s4 =	simm.s32 $0x0;
	[sflag:s26] =	ssyncadd.s32 $0xFFFF8000  }
.LBB2_40:
0x49f: {  	v3 =	vmov s4  }
0x4a0: {  	v3 =	vand.u32 $0x7F, v3  }
0x4a1: {  	s5 =	sshll.u32 s4, $0xA;
	s6 =	sshll.u32 s4, $0x7;
	v3 =	vor.u32 $0x480, v3  }
0x4a2: {  	s5 =	sand.u32 $0x6000, s5;
	s6 =	sand.u32 $0x380, s6;
	v3 =	vbroadcast v3, $0x0  }
0x4a3: {  	s5 =	sor.u32 s6, s5  }
0x4a4: {  	s16 =	sand.u32 $0x1C00, s2;
	s5 =	sadd.s32 $0x1100, s5  }
0x4a5: {  	s7 =	sand.u32 $0x70, s2;
	s6 =	sadd.s32 s16, s5  }
0x4a6: {  	s6 =	sadd.s32 s7, s6  }
0x4a7: {  	v4 =	vld [tilespmem:s6+$0x0]  }
0x4a8: {  	v3 =	vld.idx.msk [tilespmem:v3+s30+$0x0], $0xffff;
	_ =	sdelay $0x3  }
0x4a9: {  	s7 =	simm.s32 $0x80  }
0x4aa: {  	s13 =	simm.s32 $0x10;
	s12 =	simm.s32 $0x20;
	s14 =	sand.u32 $0x1C00, s7;
	v4 =	vmul.f32 v4, v3  }
.LBB2_41:
0x4ab: {  	p0 =	sne.s32 s12, $0x3F0;
	s13 =	sand.u32 $0x70, s13;
	s14 =	sadd.s32 s14, s5  }
0x4ac: {  	[tilespmem:s6+$0x0] =	vst v4;
	s6 =	sadd.s32 s13, s14;
	s13 =	smov.u32 s12  }
0x4ad: {  	v4 =	vld [tilespmem:s6+$0x0]  }
.Ltmp31:
0x4ae: {  	(pc) =	sbr.rel @p0 .LBB2_41-.Ltmp31, $3  }
0x4af: {  	_ =	sdelay $0x1  }
0x4b0: {  	s7 =	sadd.s32 $0x80, s7  }
0x4b1: {  	s14 =	sand.u32 $0x1C00, s7;
	s12 =	sadd.s32 $0x10, s12;
	v4 =	vmul.f32 v4, v3  }
0x4b2: {  	s7 =	sand.u32 $0x70, s13;
	s5 =	sadd.s32 s14, s5  }
0x4b3: {  	s5 =	sadd.s32 s7, s5;
	[tilespmem:s6+$0x0] =	vst v4  }
0x4b4: {  	v4 =	vld [tilespmem:s5+$0x0]  }
0x4b5: {  	s4 =	sadd.s32 $0x1, s4  }
0x4b6: {  	p0 =	sne.s32 s4, $0x20  }
.Ltmp32:
0x4b7: {  	_ = 	snop;
	(pc) =	sbr.rel @p0 .LBB2_40-.Ltmp32, $3  }
0x4b8: {  	_ = 	snop  }
0x4b9: {  	v3 =	vmul.f32 v4, v3;
	_ =	sdelay $0x1  }
0x4ba: {  	[tilespmem:s5+$0x0] =	vst v3  }
.LBB2_43:
0x4bb: {  	s2 =	simm.s32 $0x0;
	s4 =	rddreg [dreg:$0xc]  }
0x4bc: {  	[hbm4b:s4+s2] =	stream.linear.scatter [tilespmem:s0], [sflag:$0x4], $0x8000, $0x38;
	[tilespmem:$0x19100] =	vst v63  }
0x4bd: {  	_ =	swait.ge [sflag:s17], $0x8000  }
0x4be: {  	[sflag:s17] =	ssyncset.done $0x0  }
0x4bf: {  	[sflag:s17] =	ssyncadd.s32 $0xFFFF8000  }
0x4c0: {  	v3 =	vld [tilespmem:$0x600];
	_ =	sdelay $0x4  }
0x4c1: {  	v4 =	vshll.u32 v3, $0x3  }
0x4c2: {  	v3 =	vand.u32 $0x7, v3;
	v4 =	vand.u32 $0xFFFFFFC0, v4  }
0x4c3: {  	v3 =	vor.u32 v3, v4  }
0x4c4: {  	v4 =	vperm.xlane v3, v0;
	_ =	sdelay $0x1  }
0x4c5: {  	v4 =	vadd.s32 v1, v4;
	_ =	sdelay $0x4  }
0x4c6: {  	[tilespmem:s0], [sflag:$0x1] =	stream.indirect_vreg.gather [hbm4b:s1+s2], $0x80, v4, vm0, $0xb8;
	[tilespmem:$0x19100] =	vst v63  }
0x4c7: {  	s13 =	simm.s32 $0x1900;
	v3 =	vperm.xlane v3, v2  }
0x4c8: {  	[tilespmem:s13], [sflag:$0x1] =	stream.indirect_vreg.gather [hbm4b:s8+s2], $0x80, v4, vm0, $0xb8;
	[tilespmem:$0x19100] =	vst v63  }
0x4c9: {  	s14 =	simm.s32 $0x2100;
	v3 =	vadd.s32 v1, v3  }
0x4ca: {  	[tilespmem:s14], [sflag:$0x1] =	stream.indirect_vreg.gather [hbm4b:s9+s2], $0x80, v4, vm0, $0xb8;
	[tilespmem:$0x19100] =	vst v63  }
0x4cb: {  	s15 =	simm.s32 $0x2900  }
0x4cc: {  	[tilespmem:s15], [sflag:$0x1] =	stream.indirect_vreg.gather [hbm4b:s10+s2], $0x80, v4, vm0, $0xb8;
	[tilespmem:$0x19100] =	vst v63  }
0x4cd: {  	s16 =	simm.s32 $0x3100  }
0x4ce: {  	[tilespmem:s16], [sflag:$0x1] =	stream.indirect_vreg.gather [hbm4b:s1+s2], $0x80, v3, vm0, $0xb8;
	[tilespmem:$0x19100] =	vst v63  }
0x4cf: {  	s5 =	simm.s32 $0x3900  }
0x4d0: {  	[tilespmem:s5], [sflag:$0x1] =	stream.indirect_vreg.gather [hbm4b:s8+s2], $0x80, v3, vm0, $0xb8;
	[tilespmem:$0x19100] =	vst v63  }
0x4d1: {  	_ = 	snop  }
0x4d2: {  	[tilespmem:s20], [sflag:$0x1] =	stream.indirect_vreg.gather [hbm4b:s9+s2], $0x80, v3, vm0, $0xb8;
	[tilespmem:$0x19100] =	vst v63  }
0x4d3: {  	s6 =	simm.s32 $0x4900  }
0x4d4: {  	[tilespmem:s6], [sflag:$0x1] =	stream.indirect_vreg.gather [hbm4b:s10+s2], $0x80, v3, vm0, $0xb8;
	[tilespmem:$0x19100] =	vst v63  }
0x4d5: {  	v3 =	vld [tilespmem:$0x610];
	_ =	sdelay $0x4  }
0x4d6: {  	v63 =	vshll.u32 v3, $0x3  }
0x4d7: {  	v3 =	vand.u32 $0x7, v3;
	v4 =	vand.u32 $0xFFFFFFC0, v63  }
0x4d8: {  	v3 =	vor.u32 v3, v4  }
0x4d9: {  	v4 =	vperm.xlane v3, v0;
	_ =	sdelay $0x1  }
0x4da: {  	v4 =	vadd.s32 v1, v4;
	_ =	sdelay $0x3  }
0x4db: {  	s7 =	simm.s32 $0x5100  }
0x4dc: {  	[tilespmem:s7], [sflag:$0x1] =	stream.indirect_vreg.gather [hbm4b:s1+s2], $0x80, v4, vm0, $0xb8;
	[tilespmem:$0x19100] =	vst v63  }
0x4dd: {  	s12 =	simm.s32 $0x5900;
	v3 =	vperm.xlane v3, v2  }
0x4de: {  	[tilespmem:s12], [sflag:$0x1] =	stream.indirect_vreg.gather [hbm4b:s8+s2], $0x80, v4, vm0, $0xb8;
	[tilespmem:$0x19100] =	vst v63  }
0x4df: {  	v3 =	vadd.s32 v1, v3  }
0x4e0: {  	[tilespmem:s21], [sflag:$0x1] =	stream.indirect_vreg.gather [hbm4b:s9+s2], $0x80, v4, vm0, $0xb8;
	[tilespmem:$0x19100] =	vst v63  }
0x4e1: {  	s13 =	simm.s32 $0x6900  }
0x4e2: {  	[tilespmem:s13], [sflag:$0x1] =	stream.indirect_vreg.gather [hbm4b:s10+s2], $0x80, v4, vm0, $0xb8;
	[tilespmem:$0x19100] =	vst v63  }
0x4e3: {  	_ = 	snop  }
0x4e4: {  	[tilespmem:s25], [sflag:$0x1] =	stream.indirect_vreg.gather [hbm4b:s1+s2], $0x80, v3, vm0, $0xb8;
	[tilespmem:$0x19100] =	vst v63  }
0x4e5: {  	s14 =	simm.s32 $0x7900  }
0x4e6: {  	[tilespmem:s14], [sflag:$0x1] =	stream.indirect_vreg.gather [hbm4b:s8+s2], $0x80, v3, vm0, $0xb8;
	[tilespmem:$0x19100] =	vst v63  }
0x4e7: {  	_ = 	snop  }
0x4e8: {  	[tilespmem:s22], [sflag:$0x1] =	stream.indirect_vreg.gather [hbm4b:s9+s2], $0x80, v3, vm0, $0xb8;
	[tilespmem:$0x19100] =	vst v63  }
0x4e9: {  	s15 =	simm.s32 $0x8900;
	s16 =	simm.s32 $0x2  }
0x4ea: {  	[tilespmem:s15], [sflag:$0x1] =	stream.indirect_vreg.gather [hbm4b:s10+s2], $0x80, v3, vm0, $0xb8;
	[tilespmem:$0x19100] =	vst v63  }
0x4eb: {  	_ =	swait.ge [sflag:s16], $0x8000  }
0x4ec: {  	s5 =	rddreg [dreg:$0x1e]  }
0x4ed: {  	p0 =	slt.s32 s5, $0x1  }
.Ltmp33:
0x4ee: {  	_ = 	snop;
	(pc) =	sbr.rel @p0 .LBB2_47-.Ltmp33, $3  }
0x4ef: {  	_ =	sdelay $0x1  }
0x4f0: {  	[sflag:s16] =	ssyncset.done $0x0  }
0x4f1: {  	s4 =	simm.s32 $0x0;
	[sflag:s16] =	ssyncadd.s32 $0xFFFF8000  }
.LBB2_44:
0x4f2: {  	v3 =	vmov s4  }
0x4f3: {  	v3 =	vand.u32 $0x7F, v3  }
0x4f4: {  	s5 =	sshll.u32 s4, $0xA;
	s6 =	sshll.u32 s4, $0x7;
	v3 =	vor.u32 $0x500, v3  }
0x4f5: {  	s5 =	sand.u32 $0x6000, s5;
	s6 =	sand.u32 $0x380, s6;
	v3 =	vbroadcast v3, $0x0  }
0x4f6: {  	s5 =	sor.u32 s6, s5  }
0x4f7: {  	s16 =	sand.u32 $0x1C00, s2;
	s5 =	sadd.s32 $0x9100, s5  }
0x4f8: {  	s7 =	sand.u32 $0x70, s2;
	s6 =	sadd.s32 s16, s5  }
0x4f9: {  	s6 =	sadd.s32 s7, s6  }
0x4fa: {  	v4 =	vld [tilespmem:s6+$0x0]  }
0x4fb: {  	v3 =	vld.idx.msk [tilespmem:v3+s30+$0x0], $0xffff;
	_ =	sdelay $0x3  }
0x4fc: {  	s7 =	simm.s32 $0x80  }
0x4fd: {  	s13 =	simm.s32 $0x10;
	s12 =	simm.s32 $0x20;
	s14 =	sand.u32 $0x1C00, s7;
	v4 =	vmul.f32 v4, v3  }
.LBB2_45:
0x4fe: {  	p0 =	sne.s32 s12, $0x3F0;
	s13 =	sand.u32 $0x70, s13;
	s14 =	sadd.s32 s14, s5  }
0x4ff: {  	[tilespmem:s6+$0x0] =	vst v4;
	s6 =	sadd.s32 s13, s14;
	s13 =	smov.u32 s12  }
0x500: {  	v4 =	vld [tilespmem:s6+$0x0]  }
.Ltmp34:
0x501: {  	(pc) =	sbr.rel @p0 .LBB2_45-.Ltmp34, $3  }
0x502: {  	_ =	sdelay $0x1  }
0x503: {  	s7 =	sadd.s32 $0x80, s7  }
0x504: {  	s14 =	sand.u32 $0x1C00, s7;
	s12 =	sadd.s32 $0x10, s12;
	v4 =	vmul.f32 v4, v3  }
0x505: {  	s7 =	sand.u32 $0x70, s13;
	s5 =	sadd.s32 s14, s5  }
0x506: {  	s5 =	sadd.s32 s7, s5;
	[tilespmem:s6+$0x0] =	vst v4  }
0x507: {  	v4 =	vld [tilespmem:s5+$0x0]  }
0x508: {  	s4 =	sadd.s32 $0x1, s4  }
0x509: {  	p0 =	sne.s32 s4, $0x20  }
.Ltmp35:
0x50a: {  	_ = 	snop;
	(pc) =	sbr.rel @p0 .LBB2_44-.Ltmp35, $3  }
0x50b: {  	_ = 	snop  }
0x50c: {  	v3 =	vmul.f32 v4, v3;
	_ =	sdelay $0x1  }
0x50d: {  	[tilespmem:s5+$0x0] =	vst v3  }
.LBB2_47:
0x50e: {  	s2 =	simm.s32 $0x0;
	s4 =	rddreg [dreg:$0x10]  }
0x50f: {  	[hbm4b:s4+s2] =	stream.linear.scatter [tilespmem:s24], [sflag:$0x5], $0x8000, $0x38;
	[tilespmem:$0x19100] =	vst v63  }
0x510: {  	_ =	swait.ge [sflag:s23], $0x8000  }
0x511: {  	[sflag:s23] =	ssyncset.done $0x0  }
0x512: {  	[sflag:s23] =	ssyncadd.s32 $0xFFFF8000  }
0x513: {  	v3 =	vld [tilespmem:$0x680];
	_ =	sdelay $0x4  }
0x514: {  	v4 =	vshll.u32 v3, $0x3  }
0x515: {  	v3 =	vand.u32 $0x7, v3;
	v4 =	vand.u32 $0xFFFFFFC0, v4  }
0x516: {  	v3 =	vor.u32 v3, v4  }
0x517: {  	v4 =	vperm.xlane v3, v0;
	_ =	sdelay $0x1  }
0x518: {  	v4 =	vadd.s32 v1, v4;
	_ =	sdelay $0x4  }
0x519: {  	[tilespmem:s24], [sflag:$0x2] =	stream.indirect_vreg.gather [hbm4b:s1+s2], $0x80, v4, vm0, $0xb8;
	[tilespmem:$0x19100] =	vst v63  }
0x51a: {  	s5 =	simm.s32 $0x9900;
	v3 =	vperm.xlane v3, v2  }
0x51b: {  	[tilespmem:s5], [sflag:$0x2] =	stream.indirect_vreg.gather [hbm4b:s8+s2], $0x80, v4, vm0, $0xb8;
	[tilespmem:$0x19100] =	vst v63  }
0x51c: {  	s6 =	simm.s32 $0xA100;
	v3 =	vadd.s32 v1, v3  }
0x51d: {  	[tilespmem:s6], [sflag:$0x2] =	stream.indirect_vreg.gather [hbm4b:s9+s2], $0x80, v4, vm0, $0xb8;
	[tilespmem:$0x19100] =	vst v63  }
0x51e: {  	s7 =	simm.s32 $0xA900  }
0x51f: {  	[tilespmem:s7], [sflag:$0x2] =	stream.indirect_vreg.gather [hbm4b:s10+s2], $0x80, v4, vm0, $0xb8;
	[tilespmem:$0x19100] =	vst v63  }
0x520: {  	s12 =	simm.s32 $0xB100  }
0x521: {  	[tilespmem:s12], [sflag:$0x2] =	stream.indirect_vreg.gather [hbm4b:s1+s2], $0x80, v3, vm0, $0xb8;
	[tilespmem:$0x19100] =	vst v63  }
0x522: {  	s13 =	simm.s32 $0xB900  }
0x523: {  	[tilespmem:s13], [sflag:$0x2] =	stream.indirect_vreg.gather [hbm4b:s8+s2], $0x80, v3, vm0, $0xb8;
	[tilespmem:$0x19100] =	vst v63  }
0x524: {  	s14 =	simm.s32 $0xC100  }
0x525: {  	[tilespmem:s14], [sflag:$0x2] =	stream.indirect_vreg.gather [hbm4b:s9+s2], $0x80, v3, vm0, $0xb8;
	[tilespmem:$0x19100] =	vst v63  }
0x526: {  	s15 =	simm.s32 $0xC900  }
0x527: {  	[tilespmem:s15], [sflag:$0x2] =	stream.indirect_vreg.gather [hbm4b:s10+s2], $0x80, v3, vm0, $0xb8;
	[tilespmem:$0x19100] =	vst v63  }
0x528: {  	v3 =	vld [tilespmem:$0x690];
	_ =	sdelay $0x4  }
0x529: {  	v63 =	vshll.u32 v3, $0x3  }
0x52a: {  	v3 =	vand.u32 $0x7, v3;
	v4 =	vand.u32 $0xFFFFFFC0, v63  }
0x52b: {  	v3 =	vor.u32 v3, v4  }
0x52c: {  	v4 =	vperm.xlane v3, v0;
	_ =	sdelay $0x1  }
0x52d: {  	v4 =	vadd.s32 v1, v4;
	_ =	sdelay $0x3  }
0x52e: {  	s16 =	simm.s32 $0xD100  }
0x52f: {  	[tilespmem:s16], [sflag:$0x2] =	stream.indirect_vreg.gather [hbm4b:s1+s2], $0x80, v4, vm0, $0xb8;
	[tilespmem:$0x19100] =	vst v63  }
0x530: {  	s5 =	simm.s32 $0xD900;
	v3 =	vperm.xlane v3, v2  }
0x531: {  	[tilespmem:s5], [sflag:$0x2] =	stream.indirect_vreg.gather [hbm4b:s8+s2], $0x80, v4, vm0, $0xb8;
	[tilespmem:$0x19100] =	vst v63  }
0x532: {  	s6 =	simm.s32 $0xE100;
	v3 =	vadd.s32 v1, v3  }
0x533: {  	[tilespmem:s6], [sflag:$0x2] =	stream.indirect_vreg.gather [hbm4b:s9+s2], $0x80, v4, vm0, $0xb8;
	[tilespmem:$0x19100] =	vst v63  }
0x534: {  	s7 =	simm.s32 $0xE900  }
0x535: {  	[tilespmem:s7], [sflag:$0x2] =	stream.indirect_vreg.gather [hbm4b:s10+s2], $0x80, v4, vm0, $0xb8;
	[tilespmem:$0x19100] =	vst v63  }
0x536: {  	s12 =	simm.s32 $0xF100  }
0x537: {  	[tilespmem:s12], [sflag:$0x2] =	stream.indirect_vreg.gather [hbm4b:s1+s2], $0x80, v3, vm0, $0xb8;
	[tilespmem:$0x19100] =	vst v63  }
0x538: {  	s13 =	simm.s32 $0xF900  }
0x539: {  	[tilespmem:s13], [sflag:$0x2] =	stream.indirect_vreg.gather [hbm4b:s8+s2], $0x80, v3, vm0, $0xb8;
	[tilespmem:$0x19100] =	vst v63  }
0x53a: {  	s14 =	simm.s32 $0x10100  }
0x53b: {  	[tilespmem:s14], [sflag:$0x2] =	stream.indirect_vreg.gather [hbm4b:s9+s2], $0x80, v3, vm0, $0xb8;
	[tilespmem:$0x19100] =	vst v63  }
0x53c: {  	s15 =	simm.s32 $0x10900  }
0x53d: {  	[tilespmem:s15], [sflag:$0x2] =	stream.indirect_vreg.gather [hbm4b:s10+s2], $0x80, v3, vm0, $0xb8;
	[tilespmem:$0x19100] =	vst v63  }
0x53e: {  	_ =	swait.ge [sflag:s19], $0x8000  }
0x53f: {  	s16 =	rddreg [dreg:$0x1d]  }
0x540: {  	p0 =	slt.s32 s16, $0x1  }
.Ltmp36:
0x541: {  	_ = 	snop;
	(pc) =	sbr.rel @p0 .LBB2_51-.Ltmp36, $3  }
0x542: {  	_ =	sdelay $0x1  }
0x543: {  	[sflag:s19] =	ssyncset.done $0x0  }
0x544: {  	s4 =	simm.s32 $0x0;
	[sflag:s19] =	ssyncadd.s32 $0xFFFF8000  }
.LBB2_48:
0x545: {  	v3 =	vmov s4  }
0x546: {  	v3 =	vand.u32 $0x7F, v3  }
0x547: {  	s5 =	sshll.u32 s4, $0xA;
	s6 =	sshll.u32 s4, $0x7;
	v3 =	vor.u32 $0x580, v3  }
0x548: {  	s5 =	sand.u32 $0x6000, s5;
	s6 =	sand.u32 $0x380, s6;
	v3 =	vbroadcast v3, $0x0  }
0x549: {  	s5 =	sor.u32 s6, s5  }
0x54a: {  	s16 =	sand.u32 $0x1C00, s2;
	s5 =	sadd.s32 $0x11100, s5  }
0x54b: {  	s7 =	sand.u32 $0x70, s2;
	s6 =	sadd.s32 s16, s5  }
0x54c: {  	s6 =	sadd.s32 s7, s6  }
0x54d: {  	v4 =	vld [tilespmem:s6+$0x0]  }
0x54e: {  	v3 =	vld.idx.msk [tilespmem:v3+s30+$0x0], $0xffff;
	_ =	sdelay $0x3  }
0x54f: {  	s7 =	simm.s32 $0x80  }
0x550: {  	s13 =	simm.s32 $0x10;
	s12 =	simm.s32 $0x20;
	s14 =	sand.u32 $0x1C00, s7;
	v4 =	vmul.f32 v4, v3  }
.LBB2_49:
0x551: {  	p0 =	sne.s32 s12, $0x3F0;
	s13 =	sand.u32 $0x70, s13;
	s14 =	sadd.s32 s14, s5  }
0x552: {  	[tilespmem:s6+$0x0] =	vst v4;
	s6 =	sadd.s32 s13, s14;
	s13 =	smov.u32 s12  }
0x553: {  	v4 =	vld [tilespmem:s6+$0x0]  }
.Ltmp37:
0x554: {  	(pc) =	sbr.rel @p0 .LBB2_49-.Ltmp37, $3  }
0x555: {  	_ =	sdelay $0x1  }
0x556: {  	s7 =	sadd.s32 $0x80, s7  }
0x557: {  	s14 =	sand.u32 $0x1C00, s7;
	s12 =	sadd.s32 $0x10, s12;
	v4 =	vmul.f32 v4, v3  }
0x558: {  	s7 =	sand.u32 $0x70, s13;
	s5 =	sadd.s32 s14, s5  }
0x559: {  	s5 =	sadd.s32 s7, s5;
	[tilespmem:s6+$0x0] =	vst v4  }
0x55a: {  	v4 =	vld [tilespmem:s5+$0x0]  }
0x55b: {  	s4 =	sadd.s32 $0x1, s4  }
0x55c: {  	p0 =	sne.s32 s4, $0x20  }
.Ltmp38:
0x55d: {  	_ = 	snop;
	(pc) =	sbr.rel @p0 .LBB2_48-.Ltmp38, $3  }
0x55e: {  	_ = 	snop  }
0x55f: {  	v3 =	vmul.f32 v4, v3;
	_ =	sdelay $0x1  }
0x560: {  	[tilespmem:s5+$0x0] =	vst v3  }
.LBB2_51:
0x561: {  	s2 =	simm.s32 $0x0;
	s4 =	rddreg [dreg:$0x15]  }
0x562: {  	[hbm4b:s4+s2] =	stream.linear.scatter [tilespmem:s18], [sflag:$0x6], $0x8000, $0x38;
	[tilespmem:$0x19100] =	vst v63  }
0x563: {  	_ =	swait.ge [sflag:s11], $0x8000  }
0x564: {  	[sflag:s11] =	ssyncset.done $0x0  }
0x565: {  	[sflag:s11] =	ssyncadd.s32 $0xFFFF8000  }
0x566: {  	v3 =	vld [tilespmem:$0x700];
	_ =	sdelay $0x4  }
0x567: {  	v4 =	vshll.u32 v3, $0x3  }
0x568: {  	v3 =	vand.u32 $0x7, v3;
	v4 =	vand.u32 $0xFFFFFFC0, v4  }
0x569: {  	v3 =	vor.u32 v3, v4  }
0x56a: {  	v4 =	vperm.xlane v3, v0;
	_ =	sdelay $0x1  }
0x56b: {  	v4 =	vadd.s32 v1, v4;
	_ =	sdelay $0x4  }
0x56c: {  	[tilespmem:s18], [sflag:$0x3] =	stream.indirect_vreg.gather [hbm4b:s1+s2], $0x80, v4, vm0, $0xb8;
	[tilespmem:$0x19100] =	vst v63  }
0x56d: {  	v3 =	vperm.xlane v3, v2  }
0x56e: {  	[tilespmem:s28], [sflag:$0x3] =	stream.indirect_vreg.gather [hbm4b:s8+s2], $0x80, v4, vm0, $0xb8;
	[tilespmem:$0x19100] =	vst v63  }
0x56f: {  	s6 =	simm.s32 $0x12100;
	v3 =	vadd.s32 v1, v3  }
0x570: {  	[tilespmem:s6], [sflag:$0x3] =	stream.indirect_vreg.gather [hbm4b:s9+s2], $0x80, v4, vm0, $0xb8;
	[tilespmem:$0x19100] =	vst v63  }
0x571: {  	s7 =	simm.s32 $0x12900  }
0x572: {  	[tilespmem:s7], [sflag:$0x3] =	stream.indirect_vreg.gather [hbm4b:s10+s2], $0x80, v4, vm0, $0xb8;
	[tilespmem:$0x19100] =	vst v63  }
0x573: {  	s12 =	simm.s32 $0x13100  }
0x574: {  	[tilespmem:s12], [sflag:$0x3] =	stream.indirect_vreg.gather [hbm4b:s1+s2], $0x80, v3, vm0, $0xb8;
	[tilespmem:$0x19100] =	vst v63  }
0x575: {  	s13 =	simm.s32 $0x13900  }
0x576: {  	[tilespmem:s13], [sflag:$0x3] =	stream.indirect_vreg.gather [hbm4b:s8+s2], $0x80, v3, vm0, $0xb8;
	[tilespmem:$0x19100] =	vst v63  }
0x577: {  	s14 =	simm.s32 $0x14100  }
0x578: {  	[tilespmem:s14], [sflag:$0x3] =	stream.indirect_vreg.gather [hbm4b:s9+s2], $0x80, v3, vm0, $0xb8;
	[tilespmem:$0x19100] =	vst v63  }
0x579: {  	s15 =	simm.s32 $0x14900  }
0x57a: {  	[tilespmem:s15], [sflag:$0x3] =	stream.indirect_vreg.gather [hbm4b:s10+s2], $0x80, v3, vm0, $0xb8;
	[tilespmem:$0x19100] =	vst v63  }
0x57b: {  	v3 =	vld [tilespmem:$0x710];
	_ =	sdelay $0x4  }
0x57c: {  	v63 =	vshll.u32 v3, $0x3  }
0x57d: {  	v3 =	vand.u32 $0x7, v3;
	v4 =	vand.u32 $0xFFFFFFC0, v63  }
0x57e: {  	v3 =	vor.u32 v3, v4  }
0x57f: {  	v4 =	vperm.xlane v3, v0;
	_ =	sdelay $0x1  }
0x580: {  	v4 =	vadd.s32 v1, v4;
	_ =	sdelay $0x3  }
0x581: {  	s16 =	simm.s32 $0x15100  }
0x582: {  	[tilespmem:s16], [sflag:$0x3] =	stream.indirect_vreg.gather [hbm4b:s1+s2], $0x80, v4, vm0, $0xb8;
	[tilespmem:$0x19100] =	vst v63  }
0x583: {  	s5 =	simm.s32 $0x15900;
	v3 =	vperm.xlane v3, v2  }
0x584: {  	[tilespmem:s5], [sflag:$0x3] =	stream.indirect_vreg.gather [hbm4b:s8+s2], $0x80, v4, vm0, $0xb8;
	[tilespmem:$0x19100] =	vst v63  }
0x585: {  	s6 =	simm.s32 $0x16100;
	v3 =	vadd.s32 v1, v3  }
0x586: {  	[tilespmem:s6], [sflag:$0x3] =	stream.indirect_vreg.gather [hbm4b:s9+s2], $0x80, v4, vm0, $0xb8;
	[tilespmem:$0x19100] =	vst v63  }
0x587: {  	s7 =	simm.s32 $0x16900  }
0x588: {  	[tilespmem:s7], [sflag:$0x3] =	stream.indirect_vreg.gather [hbm4b:s10+s2], $0x80, v4, vm0, $0xb8;
	[tilespmem:$0x19100] =	vst v63  }
0x589: {  	s12 =	simm.s32 $0x17100  }
0x58a: {  	[tilespmem:s12], [sflag:$0x3] =	stream.indirect_vreg.gather [hbm4b:s1+s2], $0x80, v3, vm0, $0xb8;
	[tilespmem:$0x19100] =	vst v63  }
0x58b: {  	s13 =	simm.s32 $0x17900  }
0x58c: {  	[tilespmem:s13], [sflag:$0x3] =	stream.indirect_vreg.gather [hbm4b:s8+s2], $0x80, v3, vm0, $0xb8;
	[tilespmem:$0x19100] =	vst v63  }
0x58d: {  	s14 =	simm.s32 $0x18100  }
0x58e: {  	[tilespmem:s14], [sflag:$0x3] =	stream.indirect_vreg.gather [hbm4b:s9+s2], $0x80, v3, vm0, $0xb8;
	[tilespmem:$0x19100] =	vst v63  }
0x58f: {  	s15 =	simm.s32 $0x18900  }
0x590: {  	[tilespmem:s15], [sflag:$0x3] =	stream.indirect_vreg.gather [hbm4b:s10+s2], $0x80, v3, vm0, $0xb8;
	[tilespmem:$0x19100] =	vst v63  }
0x591: {  	_ =	swait.ge [sflag:s26], $0x8000  }
0x592: {  	s16 =	rddreg [dreg:$0x1c]  }
0x593: {  	p0 =	slt.s32 s16, $0x1  }
.Ltmp39:
0x594: {  	_ = 	snop;
	(pc) =	sbr.rel @p0 .LBB2_55-.Ltmp39, $3  }
0x595: {  	_ =	sdelay $0x1  }
0x596: {  	[sflag:s26] =	ssyncset.done $0x0  }
0x597: {  	s4 =	simm.s32 $0x0;
	[sflag:s26] =	ssyncadd.s32 $0xFFFF8000  }
.LBB2_52:
0x598: {  	v3 =	vmov s4  }
0x599: {  	v3 =	vand.u32 $0x7F, v3  }
0x59a: {  	s5 =	sshll.u32 s4, $0xA;
	s6 =	sshll.u32 s4, $0x7;
	v3 =	vor.u32 $0x600, v3  }
0x59b: {  	s5 =	sand.u32 $0x6000, s5;
	s6 =	sand.u32 $0x380, s6;
	v3 =	vbroadcast v3, $0x0  }
0x59c: {  	s5 =	sor.u32 s6, s5  }
0x59d: {  	s16 =	sand.u32 $0x1C00, s2;
	s5 =	sadd.s32 $0x1100, s5  }
0x59e: {  	s7 =	sand.u32 $0x70, s2;
	s6 =	sadd.s32 s16, s5  }
0x59f: {  	s6 =	sadd.s32 s7, s6  }
0x5a0: {  	v4 =	vld [tilespmem:s6+$0x0]  }
0x5a1: {  	v3 =	vld.idx.msk [tilespmem:v3+s30+$0x0], $0xffff;
	_ =	sdelay $0x3  }
0x5a2: {  	s7 =	simm.s32 $0x80  }
0x5a3: {  	s13 =	simm.s32 $0x10;
	s12 =	simm.s32 $0x20;
	s14 =	sand.u32 $0x1C00, s7;
	v4 =	vmul.f32 v4, v3  }
.LBB2_53:
0x5a4: {  	p0 =	sne.s32 s12, $0x3F0;
	s13 =	sand.u32 $0x70, s13;
	s14 =	sadd.s32 s14, s5  }
0x5a5: {  	[tilespmem:s6+$0x0] =	vst v4;
	s6 =	sadd.s32 s13, s14;
	s13 =	smov.u32 s12  }
0x5a6: {  	v4 =	vld [tilespmem:s6+$0x0]  }
.Ltmp40:
0x5a7: {  	(pc) =	sbr.rel @p0 .LBB2_53-.Ltmp40, $3  }
0x5a8: {  	_ =	sdelay $0x1  }
0x5a9: {  	s7 =	sadd.s32 $0x80, s7  }
0x5aa: {  	s14 =	sand.u32 $0x1C00, s7;
	s12 =	sadd.s32 $0x10, s12;
	v4 =	vmul.f32 v4, v3  }
0x5ab: {  	s7 =	sand.u32 $0x70, s13;
	s5 =	sadd.s32 s14, s5  }
0x5ac: {  	s5 =	sadd.s32 s7, s5;
	[tilespmem:s6+$0x0] =	vst v4  }
0x5ad: {  	v4 =	vld [tilespmem:s5+$0x0]  }
0x5ae: {  	s4 =	sadd.s32 $0x1, s4  }
0x5af: {  	p0 =	sne.s32 s4, $0x20  }
.Ltmp41:
0x5b0: {  	_ = 	snop;
	(pc) =	sbr.rel @p0 .LBB2_52-.Ltmp41, $3  }
0x5b1: {  	_ = 	snop  }
0x5b2: {  	v3 =	vmul.f32 v4, v3;
	_ =	sdelay $0x1  }
0x5b3: {  	[tilespmem:s5+$0x0] =	vst v3  }
.LBB2_55:
0x5b4: {  	s2 =	simm.s32 $0x0;
	s4 =	rddreg [dreg:$0xa]  }
0x5b5: {  	[hbm4b:s4+s2] =	stream.linear.scatter [tilespmem:s0], [sflag:$0x4], $0x8000, $0x38;
	[tilespmem:$0x19100] =	vst v63  }
0x5b6: {  	_ =	swait.ge [sflag:s17], $0x8000  }
0x5b7: {  	[sflag:s17] =	ssyncset.done $0x0  }
0x5b8: {  	[sflag:s17] =	ssyncadd.s32 $0xFFFF8000  }
0x5b9: {  	v3 =	vld [tilespmem:$0x780];
	_ =	sdelay $0x4  }
0x5ba: {  	v4 =	vshll.u32 v3, $0x3  }
0x5bb: {  	v3 =	vand.u32 $0x7, v3;
	v4 =	vand.u32 $0xFFFFFFC0, v4  }
0x5bc: {  	v3 =	vor.u32 v3, v4  }
0x5bd: {  	v4 =	vperm.xlane v3, v0;
	_ =	sdelay $0x1  }
0x5be: {  	v4 =	vadd.s32 v1, v4;
	_ =	sdelay $0x4  }
0x5bf: {  	[tilespmem:s0], [sflag:$0x1] =	stream.indirect_vreg.gather [hbm4b:s1+s2], $0x80, v4, vm0, $0xb8;
	[tilespmem:$0x19100] =	vst v63  }
0x5c0: {  	s13 =	simm.s32 $0x1900;
	v3 =	vperm.xlane v3, v2  }
0x5c1: {  	[tilespmem:s13], [sflag:$0x1] =	stream.indirect_vreg.gather [hbm4b:s8+s2], $0x80, v4, vm0, $0xb8;
	[tilespmem:$0x19100] =	vst v63  }
0x5c2: {  	s14 =	simm.s32 $0x2100;
	v3 =	vadd.s32 v1, v3  }
0x5c3: {  	[tilespmem:s14], [sflag:$0x1] =	stream.indirect_vreg.gather [hbm4b:s9+s2], $0x80, v4, vm0, $0xb8;
	[tilespmem:$0x19100] =	vst v63  }
0x5c4: {  	s15 =	simm.s32 $0x2900  }
0x5c5: {  	[tilespmem:s15], [sflag:$0x1] =	stream.indirect_vreg.gather [hbm4b:s10+s2], $0x80, v4, vm0, $0xb8;
	[tilespmem:$0x19100] =	vst v63  }
0x5c6: {  	s16 =	simm.s32 $0x3100  }
0x5c7: {  	[tilespmem:s16], [sflag:$0x1] =	stream.indirect_vreg.gather [hbm4b:s1+s2], $0x80, v3, vm0, $0xb8;
	[tilespmem:$0x19100] =	vst v63  }
0x5c8: {  	s5 =	simm.s32 $0x3900  }
0x5c9: {  	[tilespmem:s5], [sflag:$0x1] =	stream.indirect_vreg.gather [hbm4b:s8+s2], $0x80, v3, vm0, $0xb8;
	[tilespmem:$0x19100] =	vst v63  }
0x5ca: {  	_ = 	snop  }
0x5cb: {  	[tilespmem:s20], [sflag:$0x1] =	stream.indirect_vreg.gather [hbm4b:s9+s2], $0x80, v3, vm0, $0xb8;
	[tilespmem:$0x19100] =	vst v63  }
0x5cc: {  	s6 =	simm.s32 $0x4900  }
0x5cd: {  	[tilespmem:s6], [sflag:$0x1] =	stream.indirect_vreg.gather [hbm4b:s10+s2], $0x80, v3, vm0, $0xb8;
	[tilespmem:$0x19100] =	vst v63  }
0x5ce: {  	v3 =	vld [tilespmem:$0x790];
	_ =	sdelay $0x4  }
0x5cf: {  	v63 =	vshll.u32 v3, $0x3  }
0x5d0: {  	v3 =	vand.u32 $0x7, v3;
	v4 =	vand.u32 $0xFFFFFFC0, v63  }
0x5d1: {  	v3 =	vor.u32 v3, v4  }
0x5d2: {  	v4 =	vperm.xlane v3, v0;
	_ =	sdelay $0x1  }
0x5d3: {  	v4 =	vadd.s32 v1, v4;
	_ =	sdelay $0x3  }
0x5d4: {  	s7 =	simm.s32 $0x5100  }
0x5d5: {  	[tilespmem:s7], [sflag:$0x1] =	stream.indirect_vreg.gather [hbm4b:s1+s2], $0x80, v4, vm0, $0xb8;
	[tilespmem:$0x19100] =	vst v63  }
0x5d6: {  	s12 =	simm.s32 $0x5900;
	v3 =	vperm.xlane v3, v2  }
0x5d7: {  	[tilespmem:s12], [sflag:$0x1] =	stream.indirect_vreg.gather [hbm4b:s8+s2], $0x80, v4, vm0, $0xb8;
	[tilespmem:$0x19100] =	vst v63  }
0x5d8: {  	v3 =	vadd.s32 v1, v3  }
0x5d9: {  	[tilespmem:s21], [sflag:$0x1] =	stream.indirect_vreg.gather [hbm4b:s9+s2], $0x80, v4, vm0, $0xb8;
	[tilespmem:$0x19100] =	vst v63  }
0x5da: {  	s13 =	simm.s32 $0x6900  }
0x5db: {  	[tilespmem:s13], [sflag:$0x1] =	stream.indirect_vreg.gather [hbm4b:s10+s2], $0x80, v4, vm0, $0xb8;
	[tilespmem:$0x19100] =	vst v63  }
0x5dc: {  	_ = 	snop  }
0x5dd: {  	[tilespmem:s25], [sflag:$0x1] =	stream.indirect_vreg.gather [hbm4b:s1+s2], $0x80, v3, vm0, $0xb8;
	[tilespmem:$0x19100] =	vst v63  }
0x5de: {  	s14 =	simm.s32 $0x7900  }
0x5df: {  	[tilespmem:s14], [sflag:$0x1] =	stream.indirect_vreg.gather [hbm4b:s8+s2], $0x80, v3, vm0, $0xb8;
	[tilespmem:$0x19100] =	vst v63  }
0x5e0: {  	_ = 	snop  }
0x5e1: {  	[tilespmem:s22], [sflag:$0x1] =	stream.indirect_vreg.gather [hbm4b:s9+s2], $0x80, v3, vm0, $0xb8;
	[tilespmem:$0x19100] =	vst v63  }
0x5e2: {  	s15 =	simm.s32 $0x8900;
	s16 =	simm.s32 $0x2  }
0x5e3: {  	[tilespmem:s15], [sflag:$0x1] =	stream.indirect_vreg.gather [hbm4b:s10+s2], $0x80, v3, vm0, $0xb8;
	[tilespmem:$0x19100] =	vst v63  }
0x5e4: {  	_ =	swait.ge [sflag:s16], $0x8000  }
0x5e5: {  	s5 =	rddreg [dreg:$0x1b]  }
0x5e6: {  	p0 =	slt.s32 s5, $0x1  }
.Ltmp42:
0x5e7: {  	_ = 	snop;
	(pc) =	sbr.rel @p0 .LBB2_59-.Ltmp42, $3  }
0x5e8: {  	_ =	sdelay $0x1  }
0x5e9: {  	[sflag:s16] =	ssyncset.done $0x0  }
0x5ea: {  	s4 =	simm.s32 $0x0;
	[sflag:s16] =	ssyncadd.s32 $0xFFFF8000  }
.LBB2_56:
0x5eb: {  	v3 =	vmov s4  }
0x5ec: {  	v3 =	vand.u32 $0x7F, v3  }
0x5ed: {  	s5 =	sshll.u32 s4, $0xA;
	s6 =	sshll.u32 s4, $0x7;
	v3 =	vor.u32 $0x680, v3  }
0x5ee: {  	s5 =	sand.u32 $0x6000, s5;
	s6 =	sand.u32 $0x380, s6;
	v3 =	vbroadcast v3, $0x0  }
0x5ef: {  	s5 =	sor.u32 s6, s5  }
0x5f0: {  	s16 =	sand.u32 $0x1C00, s2;
	s5 =	sadd.s32 $0x9100, s5  }
0x5f1: {  	s7 =	sand.u32 $0x70, s2;
	s6 =	sadd.s32 s16, s5  }
0x5f2: {  	s6 =	sadd.s32 s7, s6  }
0x5f3: {  	v4 =	vld [tilespmem:s6+$0x0]  }
0x5f4: {  	v3 =	vld.idx.msk [tilespmem:v3+s30+$0x0], $0xffff;
	_ =	sdelay $0x3  }
0x5f5: {  	s7 =	simm.s32 $0x80  }
0x5f6: {  	s13 =	simm.s32 $0x10;
	s12 =	simm.s32 $0x20;
	s14 =	sand.u32 $0x1C00, s7;
	v4 =	vmul.f32 v4, v3  }
.LBB2_57:
0x5f7: {  	p0 =	sne.s32 s12, $0x3F0;
	s13 =	sand.u32 $0x70, s13;
	s14 =	sadd.s32 s14, s5  }
0x5f8: {  	[tilespmem:s6+$0x0] =	vst v4;
	s6 =	sadd.s32 s13, s14;
	s13 =	smov.u32 s12  }
0x5f9: {  	v4 =	vld [tilespmem:s6+$0x0]  }
.Ltmp43:
0x5fa: {  	(pc) =	sbr.rel @p0 .LBB2_57-.Ltmp43, $3  }
0x5fb: {  	_ =	sdelay $0x1  }
0x5fc: {  	s7 =	sadd.s32 $0x80, s7  }
0x5fd: {  	s14 =	sand.u32 $0x1C00, s7;
	s12 =	sadd.s32 $0x10, s12;
	v4 =	vmul.f32 v4, v3  }
0x5fe: {  	s7 =	sand.u32 $0x70, s13;
	s5 =	sadd.s32 s14, s5  }
0x5ff: {  	s5 =	sadd.s32 s7, s5;
	[tilespmem:s6+$0x0] =	vst v4  }
0x600: {  	v4 =	vld [tilespmem:s5+$0x0]  }
0x601: {  	s4 =	sadd.s32 $0x1, s4  }
0x602: {  	p0 =	sne.s32 s4, $0x20  }
.Ltmp44:
0x603: {  	_ = 	snop;
	(pc) =	sbr.rel @p0 .LBB2_56-.Ltmp44, $3  }
0x604: {  	_ = 	snop  }
0x605: {  	v3 =	vmul.f32 v4, v3;
	_ =	sdelay $0x1  }
0x606: {  	[tilespmem:s5+$0x0] =	vst v3  }
.LBB2_59:
0x607: {  	s2 =	simm.s32 $0x0;
	s4 =	rddreg [dreg:$0xd]  }
0x608: {  	[hbm4b:s4+s2] =	stream.linear.scatter [tilespmem:s24], [sflag:$0x5], $0x8000, $0x38;
	[tilespmem:$0x19100] =	vst v63  }
0x609: {  	_ =	swait.ge [sflag:s19], $0x8000  }
0x60a: {  	s16 =	rddreg [dreg:$0x1a]  }
0x60b: {  	p0 =	slt.s32 s16, $0x1  }
.Ltmp45:
0x60c: {  	_ = 	snop;
	(pc) =	sbr.rel @p0 .LBB2_63-.Ltmp45, $3  }
0x60d: {  	_ =	sdelay $0x1  }
0x60e: {  	[sflag:s19] =	ssyncset.done $0x0  }
0x60f: {  	s4 =	simm.s32 $0x0;
	[sflag:s19] =	ssyncadd.s32 $0xFFFF8000  }
.LBB2_60:
0x610: {  	v3 =	vmov s4  }
0x611: {  	v3 =	vand.u32 $0x7F, v3  }
0x612: {  	s5 =	sshll.u32 s4, $0xA;
	s6 =	sshll.u32 s4, $0x7;
	v3 =	vor.u32 $0x700, v3  }
0x613: {  	s5 =	sand.u32 $0x6000, s5;
	s6 =	sand.u32 $0x380, s6;
	v3 =	vbroadcast v3, $0x0  }
0x614: {  	s5 =	sor.u32 s6, s5  }
0x615: {  	s19 =	sand.u32 $0x1C00, s2;
	s5 =	sadd.s32 $0x11100, s5  }
0x616: {  	s7 =	sand.u32 $0x70, s2;
	s6 =	sadd.s32 s19, s5  }
0x617: {  	s6 =	sadd.s32 s7, s6  }
0x618: {  	v4 =	vld [tilespmem:s6+$0x0]  }
0x619: {  	v3 =	vld.idx.msk [tilespmem:v3+s30+$0x0], $0xffff;
	_ =	sdelay $0x3  }
0x61a: {  	s7 =	simm.s32 $0x80  }
0x61b: {  	s13 =	simm.s32 $0x10;
	s12 =	simm.s32 $0x20;
	s14 =	sand.u32 $0x1C00, s7;
	v4 =	vmul.f32 v4, v3  }
.LBB2_61:
0x61c: {  	p0 =	sne.s32 s12, $0x3F0;
	s13 =	sand.u32 $0x70, s13;
	s14 =	sadd.s32 s14, s5  }
0x61d: {  	[tilespmem:s6+$0x0] =	vst v4;
	s6 =	sadd.s32 s13, s14;
	s13 =	smov.u32 s12  }
0x61e: {  	v4 =	vld [tilespmem:s6+$0x0]  }
.Ltmp46:
0x61f: {  	(pc) =	sbr.rel @p0 .LBB2_61-.Ltmp46, $3  }
0x620: {  	_ =	sdelay $0x1  }
0x621: {  	s7 =	sadd.s32 $0x80, s7  }
0x622: {  	s14 =	sand.u32 $0x1C00, s7;
	s12 =	sadd.s32 $0x10, s12;
	v4 =	vmul.f32 v4, v3  }
0x623: {  	s7 =	sand.u32 $0x70, s13;
	s5 =	sadd.s32 s14, s5  }
0x624: {  	s5 =	sadd.s32 s7, s5;
	[tilespmem:s6+$0x0] =	vst v4  }
0x625: {  	v4 =	vld [tilespmem:s5+$0x0]  }
0x626: {  	s4 =	sadd.s32 $0x1, s4  }
0x627: {  	p0 =	sne.s32 s4, $0x20  }
.Ltmp47:
0x628: {  	_ = 	snop;
	(pc) =	sbr.rel @p0 .LBB2_60-.Ltmp47, $3  }
0x629: {  	_ = 	snop  }
0x62a: {  	v3 =	vmul.f32 v4, v3;
	_ =	sdelay $0x1  }
0x62b: {  	[tilespmem:s5+$0x0] =	vst v3  }
.LBB2_63:
0x62c: {  	s2 =	simm.s32 $0x0;
	s4 =	rddreg [dreg:$0x11]  }
0x62d: {  	[hbm4b:s4+s2] =	stream.linear.scatter [tilespmem:s18], [sflag:$0x6], $0x8000, $0x38;
	[tilespmem:$0x19100] =	vst v63  }
0x62e: {  	_ =	swait.ge [sflag:s26], $0x8000  }
0x62f: {  	s19 =	rddreg [dreg:$0x19]  }
0x630: {  	p0 =	slt.s32 s19, $0x1  }
.Ltmp48:
0x631: {  	_ = 	snop;
	(pc) =	sbr.rel @p0 .LBB2_67-.Ltmp48, $3  }
0x632: {  	_ =	sdelay $0x1  }
0x633: {  	[sflag:s26] =	ssyncset.done $0x0  }
0x634: {  	s4 =	simm.s32 $0x0;
	[sflag:s26] =	ssyncadd.s32 $0xFFFF8000  }
.LBB2_64:
0x635: {  	v3 =	vmov s4  }
0x636: {  	v3 =	vand.u32 $0x7F, v3  }
0x637: {  	s5 =	sshll.u32 s4, $0xA;
	s6 =	sshll.u32 s4, $0x7;
	v3 =	vor.u32 $0x780, v3  }
0x638: {  	s5 =	sand.u32 $0x6000, s5;
	s6 =	sand.u32 $0x380, s6;
	v3 =	vbroadcast v3, $0x0  }
0x639: {  	s5 =	sor.u32 s6, s5  }
0x63a: {  	s19 =	sand.u32 $0x1C00, s2;
	s5 =	sadd.s32 $0x1100, s5  }
0x63b: {  	s7 =	sand.u32 $0x70, s2;
	s6 =	sadd.s32 s19, s5  }
0x63c: {  	s6 =	sadd.s32 s7, s6  }
0x63d: {  	v4 =	vld [tilespmem:s6+$0x0]  }
0x63e: {  	v3 =	vld.idx.msk [tilespmem:v3+s30+$0x0], $0xffff;
	_ =	sdelay $0x3  }
0x63f: {  	s7 =	simm.s32 $0x80  }
0x640: {  	s13 =	simm.s32 $0x10;
	s12 =	simm.s32 $0x20;
	s14 =	sand.u32 $0x1C00, s7;
	v4 =	vmul.f32 v4, v3  }
.LBB2_65:
0x641: {  	p0 =	sne.s32 s12, $0x3F0;
	s13 =	sand.u32 $0x70, s13;
	s14 =	sadd.s32 s14, s5  }
0x642: {  	[tilespmem:s6+$0x0] =	vst v4;
	s6 =	sadd.s32 s13, s14;
	s13 =	smov.u32 s12  }
0x643: {  	v4 =	vld [tilespmem:s6+$0x0]  }
.Ltmp49:
0x644: {  	(pc) =	sbr.rel @p0 .LBB2_65-.Ltmp49, $3  }
0x645: {  	_ =	sdelay $0x1  }
0x646: {  	s7 =	sadd.s32 $0x80, s7  }
0x647: {  	s14 =	sand.u32 $0x1C00, s7;
	s12 =	sadd.s32 $0x10, s12;
	v4 =	vmul.f32 v4, v3  }
0x648: {  	s7 =	sand.u32 $0x70, s13;
	s5 =	sadd.s32 s14, s5  }
0x649: {  	s5 =	sadd.s32 s7, s5;
	[tilespmem:s6+$0x0] =	vst v4  }
0x64a: {  	v4 =	vld [tilespmem:s5+$0x0]  }
0x64b: {  	s4 =	sadd.s32 $0x1, s4  }
0x64c: {  	p0 =	sne.s32 s4, $0x20  }
.Ltmp50:
0x64d: {  	_ = 	snop;
	(pc) =	sbr.rel @p0 .LBB2_64-.Ltmp50, $3  }
0x64e: {  	_ = 	snop  }
0x64f: {  	v3 =	vmul.f32 v4, v3;
	_ =	sdelay $0x1  }
0x650: {  	[tilespmem:s5+$0x0] =	vst v3  }
.LBB2_67:
0x651: {  	s14 =	rddreg [dreg:$0x16]  }
0x652: {  	s12 =	rddreg [dreg:$0x4]  }
.Ltmp51:
0x653: {  	s6 =	rddreg [dreg:$0x5];
	(pc) =	sbr.rel .LBB2_68-.Ltmp51, $4  }
0x654: {  	s7 =	rddreg [dreg:$0x6]  }
0x655: {  	s13 =	rddreg [dreg:$0x7]  }
0x656: {  	s4 =	simm.s32 $0x6;
	s2 =	simm.s32 $0x5;
	s5 =	rddreg [dreg:$0x14]  }
0x657: {  	[hbm4b:s14+s3] =	stream.linear.scatter [tilespmem:s0], [sflag:$0x4], $0x8000, $0x38;
	[tilespmem:$0x19100] =	vst v63  }
.LBB2_69:
0x658: {  	_ =	sfence.sel $0x180000  }
0x659: {  	[bflag:$0x0] =	sbarrier.arrive $0xFFFF  }
0x65a: {  	_ =	strace $0x90000047  }
0x65b: {  	s0 =	stileid.u32;
	[bflag:$0x2] =	sbarrier.arrive $0xFFFF  }
0x65c: {  	p0 =	sne.s32 s0, $0x0;
	s0 =	rddreg [dreg:$0x3]  }
0x65d: {  	s0 =	sadd.s32 @!p0 $0x100000, s0  }
0x65e: {  	[sflag:s0] =	ssyncadd.tile.s32 @!p0 $0x1;
	_ =	shalt  }
.Lfunc_end2:
_tile_overlayer_lowered:
.L_overlay_start_2:
0x65f: {  	(tag) =	ssettag $0x2  }
0x660: {  	s0 =	rddreg [dreg:$0x0];
	s2 =	stileid.u32  }
0x661: {  	s1 =	rddreg [dreg:$0x1];
	p0 =	sne.s32 s2, $0x0  }
0x662: {  	s3 =	rddreg [dreg:$0x2];
	[bflag:$0x3] =	sbarrier.arrive $0xFFFF;
	s2 =	simm.s32 @!p0 $0x1C07  }
0x663: {  	[timem:s3], [sflag:s2] =	dma.local @!p0 [hbm:s0], s1  }
0x664: {  	s0 =	simm.s32 @!p0 $0x7  }
0x665: {  	_ =	swait.ge @!p0 [sflag:s0], s1  }
0x666: {  	s1 =	ssub.s32 @!p0 $0x0, s1;
	[sflag:s0] =	ssyncset.done @!p0 $0x0  }
0x667: {  	[sflag:s0] =	ssyncadd.s32 @!p0 s1  }
0x668: {  	[bflag:$0x3] =	sbarrier.arrive $0xFFFF  }
0x669: {  	_ =	shalt  }

</sc_bundles>
